<compile_context>
chip_gen: v7x
topology: tpu7x:2x2x1
jax: 0.10.2.dev20260603
libtpu: 0.0.44.dev20260713+nightly
codegen_flags: <defaults>
</compile_context>

<pallas_src>
import functools
import math

import jax
import jax.numpy as jnp
import numpy as np
from jax import lax
from jax.experimental import pallas as pl
from jax.experimental.pallas import tpu as pltpu
from jax.experimental.pallas import tpu_sc as plsc

N = 10000
E = 320000
D = 128
HID = 64
C = 16
K = 10

NTILES = 16
NPAD = 10240
RPT = NPAD // NTILES
CH = 800
NCH = 25
EPT = NCH * CH
BR = 2048
BRX = 2000
GRID = 5

_BINT = np.zeros((K + 1, K + 1), dtype=np.int64)
for _i in range(K + 1):
    for _j in range(K + 1):
        _s = 0
        for _m in range(_j + 1):
            if _m <= _i and (_j - _m) <= K - _i:
                _s += math.comb(_i, _m) * ((-1) ** _m) * math.comb(K - _i, _j - _m)
        _BINT[_j, _i] = math.comb(K, _i) * _s
_BINT_F32 = np.asarray(_BINT, dtype=np.float32)

_MESH = plsc.VectorSubcoreMesh(core_axis_name="c", subcore_axis_name="s",
                               num_cores=1)


def _propagation_needed(a_v):
    p = a_v[1][0] != 0.0
    for j in range(2, K + 1):
        p = jnp.logical_or(p, a_v[j][0] != 0.0)
    return p


def _mlp_body(x_ref, w1_ref, b1_ref, w2_ref, b2_ref, h_ref):
    x = x_ref[...]
    h1 = jnp.maximum(
        jnp.dot(x, w1_ref[...], preferred_element_type=jnp.float32)
        + b1_ref[...], 0.0)
    h_ref[...] = (jnp.dot(h1, w2_ref[...], preferred_element_type=jnp.float32)
                  + b2_ref[...])


def _run_mlp(x, W1, b1, W2, b2):
    return pl.pallas_call(
        _mlp_body,
        grid=(GRID,),
        in_specs=[
            pl.BlockSpec((BRX, D), lambda i: (i, 0)),
            pl.BlockSpec((D, HID), lambda i: (0, 0)),
            pl.BlockSpec((1, HID), lambda i: (0, 0)),
            pl.BlockSpec((HID, C), lambda i: (0, 0)),
            pl.BlockSpec((1, C), lambda i: (0, 0)),
        ],
        out_specs=pl.BlockSpec((BRX, C), lambda i: (i, 0)),
        out_shape=jax.ShapeDtypeStruct((NPAD, C), jnp.float32),
    )(x, W1, b1.reshape(1, HID), W2, b2.reshape(1, C))


def _rsqrt16(d):
    i = plsc.bitcast(d, jnp.int32)
    mi = jnp.int32(0x5F3759DF) - lax.shift_right_logical(i, 1)
    y = plsc.bitcast(mi, jnp.float32)
    for _ in range(3):
        y = y * (1.5 - 0.5 * d * y * y)
    return jnp.where(d > 0.5, y, 0.0)


def _horner_body(h_hbm, er_hbm, ab_hbm, acc_hbm, disb_hbm,
                 src_v, dst_v, stage_a, stage_b, acc_l, u_l, hh_l, dis2_l, a_v,
                 u_sh, acc_sh, sem_a, sem_b):
    tid = lax.axis_index("s")
    r0 = tid * RPT
    pltpu.sync_copy(ab_hbm, a_v)
    pred = _propagation_needed(a_v)

    def _zero_acc(r, carry):
        acc_l[r] = jnp.zeros((C,), jnp.float32)
        return carry
    lax.fori_loop(0, RPT, _zero_acc, 0)
    pltpu.sync_copy(acc_l, acc_sh.at[pl.ds(r0, RPT)])
    plsc.subcore_barrier()

    @pl.when(pred)
    def _prep():
        pltpu.sync_copy(er_hbm.at[0, tid], src_v)
        pltpu.sync_copy(er_hbm.at[1, tid], dst_v)

        def _fill_ones(r, carry):
            stage_a[r] = jnp.ones((C,), jnp.float32)
            return carry
        lax.fori_loop(0, CH, _fill_ones, 0)

        def _deg_edge(cidx, carry):
            pltpu.sync_copy(stage_a, acc_sh.at[src_v.at[cidx]], add=True)
            return carry
        lax.fori_loop(0, NCH, _deg_edge, 0)
        plsc.subcore_barrier()

        pltpu.sync_copy(acc_sh.at[pl.ds(r0, RPT)], acc_l)
        pltpu.sync_copy(h_hbm.at[pl.ds(r0, RPT)], u_l)
        aK = a_v[K]

        def _scale(r, carry):
            y = _rsqrt16(acc_l[r])
            hh = y * u_l[r]
            dis2_l[r] = y * y
            hh_l[r] = hh
            u_l[r] = aK * hh
            acc_l[r] = y
            return carry
        lax.fori_loop(0, RPT, _scale, 0)
        pltpu.sync_copy(acc_l, disb_hbm.at[pl.ds(r0, RPT)])
        pltpu.sync_copy(u_l, u_sh.at[pl.ds(r0, RPT)])

        def _rezero(r, carry):
            acc_l[r] = jnp.zeros((C,), jnp.float32)
            return carry
        lax.fori_loop(0, RPT, _rezero, 0)
        pltpu.sync_copy(acc_l, acc_sh.at[pl.ds(r0, RPT)])
    plsc.subcore_barrier()

    def _edge_pass():
        NQ = NCH // 2
        pltpu.async_copy(u_sh.at[src_v.at[0]], stage_a, sem_a)

        def _edge2(q, carry):
            c0 = q * 2
            c1 = c0 + 1
            pltpu.async_copy(u_sh.at[src_v.at[c1]], stage_b, sem_b)
            pltpu.make_async_copy(u_sh.at[src_v.at[c0]], stage_a, sem_a).wait()
            pltpu.sync_copy(stage_a, acc_sh.at[dst_v.at[c0]], add=True)
            pltpu.async_copy(u_sh.at[src_v.at[c0 + 2]], stage_a, sem_a)
            pltpu.make_async_copy(u_sh.at[src_v.at[c1]], stage_b, sem_b).wait()
            pltpu.sync_copy(stage_b, acc_sh.at[dst_v.at[c1]], add=True)
            return carry
        lax.fori_loop(0, NQ, _edge2, 0)
        last = NCH - 1
        pltpu.make_async_copy(u_sh.at[src_v.at[last]], stage_a, sem_a).wait()
        pltpu.sync_copy(stage_a, acc_sh.at[dst_v.at[last]], add=True)

    live = a_v[K][0] != 0.0
    for j in range(K - 1, -1, -1):
        pl.when(live)(_edge_pass)
        plsc.subcore_barrier()

        if j > 0:
            av = a_v[j]
            live = jnp.logical_or(live, av[0] != 0.0)

            @pl.when(live)
            def _row_pass():
                pltpu.sync_copy(acc_sh.at[pl.ds(r0, RPT)], acc_l)

                def _row(r, carry):
                    u_l[r] = dis2_l[r] * acc_l[r] + av * hh_l[r]
                    acc_l[r] = jnp.zeros((C,), jnp.float32)
                    return carry
                lax.fori_loop(0, RPT, _row, 0)
                pltpu.sync_copy(acc_l, acc_sh.at[pl.ds(r0, RPT)])
                pltpu.sync_copy(u_l, u_sh.at[pl.ds(r0, RPT)])
            plsc.subcore_barrier()
        else:
            pltpu.sync_copy(acc_sh.at[pl.ds(r0, RPT)],
                            acc_hbm.at[pl.ds(r0, RPT)])


_horner_kernel = functools.partial(
    pl.kernel,
    out_type=[jax.ShapeDtypeStruct((NPAD, C), jnp.float32),
              jax.ShapeDtypeStruct((NPAD, C), jnp.float32)],
    mesh=_MESH,
    scratch_types=[
        pltpu.VMEM((NCH, CH), jnp.int32),
        pltpu.VMEM((NCH, CH), jnp.int32),
        pltpu.VMEM((CH, C), jnp.float32),
        pltpu.VMEM((CH, C), jnp.float32),
        pltpu.VMEM((RPT, C), jnp.float32),
        pltpu.VMEM((RPT, C), jnp.float32),
        pltpu.VMEM((RPT, C), jnp.float32),
        pltpu.VMEM((RPT, C), jnp.float32),
        pltpu.VMEM((K + 1, C), jnp.float32),
        pltpu.VMEM_SHARED((NPAD, C), jnp.float32),
        pltpu.VMEM_SHARED((NPAD, C), jnp.float32),
        pltpu.SemaphoreType.DMA,
        pltpu.SemaphoreType.DMA,
    ],
    compiler_params=pltpu.CompilerParams(use_tc_tiling_on_sc=False,
                                         needs_layout_passes=False),
)(_horner_body)


def _lsm_body(acc_ref, disb_ref, h_ref, ab_ref, o_ref):
    prop = jnp.any(ab_ref[1:, 0:1] != 0.0)
    s = (jnp.where(prop, disb_ref[...] * acc_ref[...], 0.0)
         + ab_ref[0:1, :] * h_ref[...])
    m = jnp.max(s, axis=1, keepdims=True)
    e = jnp.exp(s - m)
    o_ref[...] = s - m - jnp.log(jnp.sum(e, axis=1, keepdims=True))


def _run_lsm(acc, disb, h, ab):
    return pl.pallas_call(
        _lsm_body,
        grid=(GRID,),
        in_specs=[
            pl.BlockSpec((BRX, C), lambda i: (i, 0)),
            pl.BlockSpec((BRX, C), lambda i: (i, 0)),
            pl.BlockSpec((BRX, C), lambda i: (i, 0)),
            pl.BlockSpec((K + 1, C), lambda i: (0, 0)),
        ],
        out_specs=pl.BlockSpec((BRX, C), lambda i: (i, 0)),
        out_shape=jax.ShapeDtypeStruct((N, C), jnp.float32),
    )(acc, disb, h, ab)


def kernel(x, edge_index, W1, b1, W2, b2, temp):
    a = jnp.sum(jnp.asarray(_BINT_F32) * jax.nn.relu(temp)[None, :],
                axis=1) * jnp.float32(0.5 ** K)
    ab = jnp.broadcast_to(a[:, None], (K + 1, C))

    er = edge_index.reshape(2, NTILES, NCH, CH)
    h = _run_mlp(x, W1, b1, W2, b2)
    acc, disb = _horner_kernel(h, er, ab)
    return _run_lsm(acc, disb, h, ab)

# --- scband reference (transcript-rebuilt; emitter-appended) ---
"""Pipeline reference for scband-bern-net-4320737100476 (READ-ONLY COPY).

The authoritative reference and input builder live on the scoring server;
editing this copy changes nothing except your own understanding.
"""

import jax, jax.numpy as jnp
import numpy as np
import math

N = 10000
E = 320000
D = 128
HID = 64
C = 16
K = 10

def setup_inputs(seed: int = 0):
    key = jax.random.key(seed)
    ks = jax.random.split(key, 8)
    x = jax.random.normal(ks[0], (N, D), dtype=jnp.float32)
    edge_index = jax.random.randint(ks[1], (2, E), 0, N, dtype=jnp.int32)
    W1 = jax.random.normal(ks[2], (D, HID), dtype=jnp.float32) * 0.05
    b1 = jnp.zeros((HID,), dtype=jnp.float32)
    W2 = jax.random.normal(ks[3], (HID, C), dtype=jnp.float32) * 0.05
    b2 = jnp.zeros((C,), dtype=jnp.float32)
    temp = jnp.ones((K + 1,), dtype=jnp.float32)
    return {"x": x, "edge_index": edge_index, "W1": W1, "b1": b1, "W2": W2, "b2": b2, "temp": temp}

def _laplacian_edges(edge_index, n, dtype):
    # get_laplacian(normalization='sym'): L = I - D^-1/2 A D^-1/2
    row, col = edge_index[0], edge_index[1]
    ew = jnp.ones(row.shape[0], dtype=dtype)
    deg = jax.ops.segment_sum(ew, row, num_segments=n)
    dis = jnp.where(deg > 0, deg ** -0.5, 0.0).astype(dtype)
    w = dis[row] * ew * dis[col]
    loop = jnp.arange(n, dtype=edge_index.dtype)
    src1 = jnp.concatenate([row, loop])
    dst1 = jnp.concatenate([col, loop])
    norm1 = jnp.concatenate([-w, jnp.ones(n, dtype=dtype)])
    # add_self_loops(edge_index1, -norm1, fill_value=2.): 2I - L
    src2 = jnp.concatenate([src1, loop])
    dst2 = jnp.concatenate([dst1, loop])
    norm2 = jnp.concatenate([-norm1, 2.0 * jnp.ones(n, dtype=dtype)])
    return src1, dst1, norm1, src2, dst2, norm2

def _bern_prop(h, src1, dst1, norm1, src2, dst2, norm2, temp, n):
    def prop(src, dst, nrm, z):
        return jax.ops.segment_sum(nrm[:, None] * z[src], dst, num_segments=n)
    TEMP = jax.nn.relu(temp)
    tmp = [h]
    z = h
    for i in range(K):
        z = prop(src2, dst2, norm2, z)
        tmp.append(z)
    out = (math.comb(K, 0) / (2.0 ** K)) * TEMP[0] * tmp[K]
    for i in range(K):
        z = tmp[K - i - 1]
        z = prop(src1, dst1, norm1, z)
        for j in range(i):
            z = prop(src1, dst1, norm1, z)
        out = out + (math.comb(K, i + 1) / (2.0 ** K)) * TEMP[i + 1] * z
    return out

def reference(x, edge_index, W1, b1, W2, b2, temp):
    n = x.shape[0]
    src1, dst1, norm1, src2, dst2, norm2 = _laplacian_edges(edge_index, n, x.dtype)
    # eval mode: dropout is identity; BatchNorm self.m is unused in forward
    h = jax.nn.relu(x @ W1 + b1)
    h = h @ W2 + b2
    out = _bern_prop(h, src1, dst1, norm1, src2, dst2, norm2, temp, n)
    return jax.nn.log_softmax(out, axis=1)

if __name__ == "__main__":
    import jax
    _d = setup_inputs()
    print(jax.jit(kernel)(*tuple(_d.values())))

</pallas_src>

<mosaic_0001>
#map = affine_map<(d0, d1) -> (0, 0)>
#map1 = affine_map<(d0, d1) -> (0, 0, 0, 0)>
module attributes {stable_mosaic.version = 14 : i64} {
  func.func @_horner_body(%arg0: i32, %arg1: i32, %arg2: memref<10240x16xf32, #tpu.memory_space<hbm>>, %arg3: memref<2x16x25x800xi32, #tpu.memory_space<hbm>>, %arg4: memref<11x16xf32, #tpu.memory_space<hbm>>, %arg5: memref<10240x16xf32, #tpu.memory_space<hbm>>, %arg6: memref<10240x16xf32, #tpu.memory_space<hbm>>, %arg7: memref<25x800xi32, #tpu.memory_space<vmem>>, %arg8: memref<25x800xi32, #tpu.memory_space<vmem>>, %arg9: memref<800x16xf32, #tpu.memory_space<vmem>>, %arg10: memref<800x16xf32, #tpu.memory_space<vmem>>, %arg11: memref<640x16xf32, #tpu.memory_space<vmem>>, %arg12: memref<640x16xf32, #tpu.memory_space<vmem>>, %arg13: memref<640x16xf32, #tpu.memory_space<vmem>>, %arg14: memref<640x16xf32, #tpu.memory_space<vmem>>, %arg15: memref<11x16xf32, #tpu.memory_space<vmem>>, %arg16: memref<10240x16xf32, #tpu.memory_space<vmem_shared>>, %arg17: memref<10240x16xf32, #tpu.memory_space<vmem_shared>>, %arg18: memref<!tpu.dma_semaphore, #tpu.memory_space<semaphore_mem>>, %arg19: memref<!tpu.dma_semaphore, #tpu.memory_space<semaphore_mem>>) attributes {dimension_semantics = [#tpu.dimension_semantics<core_parallel>, #tpu.dimension_semantics<subcore_parallel>], iteration_bounds = array<i64: 1, 16>, scalar_prefetch = 0 : i64, scratch_operands = 13 : i64, tpu.core_type = #tpu.core_type<sc_vector_subcore>, window_params = [{transform_indices = #map}, {transform_indices = #map1}, {transform_indices = #map}, {transform_indices = #map}, {transform_indices = #map}]} {
    %mul3A = arith.constant 640 : i32
    %mul3A_0 = arith.muli %arg1, %mul3A : i32
    "tpu.region"() ({
      %run_scoped3A = tpu.sem_alloc : memref<!tpu.dma_semaphore, #tpu.memory_space<semaphore_mem>>
      tpu.enqueue_dma source(%arg4 : memref<11x16xf32, #tpu.memory_space<hbm>>) target(%arg15 : memref<11x16xf32, #tpu.memory_space<vmem>>) target_semaphore(%run_scoped3A : memref<!tpu.dma_semaphore, #tpu.memory_space<semaphore_mem>>)
      tpu.wait_dma2 semaphore(%run_scoped3A : memref<!tpu.dma_semaphore, #tpu.memory_space<semaphore_mem>>) src(%arg4 : memref<11x16xf32, #tpu.memory_space<hbm>>) dst(%arg15 : memref<11x16xf32, #tpu.memory_space<vmem>>)
      tpu.yield
    }) : () -> ()
    %get3A = arith.constant 1 : i32
    %get3A_1 = arith.index_cast %get3A : i32 to index
    %get3A_2 = arith.constant 0 : index
    %get3A_3 = tpu.vector_load %arg15[%get3A_1, %get3A_2] {strides = array<i32>} : memref<11x16xf32, #tpu.memory_space<vmem>>, vector<16xf32>,
    %slice3A = vector.extract_strided_slice %get3A_3 {offsets = [0], sizes = [1], strides = [1]} : vector<16xf32> to vector<1xf32>
    %squeeze3A = vector.extract %slice3A[0] : f32 from vector<1xf32>
    %ne3A = arith.constant 0.000000e+00 : f32
    %ne3A_4 = arith.cmpf one, %squeeze3A, %ne3A : f32
    %get3A_5 = arith.constant 2 : i32
    %get3A_6 = arith.index_cast %get3A_5 : i32 to index
    %get3A_7 = arith.constant 0 : index
    %get3A_8 = tpu.vector_load %arg15[%get3A_6, %get3A_7] {strides = array<i32>} : memref<11x16xf32, #tpu.memory_space<vmem>>, vector<16xf32>,
    %slice3A_9 = vector.extract_strided_slice %get3A_8 {offsets = [0], sizes = [1], strides = [1]} : vector<16xf32> to vector<1xf32>
    %squeeze3A_10 = vector.extract %slice3A_9[0] : f32 from vector<1xf32>
    %ne3A_11 = arith.constant 0.000000e+00 : f32
    %ne3A_12 = arith.cmpf one, %squeeze3A_10, %ne3A_11 : f32
    %or3A = arith.ori %ne3A_4, %ne3A_12 : i1
    %get3A_13 = arith.constant 3 : i32
    %get3A_14 = arith.index_cast %get3A_13 : i32 to index
    %get3A_15 = arith.constant 0 : index
    %get3A_16 = tpu.vector_load %arg15[%get3A_14, %get3A_15] {strides = array<i32>} : memref<11x16xf32, #tpu.memory_space<vmem>>, vector<16xf32>,
    %slice3A_17 = vector.extract_strided_slice %get3A_16 {offsets = [0], sizes = [1], strides = [1]} : vector<16xf32> to vector<1xf32>
    %squeeze3A_18 = vector.extract %slice3A_17[0] : f32 from vector<1xf32>
    %ne3A_19 = arith.constant 0.000000e+00 : f32
    %ne3A_20 = arith.cmpf one, %squeeze3A_18, %ne3A_19 : f32
    %or3A_21 = arith.ori %or3A, %ne3A_20 : i1
    %get3A_22 = arith.constant 4 : i32
    %get3A_23 = arith.index_cast %get3A_22 : i32 to index
    %get3A_24 = arith.constant 0 : index
    %get3A_25 = tpu.vector_load %arg15[%get3A_23, %get3A_24] {strides = array<i32>} : memref<11x16xf32, #tpu.memory_space<vmem>>, vector<16xf32>,
    %slice3A_26 = vector.extract_strided_slice %get3A_25 {offsets = [0], sizes = [1], strides = [1]} : vector<16xf32> to vector<1xf32>
    %squeeze3A_27 = vector.extract %slice3A_26[0] : f32 from vector<1xf32>
    %ne3A_28 = arith.constant 0.000000e+00 : f32
    %ne3A_29 = arith.cmpf one, %squeeze3A_27, %ne3A_28 : f32
    %or3A_30 = arith.ori %or3A_21, %ne3A_29 : i1
    %get3A_31 = arith.constant 5 : i32
    %get3A_32 = arith.index_cast %get3A_31 : i32 to index
    %get3A_33 = arith.constant 0 : index
    %get3A_34 = tpu.vector_load %arg15[%get3A_32, %get3A_33] {strides = array<i32>} : memref<11x16xf32, #tpu.memory_space<vmem>>, vector<16xf32>,
    %slice3A_35 = vector.extract_strided_slice %get3A_34 {offsets = [0], sizes = [1], strides = [1]} : vector<16xf32> to vector<1xf32>
    %squeeze3A_36 = vector.extract %slice3A_35[0] : f32 from vector<1xf32>
    %ne3A_37 = arith.constant 0.000000e+00 : f32
    %ne3A_38 = arith.cmpf one, %squeeze3A_36, %ne3A_37 : f32
    %or3A_39 = arith.ori %or3A_30, %ne3A_38 : i1
    %get3A_40 = arith.constant 6 : i32
    %get3A_41 = arith.index_cast %get3A_40 : i32 to index
    %get3A_42 = arith.constant 0 : index
    %get3A_43 = tpu.vector_load %arg15[%get3A_41, %get3A_42] {strides = array<i32>} : memref<11x16xf32, #tpu.memory_space<vmem>>, vector<16xf32>,
    %slice3A_44 = vector.extract_strided_slice %get3A_43 {offsets = [0], sizes = [1], strides = [1]} : vector<16xf32> to vector<1xf32>
    %squeeze3A_45 = vector.extract %slice3A_44[0] : f32 from vector<1xf32>
    %ne3A_46 = arith.constant 0.000000e+00 : f32
    %ne3A_47 = arith.cmpf one, %squeeze3A_45, %ne3A_46 : f32
    %or3A_48 = arith.ori %or3A_39, %ne3A_47 : i1
    %get3A_49 = arith.constant 7 : i32
    %get3A_50 = arith.index_cast %get3A_49 : i32 to index
    %get3A_51 = arith.constant 0 : index
    %get3A_52 = tpu.vector_load %arg15[%get3A_50, %get3A_51] {strides = array<i32>} : memref<11x16xf32, #tpu.memory_space<vmem>>, vector<16xf32>,
    %slice3A_53 = vector.extract_strided_slice %get3A_52 {offsets = [0], sizes = [1], strides = [1]} : vector<16xf32> to vector<1xf32>
    %squeeze3A_54 = vector.extract %slice3A_53[0] : f32 from vector<1xf32>
    %ne3A_55 = arith.constant 0.000000e+00 : f32
    %ne3A_56 = arith.cmpf one, %squeeze3A_54, %ne3A_55 : f32
    %or3A_57 = arith.ori %or3A_48, %ne3A_56 : i1
    %get3A_58 = arith.constant 8 : i32
    %get3A_59 = arith.index_cast %get3A_58 : i32 to index
    %get3A_60 = arith.constant 0 : index
    %get3A_61 = tpu.vector_load %arg15[%get3A_59, %get3A_60] {strides = array<i32>} : memref<11x16xf32, #tpu.memory_space<vmem>>, vector<16xf32>,
    %slice3A_62 = vector.extract_strided_slice %get3A_61 {offsets = [0], sizes = [1], strides = [1]} : vector<16xf32> to vector<1xf32>
    %squeeze3A_63 = vector.extract %slice3A_62[0] : f32 from vector<1xf32>
    %ne3A_64 = arith.constant 0.000000e+00 : f32
    %ne3A_65 = arith.cmpf one, %squeeze3A_63, %ne3A_64 : f32
    %or3A_66 = arith.ori %or3A_57, %ne3A_65 : i1
    %get3A_67 = arith.constant 9 : i32
    %get3A_68 = arith.index_cast %get3A_67 : i32 to index
    %get3A_69 = arith.constant 0 : index
    %get3A_70 = tpu.vector_load %arg15[%get3A_68, %get3A_69] {strides = array<i32>} : memref<11x16xf32, #tpu.memory_space<vmem>>, vector<16xf32>,
    %slice3A_71 = vector.extract_strided_slice %get3A_70 {offsets = [0], sizes = [1], strides = [1]} : vector<16xf32> to vector<1xf32>
    %squeeze3A_72 = vector.extract %slice3A_71[0] : f32 from vector<1xf32>
    %ne3A_73 = arith.constant 0.000000e+00 : f32
    %ne3A_74 = arith.cmpf one, %squeeze3A_72, %ne3A_73 : f32
    %or3A_75 = arith.ori %or3A_66, %ne3A_74 : i1
    %get3A_76 = arith.constant 10 : i32
    %get3A_77 = arith.index_cast %get3A_76 : i32 to index
    %get3A_78 = arith.constant 0 : index
    %get3A_79 = tpu.vector_load %arg15[%get3A_77, %get3A_78] {strides = array<i32>} : memref<11x16xf32, #tpu.memory_space<vmem>>, vector<16xf32>,
    %slice3A_80 = vector.extract_strided_slice %get3A_79 {offsets = [0], sizes = [1], strides = [1]} : vector<16xf32> to vector<1xf32>
    %squeeze3A_81 = vector.extract %slice3A_80[0] : f32 from vector<1xf32>
    %ne3A_82 = arith.constant 0.000000e+00 : f32
    %ne3A_83 = arith.cmpf one, %squeeze3A_81, %ne3A_82 : f32
    %or3A_84 = arith.ori %or3A_75, %ne3A_83 : i1
    %scan3A = arith.constant 0 : i32
    %scan3A_85 = arith.constant 0 : i32
    %scan3A_86 = arith.constant 640 : i32
    %scan3A_87 = arith.addi %scan3A_85, %scan3A_86 : i32
    %scan3A_88 = arith.constant 1 : i32
    scf.for %scan3A_257 = %scan3A_85 to %scan3A_87 step %scan3A_88  : i32 {
      %broadcast_in_dim3A = arith.constant 0.000000e+00 : f32
      %broadcast_in_dim3A_258 = vector.broadcast %broadcast_in_dim3A : f32 to vector<16xf32>
      %swap3A = arith.index_cast %scan3A_257 : i32 to index
      %swap3A_259 = arith.constant 0 : index
      %swap3A_260 = tpu.vector_load %arg11[%swap3A, %swap3A_259] {strides = array<i32>} : memref<640x16xf32, #tpu.memory_space<vmem>>, vector<16xf32>,
      tpu.vector_store %arg11[%swap3A, %swap3A_259], %broadcast_in_dim3A_258 {strides = array<i32>} : memref<640x16xf32, #tpu.memory_space<vmem>>, vector<16xf32>,
    }
    %scan3A_89 = arith.constant 640 : i32
    "tpu.region"() ({
      %run_scoped3A = tpu.sem_alloc : memref<!tpu.dma_semaphore, #tpu.memory_space<semaphore_mem>>
      %dma_start3A = arith.constant 0 : i32
      %dma_start3A_257 = tpu.memref_slice %arg17[%mul3A_0, %dma_start3A] : memref<10240x16xf32, #tpu.memory_space<vmem_shared>> -> memref<640x16xf32, #tpu.memory_space<vmem_shared>>
      %dma_start3A_258 = arith.constant 0 : i32
      %dma_start3A_259 = tpu.memref_slice %arg17[%mul3A_0, %dma_start3A_258] : memref<10240x16xf32, #tpu.memory_space<vmem_shared>> -> memref<640x16xf32, #tpu.memory_space<vmem_shared>>
      tpu.enqueue_dma source(%arg11 : memref<640x16xf32, #tpu.memory_space<vmem>>) target(%dma_start3A_259 : memref<640x16xf32, #tpu.memory_space<vmem_shared>>) target_semaphore(%run_scoped3A : memref<!tpu.dma_semaphore, #tpu.memory_space<semaphore_mem>>)
      %dma_wait3A = arith.constant 0 : i32
      %dma_wait3A_260 = tpu.memref_slice %arg17[%mul3A_0, %dma_wait3A] : memref<10240x16xf32, #tpu.memory_space<vmem_shared>> -> memref<640x16xf32, #tpu.memory_space<vmem_shared>>
      %dma_wait3A_261 = arith.constant 0 : i32
      %dma_wait3A_262 = tpu.memref_slice %arg17[%mul3A_0, %dma_wait3A_261] : memref<10240x16xf32, #tpu.memory_space<vmem_shared>> -> memref<640x16xf32, #tpu.memory_space<vmem_shared>>
      tpu.wait_dma2 semaphore(%run_scoped3A : memref<!tpu.dma_semaphore, #tpu.memory_space<semaphore_mem>>) src(%arg11 : memref<640x16xf32, #tpu.memory_space<vmem>>) dst(%dma_wait3A_262 : memref<640x16xf32, #tpu.memory_space<vmem_shared>>)
      tpu.yield
    }) : () -> ()
    %barrier3A = arith.constant 0 : index
    tpu.barrier barrier_id(%barrier3A)
    %convert_element_type3A = arith.extui %or3A_84 : i1 to i32
    %cond3A = arith.constant 0 : i32
    %cond3A_90 = arith.cmpi ne, %convert_element_type3A, %cond3A : i32
    scf.if %cond3A_90 {
      %run_scoped3A = arith.constant 0 : i32
      "tpu.region"() ({
        %run_scoped3A_287 = tpu.sem_alloc : memref<!tpu.dma_semaphore, #tpu.memory_space<semaphore_mem>>
        %dma_start3A = arith.constant 0 : i32
        %dma_start3A_288 = arith.constant 0 : i32
        %dma_start3A_289 = tpu.memref_slice %arg3[%run_scoped3A, %arg1, %dma_start3A, %dma_start3A_288] : memref<2x16x25x800xi32, #tpu.memory_space<hbm>> -> memref<1x1x25x800xi32, #tpu.memory_space<hbm>>
        %dma_start3A_290 = tpu.memref_squeeze %dma_start3A_289 : memref<1x1x25x800xi32, #tpu.memory_space<hbm>> -> memref<25x800xi32, #tpu.memory_space<hbm>>
        %dma_start3A_291 = arith.constant 0 : i32
        %dma_start3A_292 = arith.constant 0 : i32
        %dma_start3A_293 = tpu.memref_slice %arg3[%run_scoped3A, %arg1, %dma_start3A_291, %dma_start3A_292] : memref<2x16x25x800xi32, #tpu.memory_space<hbm>> -> memref<1x1x25x800xi32, #tpu.memory_space<hbm>>
        %dma_start3A_294 = tpu.memref_squeeze %dma_start3A_293 : memref<1x1x25x800xi32, #tpu.memory_space<hbm>> -> memref<25x800xi32, #tpu.memory_space<hbm>>
        tpu.enqueue_dma source(%dma_start3A_294 : memref<25x800xi32, #tpu.memory_space<hbm>>) target(%arg7 : memref<25x800xi32, #tpu.memory_space<vmem>>) target_semaphore(%run_scoped3A_287 : memref<!tpu.dma_semaphore, #tpu.memory_space<semaphore_mem>>)
        %dma_wait3A = arith.constant 0 : i32
        %dma_wait3A_295 = arith.constant 0 : i32
        %dma_wait3A_296 = tpu.memref_slice %arg3[%run_scoped3A, %arg1, %dma_wait3A, %dma_wait3A_295] : memref<2x16x25x800xi32, #tpu.memory_space<hbm>> -> memref<1x1x25x800xi32, #tpu.memory_space<hbm>>
        %dma_wait3A_297 = tpu.memref_squeeze %dma_wait3A_296 : memref<1x1x25x800xi32, #tpu.memory_space<hbm>> -> memref<25x800xi32, #tpu.memory_space<hbm>>
        %dma_wait3A_298 = arith.constant 0 : i32
        %dma_wait3A_299 = arith.constant 0 : i32
        %dma_wait3A_300 = tpu.memref_slice %arg3[%run_scoped3A, %arg1, %dma_wait3A_298, %dma_wait3A_299] : memref<2x16x25x800xi32, #tpu.memory_space<hbm>> -> memref<1x1x25x800xi32, #tpu.memory_space<hbm>>
        %dma_wait3A_301 = tpu.memref_squeeze %dma_wait3A_300 : memref<1x1x25x800xi32, #tpu.memory_space<hbm>> -> memref<25x800xi32, #tpu.memory_space<hbm>>
        tpu.wait_dma2 semaphore(%run_scoped3A_287 : memref<!tpu.dma_semaphore, #tpu.memory_space<semaphore_mem>>) src(%dma_wait3A_301 : memref<25x800xi32, #tpu.memory_space<hbm>>) dst(%arg7 : memref<25x800xi32, #tpu.memory_space<vmem>>)
        tpu.yield
      }) : () -> ()
      %run_scoped3A_257 = arith.constant 1 : i32
      "tpu.region"() ({
        %run_scoped3A_287 = tpu.sem_alloc : memref<!tpu.dma_semaphore, #tpu.memory_space<semaphore_mem>>
        %dma_start3A = arith.constant 0 : i32
        %dma_start3A_288 = arith.constant 0 : i32
        %dma_start3A_289 = tpu.memref_slice %arg3[%run_scoped3A_257, %arg1, %dma_start3A, %dma_start3A_288] : memref<2x16x25x800xi32, #tpu.memory_space<hbm>> -> memref<1x1x25x800xi32, #tpu.memory_space<hbm>>
        %dma_start3A_290 = tpu.memref_squeeze %dma_start3A_289 : memref<1x1x25x800xi32, #tpu.memory_space<hbm>> -> memref<25x800xi32, #tpu.memory_space<hbm>>
        %dma_start3A_291 = arith.constant 0 : i32
        %dma_start3A_292 = arith.constant 0 : i32
        %dma_start3A_293 = tpu.memref_slice %arg3[%run_scoped3A_257, %arg1, %dma_start3A_291, %dma_start3A_292] : memref<2x16x25x800xi32, #tpu.memory_space<hbm>> -> memref<1x1x25x800xi32, #tpu.memory_space<hbm>>
        %dma_start3A_294 = tpu.memref_squeeze %dma_start3A_293 : memref<1x1x25x800xi32, #tpu.memory_space<hbm>> -> memref<25x800xi32, #tpu.memory_space<hbm>>
        tpu.enqueue_dma source(%dma_start3A_294 : memref<25x800xi32, #tpu.memory_space<hbm>>) target(%arg8 : memref<25x800xi32, #tpu.memory_space<vmem>>) target_semaphore(%run_scoped3A_287 : memref<!tpu.dma_semaphore, #tpu.memory_space<semaphore_mem>>)
        %dma_wait3A = arith.constant 0 : i32
        %dma_wait3A_295 = arith.constant 0 : i32
        %dma_wait3A_296 = tpu.memref_slice %arg3[%run_scoped3A_257, %arg1, %dma_wait3A, %dma_wait3A_295] : memref<2x16x25x800xi32, #tpu.memory_space<hbm>> -> memref<1x1x25x800xi32, #tpu.memory_space<hbm>>
        %dma_wait3A_297 = tpu.memref_squeeze %dma_wait3A_296 : memref<1x1x25x800xi32, #tpu.memory_space<hbm>> -> memref<25x800xi32, #tpu.memory_space<hbm>>
        %dma_wait3A_298 = arith.constant 0 : i32
        %dma_wait3A_299 = arith.constant 0 : i32
        %dma_wait3A_300 = tpu.memref_slice %arg3[%run_scoped3A_257, %arg1, %dma_wait3A_298, %dma_wait3A_299] : memref<2x16x25x800xi32, #tpu.memory_space<hbm>> -> memref<1x1x25x800xi32, #tpu.memory_space<hbm>>
        %dma_wait3A_301 = tpu.memref_squeeze %dma_wait3A_300 : memref<1x1x25x800xi32, #tpu.memory_space<hbm>> -> memref<25x800xi32, #tpu.memory_space<hbm>>
        tpu.wait_dma2 semaphore(%run_scoped3A_287 : memref<!tpu.dma_semaphore, #tpu.memory_space<semaphore_mem>>) src(%dma_wait3A_301 : memref<25x800xi32, #tpu.memory_space<hbm>>) dst(%arg8 : memref<25x800xi32, #tpu.memory_space<vmem>>)
        tpu.yield
      }) : () -> ()
      %scan3A_258 = arith.constant 0 : i32
      %scan3A_259 = arith.constant 0 : i32
      %scan3A_260 = arith.constant 800 : i32
      %scan3A_261 = arith.addi %scan3A_259, %scan3A_260 : i32
      %scan3A_262 = arith.constant 1 : i32
      scf.for %scan3A_287 = %scan3A_259 to %scan3A_261 step %scan3A_262  : i32 {
        %broadcast_in_dim3A = arith.constant 1.000000e+00 : f32
        %broadcast_in_dim3A_288 = vector.broadcast %broadcast_in_dim3A : f32 to vector<16xf32>
        %swap3A = arith.index_cast %scan3A_287 : i32 to index
        %swap3A_289 = arith.constant 0 : index
        %swap3A_290 = tpu.vector_load %arg9[%swap3A, %swap3A_289] {strides = array<i32>} : memref<800x16xf32, #tpu.memory_space<vmem>>, vector<16xf32>,
        tpu.vector_store %arg9[%swap3A, %swap3A_289], %broadcast_in_dim3A_288 {strides = array<i32>} : memref<800x16xf32, #tpu.memory_space<vmem>>, vector<16xf32>,
      }
      %scan3A_263 = arith.constant 800 : i32
      %scan3A_264 = arith.constant 0 : i32
      %scan3A_265 = arith.constant 0 : i32
      %scan3A_266 = arith.constant 25 : i32
      %scan3A_267 = arith.addi %scan3A_265, %scan3A_266 : i32
      %scan3A_268 = arith.constant 1 : i32
      scf.for %scan3A_287 = %scan3A_265 to %scan3A_267 step %scan3A_268  : i32 {
        "tpu.region"() ({
          %run_scoped3A_288 = tpu.sem_alloc : memref<!tpu.dma_semaphore, #tpu.memory_space<semaphore_mem>>
          %dma_start3A = arith.constant 0 : i32
          %dma_start3A_289 = tpu.memref_slice %arg7[%scan3A_287, %dma_start3A] : memref<25x800xi32, #tpu.memory_space<vmem>> -> memref<1x800xi32, #tpu.memory_space<vmem>>
          %dma_start3A_290 = tpu.memref_squeeze %dma_start3A_289 : memref<1x800xi32, #tpu.memory_space<vmem>> -> memref<800xi32, #tpu.memory_space<vmem>>
          %dma_start3A_291 = arith.constant 0 : i32
          %dma_start3A_292 = arith.constant 0 : i32
          %dma_start3A_293 = tpu.memref_slice %arg17[%dma_start3A_291, %dma_start3A_292] : memref<10240x16xf32, #tpu.memory_space<vmem_shared>> -> memref<10240x16xf32, #tpu.memory_space<vmem_shared>>
          tpu.enqueue_indirect_dma source(%arg9 : memref<800x16xf32, #tpu.memory_space<vmem>>) target(%dma_start3A_293 : memref<10240x16xf32, #tpu.memory_space<vmem_shared>>) offsets(%dma_start3A_290 : memref<800xi32, #tpu.memory_space<vmem>>) semaphore(%run_scoped3A_288 : memref<!tpu.dma_semaphore, #tpu.memory_space<semaphore_mem>>) {add = true}
          %dma_wait3A = arith.constant 0 : i32
          %dma_wait3A_294 = tpu.memref_slice %arg7[%scan3A_287, %dma_wait3A] : memref<25x800xi32, #tpu.memory_space<vmem>> -> memref<1x800xi32, #tpu.memory_space<vmem>>
          %dma_wait3A_295 = tpu.memref_squeeze %dma_wait3A_294 : memref<1x800xi32, #tpu.memory_space<vmem>> -> memref<800xi32, #tpu.memory_space<vmem>>
          %dma_wait3A_296 = arith.constant 0 : i32
          %dma_wait3A_297 = arith.constant 0 : i32
          %dma_wait3A_298 = tpu.memref_slice %arg17[%dma_wait3A_296, %dma_wait3A_297] : memref<10240x16xf32, #tpu.memory_space<vmem_shared>> -> memref<10240x16xf32, #tpu.memory_space<vmem_shared>>
          tpu.wait_indirect_dma semaphore(%run_scoped3A_288 : memref<!tpu.dma_semaphore, #tpu.memory_space<semaphore_mem>>) src(%arg9 : memref<800x16xf32, #tpu.memory_space<vmem>>) dst(%dma_wait3A_298 : memref<10240x16xf32, #tpu.memory_space<vmem_shared>>)
          tpu.yield
        }) : () -> ()
      }
      %scan3A_269 = arith.constant 25 : i32
      %barrier3A_270 = arith.constant 0 : index
      tpu.barrier barrier_id(%barrier3A_270)
      "tpu.region"() ({
        %run_scoped3A_287 = tpu.sem_alloc : memref<!tpu.dma_semaphore, #tpu.memory_space<semaphore_mem>>
        %dma_start3A = arith.constant 0 : i32
        %dma_start3A_288 = tpu.memref_slice %arg17[%mul3A_0, %dma_start3A] : memref<10240x16xf32, #tpu.memory_space<vmem_shared>> -> memref<640x16xf32, #tpu.memory_space<vmem_shared>>
        %dma_start3A_289 = arith.constant 0 : i32
        %dma_start3A_290 = tpu.memref_slice %arg17[%mul3A_0, %dma_start3A_289] : memref<10240x16xf32, #tpu.memory_space<vmem_shared>> -> memref<640x16xf32, #tpu.memory_space<vmem_shared>>
        tpu.enqueue_dma source(%dma_start3A_290 : memref<640x16xf32, #tpu.memory_space<vmem_shared>>) target(%arg11 : memref<640x16xf32, #tpu.memory_space<vmem>>) target_semaphore(%run_scoped3A_287 : memref<!tpu.dma_semaphore, #tpu.memory_space<semaphore_mem>>)
        %dma_wait3A = arith.constant 0 : i32
        %dma_wait3A_291 = tpu.memref_slice %arg17[%mul3A_0, %dma_wait3A] : memref<10240x16xf32, #tpu.memory_space<vmem_shared>> -> memref<640x16xf32, #tpu.memory_space<vmem_shared>>
        %dma_wait3A_292 = arith.constant 0 : i32
        %dma_wait3A_293 = tpu.memref_slice %arg17[%mul3A_0, %dma_wait3A_292] : memref<10240x16xf32, #tpu.memory_space<vmem_shared>> -> memref<640x16xf32, #tpu.memory_space<vmem_shared>>
        tpu.wait_dma2 semaphore(%run_scoped3A_287 : memref<!tpu.dma_semaphore, #tpu.memory_space<semaphore_mem>>) src(%dma_wait3A_293 : memref<640x16xf32, #tpu.memory_space<vmem_shared>>) dst(%arg11 : memref<640x16xf32, #tpu.memory_space<vmem>>)
        tpu.yield
      }) : () -> ()
      "tpu.region"() ({
        %run_scoped3A_287 = tpu.sem_alloc : memref<!tpu.dma_semaphore, #tpu.memory_space<semaphore_mem>>
        %dma_start3A = arith.constant 0 : i32
        %dma_start3A_288 = tpu.memref_slice %arg2[%mul3A_0, %dma_start3A] : memref<10240x16xf32, #tpu.memory_space<hbm>> -> memref<640x16xf32, #tpu.memory_space<hbm>>
        %dma_start3A_289 = arith.constant 0 : i32
        %dma_start3A_290 = tpu.memref_slice %arg2[%mul3A_0, %dma_start3A_289] : memref<10240x16xf32, #tpu.memory_space<hbm>> -> memref<640x16xf32, #tpu.memory_space<hbm>>
        tpu.enqueue_dma source(%dma_start3A_290 : memref<640x16xf32, #tpu.memory_space<hbm>>) target(%arg12 : memref<640x16xf32, #tpu.memory_space<vmem>>) target_semaphore(%run_scoped3A_287 : memref<!tpu.dma_semaphore, #tpu.memory_space<semaphore_mem>>)
        %dma_wait3A = arith.constant 0 : i32
        %dma_wait3A_291 = tpu.memref_slice %arg2[%mul3A_0, %dma_wait3A] : memref<10240x16xf32, #tpu.memory_space<hbm>> -> memref<640x16xf32, #tpu.memory_space<hbm>>
        %dma_wait3A_292 = arith.constant 0 : i32
        %dma_wait3A_293 = tpu.memref_slice %arg2[%mul3A_0, %dma_wait3A_292] : memref<10240x16xf32, #tpu.memory_space<hbm>> -> memref<640x16xf32, #tpu.memory_space<hbm>>
        tpu.wait_dma2 semaphore(%run_scoped3A_287 : memref<!tpu.dma_semaphore, #tpu.memory_space<semaphore_mem>>) src(%dma_wait3A_293 : memref<640x16xf32, #tpu.memory_space<hbm>>) dst(%arg12 : memref<640x16xf32, #tpu.memory_space<vmem>>)
        tpu.yield
      }) : () -> ()
      %get3A_271 = arith.constant 10 : i32
      %get3A_272 = arith.index_cast %get3A_271 : i32 to index
      %get3A_273 = arith.constant 0 : index
      %get3A_274 = tpu.vector_load %arg15[%get3A_272, %get3A_273] {strides = array<i32>} : memref<11x16xf32, #tpu.memory_space<vmem>>, vector<16xf32>,
      %scan3A_275 = arith.constant 0 : i32
      %scan3A_276 = arith.constant 0 : i32
      %scan3A_277 = arith.constant 640 : i32
      %scan3A_278 = arith.addi %scan3A_276, %scan3A_277 : i32
      %scan3A_279 = arith.constant 1 : i32
      scf.for %scan3A_287 = %scan3A_276 to %scan3A_278 step %scan3A_279  : i32 {
        %get3A_288 = arith.index_cast %scan3A_287 : i32 to index
        %get3A_289 = arith.constant 0 : index
        %get3A_290 = tpu.vector_load %arg11[%get3A_288, %get3A_289] {strides = array<i32>} : memref<640x16xf32, #tpu.memory_space<vmem>>, vector<16xf32>,
        %bitcast3A = vector.bitcast %get3A_290 : vector<16xf32> to vector<16xi32>
        %shift_right_logical3A = arith.constant 1 : i32
        %shift_right_logical3A_291 = vector.broadcast %shift_right_logical3A : i32 to vector<16xi32>
        %shift_right_logical3A_292 = arith.shrui %bitcast3A, %shift_right_logical3A_291 : vector<16xi32>
        %sub3A = arith.constant 1597463007 : i32
        %sub3A_293 = vector.broadcast %sub3A : i32 to vector<16xi32>
        %sub3A_294 = arith.subi %sub3A_293, %shift_right_logical3A_292 : vector<16xi32>
        %bitcast3A_295 = vector.bitcast %sub3A_294 : vector<16xi32> to vector<16xf32>
        %mul3A_296 = arith.constant 5.000000e-01 : f32
        %mul3A_297 = vector.broadcast %mul3A_296 : f32 to vector<16xf32>
        %mul3A_298 = arith.mulf %mul3A_297, %get3A_290 : vector<16xf32>
        %mul3A_299 = arith.mulf %mul3A_298, %bitcast3A_295 : vector<16xf32>
        %mul3A_300 = arith.mulf %mul3A_299, %bitcast3A_295 : vector<16xf32>
        %sub3A_301 = arith.constant 1.500000e+00 : f32
        %sub3A_302 = vector.broadcast %sub3A_301 : f32 to vector<16xf32>
        %sub3A_303 = arith.subf %sub3A_302, %mul3A_300 : vector<16xf32>
        %mul3A_304 = arith.mulf %bitcast3A_295, %sub3A_303 : vector<16xf32>
        %mul3A_305 = arith.constant 5.000000e-01 : f32
        %mul3A_306 = vector.broadcast %mul3A_305 : f32 to vector<16xf32>
        %mul3A_307 = arith.mulf %mul3A_306, %get3A_290 : vector<16xf32>
        %mul3A_308 = arith.mulf %mul3A_307, %mul3A_304 : vector<16xf32>
        %mul3A_309 = arith.mulf %mul3A_308, %mul3A_304 : vector<16xf32>
        %sub3A_310 = arith.constant 1.500000e+00 : f32
        %sub3A_311 = vector.broadcast %sub3A_310 : f32 to vector<16xf32>
        %sub3A_312 = arith.subf %sub3A_311, %mul3A_309 : vector<16xf32>
        %mul3A_313 = arith.mulf %mul3A_304, %sub3A_312 : vector<16xf32>
        %mul3A_314 = arith.constant 5.000000e-01 : f32
        %mul3A_315 = vector.broadcast %mul3A_314 : f32 to vector<16xf32>
        %mul3A_316 = arith.mulf %mul3A_315, %get3A_290 : vector<16xf32>
        %mul3A_317 = arith.mulf %mul3A_316, %mul3A_313 : vector<16xf32>
        %mul3A_318 = arith.mulf %mul3A_317, %mul3A_313 : vector<16xf32>
        %sub3A_319 = arith.constant 1.500000e+00 : f32
        %sub3A_320 = vector.broadcast %sub3A_319 : f32 to vector<16xf32>
        %sub3A_321 = arith.subf %sub3A_320, %mul3A_318 : vector<16xf32>
        %mul3A_322 = arith.mulf %mul3A_313, %sub3A_321 : vector<16xf32>
        %gt3A = arith.constant 5.000000e-01 : f32
        %gt3A_323 = vector.broadcast %gt3A : f32 to vector<16xf32>
        %gt3A_324 = arith.cmpf ogt, %get3A_290, %gt3A_323 : vector<16xf32>
        %jit3A = arith.constant 0.000000e+00 : f32
        %broadcast_in_dim3A = vector.broadcast %jit3A : f32 to vector<16xf32>
        %select_n3A = arith.select %gt3A_324, %mul3A_322, %broadcast_in_dim3A : vector<16xi1>, vector<16xf32>
        %get3A_325 = arith.index_cast %scan3A_287 : i32 to index
        %get3A_326 = arith.constant 0 : index
        %get3A_327 = tpu.vector_load %arg12[%get3A_325, %get3A_326] {strides = array<i32>} : memref<640x16xf32, #tpu.memory_space<vmem>>, vector<16xf32>,
        %mul3A_328 = arith.mulf %select_n3A, %get3A_327 : vector<16xf32>
        %mul3A_329 = arith.mulf %select_n3A, %select_n3A : vector<16xf32>
        %swap3A = arith.index_cast %scan3A_287 : i32 to index
        %swap3A_330 = arith.constant 0 : index
        %swap3A_331 = tpu.vector_load %arg14[%swap3A, %swap3A_330] {strides = array<i32>} : memref<640x16xf32, #tpu.memory_space<vmem>>, vector<16xf32>,
        tpu.vector_store %arg14[%swap3A, %swap3A_330], %mul3A_329 {strides = array<i32>} : memref<640x16xf32, #tpu.memory_space<vmem>>, vector<16xf32>,
        %swap3A_332 = arith.index_cast %scan3A_287 : i32 to index
        %swap3A_333 = arith.constant 0 : index
        %swap3A_334 = tpu.vector_load %arg13[%swap3A_332, %swap3A_333] {strides = array<i32>} : memref<640x16xf32, #tpu.memory_space<vmem>>, vector<16xf32>,
        tpu.vector_store %arg13[%swap3A_332, %swap3A_333], %mul3A_328 {strides = array<i32>} : memref<640x16xf32, #tpu.memory_space<vmem>>, vector<16xf32>,
        %mul3A_335 = arith.mulf %get3A_274, %mul3A_328 : vector<16xf32>
        %swap3A_336 = arith.index_cast %scan3A_287 : i32 to index
        %swap3A_337 = arith.constant 0 : index
        %swap3A_338 = tpu.vector_load %arg12[%swap3A_336, %swap3A_337] {strides = array<i32>} : memref<640x16xf32, #tpu.memory_space<vmem>>, vector<16xf32>,
        tpu.vector_store %arg12[%swap3A_336, %swap3A_337], %mul3A_335 {strides = array<i32>} : memref<640x16xf32, #tpu.memory_space<vmem>>, vector<16xf32>,
        %swap3A_339 = arith.index_cast %scan3A_287 : i32 to index
        %swap3A_340 = arith.constant 0 : index
        %swap3A_341 = tpu.vector_load %arg11[%swap3A_339, %swap3A_340] {strides = array<i32>} : memref<640x16xf32, #tpu.memory_space<vmem>>, vector<16xf32>,
        tpu.vector_store %arg11[%swap3A_339, %swap3A_340], %select_n3A {strides = array<i32>} : memref<640x16xf32, #tpu.memory_space<vmem>>, vector<16xf32>,
      }
      %scan3A_280 = arith.constant 640 : i32
      "tpu.region"() ({
        %run_scoped3A_287 = tpu.sem_alloc : memref<!tpu.dma_semaphore, #tpu.memory_space<semaphore_mem>>
        %dma_start3A = arith.constant 0 : i32
        %dma_start3A_288 = tpu.memref_slice %arg6[%mul3A_0, %dma_start3A] : memref<10240x16xf32, #tpu.memory_space<hbm>> -> memref<640x16xf32, #tpu.memory_space<hbm>>
        %dma_start3A_289 = arith.constant 0 : i32
        %dma_start3A_290 = tpu.memref_slice %arg6[%mul3A_0, %dma_start3A_289] : memref<10240x16xf32, #tpu.memory_space<hbm>> -> memref<640x16xf32, #tpu.memory_space<hbm>>
        tpu.enqueue_dma source(%arg11 : memref<640x16xf32, #tpu.memory_space<vmem>>) target(%dma_start3A_290 : memref<640x16xf32, #tpu.memory_space<hbm>>) target_semaphore(%run_scoped3A_287 : memref<!tpu.dma_semaphore, #tpu.memory_space<semaphore_mem>>)
        %dma_wait3A = arith.constant 0 : i32
        %dma_wait3A_291 = tpu.memref_slice %arg6[%mul3A_0, %dma_wait3A] : memref<10240x16xf32, #tpu.memory_space<hbm>> -> memref<640x16xf32, #tpu.memory_space<hbm>>
        %dma_wait3A_292 = arith.constant 0 : i32
        %dma_wait3A_293 = tpu.memref_slice %arg6[%mul3A_0, %dma_wait3A_292] : memref<10240x16xf32, #tpu.memory_space<hbm>> -> memref<640x16xf32, #tpu.memory_space<hbm>>
        tpu.wait_dma2 semaphore(%run_scoped3A_287 : memref<!tpu.dma_semaphore, #tpu.memory_space<semaphore_mem>>) src(%arg11 : memref<640x16xf32, #tpu.memory_space<vmem>>) dst(%dma_wait3A_293 : memref<640x16xf32, #tpu.memory_space<hbm>>)
        tpu.yield
      }) : () -> ()
      "tpu.region"() ({
        %run_scoped3A_287 = tpu.sem_alloc : memref<!tpu.dma_semaphore, #tpu.memory_space<semaphore_mem>>
        %dma_start3A = arith.constant 0 : i32
        %dma_start3A_288 = tpu.memref_slice %arg16[%mul3A_0, %dma_start3A] : memref<10240x16xf32, #tpu.memory_space<vmem_shared>> -> memref<640x16xf32, #tpu.memory_space<vmem_shared>>
        %dma_start3A_289 = arith.constant 0 : i32
        %dma_start3A_290 = tpu.memref_slice %arg16[%mul3A_0, %dma_start3A_289] : memref<10240x16xf32, #tpu.memory_space<vmem_shared>> -> memref<640x16xf32, #tpu.memory_space<vmem_shared>>
        tpu.enqueue_dma source(%arg12 : memref<640x16xf32, #tpu.memory_space<vmem>>) target(%dma_start3A_290 : memref<640x16xf32, #tpu.memory_space<vmem_shared>>) target_semaphore(%run_scoped3A_287 : memref<!tpu.dma_semaphore, #tpu.memory_space<semaphore_mem>>)
        %dma_wait3A = arith.constant 0 : i32
        %dma_wait3A_291 = tpu.memref_slice %arg16[%mul3A_0, %dma_wait3A] : memref<10240x16xf32, #tpu.memory_space<vmem_shared>> -> memref<640x16xf32, #tpu.memory_space<vmem_shared>>
        %dma_wait3A_292 = arith.constant 0 : i32
        %dma_wait3A_293 = tpu.memref_slice %arg16[%mul3A_0, %dma_wait3A_292] : memref<10240x16xf32, #tpu.memory_space<vmem_shared>> -> memref<640x16xf32, #tpu.memory_space<vmem_shared>>
        tpu.wait_dma2 semaphore(%run_scoped3A_287 : memref<!tpu.dma_semaphore, #tpu.memory_space<semaphore_mem>>) src(%arg12 : memref<640x16xf32, #tpu.memory_space<vmem>>) dst(%dma_wait3A_293 : memref<640x16xf32, #tpu.memory_space<vmem_shared>>)
        tpu.yield
      }) : () -> ()
      %scan3A_281 = arith.constant 0 : i32
      %scan3A_282 = arith.constant 0 : i32
      %scan3A_283 = arith.constant 640 : i32
      %scan3A_284 = arith.addi %scan3A_282, %scan3A_283 : i32
      %scan3A_285 = arith.constant 1 : i32
      scf.for %scan3A_287 = %scan3A_282 to %scan3A_284 step %scan3A_285  : i32 {
        %broadcast_in_dim3A = arith.constant 0.000000e+00 : f32
        %broadcast_in_dim3A_288 = vector.broadcast %broadcast_in_dim3A : f32 to vector<16xf32>
        %swap3A = arith.index_cast %scan3A_287 : i32 to index
        %swap3A_289 = arith.constant 0 : index
        %swap3A_290 = tpu.vector_load %arg11[%swap3A, %swap3A_289] {strides = array<i32>} : memref<640x16xf32, #tpu.memory_space<vmem>>, vector<16xf32>,
        tpu.vector_store %arg11[%swap3A, %swap3A_289], %broadcast_in_dim3A_288 {strides = array<i32>} : memref<640x16xf32, #tpu.memory_space<vmem>>, vector<16xf32>,
      }
      %scan3A_286 = arith.constant 640 : i32
      "tpu.region"() ({
        %run_scoped3A_287 = tpu.sem_alloc : memref<!tpu.dma_semaphore, #tpu.memory_space<semaphore_mem>>
        %dma_start3A = arith.constant 0 : i32
        %dma_start3A_288 = tpu.memref_slice %arg17[%mul3A_0, %dma_start3A] : memref<10240x16xf32, #tpu.memory_space<vmem_shared>> -> memref<640x16xf32, #tpu.memory_space<vmem_shared>>
        %dma_start3A_289 = arith.constant 0 : i32
        %dma_start3A_290 = tpu.memref_slice %arg17[%mul3A_0, %dma_start3A_289] : memref<10240x16xf32, #tpu.memory_space<vmem_shared>> -> memref<640x16xf32, #tpu.memory_space<vmem_shared>>
        tpu.enqueue_dma source(%arg11 : memref<640x16xf32, #tpu.memory_space<vmem>>) target(%dma_start3A_290 : memref<640x16xf32, #tpu.memory_space<vmem_shared>>) target_semaphore(%run_scoped3A_287 : memref<!tpu.dma_semaphore, #tpu.memory_space<semaphore_mem>>)
        %dma_wait3A = arith.constant 0 : i32
        %dma_wait3A_291 = tpu.memref_slice %arg17[%mul3A_0, %dma_wait3A] : memref<10240x16xf32, #tpu.memory_space<vmem_shared>> -> memref<640x16xf32, #tpu.memory_space<vmem_shared>>
        %dma_wait3A_292 = arith.constant 0 : i32
        %dma_wait3A_293 = tpu.memref_slice %arg17[%mul3A_0, %dma_wait3A_292] : memref<10240x16xf32, #tpu.memory_space<vmem_shared>> -> memref<640x16xf32, #tpu.memory_space<vmem_shared>>
        tpu.wait_dma2 semaphore(%run_scoped3A_287 : memref<!tpu.dma_semaphore, #tpu.memory_space<semaphore_mem>>) src(%arg11 : memref<640x16xf32, #tpu.memory_space<vmem>>) dst(%dma_wait3A_293 : memref<640x16xf32, #tpu.memory_space<vmem_shared>>)
        tpu.yield
      }) : () -> ()
    } else {
    }
    %barrier3A_91 = arith.constant 0 : index
    tpu.barrier barrier_id(%barrier3A_91)
    %get3A_92 = arith.constant 10 : i32
    %get3A_93 = arith.index_cast %get3A_92 : i32 to index
    %get3A_94 = arith.constant 0 : index
    %get3A_95 = tpu.vector_load %arg15[%get3A_93, %get3A_94] {strides = array<i32>} : memref<11x16xf32, #tpu.memory_space<vmem>>, vector<16xf32>,
    %slice3A_96 = vector.extract_strided_slice %get3A_95 {offsets = [0], sizes = [1], strides = [1]} : vector<16xf32> to vector<1xf32>
    %squeeze3A_97 = vector.extract %slice3A_96[0] : f32 from vector<1xf32>
    %ne3A_98 = arith.constant 0.000000e+00 : f32
    %ne3A_99 = arith.cmpf one, %squeeze3A_97, %ne3A_98 : f32
    %convert_element_type3A_100 = arith.extui %ne3A_99 : i1 to i32
    %cond3A_101 = arith.constant 0 : i32
    %cond3A_102 = arith.cmpi ne, %convert_element_type3A_100, %cond3A_101 : i32
    scf.if %cond3A_102 {
      %dma_start3A = arith.constant 0 : i32
      %dma_start3A_257 = arith.constant 0 : i32
      %dma_start3A_258 = tpu.memref_slice %arg7[%dma_start3A, %dma_start3A_257] : memref<25x800xi32, #tpu.memory_space<vmem>> -> memref<1x800xi32, #tpu.memory_space<vmem>>
      %dma_start3A_259 = tpu.memref_squeeze %dma_start3A_258 : memref<1x800xi32, #tpu.memory_space<vmem>> -> memref<800xi32, #tpu.memory_space<vmem>>
      %dma_start3A_260 = arith.constant 0 : i32
      %dma_start3A_261 = arith.constant 0 : i32
      %dma_start3A_262 = tpu.memref_slice %arg16[%dma_start3A_260, %dma_start3A_261] : memref<10240x16xf32, #tpu.memory_space<vmem_shared>> -> memref<10240x16xf32, #tpu.memory_space<vmem_shared>>
      tpu.enqueue_indirect_dma source(%dma_start3A_262 : memref<10240x16xf32, #tpu.memory_space<vmem_shared>>) target(%arg9 : memref<800x16xf32, #tpu.memory_space<vmem>>) offsets(%dma_start3A_259 : memref<800xi32, #tpu.memory_space<vmem>>) semaphore(%arg18 : memref<!tpu.dma_semaphore, #tpu.memory_space<semaphore_mem>>)
      %scan3A_263 = arith.constant 0 : i32
      %scan3A_264 = arith.constant 0 : i32
      %scan3A_265 = arith.constant 12 : i32
      %scan3A_266 = arith.addi %scan3A_264, %scan3A_265 : i32
      %scan3A_267 = arith.constant 1 : i32
      scf.for %scan3A_275 = %scan3A_264 to %scan3A_266 step %scan3A_267  : i32 {
        %mul3A_276 = arith.constant 2 : i32
        %mul3A_277 = arith.muli %scan3A_275, %mul3A_276 : i32
        %add3A = arith.constant 1 : i32
        %add3A_278 = arith.addi %mul3A_277, %add3A : i32
        %dma_start3A_279 = arith.constant 0 : i32
        %dma_start3A_280 = tpu.memref_slice %arg7[%add3A_278, %dma_start3A_279] : memref<25x800xi32, #tpu.memory_space<vmem>> -> memref<1x800xi32, #tpu.memory_space<vmem>>
        %dma_start3A_281 = tpu.memref_squeeze %dma_start3A_280 : memref<1x800xi32, #tpu.memory_space<vmem>> -> memref<800xi32, #tpu.memory_space<vmem>>
        %dma_start3A_282 = arith.constant 0 : i32
        %dma_start3A_283 = arith.constant 0 : i32
        %dma_start3A_284 = tpu.memref_slice %arg16[%dma_start3A_282, %dma_start3A_283] : memref<10240x16xf32, #tpu.memory_space<vmem_shared>> -> memref<10240x16xf32, #tpu.memory_space<vmem_shared>>
        tpu.enqueue_indirect_dma source(%dma_start3A_284 : memref<10240x16xf32, #tpu.memory_space<vmem_shared>>) target(%arg10 : memref<800x16xf32, #tpu.memory_space<vmem>>) offsets(%dma_start3A_281 : memref<800xi32, #tpu.memory_space<vmem>>) semaphore(%arg19 : memref<!tpu.dma_semaphore, #tpu.memory_space<semaphore_mem>>)
        %dma_wait3A_285 = arith.constant 0 : i32
        %dma_wait3A_286 = tpu.memref_slice %arg7[%mul3A_277, %dma_wait3A_285] : memref<25x800xi32, #tpu.memory_space<vmem>> -> memref<1x800xi32, #tpu.memory_space<vmem>>
        %dma_wait3A_287 = tpu.memref_squeeze %dma_wait3A_286 : memref<1x800xi32, #tpu.memory_space<vmem>> -> memref<800xi32, #tpu.memory_space<vmem>>
        %dma_wait3A_288 = arith.constant 0 : i32
        %dma_wait3A_289 = arith.constant 0 : i32
        %dma_wait3A_290 = tpu.memref_slice %arg16[%dma_wait3A_288, %dma_wait3A_289] : memref<10240x16xf32, #tpu.memory_space<vmem_shared>> -> memref<10240x16xf32, #tpu.memory_space<vmem_shared>>
        tpu.wait_indirect_dma semaphore(%arg18 : memref<!tpu.dma_semaphore, #tpu.memory_space<semaphore_mem>>) src(%dma_wait3A_290 : memref<10240x16xf32, #tpu.memory_space<vmem_shared>>) dst(%arg9 : memref<800x16xf32, #tpu.memory_space<vmem>>)
        "tpu.region"() ({
          %run_scoped3A_305 = tpu.sem_alloc : memref<!tpu.dma_semaphore, #tpu.memory_space<semaphore_mem>>
          %dma_start3A_306 = arith.constant 0 : i32
          %dma_start3A_307 = tpu.memref_slice %arg8[%mul3A_277, %dma_start3A_306] : memref<25x800xi32, #tpu.memory_space<vmem>> -> memref<1x800xi32, #tpu.memory_space<vmem>>
          %dma_start3A_308 = tpu.memref_squeeze %dma_start3A_307 : memref<1x800xi32, #tpu.memory_space<vmem>> -> memref<800xi32, #tpu.memory_space<vmem>>
          %dma_start3A_309 = arith.constant 0 : i32
          %dma_start3A_310 = arith.constant 0 : i32
          %dma_start3A_311 = tpu.memref_slice %arg17[%dma_start3A_309, %dma_start3A_310] : memref<10240x16xf32, #tpu.memory_space<vmem_shared>> -> memref<10240x16xf32, #tpu.memory_space<vmem_shared>>
          tpu.enqueue_indirect_dma source(%arg9 : memref<800x16xf32, #tpu.memory_space<vmem>>) target(%dma_start3A_311 : memref<10240x16xf32, #tpu.memory_space<vmem_shared>>) offsets(%dma_start3A_308 : memref<800xi32, #tpu.memory_space<vmem>>) semaphore(%run_scoped3A_305 : memref<!tpu.dma_semaphore, #tpu.memory_space<semaphore_mem>>) {add = true}
          %dma_wait3A_312 = arith.constant 0 : i32
          %dma_wait3A_313 = tpu.memref_slice %arg8[%mul3A_277, %dma_wait3A_312] : memref<25x800xi32, #tpu.memory_space<vmem>> -> memref<1x800xi32, #tpu.memory_space<vmem>>
          %dma_wait3A_314 = tpu.memref_squeeze %dma_wait3A_313 : memref<1x800xi32, #tpu.memory_space<vmem>> -> memref<800xi32, #tpu.memory_space<vmem>>
          %dma_wait3A_315 = arith.constant 0 : i32
          %dma_wait3A_316 = arith.constant 0 : i32
          %dma_wait3A_317 = tpu.memref_slice %arg17[%dma_wait3A_315, %dma_wait3A_316] : memref<10240x16xf32, #tpu.memory_space<vmem_shared>> -> memref<10240x16xf32, #tpu.memory_space<vmem_shared>>
          tpu.wait_indirect_dma semaphore(%run_scoped3A_305 : memref<!tpu.dma_semaphore, #tpu.memory_space<semaphore_mem>>) src(%arg9 : memref<800x16xf32, #tpu.memory_space<vmem>>) dst(%dma_wait3A_317 : memref<10240x16xf32, #tpu.memory_space<vmem_shared>>)
          tpu.yield
        }) : () -> ()
        %add3A_291 = arith.constant 2 : i32
        %add3A_292 = arith.addi %mul3A_277, %add3A_291 : i32
        %dma_start3A_293 = arith.constant 0 : i32
        %dma_start3A_294 = tpu.memref_slice %arg7[%add3A_292, %dma_start3A_293] : memref<25x800xi32, #tpu.memory_space<vmem>> -> memref<1x800xi32, #tpu.memory_space<vmem>>
        %dma_start3A_295 = tpu.memref_squeeze %dma_start3A_294 : memref<1x800xi32, #tpu.memory_space<vmem>> -> memref<800xi32, #tpu.memory_space<vmem>>
        %dma_start3A_296 = arith.constant 0 : i32
        %dma_start3A_297 = arith.constant 0 : i32
        %dma_start3A_298 = tpu.memref_slice %arg16[%dma_start3A_296, %dma_start3A_297] : memref<10240x16xf32, #tpu.memory_space<vmem_shared>> -> memref<10240x16xf32, #tpu.memory_space<vmem_shared>>
        tpu.enqueue_indirect_dma source(%dma_start3A_298 : memref<10240x16xf32, #tpu.memory_space<vmem_shared>>) target(%arg9 : memref<800x16xf32, #tpu.memory_space<vmem>>) offsets(%dma_start3A_295 : memref<800xi32, #tpu.memory_space<vmem>>) semaphore(%arg18 : memref<!tpu.dma_semaphore, #tpu.memory_space<semaphore_mem>>)
        %dma_wait3A_299 = arith.constant 0 : i32
        %dma_wait3A_300 = tpu.memref_slice %arg7[%add3A_278, %dma_wait3A_299] : memref<25x800xi32, #tpu.memory_space<vmem>> -> memref<1x800xi32, #tpu.memory_space<vmem>>
        %dma_wait3A_301 = tpu.memref_squeeze %dma_wait3A_300 : memref<1x800xi32, #tpu.memory_space<vmem>> -> memref<800xi32, #tpu.memory_space<vmem>>
        %dma_wait3A_302 = arith.constant 0 : i32
        %dma_wait3A_303 = arith.constant 0 : i32
        %dma_wait3A_304 = tpu.memref_slice %arg16[%dma_wait3A_302, %dma_wait3A_303] : memref<10240x16xf32, #tpu.memory_space<vmem_shared>> -> memref<10240x16xf32, #tpu.memory_space<vmem_shared>>
        tpu.wait_indirect_dma semaphore(%arg19 : memref<!tpu.dma_semaphore, #tpu.memory_space<semaphore_mem>>) src(%dma_wait3A_304 : memref<10240x16xf32, #tpu.memory_space<vmem_shared>>) dst(%arg10 : memref<800x16xf32, #tpu.memory_space<vmem>>)
        "tpu.region"() ({
          %run_scoped3A_305 = tpu.sem_alloc : memref<!tpu.dma_semaphore, #tpu.memory_space<semaphore_mem>>
          %dma_start3A_306 = arith.constant 0 : i32
          %dma_start3A_307 = tpu.memref_slice %arg8[%add3A_278, %dma_start3A_306] : memref<25x800xi32, #tpu.memory_space<vmem>> -> memref<1x800xi32, #tpu.memory_space<vmem>>
          %dma_start3A_308 = tpu.memref_squeeze %dma_start3A_307 : memref<1x800xi32, #tpu.memory_space<vmem>> -> memref<800xi32, #tpu.memory_space<vmem>>
          %dma_start3A_309 = arith.constant 0 : i32
          %dma_start3A_310 = arith.constant 0 : i32
          %dma_start3A_311 = tpu.memref_slice %arg17[%dma_start3A_309, %dma_start3A_310] : memref<10240x16xf32, #tpu.memory_space<vmem_shared>> -> memref<10240x16xf32, #tpu.memory_space<vmem_shared>>
          tpu.enqueue_indirect_dma source(%arg10 : memref<800x16xf32, #tpu.memory_space<vmem>>) target(%dma_start3A_311 : memref<10240x16xf32, #tpu.memory_space<vmem_shared>>) offsets(%dma_start3A_308 : memref<800xi32, #tpu.memory_space<vmem>>) semaphore(%run_scoped3A_305 : memref<!tpu.dma_semaphore, #tpu.memory_space<semaphore_mem>>) {add = true}
          %dma_wait3A_312 = arith.constant 0 : i32
          %dma_wait3A_313 = tpu.memref_slice %arg8[%add3A_278, %dma_wait3A_312] : memref<25x800xi32, #tpu.memory_space<vmem>> -> memref<1x800xi32, #tpu.memory_space<vmem>>
          %dma_wait3A_314 = tpu.memref_squeeze %dma_wait3A_313 : memref<1x800xi32, #tpu.memory_space<vmem>> -> memref<800xi32, #tpu.memory_space<vmem>>
          %dma_wait3A_315 = arith.constant 0 : i32
          %dma_wait3A_316 = arith.constant 0 : i32
          %dma_wait3A_317 = tpu.memref_slice %arg17[%dma_wait3A_315, %dma_wait3A_316] : memref<10240x16xf32, #tpu.memory_space<vmem_shared>> -> memref<10240x16xf32, #tpu.memory_space<vmem_shared>>
          tpu.wait_indirect_dma semaphore(%run_scoped3A_305 : memref<!tpu.dma_semaphore, #tpu.memory_space<semaphore_mem>>) src(%arg10 : memref<800x16xf32, #tpu.memory_space<vmem>>) dst(%dma_wait3A_317 : memref<10240x16xf32, #tpu.memory_space<vmem_shared>>)
          tpu.yield
        }) : () -> ()
      }
      %scan3A_268 = arith.constant 12 : i32
      %dma_wait3A = arith.constant 24 : i32
      %dma_wait3A_269 = arith.constant 0 : i32
      %dma_wait3A_270 = tpu.memref_slice %arg7[%dma_wait3A, %dma_wait3A_269] : memref<25x800xi32, #tpu.memory_space<vmem>> -> memref<1x800xi32, #tpu.memory_space<vmem>>
      %dma_wait3A_271 = tpu.memref_squeeze %dma_wait3A_270 : memref<1x800xi32, #tpu.memory_space<vmem>> -> memref<800xi32, #tpu.memory_space<vmem>>
      %dma_wait3A_272 = arith.constant 0 : i32
      %dma_wait3A_273 = arith.constant 0 : i32
      %dma_wait3A_274 = tpu.memref_slice %arg16[%dma_wait3A_272, %dma_wait3A_273] : memref<10240x16xf32, #tpu.memory_space<vmem_shared>> -> memref<10240x16xf32, #tpu.memory_space<vmem_shared>>
      tpu.wait_indirect_dma semaphore(%arg18 : memref<!tpu.dma_semaphore, #tpu.memory_space<semaphore_mem>>) src(%dma_wait3A_274 : memref<10240x16xf32, #tpu.memory_space<vmem_shared>>) dst(%arg9 : memref<800x16xf32, #tpu.memory_space<vmem>>)
      %run_scoped3A = arith.constant 24 : i32
      "tpu.region"() ({
        %run_scoped3A_275 = tpu.sem_alloc : memref<!tpu.dma_semaphore, #tpu.memory_space<semaphore_mem>>
        %dma_start3A_276 = arith.constant 0 : i32
        %dma_start3A_277 = tpu.memref_slice %arg8[%run_scoped3A, %dma_start3A_276] : memref<25x800xi32, #tpu.memory_space<vmem>> -> memref<1x800xi32, #tpu.memory_space<vmem>>
        %dma_start3A_278 = tpu.memref_squeeze %dma_start3A_277 : memref<1x800xi32, #tpu.memory_space<vmem>> -> memref<800xi32, #tpu.memory_space<vmem>>
        %dma_start3A_279 = arith.constant 0 : i32
        %dma_start3A_280 = arith.constant 0 : i32
        %dma_start3A_281 = tpu.memref_slice %arg17[%dma_start3A_279, %dma_start3A_280] : memref<10240x16xf32, #tpu.memory_space<vmem_shared>> -> memref<10240x16xf32, #tpu.memory_space<vmem_shared>>
        tpu.enqueue_indirect_dma source(%arg9 : memref<800x16xf32, #tpu.memory_space<vmem>>) target(%dma_start3A_281 : memref<10240x16xf32, #tpu.memory_space<vmem_shared>>) offsets(%dma_start3A_278 : memref<800xi32, #tpu.memory_space<vmem>>) semaphore(%run_scoped3A_275 : memref<!tpu.dma_semaphore, #tpu.memory_space<semaphore_mem>>) {add = true}
        %dma_wait3A_282 = arith.constant 0 : i32
        %dma_wait3A_283 = tpu.memref_slice %arg8[%run_scoped3A, %dma_wait3A_282] : memref<25x800xi32, #tpu.memory_space<vmem>> -> memref<1x800xi32, #tpu.memory_space<vmem>>
        %dma_wait3A_284 = tpu.memref_squeeze %dma_wait3A_283 : memref<1x800xi32, #tpu.memory_space<vmem>> -> memref<800xi32, #tpu.memory_space<vmem>>
        %dma_wait3A_285 = arith.constant 0 : i32
        %dma_wait3A_286 = arith.constant 0 : i32
        %dma_wait3A_287 = tpu.memref_slice %arg17[%dma_wait3A_285, %dma_wait3A_286] : memref<10240x16xf32, #tpu.memory_space<vmem_shared>> -> memref<10240x16xf32, #tpu.memory_space<vmem_shared>>
        tpu.wait_indirect_dma semaphore(%run_scoped3A_275 : memref<!tpu.dma_semaphore, #tpu.memory_space<semaphore_mem>>) src(%arg9 : memref<800x16xf32, #tpu.memory_space<vmem>>) dst(%dma_wait3A_287 : memref<10240x16xf32, #tpu.memory_space<vmem_shared>>)
        tpu.yield
      }) : () -> ()
    } else {
    }
    %barrier3A_103 = arith.constant 0 : index
    tpu.barrier barrier_id(%barrier3A_103)
    %get3A_104 = arith.constant 9 : i32
    %get3A_105 = arith.index_cast %get3A_104 : i32 to index
    %get3A_106 = arith.constant 0 : index
    %get3A_107 = tpu.vector_load %arg15[%get3A_105, %get3A_106] {strides = array<i32>} : memref<11x16xf32, #tpu.memory_space<vmem>>, vector<16xf32>,
    %slice3A_108 = vector.extract_strided_slice %get3A_107 {offsets = [0], sizes = [1], strides = [1]} : vector<16xf32> to vector<1xf32>
    %squeeze3A_109 = vector.extract %slice3A_108[0] : f32 from vector<1xf32>
    %ne3A_110 = arith.constant 0.000000e+00 : f32
    %ne3A_111 = arith.cmpf one, %squeeze3A_109, %ne3A_110 : f32
    %or3A_112 = arith.ori %ne3A_99, %ne3A_111 : i1
    %convert_element_type3A_113 = arith.extui %or3A_112 : i1 to i32
    %cond3A_114 = arith.constant 0 : i32
    %cond3A_115 = arith.cmpi ne, %convert_element_type3A_113, %cond3A_114 : i32
    scf.if %cond3A_115 {
      "tpu.region"() ({
        %run_scoped3A = tpu.sem_alloc : memref<!tpu.dma_semaphore, #tpu.memory_space<semaphore_mem>>
        %dma_start3A = arith.constant 0 : i32
        %dma_start3A_263 = tpu.memref_slice %arg17[%mul3A_0, %dma_start3A] : memref<10240x16xf32, #tpu.memory_space<vmem_shared>> -> memref<640x16xf32, #tpu.memory_space<vmem_shared>>
        %dma_start3A_264 = arith.constant 0 : i32
        %dma_start3A_265 = tpu.memref_slice %arg17[%mul3A_0, %dma_start3A_264] : memref<10240x16xf32, #tpu.memory_space<vmem_shared>> -> memref<640x16xf32, #tpu.memory_space<vmem_shared>>
        tpu.enqueue_dma source(%dma_start3A_265 : memref<640x16xf32, #tpu.memory_space<vmem_shared>>) target(%arg11 : memref<640x16xf32, #tpu.memory_space<vmem>>) target_semaphore(%run_scoped3A : memref<!tpu.dma_semaphore, #tpu.memory_space<semaphore_mem>>)
        %dma_wait3A = arith.constant 0 : i32
        %dma_wait3A_266 = tpu.memref_slice %arg17[%mul3A_0, %dma_wait3A] : memref<10240x16xf32, #tpu.memory_space<vmem_shared>> -> memref<640x16xf32, #tpu.memory_space<vmem_shared>>
        %dma_wait3A_267 = arith.constant 0 : i32
        %dma_wait3A_268 = tpu.memref_slice %arg17[%mul3A_0, %dma_wait3A_267] : memref<10240x16xf32, #tpu.memory_space<vmem_shared>> -> memref<640x16xf32, #tpu.memory_space<vmem_shared>>
        tpu.wait_dma2 semaphore(%run_scoped3A : memref<!tpu.dma_semaphore, #tpu.memory_space<semaphore_mem>>) src(%dma_wait3A_268 : memref<640x16xf32, #tpu.memory_space<vmem_shared>>) dst(%arg11 : memref<640x16xf32, #tpu.memory_space<vmem>>)
        tpu.yield
      }) : () -> ()
      %scan3A_257 = arith.constant 0 : i32
      %scan3A_258 = arith.constant 0 : i32
      %scan3A_259 = arith.constant 640 : i32
      %scan3A_260 = arith.addi %scan3A_258, %scan3A_259 : i32
      %scan3A_261 = arith.constant 1 : i32
      scf.for %scan3A_263 = %scan3A_258 to %scan3A_260 step %scan3A_261  : i32 {
        %get3A_264 = arith.index_cast %scan3A_263 : i32 to index
        %get3A_265 = arith.constant 0 : index
        %get3A_266 = tpu.vector_load %arg14[%get3A_264, %get3A_265] {strides = array<i32>} : memref<640x16xf32, #tpu.memory_space<vmem>>, vector<16xf32>,
        %get3A_267 = arith.index_cast %scan3A_263 : i32 to index
        %get3A_268 = arith.constant 0 : index
        %get3A_269 = tpu.vector_load %arg11[%get3A_267, %get3A_268] {strides = array<i32>} : memref<640x16xf32, #tpu.memory_space<vmem>>, vector<16xf32>,
        %mul3A_270 = arith.mulf %get3A_266, %get3A_269 : vector<16xf32>
        %get3A_271 = arith.index_cast %scan3A_263 : i32 to index
        %get3A_272 = arith.constant 0 : index
        %get3A_273 = tpu.vector_load %arg13[%get3A_271, %get3A_272] {strides = array<i32>} : memref<640x16xf32, #tpu.memory_space<vmem>>, vector<16xf32>,
        %mul3A_274 = arith.mulf %get3A_107, %get3A_273 : vector<16xf32>
        %add3A = arith.addf %mul3A_270, %mul3A_274 : vector<16xf32>
        %swap3A = arith.index_cast %scan3A_263 : i32 to index
        %swap3A_275 = arith.constant 0 : index
        %swap3A_276 = tpu.vector_load %arg12[%swap3A, %swap3A_275] {strides = array<i32>} : memref<640x16xf32, #tpu.memory_space<vmem>>, vector<16xf32>,
        tpu.vector_store %arg12[%swap3A, %swap3A_275], %add3A {strides = array<i32>} : memref<640x16xf32, #tpu.memory_space<vmem>>, vector<16xf32>,
        %broadcast_in_dim3A = arith.constant 0.000000e+00 : f32
        %broadcast_in_dim3A_277 = vector.broadcast %broadcast_in_dim3A : f32 to vector<16xf32>
        %swap3A_278 = arith.index_cast %scan3A_263 : i32 to index
        %swap3A_279 = arith.constant 0 : index
        %swap3A_280 = tpu.vector_load %arg11[%swap3A_278, %swap3A_279] {strides = array<i32>} : memref<640x16xf32, #tpu.memory_space<vmem>>, vector<16xf32>,
        tpu.vector_store %arg11[%swap3A_278, %swap3A_279], %broadcast_in_dim3A_277 {strides = array<i32>} : memref<640x16xf32, #tpu.memory_space<vmem>>, vector<16xf32>,
      }
      %scan3A_262 = arith.constant 640 : i32
      "tpu.region"() ({
        %run_scoped3A = tpu.sem_alloc : memref<!tpu.dma_semaphore, #tpu.memory_space<semaphore_mem>>
        %dma_start3A = arith.constant 0 : i32
        %dma_start3A_263 = tpu.memref_slice %arg17[%mul3A_0, %dma_start3A] : memref<10240x16xf32, #tpu.memory_space<vmem_shared>> -> memref<640x16xf32, #tpu.memory_space<vmem_shared>>
        %dma_start3A_264 = arith.constant 0 : i32
        %dma_start3A_265 = tpu.memref_slice %arg17[%mul3A_0, %dma_start3A_264] : memref<10240x16xf32, #tpu.memory_space<vmem_shared>> -> memref<640x16xf32, #tpu.memory_space<vmem_shared>>
        tpu.enqueue_dma source(%arg11 : memref<640x16xf32, #tpu.memory_space<vmem>>) target(%dma_start3A_265 : memref<640x16xf32, #tpu.memory_space<vmem_shared>>) target_semaphore(%run_scoped3A : memref<!tpu.dma_semaphore, #tpu.memory_space<semaphore_mem>>)
        %dma_wait3A = arith.constant 0 : i32
        %dma_wait3A_266 = tpu.memref_slice %arg17[%mul3A_0, %dma_wait3A] : memref<10240x16xf32, #tpu.memory_space<vmem_shared>> -> memref<640x16xf32, #tpu.memory_space<vmem_shared>>
        %dma_wait3A_267 = arith.constant 0 : i32
        %dma_wait3A_268 = tpu.memref_slice %arg17[%mul3A_0, %dma_wait3A_267] : memref<10240x16xf32, #tpu.memory_space<vmem_shared>> -> memref<640x16xf32, #tpu.memory_space<vmem_shared>>
        tpu.wait_dma2 semaphore(%run_scoped3A : memref<!tpu.dma_semaphore, #tpu.memory_space<semaphore_mem>>) src(%arg11 : memref<640x16xf32, #tpu.memory_space<vmem>>) dst(%dma_wait3A_268 : memref<640x16xf32, #tpu.memory_space<vmem_shared>>)
        tpu.yield
      }) : () -> ()
      "tpu.region"() ({
        %run_scoped3A = tpu.sem_alloc : memref<!tpu.dma_semaphore, #tpu.memory_space<semaphore_mem>>
        %dma_start3A = arith.constant 0 : i32
        %dma_start3A_263 = tpu.memref_slice %arg16[%mul3A_0, %dma_start3A] : memref<10240x16xf32, #tpu.memory_space<vmem_shared>> -> memref<640x16xf32, #tpu.memory_space<vmem_shared>>
        %dma_start3A_264 = arith.constant 0 : i32
        %dma_start3A_265 = tpu.memref_slice %arg16[%mul3A_0, %dma_start3A_264] : memref<10240x16xf32, #tpu.memory_space<vmem_shared>> -> memref<640x16xf32, #tpu.memory_space<vmem_shared>>
        tpu.enqueue_dma source(%arg12 : memref<640x16xf32, #tpu.memory_space<vmem>>) target(%dma_start3A_265 : memref<640x16xf32, #tpu.memory_space<vmem_shared>>) target_semaphore(%run_scoped3A : memref<!tpu.dma_semaphore, #tpu.memory_space<semaphore_mem>>)
        %dma_wait3A = arith.constant 0 : i32
        %dma_wait3A_266 = tpu.memref_slice %arg16[%mul3A_0, %dma_wait3A] : memref<10240x16xf32, #tpu.memory_space<vmem_shared>> -> memref<640x16xf32, #tpu.memory_space<vmem_shared>>
        %dma_wait3A_267 = arith.constant 0 : i32
        %dma_wait3A_268 = tpu.memref_slice %arg16[%mul3A_0, %dma_wait3A_267] : memref<10240x16xf32, #tpu.memory_space<vmem_shared>> -> memref<640x16xf32, #tpu.memory_space<vmem_shared>>
        tpu.wait_dma2 semaphore(%run_scoped3A : memref<!tpu.dma_semaphore, #tpu.memory_space<semaphore_mem>>) src(%arg12 : memref<640x16xf32, #tpu.memory_space<vmem>>) dst(%dma_wait3A_268 : memref<640x16xf32, #tpu.memory_space<vmem_shared>>)
        tpu.yield
      }) : () -> ()
    } else {
    }
    %barrier3A_116 = arith.constant 0 : index
    tpu.barrier barrier_id(%barrier3A_116)
    %convert_element_type3A_117 = arith.extui %or3A_112 : i1 to i32
    %cond3A_118 = arith.constant 0 : i32
    %cond3A_119 = arith.cmpi ne, %convert_element_type3A_117, %cond3A_118 : i32
    scf.if %cond3A_119 {
      %dma_start3A = arith.constant 0 : i32
      %dma_start3A_257 = arith.constant 0 : i32
      %dma_start3A_258 = tpu.memref_slice %arg7[%dma_start3A, %dma_start3A_257] : memref<25x800xi32, #tpu.memory_space<vmem>> -> memref<1x800xi32, #tpu.memory_space<vmem>>
      %dma_start3A_259 = tpu.memref_squeeze %dma_start3A_258 : memref<1x800xi32, #tpu.memory_space<vmem>> -> memref<800xi32, #tpu.memory_space<vmem>>
      %dma_start3A_260 = arith.constant 0 : i32
      %dma_start3A_261 = arith.constant 0 : i32
      %dma_start3A_262 = tpu.memref_slice %arg16[%dma_start3A_260, %dma_start3A_261] : memref<10240x16xf32, #tpu.memory_space<vmem_shared>> -> memref<10240x16xf32, #tpu.memory_space<vmem_shared>>
      tpu.enqueue_indirect_dma source(%dma_start3A_262 : memref<10240x16xf32, #tpu.memory_space<vmem_shared>>) target(%arg9 : memref<800x16xf32, #tpu.memory_space<vmem>>) offsets(%dma_start3A_259 : memref<800xi32, #tpu.memory_space<vmem>>) semaphore(%arg18 : memref<!tpu.dma_semaphore, #tpu.memory_space<semaphore_mem>>)
      %scan3A_263 = arith.constant 0 : i32
      %scan3A_264 = arith.constant 0 : i32
      %scan3A_265 = arith.constant 12 : i32
      %scan3A_266 = arith.addi %scan3A_264, %scan3A_265 : i32
      %scan3A_267 = arith.constant 1 : i32
      scf.for %scan3A_275 = %scan3A_264 to %scan3A_266 step %scan3A_267  : i32 {
        %mul3A_276 = arith.constant 2 : i32
        %mul3A_277 = arith.muli %scan3A_275, %mul3A_276 : i32
        %add3A = arith.constant 1 : i32
        %add3A_278 = arith.addi %mul3A_277, %add3A : i32
        %dma_start3A_279 = arith.constant 0 : i32
        %dma_start3A_280 = tpu.memref_slice %arg7[%add3A_278, %dma_start3A_279] : memref<25x800xi32, #tpu.memory_space<vmem>> -> memref<1x800xi32, #tpu.memory_space<vmem>>
        %dma_start3A_281 = tpu.memref_squeeze %dma_start3A_280 : memref<1x800xi32, #tpu.memory_space<vmem>> -> memref<800xi32, #tpu.memory_space<vmem>>
        %dma_start3A_282 = arith.constant 0 : i32
        %dma_start3A_283 = arith.constant 0 : i32
        %dma_start3A_284 = tpu.memref_slice %arg16[%dma_start3A_282, %dma_start3A_283] : memref<10240x16xf32, #tpu.memory_space<vmem_shared>> -> memref<10240x16xf32, #tpu.memory_space<vmem_shared>>
        tpu.enqueue_indirect_dma source(%dma_start3A_284 : memref<10240x16xf32, #tpu.memory_space<vmem_shared>>) target(%arg10 : memref<800x16xf32, #tpu.memory_space<vmem>>) offsets(%dma_start3A_281 : memref<800xi32, #tpu.memory_space<vmem>>) semaphore(%arg19 : memref<!tpu.dma_semaphore, #tpu.memory_space<semaphore_mem>>)
        %dma_wait3A_285 = arith.constant 0 : i32
        %dma_wait3A_286 = tpu.memref_slice %arg7[%mul3A_277, %dma_wait3A_285] : memref<25x800xi32, #tpu.memory_space<vmem>> -> memref<1x800xi32, #tpu.memory_space<vmem>>
        %dma_wait3A_287 = tpu.memref_squeeze %dma_wait3A_286 : memref<1x800xi32, #tpu.memory_space<vmem>> -> memref<800xi32, #tpu.memory_space<vmem>>
        %dma_wait3A_288 = arith.constant 0 : i32
        %dma_wait3A_289 = arith.constant 0 : i32
        %dma_wait3A_290 = tpu.memref_slice %arg16[%dma_wait3A_288, %dma_wait3A_289] : memref<10240x16xf32, #tpu.memory_space<vmem_shared>> -> memref<10240x16xf32, #tpu.memory_space<vmem_shared>>
        tpu.wait_indirect_dma semaphore(%arg18 : memref<!tpu.dma_semaphore, #tpu.memory_space<semaphore_mem>>) src(%dma_wait3A_290 : memref<10240x16xf32, #tpu.memory_space<vmem_shared>>) dst(%arg9 : memref<800x16xf32, #tpu.memory_space<vmem>>)
        "tpu.region"() ({
          %run_scoped3A_305 = tpu.sem_alloc : memref<!tpu.dma_semaphore, #tpu.memory_space<semaphore_mem>>
          %dma_start3A_306 = arith.constant 0 : i32
          %dma_start3A_307 = tpu.memref_slice %arg8[%mul3A_277, %dma_start3A_306] : memref<25x800xi32, #tpu.memory_space<vmem>> -> memref<1x800xi32, #tpu.memory_space<vmem>>
          %dma_start3A_308 = tpu.memref_squeeze %dma_start3A_307 : memref<1x800xi32, #tpu.memory_space<vmem>> -> memref<800xi32, #tpu.memory_space<vmem>>
          %dma_start3A_309 = arith.constant 0 : i32
          %dma_start3A_310 = arith.constant 0 : i32
          %dma_start3A_311 = tpu.memref_slice %arg17[%dma_start3A_309, %dma_start3A_310] : memref<10240x16xf32, #tpu.memory_space<vmem_shared>> -> memref<10240x16xf32, #tpu.memory_space<vmem_shared>>
          tpu.enqueue_indirect_dma source(%arg9 : memref<800x16xf32, #tpu.memory_space<vmem>>) target(%dma_start3A_311 : memref<10240x16xf32, #tpu.memory_space<vmem_shared>>) offsets(%dma_start3A_308 : memref<800xi32, #tpu.memory_space<vmem>>) semaphore(%run_scoped3A_305 : memref<!tpu.dma_semaphore, #tpu.memory_space<semaphore_mem>>) {add = true}
          %dma_wait3A_312 = arith.constant 0 : i32
          %dma_wait3A_313 = tpu.memref_slice %arg8[%mul3A_277, %dma_wait3A_312] : memref<25x800xi32, #tpu.memory_space<vmem>> -> memref<1x800xi32, #tpu.memory_space<vmem>>
          %dma_wait3A_314 = tpu.memref_squeeze %dma_wait3A_313 : memref<1x800xi32, #tpu.memory_space<vmem>> -> memref<800xi32, #tpu.memory_space<vmem>>
          %dma_wait3A_315 = arith.constant 0 : i32
          %dma_wait3A_316 = arith.constant 0 : i32
          %dma_wait3A_317 = tpu.memref_slice %arg17[%dma_wait3A_315, %dma_wait3A_316] : memref<10240x16xf32, #tpu.memory_space<vmem_shared>> -> memref<10240x16xf32, #tpu.memory_space<vmem_shared>>
          tpu.wait_indirect_dma semaphore(%run_scoped3A_305 : memref<!tpu.dma_semaphore, #tpu.memory_space<semaphore_mem>>) src(%arg9 : memref<800x16xf32, #tpu.memory_space<vmem>>) dst(%dma_wait3A_317 : memref<10240x16xf32, #tpu.memory_space<vmem_shared>>)
          tpu.yield
        }) : () -> ()
        %add3A_291 = arith.constant 2 : i32
        %add3A_292 = arith.addi %mul3A_277, %add3A_291 : i32
        %dma_start3A_293 = arith.constant 0 : i32
        %dma_start3A_294 = tpu.memref_slice %arg7[%add3A_292, %dma_start3A_293] : memref<25x800xi32, #tpu.memory_space<vmem>> -> memref<1x800xi32, #tpu.memory_space<vmem>>
        %dma_start3A_295 = tpu.memref_squeeze %dma_start3A_294 : memref<1x800xi32, #tpu.memory_space<vmem>> -> memref<800xi32, #tpu.memory_space<vmem>>
        %dma_start3A_296 = arith.constant 0 : i32
        %dma_start3A_297 = arith.constant 0 : i32
        %dma_start3A_298 = tpu.memref_slice %arg16[%dma_start3A_296, %dma_start3A_297] : memref<10240x16xf32, #tpu.memory_space<vmem_shared>> -> memref<10240x16xf32, #tpu.memory_space<vmem_shared>>
        tpu.enqueue_indirect_dma source(%dma_start3A_298 : memref<10240x16xf32, #tpu.memory_space<vmem_shared>>) target(%arg9 : memref<800x16xf32, #tpu.memory_space<vmem>>) offsets(%dma_start3A_295 : memref<800xi32, #tpu.memory_space<vmem>>) semaphore(%arg18 : memref<!tpu.dma_semaphore, #tpu.memory_space<semaphore_mem>>)
        %dma_wait3A_299 = arith.constant 0 : i32
        %dma_wait3A_300 = tpu.memref_slice %arg7[%add3A_278, %dma_wait3A_299] : memref<25x800xi32, #tpu.memory_space<vmem>> -> memref<1x800xi32, #tpu.memory_space<vmem>>
        %dma_wait3A_301 = tpu.memref_squeeze %dma_wait3A_300 : memref<1x800xi32, #tpu.memory_space<vmem>> -> memref<800xi32, #tpu.memory_space<vmem>>
        %dma_wait3A_302 = arith.constant 0 : i32
        %dma_wait3A_303 = arith.constant 0 : i32
        %dma_wait3A_304 = tpu.memref_slice %arg16[%dma_wait3A_302, %dma_wait3A_303] : memref<10240x16xf32, #tpu.memory_space<vmem_shared>> -> memref<10240x16xf32, #tpu.memory_space<vmem_shared>>
        tpu.wait_indirect_dma semaphore(%arg19 : memref<!tpu.dma_semaphore, #tpu.memory_space<semaphore_mem>>) src(%dma_wait3A_304 : memref<10240x16xf32, #tpu.memory_space<vmem_shared>>) dst(%arg10 : memref<800x16xf32, #tpu.memory_space<vmem>>)
        "tpu.region"() ({
          %run_scoped3A_305 = tpu.sem_alloc : memref<!tpu.dma_semaphore, #tpu.memory_space<semaphore_mem>>
          %dma_start3A_306 = arith.constant 0 : i32
          %dma_start3A_307 = tpu.memref_slice %arg8[%add3A_278, %dma_start3A_306] : memref<25x800xi32, #tpu.memory_space<vmem>> -> memref<1x800xi32, #tpu.memory_space<vmem>>
          %dma_start3A_308 = tpu.memref_squeeze %dma_start3A_307 : memref<1x800xi32, #tpu.memory_space<vmem>> -> memref<800xi32, #tpu.memory_space<vmem>>
          %dma_start3A_309 = arith.constant 0 : i32
          %dma_start3A_310 = arith.constant 0 : i32
          %dma_start3A_311 = tpu.memref_slice %arg17[%dma_start3A_309, %dma_start3A_310] : memref<10240x16xf32, #tpu.memory_space<vmem_shared>> -> memref<10240x16xf32, #tpu.memory_space<vmem_shared>>
          tpu.enqueue_indirect_dma source(%arg10 : memref<800x16xf32, #tpu.memory_space<vmem>>) target(%dma_start3A_311 : memref<10240x16xf32, #tpu.memory_space<vmem_shared>>) offsets(%dma_start3A_308 : memref<800xi32, #tpu.memory_space<vmem>>) semaphore(%run_scoped3A_305 : memref<!tpu.dma_semaphore, #tpu.memory_space<semaphore_mem>>) {add = true}
          %dma_wait3A_312 = arith.constant 0 : i32
          %dma_wait3A_313 = tpu.memref_slice %arg8[%add3A_278, %dma_wait3A_312] : memref<25x800xi32, #tpu.memory_space<vmem>> -> memref<1x800xi32, #tpu.memory_space<vmem>>
          %dma_wait3A_314 = tpu.memref_squeeze %dma_wait3A_313 : memref<1x800xi32, #tpu.memory_space<vmem>> -> memref<800xi32, #tpu.memory_space<vmem>>
          %dma_wait3A_315 = arith.constant 0 : i32
          %dma_wait3A_316 = arith.constant 0 : i32
          %dma_wait3A_317 = tpu.memref_slice %arg17[%dma_wait3A_315, %dma_wait3A_316] : memref<10240x16xf32, #tpu.memory_space<vmem_shared>> -> memref<10240x16xf32, #tpu.memory_space<vmem_shared>>
          tpu.wait_indirect_dma semaphore(%run_scoped3A_305 : memref<!tpu.dma_semaphore, #tpu.memory_space<semaphore_mem>>) src(%arg10 : memref<800x16xf32, #tpu.memory_space<vmem>>) dst(%dma_wait3A_317 : memref<10240x16xf32, #tpu.memory_space<vmem_shared>>)
          tpu.yield
        }) : () -> ()
      }
      %scan3A_268 = arith.constant 12 : i32
      %dma_wait3A = arith.constant 24 : i32
      %dma_wait3A_269 = arith.constant 0 : i32
      %dma_wait3A_270 = tpu.memref_slice %arg7[%dma_wait3A, %dma_wait3A_269] : memref<25x800xi32, #tpu.memory_space<vmem>> -> memref<1x800xi32, #tpu.memory_space<vmem>>
      %dma_wait3A_271 = tpu.memref_squeeze %dma_wait3A_270 : memref<1x800xi32, #tpu.memory_space<vmem>> -> memref<800xi32, #tpu.memory_space<vmem>>
      %dma_wait3A_272 = arith.constant 0 : i32
      %dma_wait3A_273 = arith.constant 0 : i32
      %dma_wait3A_274 = tpu.memref_slice %arg16[%dma_wait3A_272, %dma_wait3A_273] : memref<10240x16xf32, #tpu.memory_space<vmem_shared>> -> memref<10240x16xf32, #tpu.memory_space<vmem_shared>>
      tpu.wait_indirect_dma semaphore(%arg18 : memref<!tpu.dma_semaphore, #tpu.memory_space<semaphore_mem>>) src(%dma_wait3A_274 : memref<10240x16xf32, #tpu.memory_space<vmem_shared>>) dst(%arg9 : memref<800x16xf32, #tpu.memory_space<vmem>>)
      %run_scoped3A = arith.constant 24 : i32
      "tpu.region"() ({
        %run_scoped3A_275 = tpu.sem_alloc : memref<!tpu.dma_semaphore, #tpu.memory_space<semaphore_mem>>
        %dma_start3A_276 = arith.constant 0 : i32
        %dma_start3A_277 = tpu.memref_slice %arg8[%run_scoped3A, %dma_start3A_276] : memref<25x800xi32, #tpu.memory_space<vmem>> -> memref<1x800xi32, #tpu.memory_space<vmem>>
        %dma_start3A_278 = tpu.memref_squeeze %dma_start3A_277 : memref<1x800xi32, #tpu.memory_space<vmem>> -> memref<800xi32, #tpu.memory_space<vmem>>
        %dma_start3A_279 = arith.constant 0 : i32
        %dma_start3A_280 = arith.constant 0 : i32
        %dma_start3A_281 = tpu.memref_slice %arg17[%dma_start3A_279, %dma_start3A_280] : memref<10240x16xf32, #tpu.memory_space<vmem_shared>> -> memref<10240x16xf32, #tpu.memory_space<vmem_shared>>
        tpu.enqueue_indirect_dma source(%arg9 : memref<800x16xf32, #tpu.memory_space<vmem>>) target(%dma_start3A_281 : memref<10240x16xf32, #tpu.memory_space<vmem_shared>>) offsets(%dma_start3A_278 : memref<800xi32, #tpu.memory_space<vmem>>) semaphore(%run_scoped3A_275 : memref<!tpu.dma_semaphore, #tpu.memory_space<semaphore_mem>>) {add = true}
        %dma_wait3A_282 = arith.constant 0 : i32
        %dma_wait3A_283 = tpu.memref_slice %arg8[%run_scoped3A, %dma_wait3A_282] : memref<25x800xi32, #tpu.memory_space<vmem>> -> memref<1x800xi32, #tpu.memory_space<vmem>>
        %dma_wait3A_284 = tpu.memref_squeeze %dma_wait3A_283 : memref<1x800xi32, #tpu.memory_space<vmem>> -> memref<800xi32, #tpu.memory_space<vmem>>
        %dma_wait3A_285 = arith.constant 0 : i32
        %dma_wait3A_286 = arith.constant 0 : i32
        %dma_wait3A_287 = tpu.memref_slice %arg17[%dma_wait3A_285, %dma_wait3A_286] : memref<10240x16xf32, #tpu.memory_space<vmem_shared>> -> memref<10240x16xf32, #tpu.memory_space<vmem_shared>>
        tpu.wait_indirect_dma semaphore(%run_scoped3A_275 : memref<!tpu.dma_semaphore, #tpu.memory_space<semaphore_mem>>) src(%arg9 : memref<800x16xf32, #tpu.memory_space<vmem>>) dst(%dma_wait3A_287 : memref<10240x16xf32, #tpu.memory_space<vmem_shared>>)
        tpu.yield
      }) : () -> ()
    } else {
    }
    %barrier3A_120 = arith.constant 0 : index
    tpu.barrier barrier_id(%barrier3A_120)
    %get3A_121 = arith.constant 8 : i32
    %get3A_122 = arith.index_cast %get3A_121 : i32 to index
    %get3A_123 = arith.constant 0 : index
    %get3A_124 = tpu.vector_load %arg15[%get3A_122, %get3A_123] {strides = array<i32>} : memref<11x16xf32, #tpu.memory_space<vmem>>, vector<16xf32>,
    %slice3A_125 = vector.extract_strided_slice %get3A_124 {offsets = [0], sizes = [1], strides = [1]} : vector<16xf32> to vector<1xf32>
    %squeeze3A_126 = vector.extract %slice3A_125[0] : f32 from vector<1xf32>
    %ne3A_127 = arith.constant 0.000000e+00 : f32
    %ne3A_128 = arith.cmpf one, %squeeze3A_126, %ne3A_127 : f32
    %or3A_129 = arith.ori %or3A_112, %ne3A_128 : i1
    %convert_element_type3A_130 = arith.extui %or3A_129 : i1 to i32
    %cond3A_131 = arith.constant 0 : i32
    %cond3A_132 = arith.cmpi ne, %convert_element_type3A_130, %cond3A_131 : i32
    scf.if %cond3A_132 {
      "tpu.region"() ({
        %run_scoped3A = tpu.sem_alloc : memref<!tpu.dma_semaphore, #tpu.memory_space<semaphore_mem>>
        %dma_start3A = arith.constant 0 : i32
        %dma_start3A_263 = tpu.memref_slice %arg17[%mul3A_0, %dma_start3A] : memref<10240x16xf32, #tpu.memory_space<vmem_shared>> -> memref<640x16xf32, #tpu.memory_space<vmem_shared>>
        %dma_start3A_264 = arith.constant 0 : i32
        %dma_start3A_265 = tpu.memref_slice %arg17[%mul3A_0, %dma_start3A_264] : memref<10240x16xf32, #tpu.memory_space<vmem_shared>> -> memref<640x16xf32, #tpu.memory_space<vmem_shared>>
        tpu.enqueue_dma source(%dma_start3A_265 : memref<640x16xf32, #tpu.memory_space<vmem_shared>>) target(%arg11 : memref<640x16xf32, #tpu.memory_space<vmem>>) target_semaphore(%run_scoped3A : memref<!tpu.dma_semaphore, #tpu.memory_space<semaphore_mem>>)
        %dma_wait3A = arith.constant 0 : i32
        %dma_wait3A_266 = tpu.memref_slice %arg17[%mul3A_0, %dma_wait3A] : memref<10240x16xf32, #tpu.memory_space<vmem_shared>> -> memref<640x16xf32, #tpu.memory_space<vmem_shared>>
        %dma_wait3A_267 = arith.constant 0 : i32
        %dma_wait3A_268 = tpu.memref_slice %arg17[%mul3A_0, %dma_wait3A_267] : memref<10240x16xf32, #tpu.memory_space<vmem_shared>> -> memref<640x16xf32, #tpu.memory_space<vmem_shared>>
        tpu.wait_dma2 semaphore(%run_scoped3A : memref<!tpu.dma_semaphore, #tpu.memory_space<semaphore_mem>>) src(%dma_wait3A_268 : memref<640x16xf32, #tpu.memory_space<vmem_shared>>) dst(%arg11 : memref<640x16xf32, #tpu.memory_space<vmem>>)
        tpu.yield
      }) : () -> ()
      %scan3A_257 = arith.constant 0 : i32
      %scan3A_258 = arith.constant 0 : i32
      %scan3A_259 = arith.constant 640 : i32
      %scan3A_260 = arith.addi %scan3A_258, %scan3A_259 : i32
      %scan3A_261 = arith.constant 1 : i32
      scf.for %scan3A_263 = %scan3A_258 to %scan3A_260 step %scan3A_261  : i32 {
        %get3A_264 = arith.index_cast %scan3A_263 : i32 to index
        %get3A_265 = arith.constant 0 : index
        %get3A_266 = tpu.vector_load %arg14[%get3A_264, %get3A_265] {strides = array<i32>} : memref<640x16xf32, #tpu.memory_space<vmem>>, vector<16xf32>,
        %get3A_267 = arith.index_cast %scan3A_263 : i32 to index
        %get3A_268 = arith.constant 0 : index
        %get3A_269 = tpu.vector_load %arg11[%get3A_267, %get3A_268] {strides = array<i32>} : memref<640x16xf32, #tpu.memory_space<vmem>>, vector<16xf32>,
        %mul3A_270 = arith.mulf %get3A_266, %get3A_269 : vector<16xf32>
        %get3A_271 = arith.index_cast %scan3A_263 : i32 to index
        %get3A_272 = arith.constant 0 : index
        %get3A_273 = tpu.vector_load %arg13[%get3A_271, %get3A_272] {strides = array<i32>} : memref<640x16xf32, #tpu.memory_space<vmem>>, vector<16xf32>,
        %mul3A_274 = arith.mulf %get3A_124, %get3A_273 : vector<16xf32>
        %add3A = arith.addf %mul3A_270, %mul3A_274 : vector<16xf32>
        %swap3A = arith.index_cast %scan3A_263 : i32 to index
        %swap3A_275 = arith.constant 0 : index
        %swap3A_276 = tpu.vector_load %arg12[%swap3A, %swap3A_275] {strides = array<i32>} : memref<640x16xf32, #tpu.memory_space<vmem>>, vector<16xf32>,
        tpu.vector_store %arg12[%swap3A, %swap3A_275], %add3A {strides = array<i32>} : memref<640x16xf32, #tpu.memory_space<vmem>>, vector<16xf32>,
        %broadcast_in_dim3A = arith.constant 0.000000e+00 : f32
        %broadcast_in_dim3A_277 = vector.broadcast %broadcast_in_dim3A : f32 to vector<16xf32>
        %swap3A_278 = arith.index_cast %scan3A_263 : i32 to index
        %swap3A_279 = arith.constant 0 : index
        %swap3A_280 = tpu.vector_load %arg11[%swap3A_278, %swap3A_279] {strides = array<i32>} : memref<640x16xf32, #tpu.memory_space<vmem>>, vector<16xf32>,
        tpu.vector_store %arg11[%swap3A_278, %swap3A_279], %broadcast_in_dim3A_277 {strides = array<i32>} : memref<640x16xf32, #tpu.memory_space<vmem>>, vector<16xf32>,
      }
      %scan3A_262 = arith.constant 640 : i32
      "tpu.region"() ({
        %run_scoped3A = tpu.sem_alloc : memref<!tpu.dma_semaphore, #tpu.memory_space<semaphore_mem>>
        %dma_start3A = arith.constant 0 : i32
        %dma_start3A_263 = tpu.memref_slice %arg17[%mul3A_0, %dma_start3A] : memref<10240x16xf32, #tpu.memory_space<vmem_shared>> -> memref<640x16xf32, #tpu.memory_space<vmem_shared>>
        %dma_start3A_264 = arith.constant 0 : i32
        %dma_start3A_265 = tpu.memref_slice %arg17[%mul3A_0, %dma_start3A_264] : memref<10240x16xf32, #tpu.memory_space<vmem_shared>> -> memref<640x16xf32, #tpu.memory_space<vmem_shared>>
        tpu.enqueue_dma source(%arg11 : memref<640x16xf32, #tpu.memory_space<vmem>>) target(%dma_start3A_265 : memref<640x16xf32, #tpu.memory_space<vmem_shared>>) target_semaphore(%run_scoped3A : memref<!tpu.dma_semaphore, #tpu.memory_space<semaphore_mem>>)
        %dma_wait3A = arith.constant 0 : i32
        %dma_wait3A_266 = tpu.memref_slice %arg17[%mul3A_0, %dma_wait3A] : memref<10240x16xf32, #tpu.memory_space<vmem_shared>> -> memref<640x16xf32, #tpu.memory_space<vmem_shared>>
        %dma_wait3A_267 = arith.constant 0 : i32
        %dma_wait3A_268 = tpu.memref_slice %arg17[%mul3A_0, %dma_wait3A_267] : memref<10240x16xf32, #tpu.memory_space<vmem_shared>> -> memref<640x16xf32, #tpu.memory_space<vmem_shared>>
        tpu.wait_dma2 semaphore(%run_scoped3A : memref<!tpu.dma_semaphore, #tpu.memory_space<semaphore_mem>>) src(%arg11 : memref<640x16xf32, #tpu.memory_space<vmem>>) dst(%dma_wait3A_268 : memref<640x16xf32, #tpu.memory_space<vmem_shared>>)
        tpu.yield
      }) : () -> ()
      "tpu.region"() ({
        %run_scoped3A = tpu.sem_alloc : memref<!tpu.dma_semaphore, #tpu.memory_space<semaphore_mem>>
        %dma_start3A = arith.constant 0 : i32
        %dma_start3A_263 = tpu.memref_slice %arg16[%mul3A_0, %dma_start3A] : memref<10240x16xf32, #tpu.memory_space<vmem_shared>> -> memref<640x16xf32, #tpu.memory_space<vmem_shared>>
        %dma_start3A_264 = arith.constant 0 : i32
        %dma_start3A_265 = tpu.memref_slice %arg16[%mul3A_0, %dma_start3A_264] : memref<10240x16xf32, #tpu.memory_space<vmem_shared>> -> memref<640x16xf32, #tpu.memory_space<vmem_shared>>
        tpu.enqueue_dma source(%arg12 : memref<640x16xf32, #tpu.memory_space<vmem>>) target(%dma_start3A_265 : memref<640x16xf32, #tpu.memory_space<vmem_shared>>) target_semaphore(%run_scoped3A : memref<!tpu.dma_semaphore, #tpu.memory_space<semaphore_mem>>)
        %dma_wait3A = arith.constant 0 : i32
        %dma_wait3A_266 = tpu.memref_slice %arg16[%mul3A_0, %dma_wait3A] : memref<10240x16xf32, #tpu.memory_space<vmem_shared>> -> memref<640x16xf32, #tpu.memory_space<vmem_shared>>
        %dma_wait3A_267 = arith.constant 0 : i32
        %dma_wait3A_268 = tpu.memref_slice %arg16[%mul3A_0, %dma_wait3A_267] : memref<10240x16xf32, #tpu.memory_space<vmem_shared>> -> memref<640x16xf32, #tpu.memory_space<vmem_shared>>
        tpu.wait_dma2 semaphore(%run_scoped3A : memref<!tpu.dma_semaphore, #tpu.memory_space<semaphore_mem>>) src(%arg12 : memref<640x16xf32, #tpu.memory_space<vmem>>) dst(%dma_wait3A_268 : memref<640x16xf32, #tpu.memory_space<vmem_shared>>)
        tpu.yield
      }) : () -> ()
    } else {
    }
    %barrier3A_133 = arith.constant 0 : index
    tpu.barrier barrier_id(%barrier3A_133)
    %convert_element_type3A_134 = arith.extui %or3A_129 : i1 to i32
    %cond3A_135 = arith.constant 0 : i32
    %cond3A_136 = arith.cmpi ne, %convert_element_type3A_134, %cond3A_135 : i32
    scf.if %cond3A_136 {
      %dma_start3A = arith.constant 0 : i32
      %dma_start3A_257 = arith.constant 0 : i32
      %dma_start3A_258 = tpu.memref_slice %arg7[%dma_start3A, %dma_start3A_257] : memref<25x800xi32, #tpu.memory_space<vmem>> -> memref<1x800xi32, #tpu.memory_space<vmem>>
      %dma_start3A_259 = tpu.memref_squeeze %dma_start3A_258 : memref<1x800xi32, #tpu.memory_space<vmem>> -> memref<800xi32, #tpu.memory_space<vmem>>
      %dma_start3A_260 = arith.constant 0 : i32
      %dma_start3A_261 = arith.constant 0 : i32
      %dma_start3A_262 = tpu.memref_slice %arg16[%dma_start3A_260, %dma_start3A_261] : memref<10240x16xf32, #tpu.memory_space<vmem_shared>> -> memref<10240x16xf32, #tpu.memory_space<vmem_shared>>
      tpu.enqueue_indirect_dma source(%dma_start3A_262 : memref<10240x16xf32, #tpu.memory_space<vmem_shared>>) target(%arg9 : memref<800x16xf32, #tpu.memory_space<vmem>>) offsets(%dma_start3A_259 : memref<800xi32, #tpu.memory_space<vmem>>) semaphore(%arg18 : memref<!tpu.dma_semaphore, #tpu.memory_space<semaphore_mem>>)
      %scan3A_263 = arith.constant 0 : i32
      %scan3A_264 = arith.constant 0 : i32
      %scan3A_265 = arith.constant 12 : i32
      %scan3A_266 = arith.addi %scan3A_264, %scan3A_265 : i32
      %scan3A_267 = arith.constant 1 : i32
      scf.for %scan3A_275 = %scan3A_264 to %scan3A_266 step %scan3A_267  : i32 {
        %mul3A_276 = arith.constant 2 : i32
        %mul3A_277 = arith.muli %scan3A_275, %mul3A_276 : i32
        %add3A = arith.constant 1 : i32
        %add3A_278 = arith.addi %mul3A_277, %add3A : i32
        %dma_start3A_279 = arith.constant 0 : i32
        %dma_start3A_280 = tpu.memref_slice %arg7[%add3A_278, %dma_start3A_279] : memref<25x800xi32, #tpu.memory_space<vmem>> -> memref<1x800xi32, #tpu.memory_space<vmem>>
        %dma_start3A_281 = tpu.memref_squeeze %dma_start3A_280 : memref<1x800xi32, #tpu.memory_space<vmem>> -> memref<800xi32, #tpu.memory_space<vmem>>
        %dma_start3A_282 = arith.constant 0 : i32
        %dma_start3A_283 = arith.constant 0 : i32
        %dma_start3A_284 = tpu.memref_slice %arg16[%dma_start3A_282, %dma_start3A_283] : memref<10240x16xf32, #tpu.memory_space<vmem_shared>> -> memref<10240x16xf32, #tpu.memory_space<vmem_shared>>
        tpu.enqueue_indirect_dma source(%dma_start3A_284 : memref<10240x16xf32, #tpu.memory_space<vmem_shared>>) target(%arg10 : memref<800x16xf32, #tpu.memory_space<vmem>>) offsets(%dma_start3A_281 : memref<800xi32, #tpu.memory_space<vmem>>) semaphore(%arg19 : memref<!tpu.dma_semaphore, #tpu.memory_space<semaphore_mem>>)
        %dma_wait3A_285 = arith.constant 0 : i32
        %dma_wait3A_286 = tpu.memref_slice %arg7[%mul3A_277, %dma_wait3A_285] : memref<25x800xi32, #tpu.memory_space<vmem>> -> memref<1x800xi32, #tpu.memory_space<vmem>>
        %dma_wait3A_287 = tpu.memref_squeeze %dma_wait3A_286 : memref<1x800xi32, #tpu.memory_space<vmem>> -> memref<800xi32, #tpu.memory_space<vmem>>
        %dma_wait3A_288 = arith.constant 0 : i32
        %dma_wait3A_289 = arith.constant 0 : i32
        %dma_wait3A_290 = tpu.memref_slice %arg16[%dma_wait3A_288, %dma_wait3A_289] : memref<10240x16xf32, #tpu.memory_space<vmem_shared>> -> memref<10240x16xf32, #tpu.memory_space<vmem_shared>>
        tpu.wait_indirect_dma semaphore(%arg18 : memref<!tpu.dma_semaphore, #tpu.memory_space<semaphore_mem>>) src(%dma_wait3A_290 : memref<10240x16xf32, #tpu.memory_space<vmem_shared>>) dst(%arg9 : memref<800x16xf32, #tpu.memory_space<vmem>>)
        "tpu.region"() ({
          %run_scoped3A_305 = tpu.sem_alloc : memref<!tpu.dma_semaphore, #tpu.memory_space<semaphore_mem>>
          %dma_start3A_306 = arith.constant 0 : i32
          %dma_start3A_307 = tpu.memref_slice %arg8[%mul3A_277, %dma_start3A_306] : memref<25x800xi32, #tpu.memory_space<vmem>> -> memref<1x800xi32, #tpu.memory_space<vmem>>
          %dma_start3A_308 = tpu.memref_squeeze %dma_start3A_307 : memref<1x800xi32, #tpu.memory_space<vmem>> -> memref<800xi32, #tpu.memory_space<vmem>>
          %dma_start3A_309 = arith.constant 0 : i32
          %dma_start3A_310 = arith.constant 0 : i32
          %dma_start3A_311 = tpu.memref_slice %arg17[%dma_start3A_309, %dma_start3A_310] : memref<10240x16xf32, #tpu.memory_space<vmem_shared>> -> memref<10240x16xf32, #tpu.memory_space<vmem_shared>>
          tpu.enqueue_indirect_dma source(%arg9 : memref<800x16xf32, #tpu.memory_space<vmem>>) target(%dma_start3A_311 : memref<10240x16xf32, #tpu.memory_space<vmem_shared>>) offsets(%dma_start3A_308 : memref<800xi32, #tpu.memory_space<vmem>>) semaphore(%run_scoped3A_305 : memref<!tpu.dma_semaphore, #tpu.memory_space<semaphore_mem>>) {add = true}
          %dma_wait3A_312 = arith.constant 0 : i32
          %dma_wait3A_313 = tpu.memref_slice %arg8[%mul3A_277, %dma_wait3A_312] : memref<25x800xi32, #tpu.memory_space<vmem>> -> memref<1x800xi32, #tpu.memory_space<vmem>>
          %dma_wait3A_314 = tpu.memref_squeeze %dma_wait3A_313 : memref<1x800xi32, #tpu.memory_space<vmem>> -> memref<800xi32, #tpu.memory_space<vmem>>
          %dma_wait3A_315 = arith.constant 0 : i32
          %dma_wait3A_316 = arith.constant 0 : i32
          %dma_wait3A_317 = tpu.memref_slice %arg17[%dma_wait3A_315, %dma_wait3A_316] : memref<10240x16xf32, #tpu.memory_space<vmem_shared>> -> memref<10240x16xf32, #tpu.memory_space<vmem_shared>>
          tpu.wait_indirect_dma semaphore(%run_scoped3A_305 : memref<!tpu.dma_semaphore, #tpu.memory_space<semaphore_mem>>) src(%arg9 : memref<800x16xf32, #tpu.memory_space<vmem>>) dst(%dma_wait3A_317 : memref<10240x16xf32, #tpu.memory_space<vmem_shared>>)
          tpu.yield
        }) : () -> ()
        %add3A_291 = arith.constant 2 : i32
        %add3A_292 = arith.addi %mul3A_277, %add3A_291 : i32
        %dma_start3A_293 = arith.constant 0 : i32
        %dma_start3A_294 = tpu.memref_slice %arg7[%add3A_292, %dma_start3A_293] : memref<25x800xi32, #tpu.memory_space<vmem>> -> memref<1x800xi32, #tpu.memory_space<vmem>>
        %dma_start3A_295 = tpu.memref_squeeze %dma_start3A_294 : memref<1x800xi32, #tpu.memory_space<vmem>> -> memref<800xi32, #tpu.memory_space<vmem>>
        %dma_start3A_296 = arith.constant 0 : i32
        %dma_start3A_297 = arith.constant 0 : i32
        %dma_start3A_298 = tpu.memref_slice %arg16[%dma_start3A_296, %dma_start3A_297] : memref<10240x16xf32, #tpu.memory_space<vmem_shared>> -> memref<10240x16xf32, #tpu.memory_space<vmem_shared>>
        tpu.enqueue_indirect_dma source(%dma_start3A_298 : memref<10240x16xf32, #tpu.memory_space<vmem_shared>>) target(%arg9 : memref<800x16xf32, #tpu.memory_space<vmem>>) offsets(%dma_start3A_295 : memref<800xi32, #tpu.memory_space<vmem>>) semaphore(%arg18 : memref<!tpu.dma_semaphore, #tpu.memory_space<semaphore_mem>>)
        %dma_wait3A_299 = arith.constant 0 : i32
        %dma_wait3A_300 = tpu.memref_slice %arg7[%add3A_278, %dma_wait3A_299] : memref<25x800xi32, #tpu.memory_space<vmem>> -> memref<1x800xi32, #tpu.memory_space<vmem>>
        %dma_wait3A_301 = tpu.memref_squeeze %dma_wait3A_300 : memref<1x800xi32, #tpu.memory_space<vmem>> -> memref<800xi32, #tpu.memory_space<vmem>>
        %dma_wait3A_302 = arith.constant 0 : i32
        %dma_wait3A_303 = arith.constant 0 : i32
        %dma_wait3A_304 = tpu.memref_slice %arg16[%dma_wait3A_302, %dma_wait3A_303] : memref<10240x16xf32, #tpu.memory_space<vmem_shared>> -> memref<10240x16xf32, #tpu.memory_space<vmem_shared>>
        tpu.wait_indirect_dma semaphore(%arg19 : memref<!tpu.dma_semaphore, #tpu.memory_space<semaphore_mem>>) src(%dma_wait3A_304 : memref<10240x16xf32, #tpu.memory_space<vmem_shared>>) dst(%arg10 : memref<800x16xf32, #tpu.memory_space<vmem>>)
        "tpu.region"() ({
          %run_scoped3A_305 = tpu.sem_alloc : memref<!tpu.dma_semaphore, #tpu.memory_space<semaphore_mem>>
          %dma_start3A_306 = arith.constant 0 : i32
          %dma_start3A_307 = tpu.memref_slice %arg8[%add3A_278, %dma_start3A_306] : memref<25x800xi32, #tpu.memory_space<vmem>> -> memref<1x800xi32, #tpu.memory_space<vmem>>
          %dma_start3A_308 = tpu.memref_squeeze %dma_start3A_307 : memref<1x800xi32, #tpu.memory_space<vmem>> -> memref<800xi32, #tpu.memory_space<vmem>>
          %dma_start3A_309 = arith.constant 0 : i32
          %dma_start3A_310 = arith.constant 0 : i32
          %dma_start3A_311 = tpu.memref_slice %arg17[%dma_start3A_309, %dma_start3A_310] : memref<10240x16xf32, #tpu.memory_space<vmem_shared>> -> memref<10240x16xf32, #tpu.memory_space<vmem_shared>>
          tpu.enqueue_indirect_dma source(%arg10 : memref<800x16xf32, #tpu.memory_space<vmem>>) target(%dma_start3A_311 : memref<10240x16xf32, #tpu.memory_space<vmem_shared>>) offsets(%dma_start3A_308 : memref<800xi32, #tpu.memory_space<vmem>>) semaphore(%run_scoped3A_305 : memref<!tpu.dma_semaphore, #tpu.memory_space<semaphore_mem>>) {add = true}
          %dma_wait3A_312 = arith.constant 0 : i32
          %dma_wait3A_313 = tpu.memref_slice %arg8[%add3A_278, %dma_wait3A_312] : memref<25x800xi32, #tpu.memory_space<vmem>> -> memref<1x800xi32, #tpu.memory_space<vmem>>
          %dma_wait3A_314 = tpu.memref_squeeze %dma_wait3A_313 : memref<1x800xi32, #tpu.memory_space<vmem>> -> memref<800xi32, #tpu.memory_space<vmem>>
          %dma_wait3A_315 = arith.constant 0 : i32
          %dma_wait3A_316 = arith.constant 0 : i32
          %dma_wait3A_317 = tpu.memref_slice %arg17[%dma_wait3A_315, %dma_wait3A_316] : memref<10240x16xf32, #tpu.memory_space<vmem_shared>> -> memref<10240x16xf32, #tpu.memory_space<vmem_shared>>
          tpu.wait_indirect_dma semaphore(%run_scoped3A_305 : memref<!tpu.dma_semaphore, #tpu.memory_space<semaphore_mem>>) src(%arg10 : memref<800x16xf32, #tpu.memory_space<vmem>>) dst(%dma_wait3A_317 : memref<10240x16xf32, #tpu.memory_space<vmem_shared>>)
          tpu.yield
        }) : () -> ()
      }
      %scan3A_268 = arith.constant 12 : i32
      %dma_wait3A = arith.constant 24 : i32
      %dma_wait3A_269 = arith.constant 0 : i32
      %dma_wait3A_270 = tpu.memref_slice %arg7[%dma_wait3A, %dma_wait3A_269] : memref<25x800xi32, #tpu.memory_space<vmem>> -> memref<1x800xi32, #tpu.memory_space<vmem>>
      %dma_wait3A_271 = tpu.memref_squeeze %dma_wait3A_270 : memref<1x800xi32, #tpu.memory_space<vmem>> -> memref<800xi32, #tpu.memory_space<vmem>>
      %dma_wait3A_272 = arith.constant 0 : i32
      %dma_wait3A_273 = arith.constant 0 : i32
      %dma_wait3A_274 = tpu.memref_slice %arg16[%dma_wait3A_272, %dma_wait3A_273] : memref<10240x16xf32, #tpu.memory_space<vmem_shared>> -> memref<10240x16xf32, #tpu.memory_space<vmem_shared>>
      tpu.wait_indirect_dma semaphore(%arg18 : memref<!tpu.dma_semaphore, #tpu.memory_space<semaphore_mem>>) src(%dma_wait3A_274 : memref<10240x16xf32, #tpu.memory_space<vmem_shared>>) dst(%arg9 : memref<800x16xf32, #tpu.memory_space<vmem>>)
      %run_scoped3A = arith.constant 24 : i32
      "tpu.region"() ({
        %run_scoped3A_275 = tpu.sem_alloc : memref<!tpu.dma_semaphore, #tpu.memory_space<semaphore_mem>>
        %dma_start3A_276 = arith.constant 0 : i32
        %dma_start3A_277 = tpu.memref_slice %arg8[%run_scoped3A, %dma_start3A_276] : memref<25x800xi32, #tpu.memory_space<vmem>> -> memref<1x800xi32, #tpu.memory_space<vmem>>
        %dma_start3A_278 = tpu.memref_squeeze %dma_start3A_277 : memref<1x800xi32, #tpu.memory_space<vmem>> -> memref<800xi32, #tpu.memory_space<vmem>>
        %dma_start3A_279 = arith.constant 0 : i32
        %dma_start3A_280 = arith.constant 0 : i32
        %dma_start3A_281 = tpu.memref_slice %arg17[%dma_start3A_279, %dma_start3A_280] : memref<10240x16xf32, #tpu.memory_space<vmem_shared>> -> memref<10240x16xf32, #tpu.memory_space<vmem_shared>>
        tpu.enqueue_indirect_dma source(%arg9 : memref<800x16xf32, #tpu.memory_space<vmem>>) target(%dma_start3A_281 : memref<10240x16xf32, #tpu.memory_space<vmem_shared>>) offsets(%dma_start3A_278 : memref<800xi32, #tpu.memory_space<vmem>>) semaphore(%run_scoped3A_275 : memref<!tpu.dma_semaphore, #tpu.memory_space<semaphore_mem>>) {add = true}
        %dma_wait3A_282 = arith.constant 0 : i32
        %dma_wait3A_283 = tpu.memref_slice %arg8[%run_scoped3A, %dma_wait3A_282] : memref<25x800xi32, #tpu.memory_space<vmem>> -> memref<1x800xi32, #tpu.memory_space<vmem>>
        %dma_wait3A_284 = tpu.memref_squeeze %dma_wait3A_283 : memref<1x800xi32, #tpu.memory_space<vmem>> -> memref<800xi32, #tpu.memory_space<vmem>>
        %dma_wait3A_285 = arith.constant 0 : i32
        %dma_wait3A_286 = arith.constant 0 : i32
        %dma_wait3A_287 = tpu.memref_slice %arg17[%dma_wait3A_285, %dma_wait3A_286] : memref<10240x16xf32, #tpu.memory_space<vmem_shared>> -> memref<10240x16xf32, #tpu.memory_space<vmem_shared>>
        tpu.wait_indirect_dma semaphore(%run_scoped3A_275 : memref<!tpu.dma_semaphore, #tpu.memory_space<semaphore_mem>>) src(%arg9 : memref<800x16xf32, #tpu.memory_space<vmem>>) dst(%dma_wait3A_287 : memref<10240x16xf32, #tpu.memory_space<vmem_shared>>)
        tpu.yield
      }) : () -> ()
    } else {
    }
    %barrier3A_137 = arith.constant 0 : index
    tpu.barrier barrier_id(%barrier3A_137)
    %get3A_138 = arith.constant 7 : i32
    %get3A_139 = arith.index_cast %get3A_138 : i32 to index
    %get3A_140 = arith.constant 0 : index
    %get3A_141 = tpu.vector_load %arg15[%get3A_139, %get3A_140] {strides = array<i32>} : memref<11x16xf32, #tpu.memory_space<vmem>>, vector<16xf32>,
    %slice3A_142 = vector.extract_strided_slice %get3A_141 {offsets = [0], sizes = [1], strides = [1]} : vector<16xf32> to vector<1xf32>
    %squeeze3A_143 = vector.extract %slice3A_142[0] : f32 from vector<1xf32>
    %ne3A_144 = arith.constant 0.000000e+00 : f32
    %ne3A_145 = arith.cmpf one, %squeeze3A_143, %ne3A_144 : f32
    %or3A_146 = arith.ori %or3A_129, %ne3A_145 : i1
    %convert_element_type3A_147 = arith.extui %or3A_146 : i1 to i32
    %cond3A_148 = arith.constant 0 : i32
    %cond3A_149 = arith.cmpi ne, %convert_element_type3A_147, %cond3A_148 : i32
    scf.if %cond3A_149 {
      "tpu.region"() ({
        %run_scoped3A = tpu.sem_alloc : memref<!tpu.dma_semaphore, #tpu.memory_space<semaphore_mem>>
        %dma_start3A = arith.constant 0 : i32
        %dma_start3A_263 = tpu.memref_slice %arg17[%mul3A_0, %dma_start3A] : memref<10240x16xf32, #tpu.memory_space<vmem_shared>> -> memref<640x16xf32, #tpu.memory_space<vmem_shared>>
        %dma_start3A_264 = arith.constant 0 : i32
        %dma_start3A_265 = tpu.memref_slice %arg17[%mul3A_0, %dma_start3A_264] : memref<10240x16xf32, #tpu.memory_space<vmem_shared>> -> memref<640x16xf32, #tpu.memory_space<vmem_shared>>
        tpu.enqueue_dma source(%dma_start3A_265 : memref<640x16xf32, #tpu.memory_space<vmem_shared>>) target(%arg11 : memref<640x16xf32, #tpu.memory_space<vmem>>) target_semaphore(%run_scoped3A : memref<!tpu.dma_semaphore, #tpu.memory_space<semaphore_mem>>)
        %dma_wait3A = arith.constant 0 : i32
        %dma_wait3A_266 = tpu.memref_slice %arg17[%mul3A_0, %dma_wait3A] : memref<10240x16xf32, #tpu.memory_space<vmem_shared>> -> memref<640x16xf32, #tpu.memory_space<vmem_shared>>
        %dma_wait3A_267 = arith.constant 0 : i32
        %dma_wait3A_268 = tpu.memref_slice %arg17[%mul3A_0, %dma_wait3A_267] : memref<10240x16xf32, #tpu.memory_space<vmem_shared>> -> memref<640x16xf32, #tpu.memory_space<vmem_shared>>
        tpu.wait_dma2 semaphore(%run_scoped3A : memref<!tpu.dma_semaphore, #tpu.memory_space<semaphore_mem>>) src(%dma_wait3A_268 : memref<640x16xf32, #tpu.memory_space<vmem_shared>>) dst(%arg11 : memref<640x16xf32, #tpu.memory_space<vmem>>)
        tpu.yield
      }) : () -> ()
      %scan3A_257 = arith.constant 0 : i32
      %scan3A_258 = arith.constant 0 : i32
      %scan3A_259 = arith.constant 640 : i32
      %scan3A_260 = arith.addi %scan3A_258, %scan3A_259 : i32
      %scan3A_261 = arith.constant 1 : i32
      scf.for %scan3A_263 = %scan3A_258 to %scan3A_260 step %scan3A_261  : i32 {
        %get3A_264 = arith.index_cast %scan3A_263 : i32 to index
        %get3A_265 = arith.constant 0 : index
        %get3A_266 = tpu.vector_load %arg14[%get3A_264, %get3A_265] {strides = array<i32>} : memref<640x16xf32, #tpu.memory_space<vmem>>, vector<16xf32>,
        %get3A_267 = arith.index_cast %scan3A_263 : i32 to index
        %get3A_268 = arith.constant 0 : index
        %get3A_269 = tpu.vector_load %arg11[%get3A_267, %get3A_268] {strides = array<i32>} : memref<640x16xf32, #tpu.memory_space<vmem>>, vector<16xf32>,
        %mul3A_270 = arith.mulf %get3A_266, %get3A_269 : vector<16xf32>
        %get3A_271 = arith.index_cast %scan3A_263 : i32 to index
        %get3A_272 = arith.constant 0 : index
        %get3A_273 = tpu.vector_load %arg13[%get3A_271, %get3A_272] {strides = array<i32>} : memref<640x16xf32, #tpu.memory_space<vmem>>, vector<16xf32>,
        %mul3A_274 = arith.mulf %get3A_141, %get3A_273 : vector<16xf32>
        %add3A = arith.addf %mul3A_270, %mul3A_274 : vector<16xf32>
        %swap3A = arith.index_cast %scan3A_263 : i32 to index
        %swap3A_275 = arith.constant 0 : index
        %swap3A_276 = tpu.vector_load %arg12[%swap3A, %swap3A_275] {strides = array<i32>} : memref<640x16xf32, #tpu.memory_space<vmem>>, vector<16xf32>,
        tpu.vector_store %arg12[%swap3A, %swap3A_275], %add3A {strides = array<i32>} : memref<640x16xf32, #tpu.memory_space<vmem>>, vector<16xf32>,
        %broadcast_in_dim3A = arith.constant 0.000000e+00 : f32
        %broadcast_in_dim3A_277 = vector.broadcast %broadcast_in_dim3A : f32 to vector<16xf32>
        %swap3A_278 = arith.index_cast %scan3A_263 : i32 to index
        %swap3A_279 = arith.constant 0 : index
        %swap3A_280 = tpu.vector_load %arg11[%swap3A_278, %swap3A_279] {strides = array<i32>} : memref<640x16xf32, #tpu.memory_space<vmem>>, vector<16xf32>,
        tpu.vector_store %arg11[%swap3A_278, %swap3A_279], %broadcast_in_dim3A_277 {strides = array<i32>} : memref<640x16xf32, #tpu.memory_space<vmem>>, vector<16xf32>,
      }
      %scan3A_262 = arith.constant 640 : i32
      "tpu.region"() ({
        %run_scoped3A = tpu.sem_alloc : memref<!tpu.dma_semaphore, #tpu.memory_space<semaphore_mem>>
        %dma_start3A = arith.constant 0 : i32
        %dma_start3A_263 = tpu.memref_slice %arg17[%mul3A_0, %dma_start3A] : memref<10240x16xf32, #tpu.memory_space<vmem_shared>> -> memref<640x16xf32, #tpu.memory_space<vmem_shared>>
        %dma_start3A_264 = arith.constant 0 : i32
        %dma_start3A_265 = tpu.memref_slice %arg17[%mul3A_0, %dma_start3A_264] : memref<10240x16xf32, #tpu.memory_space<vmem_shared>> -> memref<640x16xf32, #tpu.memory_space<vmem_shared>>
        tpu.enqueue_dma source(%arg11 : memref<640x16xf32, #tpu.memory_space<vmem>>) target(%dma_start3A_265 : memref<640x16xf32, #tpu.memory_space<vmem_shared>>) target_semaphore(%run_scoped3A : memref<!tpu.dma_semaphore, #tpu.memory_space<semaphore_mem>>)
        %dma_wait3A = arith.constant 0 : i32
        %dma_wait3A_266 = tpu.memref_slice %arg17[%mul3A_0, %dma_wait3A] : memref<10240x16xf32, #tpu.memory_space<vmem_shared>> -> memref<640x16xf32, #tpu.memory_space<vmem_shared>>
        %dma_wait3A_267 = arith.constant 0 : i32
        %dma_wait3A_268 = tpu.memref_slice %arg17[%mul3A_0, %dma_wait3A_267] : memref<10240x16xf32, #tpu.memory_space<vmem_shared>> -> memref<640x16xf32, #tpu.memory_space<vmem_shared>>
        tpu.wait_dma2 semaphore(%run_scoped3A : memref<!tpu.dma_semaphore, #tpu.memory_space<semaphore_mem>>) src(%arg11 : memref<640x16xf32, #tpu.memory_space<vmem>>) dst(%dma_wait3A_268 : memref<640x16xf32, #tpu.memory_space<vmem_shared>>)
        tpu.yield
      }) : () -> ()
      "tpu.region"() ({
        %run_scoped3A = tpu.sem_alloc : memref<!tpu.dma_semaphore, #tpu.memory_space<semaphore_mem>>
        %dma_start3A = arith.constant 0 : i32
        %dma_start3A_263 = tpu.memref_slice %arg16[%mul3A_0, %dma_start3A] : memref<10240x16xf32, #tpu.memory_space<vmem_shared>> -> memref<640x16xf32, #tpu.memory_space<vmem_shared>>
        %dma_start3A_264 = arith.constant 0 : i32
        %dma_start3A_265 = tpu.memref_slice %arg16[%mul3A_0, %dma_start3A_264] : memref<10240x16xf32, #tpu.memory_space<vmem_shared>> -> memref<640x16xf32, #tpu.memory_space<vmem_shared>>
        tpu.enqueue_dma source(%arg12 : memref<640x16xf32, #tpu.memory_space<vmem>>) target(%dma_start3A_265 : memref<640x16xf32, #tpu.memory_space<vmem_shared>>) target_semaphore(%run_scoped3A : memref<!tpu.dma_semaphore, #tpu.memory_space<semaphore_mem>>)
        %dma_wait3A = arith.constant 0 : i32
        %dma_wait3A_266 = tpu.memref_slice %arg16[%mul3A_0, %dma_wait3A] : memref<10240x16xf32, #tpu.memory_space<vmem_shared>> -> memref<640x16xf32, #tpu.memory_space<vmem_shared>>
        %dma_wait3A_267 = arith.constant 0 : i32
        %dma_wait3A_268 = tpu.memref_slice %arg16[%mul3A_0, %dma_wait3A_267] : memref<10240x16xf32, #tpu.memory_space<vmem_shared>> -> memref<640x16xf32, #tpu.memory_space<vmem_shared>>
        tpu.wait_dma2 semaphore(%run_scoped3A : memref<!tpu.dma_semaphore, #tpu.memory_space<semaphore_mem>>) src(%arg12 : memref<640x16xf32, #tpu.memory_space<vmem>>) dst(%dma_wait3A_268 : memref<640x16xf32, #tpu.memory_space<vmem_shared>>)
        tpu.yield
      }) : () -> ()
    } else {
    }
    %barrier3A_150 = arith.constant 0 : index
    tpu.barrier barrier_id(%barrier3A_150)
    %convert_element_type3A_151 = arith.extui %or3A_146 : i1 to i32
    %cond3A_152 = arith.constant 0 : i32
    %cond3A_153 = arith.cmpi ne, %convert_element_type3A_151, %cond3A_152 : i32
    scf.if %cond3A_153 {
      %dma_start3A = arith.constant 0 : i32
      %dma_start3A_257 = arith.constant 0 : i32
      %dma_start3A_258 = tpu.memref_slice %arg7[%dma_start3A, %dma_start3A_257] : memref<25x800xi32, #tpu.memory_space<vmem>> -> memref<1x800xi32, #tpu.memory_space<vmem>>
      %dma_start3A_259 = tpu.memref_squeeze %dma_start3A_258 : memref<1x800xi32, #tpu.memory_space<vmem>> -> memref<800xi32, #tpu.memory_space<vmem>>
      %dma_start3A_260 = arith.constant 0 : i32
      %dma_start3A_261 = arith.constant 0 : i32
      %dma_start3A_262 = tpu.memref_slice %arg16[%dma_start3A_260, %dma_start3A_261] : memref<10240x16xf32, #tpu.memory_space<vmem_shared>> -> memref<10240x16xf32, #tpu.memory_space<vmem_shared>>
      tpu.enqueue_indirect_dma source(%dma_start3A_262 : memref<10240x16xf32, #tpu.memory_space<vmem_shared>>) target(%arg9 : memref<800x16xf32, #tpu.memory_space<vmem>>) offsets(%dma_start3A_259 : memref<800xi32, #tpu.memory_space<vmem>>) semaphore(%arg18 : memref<!tpu.dma_semaphore, #tpu.memory_space<semaphore_mem>>)
      %scan3A_263 = arith.constant 0 : i32
      %scan3A_264 = arith.constant 0 : i32
      %scan3A_265 = arith.constant 12 : i32
      %scan3A_266 = arith.addi %scan3A_264, %scan3A_265 : i32
      %scan3A_267 = arith.constant 1 : i32
      scf.for %scan3A_275 = %scan3A_264 to %scan3A_266 step %scan3A_267  : i32 {
        %mul3A_276 = arith.constant 2 : i32
        %mul3A_277 = arith.muli %scan3A_275, %mul3A_276 : i32
        %add3A = arith.constant 1 : i32
        %add3A_278 = arith.addi %mul3A_277, %add3A : i32
        %dma_start3A_279 = arith.constant 0 : i32
        %dma_start3A_280 = tpu.memref_slice %arg7[%add3A_278, %dma_start3A_279] : memref<25x800xi32, #tpu.memory_space<vmem>> -> memref<1x800xi32, #tpu.memory_space<vmem>>
        %dma_start3A_281 = tpu.memref_squeeze %dma_start3A_280 : memref<1x800xi32, #tpu.memory_space<vmem>> -> memref<800xi32, #tpu.memory_space<vmem>>
        %dma_start3A_282 = arith.constant 0 : i32
        %dma_start3A_283 = arith.constant 0 : i32
        %dma_start3A_284 = tpu.memref_slice %arg16[%dma_start3A_282, %dma_start3A_283] : memref<10240x16xf32, #tpu.memory_space<vmem_shared>> -> memref<10240x16xf32, #tpu.memory_space<vmem_shared>>
        tpu.enqueue_indirect_dma source(%dma_start3A_284 : memref<10240x16xf32, #tpu.memory_space<vmem_shared>>) target(%arg10 : memref<800x16xf32, #tpu.memory_space<vmem>>) offsets(%dma_start3A_281 : memref<800xi32, #tpu.memory_space<vmem>>) semaphore(%arg19 : memref<!tpu.dma_semaphore, #tpu.memory_space<semaphore_mem>>)
        %dma_wait3A_285 = arith.constant 0 : i32
        %dma_wait3A_286 = tpu.memref_slice %arg7[%mul3A_277, %dma_wait3A_285] : memref<25x800xi32, #tpu.memory_space<vmem>> -> memref<1x800xi32, #tpu.memory_space<vmem>>
        %dma_wait3A_287 = tpu.memref_squeeze %dma_wait3A_286 : memref<1x800xi32, #tpu.memory_space<vmem>> -> memref<800xi32, #tpu.memory_space<vmem>>
        %dma_wait3A_288 = arith.constant 0 : i32
        %dma_wait3A_289 = arith.constant 0 : i32
        %dma_wait3A_290 = tpu.memref_slice %arg16[%dma_wait3A_288, %dma_wait3A_289] : memref<10240x16xf32, #tpu.memory_space<vmem_shared>> -> memref<10240x16xf32, #tpu.memory_space<vmem_shared>>
        tpu.wait_indirect_dma semaphore(%arg18 : memref<!tpu.dma_semaphore, #tpu.memory_space<semaphore_mem>>) src(%dma_wait3A_290 : memref<10240x16xf32, #tpu.memory_space<vmem_shared>>) dst(%arg9 : memref<800x16xf32, #tpu.memory_space<vmem>>)
        "tpu.region"() ({
          %run_scoped3A_305 = tpu.sem_alloc : memref<!tpu.dma_semaphore, #tpu.memory_space<semaphore_mem>>
          %dma_start3A_306 = arith.constant 0 : i32
          %dma_start3A_307 = tpu.memref_slice %arg8[%mul3A_277, %dma_start3A_306] : memref<25x800xi32, #tpu.memory_space<vmem>> -> memref<1x800xi32, #tpu.memory_space<vmem>>
          %dma_start3A_308 = tpu.memref_squeeze %dma_start3A_307 : memref<1x800xi32, #tpu.memory_space<vmem>> -> memref<800xi32, #tpu.memory_space<vmem>>
          %dma_start3A_309 = arith.constant 0 : i32
          %dma_start3A_310 = arith.constant 0 : i32
          %dma_start3A_311 = tpu.memref_slice %arg17[%dma_start3A_309, %dma_start3A_310] : memref<10240x16xf32, #tpu.memory_space<vmem_shared>> -> memref<10240x16xf32, #tpu.memory_space<vmem_shared>>
          tpu.enqueue_indirect_dma source(%arg9 : memref<800x16xf32, #tpu.memory_space<vmem>>) target(%dma_start3A_311 : memref<10240x16xf32, #tpu.memory_space<vmem_shared>>) offsets(%dma_start3A_308 : memref<800xi32, #tpu.memory_space<vmem>>) semaphore(%run_scoped3A_305 : memref<!tpu.dma_semaphore, #tpu.memory_space<semaphore_mem>>) {add = true}
          %dma_wait3A_312 = arith.constant 0 : i32
          %dma_wait3A_313 = tpu.memref_slice %arg8[%mul3A_277, %dma_wait3A_312] : memref<25x800xi32, #tpu.memory_space<vmem>> -> memref<1x800xi32, #tpu.memory_space<vmem>>
          %dma_wait3A_314 = tpu.memref_squeeze %dma_wait3A_313 : memref<1x800xi32, #tpu.memory_space<vmem>> -> memref<800xi32, #tpu.memory_space<vmem>>
          %dma_wait3A_315 = arith.constant 0 : i32
          %dma_wait3A_316 = arith.constant 0 : i32
          %dma_wait3A_317 = tpu.memref_slice %arg17[%dma_wait3A_315, %dma_wait3A_316] : memref<10240x16xf32, #tpu.memory_space<vmem_shared>> -> memref<10240x16xf32, #tpu.memory_space<vmem_shared>>
          tpu.wait_indirect_dma semaphore(%run_scoped3A_305 : memref<!tpu.dma_semaphore, #tpu.memory_space<semaphore_mem>>) src(%arg9 : memref<800x16xf32, #tpu.memory_space<vmem>>) dst(%dma_wait3A_317 : memref<10240x16xf32, #tpu.memory_space<vmem_shared>>)
          tpu.yield
        }) : () -> ()
        %add3A_291 = arith.constant 2 : i32
        %add3A_292 = arith.addi %mul3A_277, %add3A_291 : i32
        %dma_start3A_293 = arith.constant 0 : i32
        %dma_start3A_294 = tpu.memref_slice %arg7[%add3A_292, %dma_start3A_293] : memref<25x800xi32, #tpu.memory_space<vmem>> -> memref<1x800xi32, #tpu.memory_space<vmem>>
        %dma_start3A_295 = tpu.memref_squeeze %dma_start3A_294 : memref<1x800xi32, #tpu.memory_space<vmem>> -> memref<800xi32, #tpu.memory_space<vmem>>
        %dma_start3A_296 = arith.constant 0 : i32
        %dma_start3A_297 = arith.constant 0 : i32
        %dma_start3A_298 = tpu.memref_slice %arg16[%dma_start3A_296, %dma_start3A_297] : memref<10240x16xf32, #tpu.memory_space<vmem_shared>> -> memref<10240x16xf32, #tpu.memory_space<vmem_shared>>
        tpu.enqueue_indirect_dma source(%dma_start3A_298 : memref<10240x16xf32, #tpu.memory_space<vmem_shared>>) target(%arg9 : memref<800x16xf32, #tpu.memory_space<vmem>>) offsets(%dma_start3A_295 : memref<800xi32, #tpu.memory_space<vmem>>) semaphore(%arg18 : memref<!tpu.dma_semaphore, #tpu.memory_space<semaphore_mem>>)
        %dma_wait3A_299 = arith.constant 0 : i32
        %dma_wait3A_300 = tpu.memref_slice %arg7[%add3A_278, %dma_wait3A_299] : memref<25x800xi32, #tpu.memory_space<vmem>> -> memref<1x800xi32, #tpu.memory_space<vmem>>
        %dma_wait3A_301 = tpu.memref_squeeze %dma_wait3A_300 : memref<1x800xi32, #tpu.memory_space<vmem>> -> memref<800xi32, #tpu.memory_space<vmem>>
        %dma_wait3A_302 = arith.constant 0 : i32
        %dma_wait3A_303 = arith.constant 0 : i32
        %dma_wait3A_304 = tpu.memref_slice %arg16[%dma_wait3A_302, %dma_wait3A_303] : memref<10240x16xf32, #tpu.memory_space<vmem_shared>> -> memref<10240x16xf32, #tpu.memory_space<vmem_shared>>
        tpu.wait_indirect_dma semaphore(%arg19 : memref<!tpu.dma_semaphore, #tpu.memory_space<semaphore_mem>>) src(%dma_wait3A_304 : memref<10240x16xf32, #tpu.memory_space<vmem_shared>>) dst(%arg10 : memref<800x16xf32, #tpu.memory_space<vmem>>)
        "tpu.region"() ({
          %run_scoped3A_305 = tpu.sem_alloc : memref<!tpu.dma_semaphore, #tpu.memory_space<semaphore_mem>>
          %dma_start3A_306 = arith.constant 0 : i32
          %dma_start3A_307 = tpu.memref_slice %arg8[%add3A_278, %dma_start3A_306] : memref<25x800xi32, #tpu.memory_space<vmem>> -> memref<1x800xi32, #tpu.memory_space<vmem>>
          %dma_start3A_308 = tpu.memref_squeeze %dma_start3A_307 : memref<1x800xi32, #tpu.memory_space<vmem>> -> memref<800xi32, #tpu.memory_space<vmem>>
          %dma_start3A_309 = arith.constant 0 : i32
          %dma_start3A_310 = arith.constant 0 : i32
          %dma_start3A_311 = tpu.memref_slice %arg17[%dma_start3A_309, %dma_start3A_310] : memref<10240x16xf32, #tpu.memory_space<vmem_shared>> -> memref<10240x16xf32, #tpu.memory_space<vmem_shared>>
          tpu.enqueue_indirect_dma source(%arg10 : memref<800x16xf32, #tpu.memory_space<vmem>>) target(%dma_start3A_311 : memref<10240x16xf32, #tpu.memory_space<vmem_shared>>) offsets(%dma_start3A_308 : memref<800xi32, #tpu.memory_space<vmem>>) semaphore(%run_scoped3A_305 : memref<!tpu.dma_semaphore, #tpu.memory_space<semaphore_mem>>) {add = true}
          %dma_wait3A_312 = arith.constant 0 : i32
          %dma_wait3A_313 = tpu.memref_slice %arg8[%add3A_278, %dma_wait3A_312] : memref<25x800xi32, #tpu.memory_space<vmem>> -> memref<1x800xi32, #tpu.memory_space<vmem>>
          %dma_wait3A_314 = tpu.memref_squeeze %dma_wait3A_313 : memref<1x800xi32, #tpu.memory_space<vmem>> -> memref<800xi32, #tpu.memory_space<vmem>>
          %dma_wait3A_315 = arith.constant 0 : i32
          %dma_wait3A_316 = arith.constant 0 : i32
          %dma_wait3A_317 = tpu.memref_slice %arg17[%dma_wait3A_315, %dma_wait3A_316] : memref<10240x16xf32, #tpu.memory_space<vmem_shared>> -> memref<10240x16xf32, #tpu.memory_space<vmem_shared>>
          tpu.wait_indirect_dma semaphore(%run_scoped3A_305 : memref<!tpu.dma_semaphore, #tpu.memory_space<semaphore_mem>>) src(%arg10 : memref<800x16xf32, #tpu.memory_space<vmem>>) dst(%dma_wait3A_317 : memref<10240x16xf32, #tpu.memory_space<vmem_shared>>)
          tpu.yield
        }) : () -> ()
      }
      %scan3A_268 = arith.constant 12 : i32
      %dma_wait3A = arith.constant 24 : i32
      %dma_wait3A_269 = arith.constant 0 : i32
      %dma_wait3A_270 = tpu.memref_slice %arg7[%dma_wait3A, %dma_wait3A_269] : memref<25x800xi32, #tpu.memory_space<vmem>> -> memref<1x800xi32, #tpu.memory_space<vmem>>
      %dma_wait3A_271 = tpu.memref_squeeze %dma_wait3A_270 : memref<1x800xi32, #tpu.memory_space<vmem>> -> memref<800xi32, #tpu.memory_space<vmem>>
      %dma_wait3A_272 = arith.constant 0 : i32
      %dma_wait3A_273 = arith.constant 0 : i32
      %dma_wait3A_274 = tpu.memref_slice %arg16[%dma_wait3A_272, %dma_wait3A_273] : memref<10240x16xf32, #tpu.memory_space<vmem_shared>> -> memref<10240x16xf32, #tpu.memory_space<vmem_shared>>
      tpu.wait_indirect_dma semaphore(%arg18 : memref<!tpu.dma_semaphore, #tpu.memory_space<semaphore_mem>>) src(%dma_wait3A_274 : memref<10240x16xf32, #tpu.memory_space<vmem_shared>>) dst(%arg9 : memref<800x16xf32, #tpu.memory_space<vmem>>)
      %run_scoped3A = arith.constant 24 : i32
      "tpu.region"() ({
        %run_scoped3A_275 = tpu.sem_alloc : memref<!tpu.dma_semaphore, #tpu.memory_space<semaphore_mem>>
        %dma_start3A_276 = arith.constant 0 : i32
        %dma_start3A_277 = tpu.memref_slice %arg8[%run_scoped3A, %dma_start3A_276] : memref<25x800xi32, #tpu.memory_space<vmem>> -> memref<1x800xi32, #tpu.memory_space<vmem>>
        %dma_start3A_278 = tpu.memref_squeeze %dma_start3A_277 : memref<1x800xi32, #tpu.memory_space<vmem>> -> memref<800xi32, #tpu.memory_space<vmem>>
        %dma_start3A_279 = arith.constant 0 : i32
        %dma_start3A_280 = arith.constant 0 : i32
        %dma_start3A_281 = tpu.memref_slice %arg17[%dma_start3A_279, %dma_start3A_280] : memref<10240x16xf32, #tpu.memory_space<vmem_shared>> -> memref<10240x16xf32, #tpu.memory_space<vmem_shared>>
        tpu.enqueue_indirect_dma source(%arg9 : memref<800x16xf32, #tpu.memory_space<vmem>>) target(%dma_start3A_281 : memref<10240x16xf32, #tpu.memory_space<vmem_shared>>) offsets(%dma_start3A_278 : memref<800xi32, #tpu.memory_space<vmem>>) semaphore(%run_scoped3A_275 : memref<!tpu.dma_semaphore, #tpu.memory_space<semaphore_mem>>) {add = true}
        %dma_wait3A_282 = arith.constant 0 : i32
        %dma_wait3A_283 = tpu.memref_slice %arg8[%run_scoped3A, %dma_wait3A_282] : memref<25x800xi32, #tpu.memory_space<vmem>> -> memref<1x800xi32, #tpu.memory_space<vmem>>
        %dma_wait3A_284 = tpu.memref_squeeze %dma_wait3A_283 : memref<1x800xi32, #tpu.memory_space<vmem>> -> memref<800xi32, #tpu.memory_space<vmem>>
        %dma_wait3A_285 = arith.constant 0 : i32
        %dma_wait3A_286 = arith.constant 0 : i32
        %dma_wait3A_287 = tpu.memref_slice %arg17[%dma_wait3A_285, %dma_wait3A_286] : memref<10240x16xf32, #tpu.memory_space<vmem_shared>> -> memref<10240x16xf32, #tpu.memory_space<vmem_shared>>
        tpu.wait_indirect_dma semaphore(%run_scoped3A_275 : memref<!tpu.dma_semaphore, #tpu.memory_space<semaphore_mem>>) src(%arg9 : memref<800x16xf32, #tpu.memory_space<vmem>>) dst(%dma_wait3A_287 : memref<10240x16xf32, #tpu.memory_space<vmem_shared>>)
        tpu.yield
      }) : () -> ()
    } else {
    }
    %barrier3A_154 = arith.constant 0 : index
    tpu.barrier barrier_id(%barrier3A_154)
    %get3A_155 = arith.constant 6 : i32
    %get3A_156 = arith.index_cast %get3A_155 : i32 to index
    %get3A_157 = arith.constant 0 : index
    %get3A_158 = tpu.vector_load %arg15[%get3A_156, %get3A_157] {strides = array<i32>} : memref<11x16xf32, #tpu.memory_space<vmem>>, vector<16xf32>,
    %slice3A_159 = vector.extract_strided_slice %get3A_158 {offsets = [0], sizes = [1], strides = [1]} : vector<16xf32> to vector<1xf32>
    %squeeze3A_160 = vector.extract %slice3A_159[0] : f32 from vector<1xf32>
    %ne3A_161 = arith.constant 0.000000e+00 : f32
    %ne3A_162 = arith.cmpf one, %squeeze3A_160, %ne3A_161 : f32
    %or3A_163 = arith.ori %or3A_146, %ne3A_162 : i1
    %convert_element_type3A_164 = arith.extui %or3A_163 : i1 to i32
    %cond3A_165 = arith.constant 0 : i32
    %cond3A_166 = arith.cmpi ne, %convert_element_type3A_164, %cond3A_165 : i32
    scf.if %cond3A_166 {
      "tpu.region"() ({
        %run_scoped3A = tpu.sem_alloc : memref<!tpu.dma_semaphore, #tpu.memory_space<semaphore_mem>>
        %dma_start3A = arith.constant 0 : i32
        %dma_start3A_263 = tpu.memref_slice %arg17[%mul3A_0, %dma_start3A] : memref<10240x16xf32, #tpu.memory_space<vmem_shared>> -> memref<640x16xf32, #tpu.memory_space<vmem_shared>>
        %dma_start3A_264 = arith.constant 0 : i32
        %dma_start3A_265 = tpu.memref_slice %arg17[%mul3A_0, %dma_start3A_264] : memref<10240x16xf32, #tpu.memory_space<vmem_shared>> -> memref<640x16xf32, #tpu.memory_space<vmem_shared>>
        tpu.enqueue_dma source(%dma_start3A_265 : memref<640x16xf32, #tpu.memory_space<vmem_shared>>) target(%arg11 : memref<640x16xf32, #tpu.memory_space<vmem>>) target_semaphore(%run_scoped3A : memref<!tpu.dma_semaphore, #tpu.memory_space<semaphore_mem>>)
        %dma_wait3A = arith.constant 0 : i32
        %dma_wait3A_266 = tpu.memref_slice %arg17[%mul3A_0, %dma_wait3A] : memref<10240x16xf32, #tpu.memory_space<vmem_shared>> -> memref<640x16xf32, #tpu.memory_space<vmem_shared>>
        %dma_wait3A_267 = arith.constant 0 : i32
        %dma_wait3A_268 = tpu.memref_slice %arg17[%mul3A_0, %dma_wait3A_267] : memref<10240x16xf32, #tpu.memory_space<vmem_shared>> -> memref<640x16xf32, #tpu.memory_space<vmem_shared>>
        tpu.wait_dma2 semaphore(%run_scoped3A : memref<!tpu.dma_semaphore, #tpu.memory_space<semaphore_mem>>) src(%dma_wait3A_268 : memref<640x16xf32, #tpu.memory_space<vmem_shared>>) dst(%arg11 : memref<640x16xf32, #tpu.memory_space<vmem>>)
        tpu.yield
      }) : () -> ()
      %scan3A_257 = arith.constant 0 : i32
      %scan3A_258 = arith.constant 0 : i32
      %scan3A_259 = arith.constant 640 : i32
      %scan3A_260 = arith.addi %scan3A_258, %scan3A_259 : i32
      %scan3A_261 = arith.constant 1 : i32
      scf.for %scan3A_263 = %scan3A_258 to %scan3A_260 step %scan3A_261  : i32 {
        %get3A_264 = arith.index_cast %scan3A_263 : i32 to index
        %get3A_265 = arith.constant 0 : index
        %get3A_266 = tpu.vector_load %arg14[%get3A_264, %get3A_265] {strides = array<i32>} : memref<640x16xf32, #tpu.memory_space<vmem>>, vector<16xf32>,
        %get3A_267 = arith.index_cast %scan3A_263 : i32 to index
        %get3A_268 = arith.constant 0 : index
        %get3A_269 = tpu.vector_load %arg11[%get3A_267, %get3A_268] {strides = array<i32>} : memref<640x16xf32, #tpu.memory_space<vmem>>, vector<16xf32>,
        %mul3A_270 = arith.mulf %get3A_266, %get3A_269 : vector<16xf32>
        %get3A_271 = arith.index_cast %scan3A_263 : i32 to index
        %get3A_272 = arith.constant 0 : index
        %get3A_273 = tpu.vector_load %arg13[%get3A_271, %get3A_272] {strides = array<i32>} : memref<640x16xf32, #tpu.memory_space<vmem>>, vector<16xf32>,
        %mul3A_274 = arith.mulf %get3A_158, %get3A_273 : vector<16xf32>
        %add3A = arith.addf %mul3A_270, %mul3A_274 : vector<16xf32>
        %swap3A = arith.index_cast %scan3A_263 : i32 to index
        %swap3A_275 = arith.constant 0 : index
        %swap3A_276 = tpu.vector_load %arg12[%swap3A, %swap3A_275] {strides = array<i32>} : memref<640x16xf32, #tpu.memory_space<vmem>>, vector<16xf32>,
        tpu.vector_store %arg12[%swap3A, %swap3A_275], %add3A {strides = array<i32>} : memref<640x16xf32, #tpu.memory_space<vmem>>, vector<16xf32>,
        %broadcast_in_dim3A = arith.constant 0.000000e+00 : f32
        %broadcast_in_dim3A_277 = vector.broadcast %broadcast_in_dim3A : f32 to vector<16xf32>
        %swap3A_278 = arith.index_cast %scan3A_263 : i32 to index
        %swap3A_279 = arith.constant 0 : index
        %swap3A_280 = tpu.vector_load %arg11[%swap3A_278, %swap3A_279] {strides = array<i32>} : memref<640x16xf32, #tpu.memory_space<vmem>>, vector<16xf32>,
        tpu.vector_store %arg11[%swap3A_278, %swap3A_279], %broadcast_in_dim3A_277 {strides = array<i32>} : memref<640x16xf32, #tpu.memory_space<vmem>>, vector<16xf32>,
      }
      %scan3A_262 = arith.constant 640 : i32
      "tpu.region"() ({
        %run_scoped3A = tpu.sem_alloc : memref<!tpu.dma_semaphore, #tpu.memory_space<semaphore_mem>>
        %dma_start3A = arith.constant 0 : i32
        %dma_start3A_263 = tpu.memref_slice %arg17[%mul3A_0, %dma_start3A] : memref<10240x16xf32, #tpu.memory_space<vmem_shared>> -> memref<640x16xf32, #tpu.memory_space<vmem_shared>>
        %dma_start3A_264 = arith.constant 0 : i32
        %dma_start3A_265 = tpu.memref_slice %arg17[%mul3A_0, %dma_start3A_264] : memref<10240x16xf32, #tpu.memory_space<vmem_shared>> -> memref<640x16xf32, #tpu.memory_space<vmem_shared>>
        tpu.enqueue_dma source(%arg11 : memref<640x16xf32, #tpu.memory_space<vmem>>) target(%dma_start3A_265 : memref<640x16xf32, #tpu.memory_space<vmem_shared>>) target_semaphore(%run_scoped3A : memref<!tpu.dma_semaphore, #tpu.memory_space<semaphore_mem>>)
        %dma_wait3A = arith.constant 0 : i32
        %dma_wait3A_266 = tpu.memref_slice %arg17[%mul3A_0, %dma_wait3A] : memref<10240x16xf32, #tpu.memory_space<vmem_shared>> -> memref<640x16xf32, #tpu.memory_space<vmem_shared>>
        %dma_wait3A_267 = arith.constant 0 : i32
        %dma_wait3A_268 = tpu.memref_slice %arg17[%mul3A_0, %dma_wait3A_267] : memref<10240x16xf32, #tpu.memory_space<vmem_shared>> -> memref<640x16xf32, #tpu.memory_space<vmem_shared>>
        tpu.wait_dma2 semaphore(%run_scoped3A : memref<!tpu.dma_semaphore, #tpu.memory_space<semaphore_mem>>) src(%arg11 : memref<640x16xf32, #tpu.memory_space<vmem>>) dst(%dma_wait3A_268 : memref<640x16xf32, #tpu.memory_space<vmem_shared>>)
        tpu.yield
      }) : () -> ()
      "tpu.region"() ({
        %run_scoped3A = tpu.sem_alloc : memref<!tpu.dma_semaphore, #tpu.memory_space<semaphore_mem>>
        %dma_start3A = arith.constant 0 : i32
        %dma_start3A_263 = tpu.memref_slice %arg16[%mul3A_0, %dma_start3A] : memref<10240x16xf32, #tpu.memory_space<vmem_shared>> -> memref<640x16xf32, #tpu.memory_space<vmem_shared>>
        %dma_start3A_264 = arith.constant 0 : i32
        %dma_start3A_265 = tpu.memref_slice %arg16[%mul3A_0, %dma_start3A_264] : memref<10240x16xf32, #tpu.memory_space<vmem_shared>> -> memref<640x16xf32, #tpu.memory_space<vmem_shared>>
        tpu.enqueue_dma source(%arg12 : memref<640x16xf32, #tpu.memory_space<vmem>>) target(%dma_start3A_265 : memref<640x16xf32, #tpu.memory_space<vmem_shared>>) target_semaphore(%run_scoped3A : memref<!tpu.dma_semaphore, #tpu.memory_space<semaphore_mem>>)
        %dma_wait3A = arith.constant 0 : i32
        %dma_wait3A_266 = tpu.memref_slice %arg16[%mul3A_0, %dma_wait3A] : memref<10240x16xf32, #tpu.memory_space<vmem_shared>> -> memref<640x16xf32, #tpu.memory_space<vmem_shared>>
        %dma_wait3A_267 = arith.constant 0 : i32
        %dma_wait3A_268 = tpu.memref_slice %arg16[%mul3A_0, %dma_wait3A_267] : memref<10240x16xf32, #tpu.memory_space<vmem_shared>> -> memref<640x16xf32, #tpu.memory_space<vmem_shared>>
        tpu.wait_dma2 semaphore(%run_scoped3A : memref<!tpu.dma_semaphore, #tpu.memory_space<semaphore_mem>>) src(%arg12 : memref<640x16xf32, #tpu.memory_space<vmem>>) dst(%dma_wait3A_268 : memref<640x16xf32, #tpu.memory_space<vmem_shared>>)
        tpu.yield
      }) : () -> ()
    } else {
    }
    %barrier3A_167 = arith.constant 0 : index
    tpu.barrier barrier_id(%barrier3A_167)
    %convert_element_type3A_168 = arith.extui %or3A_163 : i1 to i32
    %cond3A_169 = arith.constant 0 : i32
    %cond3A_170 = arith.cmpi ne, %convert_element_type3A_168, %cond3A_169 : i32
    scf.if %cond3A_170 {
      %dma_start3A = arith.constant 0 : i32
      %dma_start3A_257 = arith.constant 0 : i32
      %dma_start3A_258 = tpu.memref_slice %arg7[%dma_start3A, %dma_start3A_257] : memref<25x800xi32, #tpu.memory_space<vmem>> -> memref<1x800xi32, #tpu.memory_space<vmem>>
      %dma_start3A_259 = tpu.memref_squeeze %dma_start3A_258 : memref<1x800xi32, #tpu.memory_space<vmem>> -> memref<800xi32, #tpu.memory_space<vmem>>
      %dma_start3A_260 = arith.constant 0 : i32
      %dma_start3A_261 = arith.constant 0 : i32
      %dma_start3A_262 = tpu.memref_slice %arg16[%dma_start3A_260, %dma_start3A_261] : memref<10240x16xf32, #tpu.memory_space<vmem_shared>> -> memref<10240x16xf32, #tpu.memory_space<vmem_shared>>
      tpu.enqueue_indirect_dma source(%dma_start3A_262 : memref<10240x16xf32, #tpu.memory_space<vmem_shared>>) target(%arg9 : memref<800x16xf32, #tpu.memory_space<vmem>>) offsets(%dma_start3A_259 : memref<800xi32, #tpu.memory_space<vmem>>) semaphore(%arg18 : memref<!tpu.dma_semaphore, #tpu.memory_space<semaphore_mem>>)
      %scan3A_263 = arith.constant 0 : i32
      %scan3A_264 = arith.constant 0 : i32
      %scan3A_265 = arith.constant 12 : i32
      %scan3A_266 = arith.addi %scan3A_264, %scan3A_265 : i32
      %scan3A_267 = arith.constant 1 : i32
      scf.for %scan3A_275 = %scan3A_264 to %scan3A_266 step %scan3A_267  : i32 {
        %mul3A_276 = arith.constant 2 : i32
        %mul3A_277 = arith.muli %scan3A_275, %mul3A_276 : i32
        %add3A = arith.constant 1 : i32
        %add3A_278 = arith.addi %mul3A_277, %add3A : i32
        %dma_start3A_279 = arith.constant 0 : i32
        %dma_start3A_280 = tpu.memref_slice %arg7[%add3A_278, %dma_start3A_279] : memref<25x800xi32, #tpu.memory_space<vmem>> -> memref<1x800xi32, #tpu.memory_space<vmem>>
        %dma_start3A_281 = tpu.memref_squeeze %dma_start3A_280 : memref<1x800xi32, #tpu.memory_space<vmem>> -> memref<800xi32, #tpu.memory_space<vmem>>
        %dma_start3A_282 = arith.constant 0 : i32
        %dma_start3A_283 = arith.constant 0 : i32
        %dma_start3A_284 = tpu.memref_slice %arg16[%dma_start3A_282, %dma_start3A_283] : memref<10240x16xf32, #tpu.memory_space<vmem_shared>> -> memref<10240x16xf32, #tpu.memory_space<vmem_shared>>
        tpu.enqueue_indirect_dma source(%dma_start3A_284 : memref<10240x16xf32, #tpu.memory_space<vmem_shared>>) target(%arg10 : memref<800x16xf32, #tpu.memory_space<vmem>>) offsets(%dma_start3A_281 : memref<800xi32, #tpu.memory_space<vmem>>) semaphore(%arg19 : memref<!tpu.dma_semaphore, #tpu.memory_space<semaphore_mem>>)
        %dma_wait3A_285 = arith.constant 0 : i32
        %dma_wait3A_286 = tpu.memref_slice %arg7[%mul3A_277, %dma_wait3A_285] : memref<25x800xi32, #tpu.memory_space<vmem>> -> memref<1x800xi32, #tpu.memory_space<vmem>>
        %dma_wait3A_287 = tpu.memref_squeeze %dma_wait3A_286 : memref<1x800xi32, #tpu.memory_space<vmem>> -> memref<800xi32, #tpu.memory_space<vmem>>
        %dma_wait3A_288 = arith.constant 0 : i32
        %dma_wait3A_289 = arith.constant 0 : i32
        %dma_wait3A_290 = tpu.memref_slice %arg16[%dma_wait3A_288, %dma_wait3A_289] : memref<10240x16xf32, #tpu.memory_space<vmem_shared>> -> memref<10240x16xf32, #tpu.memory_space<vmem_shared>>
        tpu.wait_indirect_dma semaphore(%arg18 : memref<!tpu.dma_semaphore, #tpu.memory_space<semaphore_mem>>) src(%dma_wait3A_290 : memref<10240x16xf32, #tpu.memory_space<vmem_shared>>) dst(%arg9 : memref<800x16xf32, #tpu.memory_space<vmem>>)
        "tpu.region"() ({
          %run_scoped3A_305 = tpu.sem_alloc : memref<!tpu.dma_semaphore, #tpu.memory_space<semaphore_mem>>
          %dma_start3A_306 = arith.constant 0 : i32
          %dma_start3A_307 = tpu.memref_slice %arg8[%mul3A_277, %dma_start3A_306] : memref<25x800xi32, #tpu.memory_space<vmem>> -> memref<1x800xi32, #tpu.memory_space<vmem>>
          %dma_start3A_308 = tpu.memref_squeeze %dma_start3A_307 : memref<1x800xi32, #tpu.memory_space<vmem>> -> memref<800xi32, #tpu.memory_space<vmem>>
          %dma_start3A_309 = arith.constant 0 : i32
          %dma_start3A_310 = arith.constant 0 : i32
          %dma_start3A_311 = tpu.memref_slice %arg17[%dma_start3A_309, %dma_start3A_310] : memref<10240x16xf32, #tpu.memory_space<vmem_shared>> -> memref<10240x16xf32, #tpu.memory_space<vmem_shared>>
          tpu.enqueue_indirect_dma source(%arg9 : memref<800x16xf32, #tpu.memory_space<vmem>>) target(%dma_start3A_311 : memref<10240x16xf32, #tpu.memory_space<vmem_shared>>) offsets(%dma_start3A_308 : memref<800xi32, #tpu.memory_space<vmem>>) semaphore(%run_scoped3A_305 : memref<!tpu.dma_semaphore, #tpu.memory_space<semaphore_mem>>) {add = true}
          %dma_wait3A_312 = arith.constant 0 : i32
          %dma_wait3A_313 = tpu.memref_slice %arg8[%mul3A_277, %dma_wait3A_312] : memref<25x800xi32, #tpu.memory_space<vmem>> -> memref<1x800xi32, #tpu.memory_space<vmem>>
          %dma_wait3A_314 = tpu.memref_squeeze %dma_wait3A_313 : memref<1x800xi32, #tpu.memory_space<vmem>> -> memref<800xi32, #tpu.memory_space<vmem>>
          %dma_wait3A_315 = arith.constant 0 : i32
          %dma_wait3A_316 = arith.constant 0 : i32
          %dma_wait3A_317 = tpu.memref_slice %arg17[%dma_wait3A_315, %dma_wait3A_316] : memref<10240x16xf32, #tpu.memory_space<vmem_shared>> -> memref<10240x16xf32, #tpu.memory_space<vmem_shared>>
          tpu.wait_indirect_dma semaphore(%run_scoped3A_305 : memref<!tpu.dma_semaphore, #tpu.memory_space<semaphore_mem>>) src(%arg9 : memref<800x16xf32, #tpu.memory_space<vmem>>) dst(%dma_wait3A_317 : memref<10240x16xf32, #tpu.memory_space<vmem_shared>>)
          tpu.yield
        }) : () -> ()
        %add3A_291 = arith.constant 2 : i32
        %add3A_292 = arith.addi %mul3A_277, %add3A_291 : i32
        %dma_start3A_293 = arith.constant 0 : i32
        %dma_start3A_294 = tpu.memref_slice %arg7[%add3A_292, %dma_start3A_293] : memref<25x800xi32, #tpu.memory_space<vmem>> -> memref<1x800xi32, #tpu.memory_space<vmem>>
        %dma_start3A_295 = tpu.memref_squeeze %dma_start3A_294 : memref<1x800xi32, #tpu.memory_space<vmem>> -> memref<800xi32, #tpu.memory_space<vmem>>
        %dma_start3A_296 = arith.constant 0 : i32
        %dma_start3A_297 = arith.constant 0 : i32
        %dma_start3A_298 = tpu.memref_slice %arg16[%dma_start3A_296, %dma_start3A_297] : memref<10240x16xf32, #tpu.memory_space<vmem_shared>> -> memref<10240x16xf32, #tpu.memory_space<vmem_shared>>
        tpu.enqueue_indirect_dma source(%dma_start3A_298 : memref<10240x16xf32, #tpu.memory_space<vmem_shared>>) target(%arg9 : memref<800x16xf32, #tpu.memory_space<vmem>>) offsets(%dma_start3A_295 : memref<800xi32, #tpu.memory_space<vmem>>) semaphore(%arg18 : memref<!tpu.dma_semaphore, #tpu.memory_space<semaphore_mem>>)
        %dma_wait3A_299 = arith.constant 0 : i32
        %dma_wait3A_300 = tpu.memref_slice %arg7[%add3A_278, %dma_wait3A_299] : memref<25x800xi32, #tpu.memory_space<vmem>> -> memref<1x800xi32, #tpu.memory_space<vmem>>
        %dma_wait3A_301 = tpu.memref_squeeze %dma_wait3A_300 : memref<1x800xi32, #tpu.memory_space<vmem>> -> memref<800xi32, #tpu.memory_space<vmem>>
        %dma_wait3A_302 = arith.constant 0 : i32
        %dma_wait3A_303 = arith.constant 0 : i32
        %dma_wait3A_304 = tpu.memref_slice %arg16[%dma_wait3A_302, %dma_wait3A_303] : memref<10240x16xf32, #tpu.memory_space<vmem_shared>> -> memref<10240x16xf32, #tpu.memory_space<vmem_shared>>
        tpu.wait_indirect_dma semaphore(%arg19 : memref<!tpu.dma_semaphore, #tpu.memory_space<semaphore_mem>>) src(%dma_wait3A_304 : memref<10240x16xf32, #tpu.memory_space<vmem_shared>>) dst(%arg10 : memref<800x16xf32, #tpu.memory_space<vmem>>)
        "tpu.region"() ({
          %run_scoped3A_305 = tpu.sem_alloc : memref<!tpu.dma_semaphore, #tpu.memory_space<semaphore_mem>>
          %dma_start3A_306 = arith.constant 0 : i32
          %dma_start3A_307 = tpu.memref_slice %arg8[%add3A_278, %dma_start3A_306] : memref<25x800xi32, #tpu.memory_space<vmem>> -> memref<1x800xi32, #tpu.memory_space<vmem>>
          %dma_start3A_308 = tpu.memref_squeeze %dma_start3A_307 : memref<1x800xi32, #tpu.memory_space<vmem>> -> memref<800xi32, #tpu.memory_space<vmem>>
          %dma_start3A_309 = arith.constant 0 : i32
          %dma_start3A_310 = arith.constant 0 : i32
          %dma_start3A_311 = tpu.memref_slice %arg17[%dma_start3A_309, %dma_start3A_310] : memref<10240x16xf32, #tpu.memory_space<vmem_shared>> -> memref<10240x16xf32, #tpu.memory_space<vmem_shared>>
          tpu.enqueue_indirect_dma source(%arg10 : memref<800x16xf32, #tpu.memory_space<vmem>>) target(%dma_start3A_311 : memref<10240x16xf32, #tpu.memory_space<vmem_shared>>) offsets(%dma_start3A_308 : memref<800xi32, #tpu.memory_space<vmem>>) semaphore(%run_scoped3A_305 : memref<!tpu.dma_semaphore, #tpu.memory_space<semaphore_mem>>) {add = true}
          %dma_wait3A_312 = arith.constant 0 : i32
          %dma_wait3A_313 = tpu.memref_slice %arg8[%add3A_278, %dma_wait3A_312] : memref<25x800xi32, #tpu.memory_space<vmem>> -> memref<1x800xi32, #tpu.memory_space<vmem>>
          %dma_wait3A_314 = tpu.memref_squeeze %dma_wait3A_313 : memref<1x800xi32, #tpu.memory_space<vmem>> -> memref<800xi32, #tpu.memory_space<vmem>>
          %dma_wait3A_315 = arith.constant 0 : i32
          %dma_wait3A_316 = arith.constant 0 : i32
          %dma_wait3A_317 = tpu.memref_slice %arg17[%dma_wait3A_315, %dma_wait3A_316] : memref<10240x16xf32, #tpu.memory_space<vmem_shared>> -> memref<10240x16xf32, #tpu.memory_space<vmem_shared>>
          tpu.wait_indirect_dma semaphore(%run_scoped3A_305 : memref<!tpu.dma_semaphore, #tpu.memory_space<semaphore_mem>>) src(%arg10 : memref<800x16xf32, #tpu.memory_space<vmem>>) dst(%dma_wait3A_317 : memref<10240x16xf32, #tpu.memory_space<vmem_shared>>)
          tpu.yield
        }) : () -> ()
      }
      %scan3A_268 = arith.constant 12 : i32
      %dma_wait3A = arith.constant 24 : i32
      %dma_wait3A_269 = arith.constant 0 : i32
      %dma_wait3A_270 = tpu.memref_slice %arg7[%dma_wait3A, %dma_wait3A_269] : memref<25x800xi32, #tpu.memory_space<vmem>> -> memref<1x800xi32, #tpu.memory_space<vmem>>
      %dma_wait3A_271 = tpu.memref_squeeze %dma_wait3A_270 : memref<1x800xi32, #tpu.memory_space<vmem>> -> memref<800xi32, #tpu.memory_space<vmem>>
      %dma_wait3A_272 = arith.constant 0 : i32
      %dma_wait3A_273 = arith.constant 0 : i32
      %dma_wait3A_274 = tpu.memref_slice %arg16[%dma_wait3A_272, %dma_wait3A_273] : memref<10240x16xf32, #tpu.memory_space<vmem_shared>> -> memref<10240x16xf32, #tpu.memory_space<vmem_shared>>
      tpu.wait_indirect_dma semaphore(%arg18 : memref<!tpu.dma_semaphore, #tpu.memory_space<semaphore_mem>>) src(%dma_wait3A_274 : memref<10240x16xf32, #tpu.memory_space<vmem_shared>>) dst(%arg9 : memref<800x16xf32, #tpu.memory_space<vmem>>)
      %run_scoped3A = arith.constant 24 : i32
      "tpu.region"() ({
        %run_scoped3A_275 = tpu.sem_alloc : memref<!tpu.dma_semaphore, #tpu.memory_space<semaphore_mem>>
        %dma_start3A_276 = arith.constant 0 : i32
        %dma_start3A_277 = tpu.memref_slice %arg8[%run_scoped3A, %dma_start3A_276] : memref<25x800xi32, #tpu.memory_space<vmem>> -> memref<1x800xi32, #tpu.memory_space<vmem>>
        %dma_start3A_278 = tpu.memref_squeeze %dma_start3A_277 : memref<1x800xi32, #tpu.memory_space<vmem>> -> memref<800xi32, #tpu.memory_space<vmem>>
        %dma_start3A_279 = arith.constant 0 : i32
        %dma_start3A_280 = arith.constant 0 : i32
        %dma_start3A_281 = tpu.memref_slice %arg17[%dma_start3A_279, %dma_start3A_280] : memref<10240x16xf32, #tpu.memory_space<vmem_shared>> -> memref<10240x16xf32, #tpu.memory_space<vmem_shared>>
        tpu.enqueue_indirect_dma source(%arg9 : memref<800x16xf32, #tpu.memory_space<vmem>>) target(%dma_start3A_281 : memref<10240x16xf32, #tpu.memory_space<vmem_shared>>) offsets(%dma_start3A_278 : memref<800xi32, #tpu.memory_space<vmem>>) semaphore(%run_scoped3A_275 : memref<!tpu.dma_semaphore, #tpu.memory_space<semaphore_mem>>) {add = true}
        %dma_wait3A_282 = arith.constant 0 : i32
        %dma_wait3A_283 = tpu.memref_slice %arg8[%run_scoped3A, %dma_wait3A_282] : memref<25x800xi32, #tpu.memory_space<vmem>> -> memref<1x800xi32, #tpu.memory_space<vmem>>
        %dma_wait3A_284 = tpu.memref_squeeze %dma_wait3A_283 : memref<1x800xi32, #tpu.memory_space<vmem>> -> memref<800xi32, #tpu.memory_space<vmem>>
        %dma_wait3A_285 = arith.constant 0 : i32
        %dma_wait3A_286 = arith.constant 0 : i32
        %dma_wait3A_287 = tpu.memref_slice %arg17[%dma_wait3A_285, %dma_wait3A_286] : memref<10240x16xf32, #tpu.memory_space<vmem_shared>> -> memref<10240x16xf32, #tpu.memory_space<vmem_shared>>
        tpu.wait_indirect_dma semaphore(%run_scoped3A_275 : memref<!tpu.dma_semaphore, #tpu.memory_space<semaphore_mem>>) src(%arg9 : memref<800x16xf32, #tpu.memory_space<vmem>>) dst(%dma_wait3A_287 : memref<10240x16xf32, #tpu.memory_space<vmem_shared>>)
        tpu.yield
      }) : () -> ()
    } else {
    }
    %barrier3A_171 = arith.constant 0 : index
    tpu.barrier barrier_id(%barrier3A_171)
    %get3A_172 = arith.constant 5 : i32
    %get3A_173 = arith.index_cast %get3A_172 : i32 to index
    %get3A_174 = arith.constant 0 : index
    %get3A_175 = tpu.vector_load %arg15[%get3A_173, %get3A_174] {strides = array<i32>} : memref<11x16xf32, #tpu.memory_space<vmem>>, vector<16xf32>,
    %slice3A_176 = vector.extract_strided_slice %get3A_175 {offsets = [0], sizes = [1], strides = [1]} : vector<16xf32> to vector<1xf32>
    %squeeze3A_177 = vector.extract %slice3A_176[0] : f32 from vector<1xf32>
    %ne3A_178 = arith.constant 0.000000e+00 : f32
    %ne3A_179 = arith.cmpf one, %squeeze3A_177, %ne3A_178 : f32
    %or3A_180 = arith.ori %or3A_163, %ne3A_179 : i1
    %convert_element_type3A_181 = arith.extui %or3A_180 : i1 to i32
    %cond3A_182 = arith.constant 0 : i32
    %cond3A_183 = arith.cmpi ne, %convert_element_type3A_181, %cond3A_182 : i32
    scf.if %cond3A_183 {
      "tpu.region"() ({
        %run_scoped3A = tpu.sem_alloc : memref<!tpu.dma_semaphore, #tpu.memory_space<semaphore_mem>>
        %dma_start3A = arith.constant 0 : i32
        %dma_start3A_263 = tpu.memref_slice %arg17[%mul3A_0, %dma_start3A] : memref<10240x16xf32, #tpu.memory_space<vmem_shared>> -> memref<640x16xf32, #tpu.memory_space<vmem_shared>>
        %dma_start3A_264 = arith.constant 0 : i32
        %dma_start3A_265 = tpu.memref_slice %arg17[%mul3A_0, %dma_start3A_264] : memref<10240x16xf32, #tpu.memory_space<vmem_shared>> -> memref<640x16xf32, #tpu.memory_space<vmem_shared>>
        tpu.enqueue_dma source(%dma_start3A_265 : memref<640x16xf32, #tpu.memory_space<vmem_shared>>) target(%arg11 : memref<640x16xf32, #tpu.memory_space<vmem>>) target_semaphore(%run_scoped3A : memref<!tpu.dma_semaphore, #tpu.memory_space<semaphore_mem>>)
        %dma_wait3A = arith.constant 0 : i32
        %dma_wait3A_266 = tpu.memref_slice %arg17[%mul3A_0, %dma_wait3A] : memref<10240x16xf32, #tpu.memory_space<vmem_shared>> -> memref<640x16xf32, #tpu.memory_space<vmem_shared>>
        %dma_wait3A_267 = arith.constant 0 : i32
        %dma_wait3A_268 = tpu.memref_slice %arg17[%mul3A_0, %dma_wait3A_267] : memref<10240x16xf32, #tpu.memory_space<vmem_shared>> -> memref<640x16xf32, #tpu.memory_space<vmem_shared>>
        tpu.wait_dma2 semaphore(%run_scoped3A : memref<!tpu.dma_semaphore, #tpu.memory_space<semaphore_mem>>) src(%dma_wait3A_268 : memref<640x16xf32, #tpu.memory_space<vmem_shared>>) dst(%arg11 : memref<640x16xf32, #tpu.memory_space<vmem>>)
        tpu.yield
      }) : () -> ()
      %scan3A_257 = arith.constant 0 : i32
      %scan3A_258 = arith.constant 0 : i32
      %scan3A_259 = arith.constant 640 : i32
      %scan3A_260 = arith.addi %scan3A_258, %scan3A_259 : i32
      %scan3A_261 = arith.constant 1 : i32
      scf.for %scan3A_263 = %scan3A_258 to %scan3A_260 step %scan3A_261  : i32 {
        %get3A_264 = arith.index_cast %scan3A_263 : i32 to index
        %get3A_265 = arith.constant 0 : index
        %get3A_266 = tpu.vector_load %arg14[%get3A_264, %get3A_265] {strides = array<i32>} : memref<640x16xf32, #tpu.memory_space<vmem>>, vector<16xf32>,
        %get3A_267 = arith.index_cast %scan3A_263 : i32 to index
        %get3A_268 = arith.constant 0 : index
        %get3A_269 = tpu.vector_load %arg11[%get3A_267, %get3A_268] {strides = array<i32>} : memref<640x16xf32, #tpu.memory_space<vmem>>, vector<16xf32>,
        %mul3A_270 = arith.mulf %get3A_266, %get3A_269 : vector<16xf32>
        %get3A_271 = arith.index_cast %scan3A_263 : i32 to index
        %get3A_272 = arith.constant 0 : index
        %get3A_273 = tpu.vector_load %arg13[%get3A_271, %get3A_272] {strides = array<i32>} : memref<640x16xf32, #tpu.memory_space<vmem>>, vector<16xf32>,
        %mul3A_274 = arith.mulf %get3A_175, %get3A_273 : vector<16xf32>
        %add3A = arith.addf %mul3A_270, %mul3A_274 : vector<16xf32>
        %swap3A = arith.index_cast %scan3A_263 : i32 to index
        %swap3A_275 = arith.constant 0 : index
        %swap3A_276 = tpu.vector_load %arg12[%swap3A, %swap3A_275] {strides = array<i32>} : memref<640x16xf32, #tpu.memory_space<vmem>>, vector<16xf32>,
        tpu.vector_store %arg12[%swap3A, %swap3A_275], %add3A {strides = array<i32>} : memref<640x16xf32, #tpu.memory_space<vmem>>, vector<16xf32>,
        %broadcast_in_dim3A = arith.constant 0.000000e+00 : f32
        %broadcast_in_dim3A_277 = vector.broadcast %broadcast_in_dim3A : f32 to vector<16xf32>
        %swap3A_278 = arith.index_cast %scan3A_263 : i32 to index
        %swap3A_279 = arith.constant 0 : index
        %swap3A_280 = tpu.vector_load %arg11[%swap3A_278, %swap3A_279] {strides = array<i32>} : memref<640x16xf32, #tpu.memory_space<vmem>>, vector<16xf32>,
        tpu.vector_store %arg11[%swap3A_278, %swap3A_279], %broadcast_in_dim3A_277 {strides = array<i32>} : memref<640x16xf32, #tpu.memory_space<vmem>>, vector<16xf32>,
      }
      %scan3A_262 = arith.constant 640 : i32
      "tpu.region"() ({
        %run_scoped3A = tpu.sem_alloc : memref<!tpu.dma_semaphore, #tpu.memory_space<semaphore_mem>>
        %dma_start3A = arith.constant 0 : i32
        %dma_start3A_263 = tpu.memref_slice %arg17[%mul3A_0, %dma_start3A] : memref<10240x16xf32, #tpu.memory_space<vmem_shared>> -> memref<640x16xf32, #tpu.memory_space<vmem_shared>>
        %dma_start3A_264 = arith.constant 0 : i32
        %dma_start3A_265 = tpu.memref_slice %arg17[%mul3A_0, %dma_start3A_264] : memref<10240x16xf32, #tpu.memory_space<vmem_shared>> -> memref<640x16xf32, #tpu.memory_space<vmem_shared>>
        tpu.enqueue_dma source(%arg11 : memref<640x16xf32, #tpu.memory_space<vmem>>) target(%dma_start3A_265 : memref<640x16xf32, #tpu.memory_space<vmem_shared>>) target_semaphore(%run_scoped3A : memref<!tpu.dma_semaphore, #tpu.memory_space<semaphore_mem>>)
        %dma_wait3A = arith.constant 0 : i32
        %dma_wait3A_266 = tpu.memref_slice %arg17[%mul3A_0, %dma_wait3A] : memref<10240x16xf32, #tpu.memory_space<vmem_shared>> -> memref<640x16xf32, #tpu.memory_space<vmem_shared>>
        %dma_wait3A_267 = arith.constant 0 : i32
        %dma_wait3A_268 = tpu.memref_slice %arg17[%mul3A_0, %dma_wait3A_267] : memref<10240x16xf32, #tpu.memory_space<vmem_shared>> -> memref<640x16xf32, #tpu.memory_space<vmem_shared>>
        tpu.wait_dma2 semaphore(%run_scoped3A : memref<!tpu.dma_semaphore, #tpu.memory_space<semaphore_mem>>) src(%arg11 : memref<640x16xf32, #tpu.memory_space<vmem>>) dst(%dma_wait3A_268 : memref<640x16xf32, #tpu.memory_space<vmem_shared>>)
        tpu.yield
      }) : () -> ()
      "tpu.region"() ({
        %run_scoped3A = tpu.sem_alloc : memref<!tpu.dma_semaphore, #tpu.memory_space<semaphore_mem>>
        %dma_start3A = arith.constant 0 : i32
        %dma_start3A_263 = tpu.memref_slice %arg16[%mul3A_0, %dma_start3A] : memref<10240x16xf32, #tpu.memory_space<vmem_shared>> -> memref<640x16xf32, #tpu.memory_space<vmem_shared>>
        %dma_start3A_264 = arith.constant 0 : i32
        %dma_start3A_265 = tpu.memref_slice %arg16[%mul3A_0, %dma_start3A_264] : memref<10240x16xf32, #tpu.memory_space<vmem_shared>> -> memref<640x16xf32, #tpu.memory_space<vmem_shared>>
        tpu.enqueue_dma source(%arg12 : memref<640x16xf32, #tpu.memory_space<vmem>>) target(%dma_start3A_265 : memref<640x16xf32, #tpu.memory_space<vmem_shared>>) target_semaphore(%run_scoped3A : memref<!tpu.dma_semaphore, #tpu.memory_space<semaphore_mem>>)
        %dma_wait3A = arith.constant 0 : i32
        %dma_wait3A_266 = tpu.memref_slice %arg16[%mul3A_0, %dma_wait3A] : memref<10240x16xf32, #tpu.memory_space<vmem_shared>> -> memref<640x16xf32, #tpu.memory_space<vmem_shared>>
        %dma_wait3A_267 = arith.constant 0 : i32
        %dma_wait3A_268 = tpu.memref_slice %arg16[%mul3A_0, %dma_wait3A_267] : memref<10240x16xf32, #tpu.memory_space<vmem_shared>> -> memref<640x16xf32, #tpu.memory_space<vmem_shared>>
        tpu.wait_dma2 semaphore(%run_scoped3A : memref<!tpu.dma_semaphore, #tpu.memory_space<semaphore_mem>>) src(%arg12 : memref<640x16xf32, #tpu.memory_space<vmem>>) dst(%dma_wait3A_268 : memref<640x16xf32, #tpu.memory_space<vmem_shared>>)
        tpu.yield
      }) : () -> ()
    } else {
    }
    %barrier3A_184 = arith.constant 0 : index
    tpu.barrier barrier_id(%barrier3A_184)
    %convert_element_type3A_185 = arith.extui %or3A_180 : i1 to i32
    %cond3A_186 = arith.constant 0 : i32
    %cond3A_187 = arith.cmpi ne, %convert_element_type3A_185, %cond3A_186 : i32
    scf.if %cond3A_187 {
      %dma_start3A = arith.constant 0 : i32
      %dma_start3A_257 = arith.constant 0 : i32
      %dma_start3A_258 = tpu.memref_slice %arg7[%dma_start3A, %dma_start3A_257] : memref<25x800xi32, #tpu.memory_space<vmem>> -> memref<1x800xi32, #tpu.memory_space<vmem>>
      %dma_start3A_259 = tpu.memref_squeeze %dma_start3A_258 : memref<1x800xi32, #tpu.memory_space<vmem>> -> memref<800xi32, #tpu.memory_space<vmem>>
      %dma_start3A_260 = arith.constant 0 : i32
      %dma_start3A_261 = arith.constant 0 : i32
      %dma_start3A_262 = tpu.memref_slice %arg16[%dma_start3A_260, %dma_start3A_261] : memref<10240x16xf32, #tpu.memory_space<vmem_shared>> -> memref<10240x16xf32, #tpu.memory_space<vmem_shared>>
      tpu.enqueue_indirect_dma source(%dma_start3A_262 : memref<10240x16xf32, #tpu.memory_space<vmem_shared>>) target(%arg9 : memref<800x16xf32, #tpu.memory_space<vmem>>) offsets(%dma_start3A_259 : memref<800xi32, #tpu.memory_space<vmem>>) semaphore(%arg18 : memref<!tpu.dma_semaphore, #tpu.memory_space<semaphore_mem>>)
      %scan3A_263 = arith.constant 0 : i32
      %scan3A_264 = arith.constant 0 : i32
      %scan3A_265 = arith.constant 12 : i32
      %scan3A_266 = arith.addi %scan3A_264, %scan3A_265 : i32
      %scan3A_267 = arith.constant 1 : i32
      scf.for %scan3A_275 = %scan3A_264 to %scan3A_266 step %scan3A_267  : i32 {
        %mul3A_276 = arith.constant 2 : i32
        %mul3A_277 = arith.muli %scan3A_275, %mul3A_276 : i32
        %add3A = arith.constant 1 : i32
        %add3A_278 = arith.addi %mul3A_277, %add3A : i32
        %dma_start3A_279 = arith.constant 0 : i32
        %dma_start3A_280 = tpu.memref_slice %arg7[%add3A_278, %dma_start3A_279] : memref<25x800xi32, #tpu.memory_space<vmem>> -> memref<1x800xi32, #tpu.memory_space<vmem>>
        %dma_start3A_281 = tpu.memref_squeeze %dma_start3A_280 : memref<1x800xi32, #tpu.memory_space<vmem>> -> memref<800xi32, #tpu.memory_space<vmem>>
        %dma_start3A_282 = arith.constant 0 : i32
        %dma_start3A_283 = arith.constant 0 : i32
        %dma_start3A_284 = tpu.memref_slice %arg16[%dma_start3A_282, %dma_start3A_283] : memref<10240x16xf32, #tpu.memory_space<vmem_shared>> -> memref<10240x16xf32, #tpu.memory_space<vmem_shared>>
        tpu.enqueue_indirect_dma source(%dma_start3A_284 : memref<10240x16xf32, #tpu.memory_space<vmem_shared>>) target(%arg10 : memref<800x16xf32, #tpu.memory_space<vmem>>) offsets(%dma_start3A_281 : memref<800xi32, #tpu.memory_space<vmem>>) semaphore(%arg19 : memref<!tpu.dma_semaphore, #tpu.memory_space<semaphore_mem>>)
        %dma_wait3A_285 = arith.constant 0 : i32
        %dma_wait3A_286 = tpu.memref_slice %arg7[%mul3A_277, %dma_wait3A_285] : memref<25x800xi32, #tpu.memory_space<vmem>> -> memref<1x800xi32, #tpu.memory_space<vmem>>
        %dma_wait3A_287 = tpu.memref_squeeze %dma_wait3A_286 : memref<1x800xi32, #tpu.memory_space<vmem>> -> memref<800xi32, #tpu.memory_space<vmem>>
        %dma_wait3A_288 = arith.constant 0 : i32
        %dma_wait3A_289 = arith.constant 0 : i32
        %dma_wait3A_290 = tpu.memref_slice %arg16[%dma_wait3A_288, %dma_wait3A_289] : memref<10240x16xf32, #tpu.memory_space<vmem_shared>> -> memref<10240x16xf32, #tpu.memory_space<vmem_shared>>
        tpu.wait_indirect_dma semaphore(%arg18 : memref<!tpu.dma_semaphore, #tpu.memory_space<semaphore_mem>>) src(%dma_wait3A_290 : memref<10240x16xf32, #tpu.memory_space<vmem_shared>>) dst(%arg9 : memref<800x16xf32, #tpu.memory_space<vmem>>)
        "tpu.region"() ({
          %run_scoped3A_305 = tpu.sem_alloc : memref<!tpu.dma_semaphore, #tpu.memory_space<semaphore_mem>>
          %dma_start3A_306 = arith.constant 0 : i32
          %dma_start3A_307 = tpu.memref_slice %arg8[%mul3A_277, %dma_start3A_306] : memref<25x800xi32, #tpu.memory_space<vmem>> -> memref<1x800xi32, #tpu.memory_space<vmem>>
          %dma_start3A_308 = tpu.memref_squeeze %dma_start3A_307 : memref<1x800xi32, #tpu.memory_space<vmem>> -> memref<800xi32, #tpu.memory_space<vmem>>
          %dma_start3A_309 = arith.constant 0 : i32
          %dma_start3A_310 = arith.constant 0 : i32
          %dma_start3A_311 = tpu.memref_slice %arg17[%dma_start3A_309, %dma_start3A_310] : memref<10240x16xf32, #tpu.memory_space<vmem_shared>> -> memref<10240x16xf32, #tpu.memory_space<vmem_shared>>
          tpu.enqueue_indirect_dma source(%arg9 : memref<800x16xf32, #tpu.memory_space<vmem>>) target(%dma_start3A_311 : memref<10240x16xf32, #tpu.memory_space<vmem_shared>>) offsets(%dma_start3A_308 : memref<800xi32, #tpu.memory_space<vmem>>) semaphore(%run_scoped3A_305 : memref<!tpu.dma_semaphore, #tpu.memory_space<semaphore_mem>>) {add = true}
          %dma_wait3A_312 = arith.constant 0 : i32
          %dma_wait3A_313 = tpu.memref_slice %arg8[%mul3A_277, %dma_wait3A_312] : memref<25x800xi32, #tpu.memory_space<vmem>> -> memref<1x800xi32, #tpu.memory_space<vmem>>
          %dma_wait3A_314 = tpu.memref_squeeze %dma_wait3A_313 : memref<1x800xi32, #tpu.memory_space<vmem>> -> memref<800xi32, #tpu.memory_space<vmem>>
          %dma_wait3A_315 = arith.constant 0 : i32
          %dma_wait3A_316 = arith.constant 0 : i32
          %dma_wait3A_317 = tpu.memref_slice %arg17[%dma_wait3A_315, %dma_wait3A_316] : memref<10240x16xf32, #tpu.memory_space<vmem_shared>> -> memref<10240x16xf32, #tpu.memory_space<vmem_shared>>
          tpu.wait_indirect_dma semaphore(%run_scoped3A_305 : memref<!tpu.dma_semaphore, #tpu.memory_space<semaphore_mem>>) src(%arg9 : memref<800x16xf32, #tpu.memory_space<vmem>>) dst(%dma_wait3A_317 : memref<10240x16xf32, #tpu.memory_space<vmem_shared>>)
          tpu.yield
        }) : () -> ()
        %add3A_291 = arith.constant 2 : i32
        %add3A_292 = arith.addi %mul3A_277, %add3A_291 : i32
        %dma_start3A_293 = arith.constant 0 : i32
        %dma_start3A_294 = tpu.memref_slice %arg7[%add3A_292, %dma_start3A_293] : memref<25x800xi32, #tpu.memory_space<vmem>> -> memref<1x800xi32, #tpu.memory_space<vmem>>
        %dma_start3A_295 = tpu.memref_squeeze %dma_start3A_294 : memref<1x800xi32, #tpu.memory_space<vmem>> -> memref<800xi32, #tpu.memory_space<vmem>>
        %dma_start3A_296 = arith.constant 0 : i32
        %dma_start3A_297 = arith.constant 0 : i32
        %dma_start3A_298 = tpu.memref_slice %arg16[%dma_start3A_296, %dma_start3A_297] : memref<10240x16xf32, #tpu.memory_space<vmem_shared>> -> memref<10240x16xf32, #tpu.memory_space<vmem_shared>>
        tpu.enqueue_indirect_dma source(%dma_start3A_298 : memref<10240x16xf32, #tpu.memory_space<vmem_shared>>) target(%arg9 : memref<800x16xf32, #tpu.memory_space<vmem>>) offsets(%dma_start3A_295 : memref<800xi32, #tpu.memory_space<vmem>>) semaphore(%arg18 : memref<!tpu.dma_semaphore, #tpu.memory_space<semaphore_mem>>)
        %dma_wait3A_299 = arith.constant 0 : i32
        %dma_wait3A_300 = tpu.memref_slice %arg7[%add3A_278, %dma_wait3A_299] : memref<25x800xi32, #tpu.memory_space<vmem>> -> memref<1x800xi32, #tpu.memory_space<vmem>>
        %dma_wait3A_301 = tpu.memref_squeeze %dma_wait3A_300 : memref<1x800xi32, #tpu.memory_space<vmem>> -> memref<800xi32, #tpu.memory_space<vmem>>
        %dma_wait3A_302 = arith.constant 0 : i32
        %dma_wait3A_303 = arith.constant 0 : i32
        %dma_wait3A_304 = tpu.memref_slice %arg16[%dma_wait3A_302, %dma_wait3A_303] : memref<10240x16xf32, #tpu.memory_space<vmem_shared>> -> memref<10240x16xf32, #tpu.memory_space<vmem_shared>>
        tpu.wait_indirect_dma semaphore(%arg19 : memref<!tpu.dma_semaphore, #tpu.memory_space<semaphore_mem>>) src(%dma_wait3A_304 : memref<10240x16xf32, #tpu.memory_space<vmem_shared>>) dst(%arg10 : memref<800x16xf32, #tpu.memory_space<vmem>>)
        "tpu.region"() ({
          %run_scoped3A_305 = tpu.sem_alloc : memref<!tpu.dma_semaphore, #tpu.memory_space<semaphore_mem>>
          %dma_start3A_306 = arith.constant 0 : i32
          %dma_start3A_307 = tpu.memref_slice %arg8[%add3A_278, %dma_start3A_306] : memref<25x800xi32, #tpu.memory_space<vmem>> -> memref<1x800xi32, #tpu.memory_space<vmem>>
          %dma_start3A_308 = tpu.memref_squeeze %dma_start3A_307 : memref<1x800xi32, #tpu.memory_space<vmem>> -> memref<800xi32, #tpu.memory_space<vmem>>
          %dma_start3A_309 = arith.constant 0 : i32
          %dma_start3A_310 = arith.constant 0 : i32
          %dma_start3A_311 = tpu.memref_slice %arg17[%dma_start3A_309, %dma_start3A_310] : memref<10240x16xf32, #tpu.memory_space<vmem_shared>> -> memref<10240x16xf32, #tpu.memory_space<vmem_shared>>
          tpu.enqueue_indirect_dma source(%arg10 : memref<800x16xf32, #tpu.memory_space<vmem>>) target(%dma_start3A_311 : memref<10240x16xf32, #tpu.memory_space<vmem_shared>>) offsets(%dma_start3A_308 : memref<800xi32, #tpu.memory_space<vmem>>) semaphore(%run_scoped3A_305 : memref<!tpu.dma_semaphore, #tpu.memory_space<semaphore_mem>>) {add = true}
          %dma_wait3A_312 = arith.constant 0 : i32
          %dma_wait3A_313 = tpu.memref_slice %arg8[%add3A_278, %dma_wait3A_312] : memref<25x800xi32, #tpu.memory_space<vmem>> -> memref<1x800xi32, #tpu.memory_space<vmem>>
          %dma_wait3A_314 = tpu.memref_squeeze %dma_wait3A_313 : memref<1x800xi32, #tpu.memory_space<vmem>> -> memref<800xi32, #tpu.memory_space<vmem>>
          %dma_wait3A_315 = arith.constant 0 : i32
          %dma_wait3A_316 = arith.constant 0 : i32
          %dma_wait3A_317 = tpu.memref_slice %arg17[%dma_wait3A_315, %dma_wait3A_316] : memref<10240x16xf32, #tpu.memory_space<vmem_shared>> -> memref<10240x16xf32, #tpu.memory_space<vmem_shared>>
          tpu.wait_indirect_dma semaphore(%run_scoped3A_305 : memref<!tpu.dma_semaphore, #tpu.memory_space<semaphore_mem>>) src(%arg10 : memref<800x16xf32, #tpu.memory_space<vmem>>) dst(%dma_wait3A_317 : memref<10240x16xf32, #tpu.memory_space<vmem_shared>>)
          tpu.yield
        }) : () -> ()
      }
      %scan3A_268 = arith.constant 12 : i32
      %dma_wait3A = arith.constant 24 : i32
      %dma_wait3A_269 = arith.constant 0 : i32
      %dma_wait3A_270 = tpu.memref_slice %arg7[%dma_wait3A, %dma_wait3A_269] : memref<25x800xi32, #tpu.memory_space<vmem>> -> memref<1x800xi32, #tpu.memory_space<vmem>>
      %dma_wait3A_271 = tpu.memref_squeeze %dma_wait3A_270 : memref<1x800xi32, #tpu.memory_space<vmem>> -> memref<800xi32, #tpu.memory_space<vmem>>
      %dma_wait3A_272 = arith.constant 0 : i32
      %dma_wait3A_273 = arith.constant 0 : i32
      %dma_wait3A_274 = tpu.memref_slice %arg16[%dma_wait3A_272, %dma_wait3A_273] : memref<10240x16xf32, #tpu.memory_space<vmem_shared>> -> memref<10240x16xf32, #tpu.memory_space<vmem_shared>>
      tpu.wait_indirect_dma semaphore(%arg18 : memref<!tpu.dma_semaphore, #tpu.memory_space<semaphore_mem>>) src(%dma_wait3A_274 : memref<10240x16xf32, #tpu.memory_space<vmem_shared>>) dst(%arg9 : memref<800x16xf32, #tpu.memory_space<vmem>>)
      %run_scoped3A = arith.constant 24 : i32
      "tpu.region"() ({
        %run_scoped3A_275 = tpu.sem_alloc : memref<!tpu.dma_semaphore, #tpu.memory_space<semaphore_mem>>
        %dma_start3A_276 = arith.constant 0 : i32
        %dma_start3A_277 = tpu.memref_slice %arg8[%run_scoped3A, %dma_start3A_276] : memref<25x800xi32, #tpu.memory_space<vmem>> -> memref<1x800xi32, #tpu.memory_space<vmem>>
        %dma_start3A_278 = tpu.memref_squeeze %dma_start3A_277 : memref<1x800xi32, #tpu.memory_space<vmem>> -> memref<800xi32, #tpu.memory_space<vmem>>
        %dma_start3A_279 = arith.constant 0 : i32
        %dma_start3A_280 = arith.constant 0 : i32
        %dma_start3A_281 = tpu.memref_slice %arg17[%dma_start3A_279, %dma_start3A_280] : memref<10240x16xf32, #tpu.memory_space<vmem_shared>> -> memref<10240x16xf32, #tpu.memory_space<vmem_shared>>
        tpu.enqueue_indirect_dma source(%arg9 : memref<800x16xf32, #tpu.memory_space<vmem>>) target(%dma_start3A_281 : memref<10240x16xf32, #tpu.memory_space<vmem_shared>>) offsets(%dma_start3A_278 : memref<800xi32, #tpu.memory_space<vmem>>) semaphore(%run_scoped3A_275 : memref<!tpu.dma_semaphore, #tpu.memory_space<semaphore_mem>>) {add = true}
        %dma_wait3A_282 = arith.constant 0 : i32
        %dma_wait3A_283 = tpu.memref_slice %arg8[%run_scoped3A, %dma_wait3A_282] : memref<25x800xi32, #tpu.memory_space<vmem>> -> memref<1x800xi32, #tpu.memory_space<vmem>>
        %dma_wait3A_284 = tpu.memref_squeeze %dma_wait3A_283 : memref<1x800xi32, #tpu.memory_space<vmem>> -> memref<800xi32, #tpu.memory_space<vmem>>
        %dma_wait3A_285 = arith.constant 0 : i32
        %dma_wait3A_286 = arith.constant 0 : i32
        %dma_wait3A_287 = tpu.memref_slice %arg17[%dma_wait3A_285, %dma_wait3A_286] : memref<10240x16xf32, #tpu.memory_space<vmem_shared>> -> memref<10240x16xf32, #tpu.memory_space<vmem_shared>>
        tpu.wait_indirect_dma semaphore(%run_scoped3A_275 : memref<!tpu.dma_semaphore, #tpu.memory_space<semaphore_mem>>) src(%arg9 : memref<800x16xf32, #tpu.memory_space<vmem>>) dst(%dma_wait3A_287 : memref<10240x16xf32, #tpu.memory_space<vmem_shared>>)
        tpu.yield
      }) : () -> ()
    } else {
    }
    %barrier3A_188 = arith.constant 0 : index
    tpu.barrier barrier_id(%barrier3A_188)
    %get3A_189 = arith.constant 4 : i32
    %get3A_190 = arith.index_cast %get3A_189 : i32 to index
    %get3A_191 = arith.constant 0 : index
    %get3A_192 = tpu.vector_load %arg15[%get3A_190, %get3A_191] {strides = array<i32>} : memref<11x16xf32, #tpu.memory_space<vmem>>, vector<16xf32>,
    %slice3A_193 = vector.extract_strided_slice %get3A_192 {offsets = [0], sizes = [1], strides = [1]} : vector<16xf32> to vector<1xf32>
    %squeeze3A_194 = vector.extract %slice3A_193[0] : f32 from vector<1xf32>
    %ne3A_195 = arith.constant 0.000000e+00 : f32
    %ne3A_196 = arith.cmpf one, %squeeze3A_194, %ne3A_195 : f32
    %or3A_197 = arith.ori %or3A_180, %ne3A_196 : i1
    %convert_element_type3A_198 = arith.extui %or3A_197 : i1 to i32
    %cond3A_199 = arith.constant 0 : i32
    %cond3A_200 = arith.cmpi ne, %convert_element_type3A_198, %cond3A_199 : i32
    scf.if %cond3A_200 {
      "tpu.region"() ({
        %run_scoped3A = tpu.sem_alloc : memref<!tpu.dma_semaphore, #tpu.memory_space<semaphore_mem>>
        %dma_start3A = arith.constant 0 : i32
        %dma_start3A_263 = tpu.memref_slice %arg17[%mul3A_0, %dma_start3A] : memref<10240x16xf32, #tpu.memory_space<vmem_shared>> -> memref<640x16xf32, #tpu.memory_space<vmem_shared>>
        %dma_start3A_264 = arith.constant 0 : i32
        %dma_start3A_265 = tpu.memref_slice %arg17[%mul3A_0, %dma_start3A_264] : memref<10240x16xf32, #tpu.memory_space<vmem_shared>> -> memref<640x16xf32, #tpu.memory_space<vmem_shared>>
        tpu.enqueue_dma source(%dma_start3A_265 : memref<640x16xf32, #tpu.memory_space<vmem_shared>>) target(%arg11 : memref<640x16xf32, #tpu.memory_space<vmem>>) target_semaphore(%run_scoped3A : memref<!tpu.dma_semaphore, #tpu.memory_space<semaphore_mem>>)
        %dma_wait3A = arith.constant 0 : i32
        %dma_wait3A_266 = tpu.memref_slice %arg17[%mul3A_0, %dma_wait3A] : memref<10240x16xf32, #tpu.memory_space<vmem_shared>> -> memref<640x16xf32, #tpu.memory_space<vmem_shared>>
        %dma_wait3A_267 = arith.constant 0 : i32
        %dma_wait3A_268 = tpu.memref_slice %arg17[%mul3A_0, %dma_wait3A_267] : memref<10240x16xf32, #tpu.memory_space<vmem_shared>> -> memref<640x16xf32, #tpu.memory_space<vmem_shared>>
        tpu.wait_dma2 semaphore(%run_scoped3A : memref<!tpu.dma_semaphore, #tpu.memory_space<semaphore_mem>>) src(%dma_wait3A_268 : memref<640x16xf32, #tpu.memory_space<vmem_shared>>) dst(%arg11 : memref<640x16xf32, #tpu.memory_space<vmem>>)
        tpu.yield
      }) : () -> ()
      %scan3A_257 = arith.constant 0 : i32
      %scan3A_258 = arith.constant 0 : i32
      %scan3A_259 = arith.constant 640 : i32
      %scan3A_260 = arith.addi %scan3A_258, %scan3A_259 : i32
      %scan3A_261 = arith.constant 1 : i32
      scf.for %scan3A_263 = %scan3A_258 to %scan3A_260 step %scan3A_261  : i32 {
        %get3A_264 = arith.index_cast %scan3A_263 : i32 to index
        %get3A_265 = arith.constant 0 : index
        %get3A_266 = tpu.vector_load %arg14[%get3A_264, %get3A_265] {strides = array<i32>} : memref<640x16xf32, #tpu.memory_space<vmem>>, vector<16xf32>,
        %get3A_267 = arith.index_cast %scan3A_263 : i32 to index
        %get3A_268 = arith.constant 0 : index
        %get3A_269 = tpu.vector_load %arg11[%get3A_267, %get3A_268] {strides = array<i32>} : memref<640x16xf32, #tpu.memory_space<vmem>>, vector<16xf32>,
        %mul3A_270 = arith.mulf %get3A_266, %get3A_269 : vector<16xf32>
        %get3A_271 = arith.index_cast %scan3A_263 : i32 to index
        %get3A_272 = arith.constant 0 : index
        %get3A_273 = tpu.vector_load %arg13[%get3A_271, %get3A_272] {strides = array<i32>} : memref<640x16xf32, #tpu.memory_space<vmem>>, vector<16xf32>,
        %mul3A_274 = arith.mulf %get3A_192, %get3A_273 : vector<16xf32>
        %add3A = arith.addf %mul3A_270, %mul3A_274 : vector<16xf32>
        %swap3A = arith.index_cast %scan3A_263 : i32 to index
        %swap3A_275 = arith.constant 0 : index
        %swap3A_276 = tpu.vector_load %arg12[%swap3A, %swap3A_275] {strides = array<i32>} : memref<640x16xf32, #tpu.memory_space<vmem>>, vector<16xf32>,
        tpu.vector_store %arg12[%swap3A, %swap3A_275], %add3A {strides = array<i32>} : memref<640x16xf32, #tpu.memory_space<vmem>>, vector<16xf32>,
        %broadcast_in_dim3A = arith.constant 0.000000e+00 : f32
        %broadcast_in_dim3A_277 = vector.broadcast %broadcast_in_dim3A : f32 to vector<16xf32>
        %swap3A_278 = arith.index_cast %scan3A_263 : i32 to index
        %swap3A_279 = arith.constant 0 : index
        %swap3A_280 = tpu.vector_load %arg11[%swap3A_278, %swap3A_279] {strides = array<i32>} : memref<640x16xf32, #tpu.memory_space<vmem>>, vector<16xf32>,
        tpu.vector_store %arg11[%swap3A_278, %swap3A_279], %broadcast_in_dim3A_277 {strides = array<i32>} : memref<640x16xf32, #tpu.memory_space<vmem>>, vector<16xf32>,
      }
      %scan3A_262 = arith.constant 640 : i32
      "tpu.region"() ({
        %run_scoped3A = tpu.sem_alloc : memref<!tpu.dma_semaphore, #tpu.memory_space<semaphore_mem>>
        %dma_start3A = arith.constant 0 : i32
        %dma_start3A_263 = tpu.memref_slice %arg17[%mul3A_0, %dma_start3A] : memref<10240x16xf32, #tpu.memory_space<vmem_shared>> -> memref<640x16xf32, #tpu.memory_space<vmem_shared>>
        %dma_start3A_264 = arith.constant 0 : i32
        %dma_start3A_265 = tpu.memref_slice %arg17[%mul3A_0, %dma_start3A_264] : memref<10240x16xf32, #tpu.memory_space<vmem_shared>> -> memref<640x16xf32, #tpu.memory_space<vmem_shared>>
        tpu.enqueue_dma source(%arg11 : memref<640x16xf32, #tpu.memory_space<vmem>>) target(%dma_start3A_265 : memref<640x16xf32, #tpu.memory_space<vmem_shared>>) target_semaphore(%run_scoped3A : memref<!tpu.dma_semaphore, #tpu.memory_space<semaphore_mem>>)
        %dma_wait3A = arith.constant 0 : i32
        %dma_wait3A_266 = tpu.memref_slice %arg17[%mul3A_0, %dma_wait3A] : memref<10240x16xf32, #tpu.memory_space<vmem_shared>> -> memref<640x16xf32, #tpu.memory_space<vmem_shared>>
        %dma_wait3A_267 = arith.constant 0 : i32
        %dma_wait3A_268 = tpu.memref_slice %arg17[%mul3A_0, %dma_wait3A_267] : memref<10240x16xf32, #tpu.memory_space<vmem_shared>> -> memref<640x16xf32, #tpu.memory_space<vmem_shared>>
        tpu.wait_dma2 semaphore(%run_scoped3A : memref<!tpu.dma_semaphore, #tpu.memory_space<semaphore_mem>>) src(%arg11 : memref<640x16xf32, #tpu.memory_space<vmem>>) dst(%dma_wait3A_268 : memref<640x16xf32, #tpu.memory_space<vmem_shared>>)
        tpu.yield
      }) : () -> ()
      "tpu.region"() ({
        %run_scoped3A = tpu.sem_alloc : memref<!tpu.dma_semaphore, #tpu.memory_space<semaphore_mem>>
        %dma_start3A = arith.constant 0 : i32
        %dma_start3A_263 = tpu.memref_slice %arg16[%mul3A_0, %dma_start3A] : memref<10240x16xf32, #tpu.memory_space<vmem_shared>> -> memref<640x16xf32, #tpu.memory_space<vmem_shared>>
        %dma_start3A_264 = arith.constant 0 : i32
        %dma_start3A_265 = tpu.memref_slice %arg16[%mul3A_0, %dma_start3A_264] : memref<10240x16xf32, #tpu.memory_space<vmem_shared>> -> memref<640x16xf32, #tpu.memory_space<vmem_shared>>
        tpu.enqueue_dma source(%arg12 : memref<640x16xf32, #tpu.memory_space<vmem>>) target(%dma_start3A_265 : memref<640x16xf32, #tpu.memory_space<vmem_shared>>) target_semaphore(%run_scoped3A : memref<!tpu.dma_semaphore, #tpu.memory_space<semaphore_mem>>)
        %dma_wait3A = arith.constant 0 : i32
        %dma_wait3A_266 = tpu.memref_slice %arg16[%mul3A_0, %dma_wait3A] : memref<10240x16xf32, #tpu.memory_space<vmem_shared>> -> memref<640x16xf32, #tpu.memory_space<vmem_shared>>
        %dma_wait3A_267 = arith.constant 0 : i32
        %dma_wait3A_268 = tpu.memref_slice %arg16[%mul3A_0, %dma_wait3A_267] : memref<10240x16xf32, #tpu.memory_space<vmem_shared>> -> memref<640x16xf32, #tpu.memory_space<vmem_shared>>
        tpu.wait_dma2 semaphore(%run_scoped3A : memref<!tpu.dma_semaphore, #tpu.memory_space<semaphore_mem>>) src(%arg12 : memref<640x16xf32, #tpu.memory_space<vmem>>) dst(%dma_wait3A_268 : memref<640x16xf32, #tpu.memory_space<vmem_shared>>)
        tpu.yield
      }) : () -> ()
    } else {
    }
    %barrier3A_201 = arith.constant 0 : index
    tpu.barrier barrier_id(%barrier3A_201)
    %convert_element_type3A_202 = arith.extui %or3A_197 : i1 to i32
    %cond3A_203 = arith.constant 0 : i32
    %cond3A_204 = arith.cmpi ne, %convert_element_type3A_202, %cond3A_203 : i32
    scf.if %cond3A_204 {
      %dma_start3A = arith.constant 0 : i32
      %dma_start3A_257 = arith.constant 0 : i32
      %dma_start3A_258 = tpu.memref_slice %arg7[%dma_start3A, %dma_start3A_257] : memref<25x800xi32, #tpu.memory_space<vmem>> -> memref<1x800xi32, #tpu.memory_space<vmem>>
      %dma_start3A_259 = tpu.memref_squeeze %dma_start3A_258 : memref<1x800xi32, #tpu.memory_space<vmem>> -> memref<800xi32, #tpu.memory_space<vmem>>
      %dma_start3A_260 = arith.constant 0 : i32
      %dma_start3A_261 = arith.constant 0 : i32
      %dma_start3A_262 = tpu.memref_slice %arg16[%dma_start3A_260, %dma_start3A_261] : memref<10240x16xf32, #tpu.memory_space<vmem_shared>> -> memref<10240x16xf32, #tpu.memory_space<vmem_shared>>
      tpu.enqueue_indirect_dma source(%dma_start3A_262 : memref<10240x16xf32, #tpu.memory_space<vmem_shared>>) target(%arg9 : memref<800x16xf32, #tpu.memory_space<vmem>>) offsets(%dma_start3A_259 : memref<800xi32, #tpu.memory_space<vmem>>) semaphore(%arg18 : memref<!tpu.dma_semaphore, #tpu.memory_space<semaphore_mem>>)
      %scan3A_263 = arith.constant 0 : i32
      %scan3A_264 = arith.constant 0 : i32
      %scan3A_265 = arith.constant 12 : i32
      %scan3A_266 = arith.addi %scan3A_264, %scan3A_265 : i32
      %scan3A_267 = arith.constant 1 : i32
      scf.for %scan3A_275 = %scan3A_264 to %scan3A_266 step %scan3A_267  : i32 {
        %mul3A_276 = arith.constant 2 : i32
        %mul3A_277 = arith.muli %scan3A_275, %mul3A_276 : i32
        %add3A = arith.constant 1 : i32
        %add3A_278 = arith.addi %mul3A_277, %add3A : i32
        %dma_start3A_279 = arith.constant 0 : i32
        %dma_start3A_280 = tpu.memref_slice %arg7[%add3A_278, %dma_start3A_279] : memref<25x800xi32, #tpu.memory_space<vmem>> -> memref<1x800xi32, #tpu.memory_space<vmem>>
        %dma_start3A_281 = tpu.memref_squeeze %dma_start3A_280 : memref<1x800xi32, #tpu.memory_space<vmem>> -> memref<800xi32, #tpu.memory_space<vmem>>
        %dma_start3A_282 = arith.constant 0 : i32
        %dma_start3A_283 = arith.constant 0 : i32
        %dma_start3A_284 = tpu.memref_slice %arg16[%dma_start3A_282, %dma_start3A_283] : memref<10240x16xf32, #tpu.memory_space<vmem_shared>> -> memref<10240x16xf32, #tpu.memory_space<vmem_shared>>
        tpu.enqueue_indirect_dma source(%dma_start3A_284 : memref<10240x16xf32, #tpu.memory_space<vmem_shared>>) target(%arg10 : memref<800x16xf32, #tpu.memory_space<vmem>>) offsets(%dma_start3A_281 : memref<800xi32, #tpu.memory_space<vmem>>) semaphore(%arg19 : memref<!tpu.dma_semaphore, #tpu.memory_space<semaphore_mem>>)
        %dma_wait3A_285 = arith.constant 0 : i32
        %dma_wait3A_286 = tpu.memref_slice %arg7[%mul3A_277, %dma_wait3A_285] : memref<25x800xi32, #tpu.memory_space<vmem>> -> memref<1x800xi32, #tpu.memory_space<vmem>>
        %dma_wait3A_287 = tpu.memref_squeeze %dma_wait3A_286 : memref<1x800xi32, #tpu.memory_space<vmem>> -> memref<800xi32, #tpu.memory_space<vmem>>
        %dma_wait3A_288 = arith.constant 0 : i32
        %dma_wait3A_289 = arith.constant 0 : i32
        %dma_wait3A_290 = tpu.memref_slice %arg16[%dma_wait3A_288, %dma_wait3A_289] : memref<10240x16xf32, #tpu.memory_space<vmem_shared>> -> memref<10240x16xf32, #tpu.memory_space<vmem_shared>>
        tpu.wait_indirect_dma semaphore(%arg18 : memref<!tpu.dma_semaphore, #tpu.memory_space<semaphore_mem>>) src(%dma_wait3A_290 : memref<10240x16xf32, #tpu.memory_space<vmem_shared>>) dst(%arg9 : memref<800x16xf32, #tpu.memory_space<vmem>>)
        "tpu.region"() ({
          %run_scoped3A_305 = tpu.sem_alloc : memref<!tpu.dma_semaphore, #tpu.memory_space<semaphore_mem>>
          %dma_start3A_306 = arith.constant 0 : i32
          %dma_start3A_307 = tpu.memref_slice %arg8[%mul3A_277, %dma_start3A_306] : memref<25x800xi32, #tpu.memory_space<vmem>> -> memref<1x800xi32, #tpu.memory_space<vmem>>
          %dma_start3A_308 = tpu.memref_squeeze %dma_start3A_307 : memref<1x800xi32, #tpu.memory_space<vmem>> -> memref<800xi32, #tpu.memory_space<vmem>>
          %dma_start3A_309 = arith.constant 0 : i32
          %dma_start3A_310 = arith.constant 0 : i32
          %dma_start3A_311 = tpu.memref_slice %arg17[%dma_start3A_309, %dma_start3A_310] : memref<10240x16xf32, #tpu.memory_space<vmem_shared>> -> memref<10240x16xf32, #tpu.memory_space<vmem_shared>>
          tpu.enqueue_indirect_dma source(%arg9 : memref<800x16xf32, #tpu.memory_space<vmem>>) target(%dma_start3A_311 : memref<10240x16xf32, #tpu.memory_space<vmem_shared>>) offsets(%dma_start3A_308 : memref<800xi32, #tpu.memory_space<vmem>>) semaphore(%run_scoped3A_305 : memref<!tpu.dma_semaphore, #tpu.memory_space<semaphore_mem>>) {add = true}
          %dma_wait3A_312 = arith.constant 0 : i32
          %dma_wait3A_313 = tpu.memref_slice %arg8[%mul3A_277, %dma_wait3A_312] : memref<25x800xi32, #tpu.memory_space<vmem>> -> memref<1x800xi32, #tpu.memory_space<vmem>>
          %dma_wait3A_314 = tpu.memref_squeeze %dma_wait3A_313 : memref<1x800xi32, #tpu.memory_space<vmem>> -> memref<800xi32, #tpu.memory_space<vmem>>
          %dma_wait3A_315 = arith.constant 0 : i32
          %dma_wait3A_316 = arith.constant 0 : i32
          %dma_wait3A_317 = tpu.memref_slice %arg17[%dma_wait3A_315, %dma_wait3A_316] : memref<10240x16xf32, #tpu.memory_space<vmem_shared>> -> memref<10240x16xf32, #tpu.memory_space<vmem_shared>>
          tpu.wait_indirect_dma semaphore(%run_scoped3A_305 : memref<!tpu.dma_semaphore, #tpu.memory_space<semaphore_mem>>) src(%arg9 : memref<800x16xf32, #tpu.memory_space<vmem>>) dst(%dma_wait3A_317 : memref<10240x16xf32, #tpu.memory_space<vmem_shared>>)
          tpu.yield
        }) : () -> ()
        %add3A_291 = arith.constant 2 : i32
        %add3A_292 = arith.addi %mul3A_277, %add3A_291 : i32
        %dma_start3A_293 = arith.constant 0 : i32
        %dma_start3A_294 = tpu.memref_slice %arg7[%add3A_292, %dma_start3A_293] : memref<25x800xi32, #tpu.memory_space<vmem>> -> memref<1x800xi32, #tpu.memory_space<vmem>>
        %dma_start3A_295 = tpu.memref_squeeze %dma_start3A_294 : memref<1x800xi32, #tpu.memory_space<vmem>> -> memref<800xi32, #tpu.memory_space<vmem>>
        %dma_start3A_296 = arith.constant 0 : i32
        %dma_start3A_297 = arith.constant 0 : i32
        %dma_start3A_298 = tpu.memref_slice %arg16[%dma_start3A_296, %dma_start3A_297] : memref<10240x16xf32, #tpu.memory_space<vmem_shared>> -> memref<10240x16xf32, #tpu.memory_space<vmem_shared>>
        tpu.enqueue_indirect_dma source(%dma_start3A_298 : memref<10240x16xf32, #tpu.memory_space<vmem_shared>>) target(%arg9 : memref<800x16xf32, #tpu.memory_space<vmem>>) offsets(%dma_start3A_295 : memref<800xi32, #tpu.memory_space<vmem>>) semaphore(%arg18 : memref<!tpu.dma_semaphore, #tpu.memory_space<semaphore_mem>>)
        %dma_wait3A_299 = arith.constant 0 : i32
        %dma_wait3A_300 = tpu.memref_slice %arg7[%add3A_278, %dma_wait3A_299] : memref<25x800xi32, #tpu.memory_space<vmem>> -> memref<1x800xi32, #tpu.memory_space<vmem>>
        %dma_wait3A_301 = tpu.memref_squeeze %dma_wait3A_300 : memref<1x800xi32, #tpu.memory_space<vmem>> -> memref<800xi32, #tpu.memory_space<vmem>>
        %dma_wait3A_302 = arith.constant 0 : i32
        %dma_wait3A_303 = arith.constant 0 : i32
        %dma_wait3A_304 = tpu.memref_slice %arg16[%dma_wait3A_302, %dma_wait3A_303] : memref<10240x16xf32, #tpu.memory_space<vmem_shared>> -> memref<10240x16xf32, #tpu.memory_space<vmem_shared>>
        tpu.wait_indirect_dma semaphore(%arg19 : memref<!tpu.dma_semaphore, #tpu.memory_space<semaphore_mem>>) src(%dma_wait3A_304 : memref<10240x16xf32, #tpu.memory_space<vmem_shared>>) dst(%arg10 : memref<800x16xf32, #tpu.memory_space<vmem>>)
        "tpu.region"() ({
          %run_scoped3A_305 = tpu.sem_alloc : memref<!tpu.dma_semaphore, #tpu.memory_space<semaphore_mem>>
          %dma_start3A_306 = arith.constant 0 : i32
          %dma_start3A_307 = tpu.memref_slice %arg8[%add3A_278, %dma_start3A_306] : memref<25x800xi32, #tpu.memory_space<vmem>> -> memref<1x800xi32, #tpu.memory_space<vmem>>
          %dma_start3A_308 = tpu.memref_squeeze %dma_start3A_307 : memref<1x800xi32, #tpu.memory_space<vmem>> -> memref<800xi32, #tpu.memory_space<vmem>>
          %dma_start3A_309 = arith.constant 0 : i32
          %dma_start3A_310 = arith.constant 0 : i32
          %dma_start3A_311 = tpu.memref_slice %arg17[%dma_start3A_309, %dma_start3A_310] : memref<10240x16xf32, #tpu.memory_space<vmem_shared>> -> memref<10240x16xf32, #tpu.memory_space<vmem_shared>>
          tpu.enqueue_indirect_dma source(%arg10 : memref<800x16xf32, #tpu.memory_space<vmem>>) target(%dma_start3A_311 : memref<10240x16xf32, #tpu.memory_space<vmem_shared>>) offsets(%dma_start3A_308 : memref<800xi32, #tpu.memory_space<vmem>>) semaphore(%run_scoped3A_305 : memref<!tpu.dma_semaphore, #tpu.memory_space<semaphore_mem>>) {add = true}
          %dma_wait3A_312 = arith.constant 0 : i32
          %dma_wait3A_313 = tpu.memref_slice %arg8[%add3A_278, %dma_wait3A_312] : memref<25x800xi32, #tpu.memory_space<vmem>> -> memref<1x800xi32, #tpu.memory_space<vmem>>
          %dma_wait3A_314 = tpu.memref_squeeze %dma_wait3A_313 : memref<1x800xi32, #tpu.memory_space<vmem>> -> memref<800xi32, #tpu.memory_space<vmem>>
          %dma_wait3A_315 = arith.constant 0 : i32
          %dma_wait3A_316 = arith.constant 0 : i32
          %dma_wait3A_317 = tpu.memref_slice %arg17[%dma_wait3A_315, %dma_wait3A_316] : memref<10240x16xf32, #tpu.memory_space<vmem_shared>> -> memref<10240x16xf32, #tpu.memory_space<vmem_shared>>
          tpu.wait_indirect_dma semaphore(%run_scoped3A_305 : memref<!tpu.dma_semaphore, #tpu.memory_space<semaphore_mem>>) src(%arg10 : memref<800x16xf32, #tpu.memory_space<vmem>>) dst(%dma_wait3A_317 : memref<10240x16xf32, #tpu.memory_space<vmem_shared>>)
          tpu.yield
        }) : () -> ()
      }
      %scan3A_268 = arith.constant 12 : i32
      %dma_wait3A = arith.constant 24 : i32
      %dma_wait3A_269 = arith.constant 0 : i32
      %dma_wait3A_270 = tpu.memref_slice %arg7[%dma_wait3A, %dma_wait3A_269] : memref<25x800xi32, #tpu.memory_space<vmem>> -> memref<1x800xi32, #tpu.memory_space<vmem>>
      %dma_wait3A_271 = tpu.memref_squeeze %dma_wait3A_270 : memref<1x800xi32, #tpu.memory_space<vmem>> -> memref<800xi32, #tpu.memory_space<vmem>>
      %dma_wait3A_272 = arith.constant 0 : i32
      %dma_wait3A_273 = arith.constant 0 : i32
      %dma_wait3A_274 = tpu.memref_slice %arg16[%dma_wait3A_272, %dma_wait3A_273] : memref<10240x16xf32, #tpu.memory_space<vmem_shared>> -> memref<10240x16xf32, #tpu.memory_space<vmem_shared>>
      tpu.wait_indirect_dma semaphore(%arg18 : memref<!tpu.dma_semaphore, #tpu.memory_space<semaphore_mem>>) src(%dma_wait3A_274 : memref<10240x16xf32, #tpu.memory_space<vmem_shared>>) dst(%arg9 : memref<800x16xf32, #tpu.memory_space<vmem>>)
      %run_scoped3A = arith.constant 24 : i32
      "tpu.region"() ({
        %run_scoped3A_275 = tpu.sem_alloc : memref<!tpu.dma_semaphore, #tpu.memory_space<semaphore_mem>>
        %dma_start3A_276 = arith.constant 0 : i32
        %dma_start3A_277 = tpu.memref_slice %arg8[%run_scoped3A, %dma_start3A_276] : memref<25x800xi32, #tpu.memory_space<vmem>> -> memref<1x800xi32, #tpu.memory_space<vmem>>
        %dma_start3A_278 = tpu.memref_squeeze %dma_start3A_277 : memref<1x800xi32, #tpu.memory_space<vmem>> -> memref<800xi32, #tpu.memory_space<vmem>>
        %dma_start3A_279 = arith.constant 0 : i32
        %dma_start3A_280 = arith.constant 0 : i32
        %dma_start3A_281 = tpu.memref_slice %arg17[%dma_start3A_279, %dma_start3A_280] : memref<10240x16xf32, #tpu.memory_space<vmem_shared>> -> memref<10240x16xf32, #tpu.memory_space<vmem_shared>>
        tpu.enqueue_indirect_dma source(%arg9 : memref<800x16xf32, #tpu.memory_space<vmem>>) target(%dma_start3A_281 : memref<10240x16xf32, #tpu.memory_space<vmem_shared>>) offsets(%dma_start3A_278 : memref<800xi32, #tpu.memory_space<vmem>>) semaphore(%run_scoped3A_275 : memref<!tpu.dma_semaphore, #tpu.memory_space<semaphore_mem>>) {add = true}
        %dma_wait3A_282 = arith.constant 0 : i32
        %dma_wait3A_283 = tpu.memref_slice %arg8[%run_scoped3A, %dma_wait3A_282] : memref<25x800xi32, #tpu.memory_space<vmem>> -> memref<1x800xi32, #tpu.memory_space<vmem>>
        %dma_wait3A_284 = tpu.memref_squeeze %dma_wait3A_283 : memref<1x800xi32, #tpu.memory_space<vmem>> -> memref<800xi32, #tpu.memory_space<vmem>>
        %dma_wait3A_285 = arith.constant 0 : i32
        %dma_wait3A_286 = arith.constant 0 : i32
        %dma_wait3A_287 = tpu.memref_slice %arg17[%dma_wait3A_285, %dma_wait3A_286] : memref<10240x16xf32, #tpu.memory_space<vmem_shared>> -> memref<10240x16xf32, #tpu.memory_space<vmem_shared>>
        tpu.wait_indirect_dma semaphore(%run_scoped3A_275 : memref<!tpu.dma_semaphore, #tpu.memory_space<semaphore_mem>>) src(%arg9 : memref<800x16xf32, #tpu.memory_space<vmem>>) dst(%dma_wait3A_287 : memref<10240x16xf32, #tpu.memory_space<vmem_shared>>)
        tpu.yield
      }) : () -> ()
    } else {
    }
    %barrier3A_205 = arith.constant 0 : index
    tpu.barrier barrier_id(%barrier3A_205)
    %get3A_206 = arith.constant 3 : i32
    %get3A_207 = arith.index_cast %get3A_206 : i32 to index
    %get3A_208 = arith.constant 0 : index
    %get3A_209 = tpu.vector_load %arg15[%get3A_207, %get3A_208] {strides = array<i32>} : memref<11x16xf32, #tpu.memory_space<vmem>>, vector<16xf32>,
    %slice3A_210 = vector.extract_strided_slice %get3A_209 {offsets = [0], sizes = [1], strides = [1]} : vector<16xf32> to vector<1xf32>
    %squeeze3A_211 = vector.extract %slice3A_210[0] : f32 from vector<1xf32>
    %ne3A_212 = arith.constant 0.000000e+00 : f32
    %ne3A_213 = arith.cmpf one, %squeeze3A_211, %ne3A_212 : f32
    %or3A_214 = arith.ori %or3A_197, %ne3A_213 : i1
    %convert_element_type3A_215 = arith.extui %or3A_214 : i1 to i32
    %cond3A_216 = arith.constant 0 : i32
    %cond3A_217 = arith.cmpi ne, %convert_element_type3A_215, %cond3A_216 : i32
    scf.if %cond3A_217 {
      "tpu.region"() ({
        %run_scoped3A = tpu.sem_alloc : memref<!tpu.dma_semaphore, #tpu.memory_space<semaphore_mem>>
        %dma_start3A = arith.constant 0 : i32
        %dma_start3A_263 = tpu.memref_slice %arg17[%mul3A_0, %dma_start3A] : memref<10240x16xf32, #tpu.memory_space<vmem_shared>> -> memref<640x16xf32, #tpu.memory_space<vmem_shared>>
        %dma_start3A_264 = arith.constant 0 : i32
        %dma_start3A_265 = tpu.memref_slice %arg17[%mul3A_0, %dma_start3A_264] : memref<10240x16xf32, #tpu.memory_space<vmem_shared>> -> memref<640x16xf32, #tpu.memory_space<vmem_shared>>
        tpu.enqueue_dma source(%dma_start3A_265 : memref<640x16xf32, #tpu.memory_space<vmem_shared>>) target(%arg11 : memref<640x16xf32, #tpu.memory_space<vmem>>) target_semaphore(%run_scoped3A : memref<!tpu.dma_semaphore, #tpu.memory_space<semaphore_mem>>)
        %dma_wait3A = arith.constant 0 : i32
        %dma_wait3A_266 = tpu.memref_slice %arg17[%mul3A_0, %dma_wait3A] : memref<10240x16xf32, #tpu.memory_space<vmem_shared>> -> memref<640x16xf32, #tpu.memory_space<vmem_shared>>
        %dma_wait3A_267 = arith.constant 0 : i32
        %dma_wait3A_268 = tpu.memref_slice %arg17[%mul3A_0, %dma_wait3A_267] : memref<10240x16xf32, #tpu.memory_space<vmem_shared>> -> memref<640x16xf32, #tpu.memory_space<vmem_shared>>
        tpu.wait_dma2 semaphore(%run_scoped3A : memref<!tpu.dma_semaphore, #tpu.memory_space<semaphore_mem>>) src(%dma_wait3A_268 : memref<640x16xf32, #tpu.memory_space<vmem_shared>>) dst(%arg11 : memref<640x16xf32, #tpu.memory_space<vmem>>)
        tpu.yield
      }) : () -> ()
      %scan3A_257 = arith.constant 0 : i32
      %scan3A_258 = arith.constant 0 : i32
      %scan3A_259 = arith.constant 640 : i32
      %scan3A_260 = arith.addi %scan3A_258, %scan3A_259 : i32
      %scan3A_261 = arith.constant 1 : i32
      scf.for %scan3A_263 = %scan3A_258 to %scan3A_260 step %scan3A_261  : i32 {
        %get3A_264 = arith.index_cast %scan3A_263 : i32 to index
        %get3A_265 = arith.constant 0 : index
        %get3A_266 = tpu.vector_load %arg14[%get3A_264, %get3A_265] {strides = array<i32>} : memref<640x16xf32, #tpu.memory_space<vmem>>, vector<16xf32>,
        %get3A_267 = arith.index_cast %scan3A_263 : i32 to index
        %get3A_268 = arith.constant 0 : index
        %get3A_269 = tpu.vector_load %arg11[%get3A_267, %get3A_268] {strides = array<i32>} : memref<640x16xf32, #tpu.memory_space<vmem>>, vector<16xf32>,
        %mul3A_270 = arith.mulf %get3A_266, %get3A_269 : vector<16xf32>
        %get3A_271 = arith.index_cast %scan3A_263 : i32 to index
        %get3A_272 = arith.constant 0 : index
        %get3A_273 = tpu.vector_load %arg13[%get3A_271, %get3A_272] {strides = array<i32>} : memref<640x16xf32, #tpu.memory_space<vmem>>, vector<16xf32>,
        %mul3A_274 = arith.mulf %get3A_209, %get3A_273 : vector<16xf32>
        %add3A = arith.addf %mul3A_270, %mul3A_274 : vector<16xf32>
        %swap3A = arith.index_cast %scan3A_263 : i32 to index
        %swap3A_275 = arith.constant 0 : index
        %swap3A_276 = tpu.vector_load %arg12[%swap3A, %swap3A_275] {strides = array<i32>} : memref<640x16xf32, #tpu.memory_space<vmem>>, vector<16xf32>,
        tpu.vector_store %arg12[%swap3A, %swap3A_275], %add3A {strides = array<i32>} : memref<640x16xf32, #tpu.memory_space<vmem>>, vector<16xf32>,
        %broadcast_in_dim3A = arith.constant 0.000000e+00 : f32
        %broadcast_in_dim3A_277 = vector.broadcast %broadcast_in_dim3A : f32 to vector<16xf32>
        %swap3A_278 = arith.index_cast %scan3A_263 : i32 to index
        %swap3A_279 = arith.constant 0 : index
        %swap3A_280 = tpu.vector_load %arg11[%swap3A_278, %swap3A_279] {strides = array<i32>} : memref<640x16xf32, #tpu.memory_space<vmem>>, vector<16xf32>,
        tpu.vector_store %arg11[%swap3A_278, %swap3A_279], %broadcast_in_dim3A_277 {strides = array<i32>} : memref<640x16xf32, #tpu.memory_space<vmem>>, vector<16xf32>,
      }
      %scan3A_262 = arith.constant 640 : i32
      "tpu.region"() ({
        %run_scoped3A = tpu.sem_alloc : memref<!tpu.dma_semaphore, #tpu.memory_space<semaphore_mem>>
        %dma_start3A = arith.constant 0 : i32
        %dma_start3A_263 = tpu.memref_slice %arg17[%mul3A_0, %dma_start3A] : memref<10240x16xf32, #tpu.memory_space<vmem_shared>> -> memref<640x16xf32, #tpu.memory_space<vmem_shared>>
        %dma_start3A_264 = arith.constant 0 : i32
        %dma_start3A_265 = tpu.memref_slice %arg17[%mul3A_0, %dma_start3A_264] : memref<10240x16xf32, #tpu.memory_space<vmem_shared>> -> memref<640x16xf32, #tpu.memory_space<vmem_shared>>
        tpu.enqueue_dma source(%arg11 : memref<640x16xf32, #tpu.memory_space<vmem>>) target(%dma_start3A_265 : memref<640x16xf32, #tpu.memory_space<vmem_shared>>) target_semaphore(%run_scoped3A : memref<!tpu.dma_semaphore, #tpu.memory_space<semaphore_mem>>)
        %dma_wait3A = arith.constant 0 : i32
        %dma_wait3A_266 = tpu.memref_slice %arg17[%mul3A_0, %dma_wait3A] : memref<10240x16xf32, #tpu.memory_space<vmem_shared>> -> memref<640x16xf32, #tpu.memory_space<vmem_shared>>
        %dma_wait3A_267 = arith.constant 0 : i32
        %dma_wait3A_268 = tpu.memref_slice %arg17[%mul3A_0, %dma_wait3A_267] : memref<10240x16xf32, #tpu.memory_space<vmem_shared>> -> memref<640x16xf32, #tpu.memory_space<vmem_shared>>
        tpu.wait_dma2 semaphore(%run_scoped3A : memref<!tpu.dma_semaphore, #tpu.memory_space<semaphore_mem>>) src(%arg11 : memref<640x16xf32, #tpu.memory_space<vmem>>) dst(%dma_wait3A_268 : memref<640x16xf32, #tpu.memory_space<vmem_shared>>)
        tpu.yield
      }) : () -> ()
      "tpu.region"() ({
        %run_scoped3A = tpu.sem_alloc : memref<!tpu.dma_semaphore, #tpu.memory_space<semaphore_mem>>
        %dma_start3A = arith.constant 0 : i32
        %dma_start3A_263 = tpu.memref_slice %arg16[%mul3A_0, %dma_start3A] : memref<10240x16xf32, #tpu.memory_space<vmem_shared>> -> memref<640x16xf32, #tpu.memory_space<vmem_shared>>
        %dma_start3A_264 = arith.constant 0 : i32
        %dma_start3A_265 = tpu.memref_slice %arg16[%mul3A_0, %dma_start3A_264] : memref<10240x16xf32, #tpu.memory_space<vmem_shared>> -> memref<640x16xf32, #tpu.memory_space<vmem_shared>>
        tpu.enqueue_dma source(%arg12 : memref<640x16xf32, #tpu.memory_space<vmem>>) target(%dma_start3A_265 : memref<640x16xf32, #tpu.memory_space<vmem_shared>>) target_semaphore(%run_scoped3A : memref<!tpu.dma_semaphore, #tpu.memory_space<semaphore_mem>>)
        %dma_wait3A = arith.constant 0 : i32
        %dma_wait3A_266 = tpu.memref_slice %arg16[%mul3A_0, %dma_wait3A] : memref<10240x16xf32, #tpu.memory_space<vmem_shared>> -> memref<640x16xf32, #tpu.memory_space<vmem_shared>>
        %dma_wait3A_267 = arith.constant 0 : i32
        %dma_wait3A_268 = tpu.memref_slice %arg16[%mul3A_0, %dma_wait3A_267] : memref<10240x16xf32, #tpu.memory_space<vmem_shared>> -> memref<640x16xf32, #tpu.memory_space<vmem_shared>>
        tpu.wait_dma2 semaphore(%run_scoped3A : memref<!tpu.dma_semaphore, #tpu.memory_space<semaphore_mem>>) src(%arg12 : memref<640x16xf32, #tpu.memory_space<vmem>>) dst(%dma_wait3A_268 : memref<640x16xf32, #tpu.memory_space<vmem_shared>>)
        tpu.yield
      }) : () -> ()
    } else {
    }
    %barrier3A_218 = arith.constant 0 : index
    tpu.barrier barrier_id(%barrier3A_218)
    %convert_element_type3A_219 = arith.extui %or3A_214 : i1 to i32
    %cond3A_220 = arith.constant 0 : i32
    %cond3A_221 = arith.cmpi ne, %convert_element_type3A_219, %cond3A_220 : i32
    scf.if %cond3A_221 {
      %dma_start3A = arith.constant 0 : i32
      %dma_start3A_257 = arith.constant 0 : i32
      %dma_start3A_258 = tpu.memref_slice %arg7[%dma_start3A, %dma_start3A_257] : memref<25x800xi32, #tpu.memory_space<vmem>> -> memref<1x800xi32, #tpu.memory_space<vmem>>
      %dma_start3A_259 = tpu.memref_squeeze %dma_start3A_258 : memref<1x800xi32, #tpu.memory_space<vmem>> -> memref<800xi32, #tpu.memory_space<vmem>>
      %dma_start3A_260 = arith.constant 0 : i32
      %dma_start3A_261 = arith.constant 0 : i32
      %dma_start3A_262 = tpu.memref_slice %arg16[%dma_start3A_260, %dma_start3A_261] : memref<10240x16xf32, #tpu.memory_space<vmem_shared>> -> memref<10240x16xf32, #tpu.memory_space<vmem_shared>>
      tpu.enqueue_indirect_dma source(%dma_start3A_262 : memref<10240x16xf32, #tpu.memory_space<vmem_shared>>) target(%arg9 : memref<800x16xf32, #tpu.memory_space<vmem>>) offsets(%dma_start3A_259 : memref<800xi32, #tpu.memory_space<vmem>>) semaphore(%arg18 : memref<!tpu.dma_semaphore, #tpu.memory_space<semaphore_mem>>)
      %scan3A_263 = arith.constant 0 : i32
      %scan3A_264 = arith.constant 0 : i32
      %scan3A_265 = arith.constant 12 : i32
      %scan3A_266 = arith.addi %scan3A_264, %scan3A_265 : i32
      %scan3A_267 = arith.constant 1 : i32
      scf.for %scan3A_275 = %scan3A_264 to %scan3A_266 step %scan3A_267  : i32 {
        %mul3A_276 = arith.constant 2 : i32
        %mul3A_277 = arith.muli %scan3A_275, %mul3A_276 : i32
        %add3A = arith.constant 1 : i32
        %add3A_278 = arith.addi %mul3A_277, %add3A : i32
        %dma_start3A_279 = arith.constant 0 : i32
        %dma_start3A_280 = tpu.memref_slice %arg7[%add3A_278, %dma_start3A_279] : memref<25x800xi32, #tpu.memory_space<vmem>> -> memref<1x800xi32, #tpu.memory_space<vmem>>
        %dma_start3A_281 = tpu.memref_squeeze %dma_start3A_280 : memref<1x800xi32, #tpu.memory_space<vmem>> -> memref<800xi32, #tpu.memory_space<vmem>>
        %dma_start3A_282 = arith.constant 0 : i32
        %dma_start3A_283 = arith.constant 0 : i32
        %dma_start3A_284 = tpu.memref_slice %arg16[%dma_start3A_282, %dma_start3A_283] : memref<10240x16xf32, #tpu.memory_space<vmem_shared>> -> memref<10240x16xf32, #tpu.memory_space<vmem_shared>>
        tpu.enqueue_indirect_dma source(%dma_start3A_284 : memref<10240x16xf32, #tpu.memory_space<vmem_shared>>) target(%arg10 : memref<800x16xf32, #tpu.memory_space<vmem>>) offsets(%dma_start3A_281 : memref<800xi32, #tpu.memory_space<vmem>>) semaphore(%arg19 : memref<!tpu.dma_semaphore, #tpu.memory_space<semaphore_mem>>)
        %dma_wait3A_285 = arith.constant 0 : i32
        %dma_wait3A_286 = tpu.memref_slice %arg7[%mul3A_277, %dma_wait3A_285] : memref<25x800xi32, #tpu.memory_space<vmem>> -> memref<1x800xi32, #tpu.memory_space<vmem>>
        %dma_wait3A_287 = tpu.memref_squeeze %dma_wait3A_286 : memref<1x800xi32, #tpu.memory_space<vmem>> -> memref<800xi32, #tpu.memory_space<vmem>>
        %dma_wait3A_288 = arith.constant 0 : i32
        %dma_wait3A_289 = arith.constant 0 : i32
        %dma_wait3A_290 = tpu.memref_slice %arg16[%dma_wait3A_288, %dma_wait3A_289] : memref<10240x16xf32, #tpu.memory_space<vmem_shared>> -> memref<10240x16xf32, #tpu.memory_space<vmem_shared>>
        tpu.wait_indirect_dma semaphore(%arg18 : memref<!tpu.dma_semaphore, #tpu.memory_space<semaphore_mem>>) src(%dma_wait3A_290 : memref<10240x16xf32, #tpu.memory_space<vmem_shared>>) dst(%arg9 : memref<800x16xf32, #tpu.memory_space<vmem>>)
        "tpu.region"() ({
          %run_scoped3A_305 = tpu.sem_alloc : memref<!tpu.dma_semaphore, #tpu.memory_space<semaphore_mem>>
          %dma_start3A_306 = arith.constant 0 : i32
          %dma_start3A_307 = tpu.memref_slice %arg8[%mul3A_277, %dma_start3A_306] : memref<25x800xi32, #tpu.memory_space<vmem>> -> memref<1x800xi32, #tpu.memory_space<vmem>>
          %dma_start3A_308 = tpu.memref_squeeze %dma_start3A_307 : memref<1x800xi32, #tpu.memory_space<vmem>> -> memref<800xi32, #tpu.memory_space<vmem>>
          %dma_start3A_309 = arith.constant 0 : i32
          %dma_start3A_310 = arith.constant 0 : i32
          %dma_start3A_311 = tpu.memref_slice %arg17[%dma_start3A_309, %dma_start3A_310] : memref<10240x16xf32, #tpu.memory_space<vmem_shared>> -> memref<10240x16xf32, #tpu.memory_space<vmem_shared>>
          tpu.enqueue_indirect_dma source(%arg9 : memref<800x16xf32, #tpu.memory_space<vmem>>) target(%dma_start3A_311 : memref<10240x16xf32, #tpu.memory_space<vmem_shared>>) offsets(%dma_start3A_308 : memref<800xi32, #tpu.memory_space<vmem>>) semaphore(%run_scoped3A_305 : memref<!tpu.dma_semaphore, #tpu.memory_space<semaphore_mem>>) {add = true}
          %dma_wait3A_312 = arith.constant 0 : i32
          %dma_wait3A_313 = tpu.memref_slice %arg8[%mul3A_277, %dma_wait3A_312] : memref<25x800xi32, #tpu.memory_space<vmem>> -> memref<1x800xi32, #tpu.memory_space<vmem>>
          %dma_wait3A_314 = tpu.memref_squeeze %dma_wait3A_313 : memref<1x800xi32, #tpu.memory_space<vmem>> -> memref<800xi32, #tpu.memory_space<vmem>>
          %dma_wait3A_315 = arith.constant 0 : i32
          %dma_wait3A_316 = arith.constant 0 : i32
          %dma_wait3A_317 = tpu.memref_slice %arg17[%dma_wait3A_315, %dma_wait3A_316] : memref<10240x16xf32, #tpu.memory_space<vmem_shared>> -> memref<10240x16xf32, #tpu.memory_space<vmem_shared>>
          tpu.wait_indirect_dma semaphore(%run_scoped3A_305 : memref<!tpu.dma_semaphore, #tpu.memory_space<semaphore_mem>>) src(%arg9 : memref<800x16xf32, #tpu.memory_space<vmem>>) dst(%dma_wait3A_317 : memref<10240x16xf32, #tpu.memory_space<vmem_shared>>)
          tpu.yield
        }) : () -> ()
        %add3A_291 = arith.constant 2 : i32
        %add3A_292 = arith.addi %mul3A_277, %add3A_291 : i32
        %dma_start3A_293 = arith.constant 0 : i32
        %dma_start3A_294 = tpu.memref_slice %arg7[%add3A_292, %dma_start3A_293] : memref<25x800xi32, #tpu.memory_space<vmem>> -> memref<1x800xi32, #tpu.memory_space<vmem>>
        %dma_start3A_295 = tpu.memref_squeeze %dma_start3A_294 : memref<1x800xi32, #tpu.memory_space<vmem>> -> memref<800xi32, #tpu.memory_space<vmem>>
        %dma_start3A_296 = arith.constant 0 : i32
        %dma_start3A_297 = arith.constant 0 : i32
        %dma_start3A_298 = tpu.memref_slice %arg16[%dma_start3A_296, %dma_start3A_297] : memref<10240x16xf32, #tpu.memory_space<vmem_shared>> -> memref<10240x16xf32, #tpu.memory_space<vmem_shared>>
        tpu.enqueue_indirect_dma source(%dma_start3A_298 : memref<10240x16xf32, #tpu.memory_space<vmem_shared>>) target(%arg9 : memref<800x16xf32, #tpu.memory_space<vmem>>) offsets(%dma_start3A_295 : memref<800xi32, #tpu.memory_space<vmem>>) semaphore(%arg18 : memref<!tpu.dma_semaphore, #tpu.memory_space<semaphore_mem>>)
        %dma_wait3A_299 = arith.constant 0 : i32
        %dma_wait3A_300 = tpu.memref_slice %arg7[%add3A_278, %dma_wait3A_299] : memref<25x800xi32, #tpu.memory_space<vmem>> -> memref<1x800xi32, #tpu.memory_space<vmem>>
        %dma_wait3A_301 = tpu.memref_squeeze %dma_wait3A_300 : memref<1x800xi32, #tpu.memory_space<vmem>> -> memref<800xi32, #tpu.memory_space<vmem>>
        %dma_wait3A_302 = arith.constant 0 : i32
        %dma_wait3A_303 = arith.constant 0 : i32
        %dma_wait3A_304 = tpu.memref_slice %arg16[%dma_wait3A_302, %dma_wait3A_303] : memref<10240x16xf32, #tpu.memory_space<vmem_shared>> -> memref<10240x16xf32, #tpu.memory_space<vmem_shared>>
        tpu.wait_indirect_dma semaphore(%arg19 : memref<!tpu.dma_semaphore, #tpu.memory_space<semaphore_mem>>) src(%dma_wait3A_304 : memref<10240x16xf32, #tpu.memory_space<vmem_shared>>) dst(%arg10 : memref<800x16xf32, #tpu.memory_space<vmem>>)
        "tpu.region"() ({
          %run_scoped3A_305 = tpu.sem_alloc : memref<!tpu.dma_semaphore, #tpu.memory_space<semaphore_mem>>
          %dma_start3A_306 = arith.constant 0 : i32
          %dma_start3A_307 = tpu.memref_slice %arg8[%add3A_278, %dma_start3A_306] : memref<25x800xi32, #tpu.memory_space<vmem>> -> memref<1x800xi32, #tpu.memory_space<vmem>>
          %dma_start3A_308 = tpu.memref_squeeze %dma_start3A_307 : memref<1x800xi32, #tpu.memory_space<vmem>> -> memref<800xi32, #tpu.memory_space<vmem>>
          %dma_start3A_309 = arith.constant 0 : i32
          %dma_start3A_310 = arith.constant 0 : i32
          %dma_start3A_311 = tpu.memref_slice %arg17[%dma_start3A_309, %dma_start3A_310] : memref<10240x16xf32, #tpu.memory_space<vmem_shared>> -> memref<10240x16xf32, #tpu.memory_space<vmem_shared>>
          tpu.enqueue_indirect_dma source(%arg10 : memref<800x16xf32, #tpu.memory_space<vmem>>) target(%dma_start3A_311 : memref<10240x16xf32, #tpu.memory_space<vmem_shared>>) offsets(%dma_start3A_308 : memref<800xi32, #tpu.memory_space<vmem>>) semaphore(%run_scoped3A_305 : memref<!tpu.dma_semaphore, #tpu.memory_space<semaphore_mem>>) {add = true}
          %dma_wait3A_312 = arith.constant 0 : i32
          %dma_wait3A_313 = tpu.memref_slice %arg8[%add3A_278, %dma_wait3A_312] : memref<25x800xi32, #tpu.memory_space<vmem>> -> memref<1x800xi32, #tpu.memory_space<vmem>>
          %dma_wait3A_314 = tpu.memref_squeeze %dma_wait3A_313 : memref<1x800xi32, #tpu.memory_space<vmem>> -> memref<800xi32, #tpu.memory_space<vmem>>
          %dma_wait3A_315 = arith.constant 0 : i32
          %dma_wait3A_316 = arith.constant 0 : i32
          %dma_wait3A_317 = tpu.memref_slice %arg17[%dma_wait3A_315, %dma_wait3A_316] : memref<10240x16xf32, #tpu.memory_space<vmem_shared>> -> memref<10240x16xf32, #tpu.memory_space<vmem_shared>>
          tpu.wait_indirect_dma semaphore(%run_scoped3A_305 : memref<!tpu.dma_semaphore, #tpu.memory_space<semaphore_mem>>) src(%arg10 : memref<800x16xf32, #tpu.memory_space<vmem>>) dst(%dma_wait3A_317 : memref<10240x16xf32, #tpu.memory_space<vmem_shared>>)
          tpu.yield
        }) : () -> ()
      }
      %scan3A_268 = arith.constant 12 : i32
      %dma_wait3A = arith.constant 24 : i32
      %dma_wait3A_269 = arith.constant 0 : i32
      %dma_wait3A_270 = tpu.memref_slice %arg7[%dma_wait3A, %dma_wait3A_269] : memref<25x800xi32, #tpu.memory_space<vmem>> -> memref<1x800xi32, #tpu.memory_space<vmem>>
      %dma_wait3A_271 = tpu.memref_squeeze %dma_wait3A_270 : memref<1x800xi32, #tpu.memory_space<vmem>> -> memref<800xi32, #tpu.memory_space<vmem>>
      %dma_wait3A_272 = arith.constant 0 : i32
      %dma_wait3A_273 = arith.constant 0 : i32
      %dma_wait3A_274 = tpu.memref_slice %arg16[%dma_wait3A_272, %dma_wait3A_273] : memref<10240x16xf32, #tpu.memory_space<vmem_shared>> -> memref<10240x16xf32, #tpu.memory_space<vmem_shared>>
      tpu.wait_indirect_dma semaphore(%arg18 : memref<!tpu.dma_semaphore, #tpu.memory_space<semaphore_mem>>) src(%dma_wait3A_274 : memref<10240x16xf32, #tpu.memory_space<vmem_shared>>) dst(%arg9 : memref<800x16xf32, #tpu.memory_space<vmem>>)
      %run_scoped3A = arith.constant 24 : i32
      "tpu.region"() ({
        %run_scoped3A_275 = tpu.sem_alloc : memref<!tpu.dma_semaphore, #tpu.memory_space<semaphore_mem>>
        %dma_start3A_276 = arith.constant 0 : i32
        %dma_start3A_277 = tpu.memref_slice %arg8[%run_scoped3A, %dma_start3A_276] : memref<25x800xi32, #tpu.memory_space<vmem>> -> memref<1x800xi32, #tpu.memory_space<vmem>>
        %dma_start3A_278 = tpu.memref_squeeze %dma_start3A_277 : memref<1x800xi32, #tpu.memory_space<vmem>> -> memref<800xi32, #tpu.memory_space<vmem>>
        %dma_start3A_279 = arith.constant 0 : i32
        %dma_start3A_280 = arith.constant 0 : i32
        %dma_start3A_281 = tpu.memref_slice %arg17[%dma_start3A_279, %dma_start3A_280] : memref<10240x16xf32, #tpu.memory_space<vmem_shared>> -> memref<10240x16xf32, #tpu.memory_space<vmem_shared>>
        tpu.enqueue_indirect_dma source(%arg9 : memref<800x16xf32, #tpu.memory_space<vmem>>) target(%dma_start3A_281 : memref<10240x16xf32, #tpu.memory_space<vmem_shared>>) offsets(%dma_start3A_278 : memref<800xi32, #tpu.memory_space<vmem>>) semaphore(%run_scoped3A_275 : memref<!tpu.dma_semaphore, #tpu.memory_space<semaphore_mem>>) {add = true}
        %dma_wait3A_282 = arith.constant 0 : i32
        %dma_wait3A_283 = tpu.memref_slice %arg8[%run_scoped3A, %dma_wait3A_282] : memref<25x800xi32, #tpu.memory_space<vmem>> -> memref<1x800xi32, #tpu.memory_space<vmem>>
        %dma_wait3A_284 = tpu.memref_squeeze %dma_wait3A_283 : memref<1x800xi32, #tpu.memory_space<vmem>> -> memref<800xi32, #tpu.memory_space<vmem>>
        %dma_wait3A_285 = arith.constant 0 : i32
        %dma_wait3A_286 = arith.constant 0 : i32
        %dma_wait3A_287 = tpu.memref_slice %arg17[%dma_wait3A_285, %dma_wait3A_286] : memref<10240x16xf32, #tpu.memory_space<vmem_shared>> -> memref<10240x16xf32, #tpu.memory_space<vmem_shared>>
        tpu.wait_indirect_dma semaphore(%run_scoped3A_275 : memref<!tpu.dma_semaphore, #tpu.memory_space<semaphore_mem>>) src(%arg9 : memref<800x16xf32, #tpu.memory_space<vmem>>) dst(%dma_wait3A_287 : memref<10240x16xf32, #tpu.memory_space<vmem_shared>>)
        tpu.yield
      }) : () -> ()
    } else {
    }
    %barrier3A_222 = arith.constant 0 : index
    tpu.barrier barrier_id(%barrier3A_222)
    %get3A_223 = arith.constant 2 : i32
    %get3A_224 = arith.index_cast %get3A_223 : i32 to index
    %get3A_225 = arith.constant 0 : index
    %get3A_226 = tpu.vector_load %arg15[%get3A_224, %get3A_225] {strides = array<i32>} : memref<11x16xf32, #tpu.memory_space<vmem>>, vector<16xf32>,
    %slice3A_227 = vector.extract_strided_slice %get3A_226 {offsets = [0], sizes = [1], strides = [1]} : vector<16xf32> to vector<1xf32>
    %squeeze3A_228 = vector.extract %slice3A_227[0] : f32 from vector<1xf32>
    %ne3A_229 = arith.constant 0.000000e+00 : f32
    %ne3A_230 = arith.cmpf one, %squeeze3A_228, %ne3A_229 : f32
    %or3A_231 = arith.ori %or3A_214, %ne3A_230 : i1
    %convert_element_type3A_232 = arith.extui %or3A_231 : i1 to i32
    %cond3A_233 = arith.constant 0 : i32
    %cond3A_234 = arith.cmpi ne, %convert_element_type3A_232, %cond3A_233 : i32
    scf.if %cond3A_234 {
      "tpu.region"() ({
        %run_scoped3A = tpu.sem_alloc : memref<!tpu.dma_semaphore, #tpu.memory_space<semaphore_mem>>
        %dma_start3A = arith.constant 0 : i32
        %dma_start3A_263 = tpu.memref_slice %arg17[%mul3A_0, %dma_start3A] : memref<10240x16xf32, #tpu.memory_space<vmem_shared>> -> memref<640x16xf32, #tpu.memory_space<vmem_shared>>
        %dma_start3A_264 = arith.constant 0 : i32
        %dma_start3A_265 = tpu.memref_slice %arg17[%mul3A_0, %dma_start3A_264] : memref<10240x16xf32, #tpu.memory_space<vmem_shared>> -> memref<640x16xf32, #tpu.memory_space<vmem_shared>>
        tpu.enqueue_dma source(%dma_start3A_265 : memref<640x16xf32, #tpu.memory_space<vmem_shared>>) target(%arg11 : memref<640x16xf32, #tpu.memory_space<vmem>>) target_semaphore(%run_scoped3A : memref<!tpu.dma_semaphore, #tpu.memory_space<semaphore_mem>>)
        %dma_wait3A = arith.constant 0 : i32
        %dma_wait3A_266 = tpu.memref_slice %arg17[%mul3A_0, %dma_wait3A] : memref<10240x16xf32, #tpu.memory_space<vmem_shared>> -> memref<640x16xf32, #tpu.memory_space<vmem_shared>>
        %dma_wait3A_267 = arith.constant 0 : i32
        %dma_wait3A_268 = tpu.memref_slice %arg17[%mul3A_0, %dma_wait3A_267] : memref<10240x16xf32, #tpu.memory_space<vmem_shared>> -> memref<640x16xf32, #tpu.memory_space<vmem_shared>>
        tpu.wait_dma2 semaphore(%run_scoped3A : memref<!tpu.dma_semaphore, #tpu.memory_space<semaphore_mem>>) src(%dma_wait3A_268 : memref<640x16xf32, #tpu.memory_space<vmem_shared>>) dst(%arg11 : memref<640x16xf32, #tpu.memory_space<vmem>>)
        tpu.yield
      }) : () -> ()
      %scan3A_257 = arith.constant 0 : i32
      %scan3A_258 = arith.constant 0 : i32
      %scan3A_259 = arith.constant 640 : i32
      %scan3A_260 = arith.addi %scan3A_258, %scan3A_259 : i32
      %scan3A_261 = arith.constant 1 : i32
      scf.for %scan3A_263 = %scan3A_258 to %scan3A_260 step %scan3A_261  : i32 {
        %get3A_264 = arith.index_cast %scan3A_263 : i32 to index
        %get3A_265 = arith.constant 0 : index
        %get3A_266 = tpu.vector_load %arg14[%get3A_264, %get3A_265] {strides = array<i32>} : memref<640x16xf32, #tpu.memory_space<vmem>>, vector<16xf32>,
        %get3A_267 = arith.index_cast %scan3A_263 : i32 to index
        %get3A_268 = arith.constant 0 : index
        %get3A_269 = tpu.vector_load %arg11[%get3A_267, %get3A_268] {strides = array<i32>} : memref<640x16xf32, #tpu.memory_space<vmem>>, vector<16xf32>,
        %mul3A_270 = arith.mulf %get3A_266, %get3A_269 : vector<16xf32>
        %get3A_271 = arith.index_cast %scan3A_263 : i32 to index
        %get3A_272 = arith.constant 0 : index
        %get3A_273 = tpu.vector_load %arg13[%get3A_271, %get3A_272] {strides = array<i32>} : memref<640x16xf32, #tpu.memory_space<vmem>>, vector<16xf32>,
        %mul3A_274 = arith.mulf %get3A_226, %get3A_273 : vector<16xf32>
        %add3A = arith.addf %mul3A_270, %mul3A_274 : vector<16xf32>
        %swap3A = arith.index_cast %scan3A_263 : i32 to index
        %swap3A_275 = arith.constant 0 : index
        %swap3A_276 = tpu.vector_load %arg12[%swap3A, %swap3A_275] {strides = array<i32>} : memref<640x16xf32, #tpu.memory_space<vmem>>, vector<16xf32>,
        tpu.vector_store %arg12[%swap3A, %swap3A_275], %add3A {strides = array<i32>} : memref<640x16xf32, #tpu.memory_space<vmem>>, vector<16xf32>,
        %broadcast_in_dim3A = arith.constant 0.000000e+00 : f32
        %broadcast_in_dim3A_277 = vector.broadcast %broadcast_in_dim3A : f32 to vector<16xf32>
        %swap3A_278 = arith.index_cast %scan3A_263 : i32 to index
        %swap3A_279 = arith.constant 0 : index
        %swap3A_280 = tpu.vector_load %arg11[%swap3A_278, %swap3A_279] {strides = array<i32>} : memref<640x16xf32, #tpu.memory_space<vmem>>, vector<16xf32>,
        tpu.vector_store %arg11[%swap3A_278, %swap3A_279], %broadcast_in_dim3A_277 {strides = array<i32>} : memref<640x16xf32, #tpu.memory_space<vmem>>, vector<16xf32>,
      }
      %scan3A_262 = arith.constant 640 : i32
      "tpu.region"() ({
        %run_scoped3A = tpu.sem_alloc : memref<!tpu.dma_semaphore, #tpu.memory_space<semaphore_mem>>
        %dma_start3A = arith.constant 0 : i32
        %dma_start3A_263 = tpu.memref_slice %arg17[%mul3A_0, %dma_start3A] : memref<10240x16xf32, #tpu.memory_space<vmem_shared>> -> memref<640x16xf32, #tpu.memory_space<vmem_shared>>
        %dma_start3A_264 = arith.constant 0 : i32
        %dma_start3A_265 = tpu.memref_slice %arg17[%mul3A_0, %dma_start3A_264] : memref<10240x16xf32, #tpu.memory_space<vmem_shared>> -> memref<640x16xf32, #tpu.memory_space<vmem_shared>>
        tpu.enqueue_dma source(%arg11 : memref<640x16xf32, #tpu.memory_space<vmem>>) target(%dma_start3A_265 : memref<640x16xf32, #tpu.memory_space<vmem_shared>>) target_semaphore(%run_scoped3A : memref<!tpu.dma_semaphore, #tpu.memory_space<semaphore_mem>>)
        %dma_wait3A = arith.constant 0 : i32
        %dma_wait3A_266 = tpu.memref_slice %arg17[%mul3A_0, %dma_wait3A] : memref<10240x16xf32, #tpu.memory_space<vmem_shared>> -> memref<640x16xf32, #tpu.memory_space<vmem_shared>>
        %dma_wait3A_267 = arith.constant 0 : i32
        %dma_wait3A_268 = tpu.memref_slice %arg17[%mul3A_0, %dma_wait3A_267] : memref<10240x16xf32, #tpu.memory_space<vmem_shared>> -> memref<640x16xf32, #tpu.memory_space<vmem_shared>>
        tpu.wait_dma2 semaphore(%run_scoped3A : memref<!tpu.dma_semaphore, #tpu.memory_space<semaphore_mem>>) src(%arg11 : memref<640x16xf32, #tpu.memory_space<vmem>>) dst(%dma_wait3A_268 : memref<640x16xf32, #tpu.memory_space<vmem_shared>>)
        tpu.yield
      }) : () -> ()
      "tpu.region"() ({
        %run_scoped3A = tpu.sem_alloc : memref<!tpu.dma_semaphore, #tpu.memory_space<semaphore_mem>>
        %dma_start3A = arith.constant 0 : i32
        %dma_start3A_263 = tpu.memref_slice %arg16[%mul3A_0, %dma_start3A] : memref<10240x16xf32, #tpu.memory_space<vmem_shared>> -> memref<640x16xf32, #tpu.memory_space<vmem_shared>>
        %dma_start3A_264 = arith.constant 0 : i32
        %dma_start3A_265 = tpu.memref_slice %arg16[%mul3A_0, %dma_start3A_264] : memref<10240x16xf32, #tpu.memory_space<vmem_shared>> -> memref<640x16xf32, #tpu.memory_space<vmem_shared>>
        tpu.enqueue_dma source(%arg12 : memref<640x16xf32, #tpu.memory_space<vmem>>) target(%dma_start3A_265 : memref<640x16xf32, #tpu.memory_space<vmem_shared>>) target_semaphore(%run_scoped3A : memref<!tpu.dma_semaphore, #tpu.memory_space<semaphore_mem>>)
        %dma_wait3A = arith.constant 0 : i32
        %dma_wait3A_266 = tpu.memref_slice %arg16[%mul3A_0, %dma_wait3A] : memref<10240x16xf32, #tpu.memory_space<vmem_shared>> -> memref<640x16xf32, #tpu.memory_space<vmem_shared>>
        %dma_wait3A_267 = arith.constant 0 : i32
        %dma_wait3A_268 = tpu.memref_slice %arg16[%mul3A_0, %dma_wait3A_267] : memref<10240x16xf32, #tpu.memory_space<vmem_shared>> -> memref<640x16xf32, #tpu.memory_space<vmem_shared>>
        tpu.wait_dma2 semaphore(%run_scoped3A : memref<!tpu.dma_semaphore, #tpu.memory_space<semaphore_mem>>) src(%arg12 : memref<640x16xf32, #tpu.memory_space<vmem>>) dst(%dma_wait3A_268 : memref<640x16xf32, #tpu.memory_space<vmem_shared>>)
        tpu.yield
      }) : () -> ()
    } else {
    }
    %barrier3A_235 = arith.constant 0 : index
    tpu.barrier barrier_id(%barrier3A_235)
    %convert_element_type3A_236 = arith.extui %or3A_231 : i1 to i32
    %cond3A_237 = arith.constant 0 : i32
    %cond3A_238 = arith.cmpi ne, %convert_element_type3A_236, %cond3A_237 : i32
    scf.if %cond3A_238 {
      %dma_start3A = arith.constant 0 : i32
      %dma_start3A_257 = arith.constant 0 : i32
      %dma_start3A_258 = tpu.memref_slice %arg7[%dma_start3A, %dma_start3A_257] : memref<25x800xi32, #tpu.memory_space<vmem>> -> memref<1x800xi32, #tpu.memory_space<vmem>>
      %dma_start3A_259 = tpu.memref_squeeze %dma_start3A_258 : memref<1x800xi32, #tpu.memory_space<vmem>> -> memref<800xi32, #tpu.memory_space<vmem>>
      %dma_start3A_260 = arith.constant 0 : i32
      %dma_start3A_261 = arith.constant 0 : i32
      %dma_start3A_262 = tpu.memref_slice %arg16[%dma_start3A_260, %dma_start3A_261] : memref<10240x16xf32, #tpu.memory_space<vmem_shared>> -> memref<10240x16xf32, #tpu.memory_space<vmem_shared>>
      tpu.enqueue_indirect_dma source(%dma_start3A_262 : memref<10240x16xf32, #tpu.memory_space<vmem_shared>>) target(%arg9 : memref<800x16xf32, #tpu.memory_space<vmem>>) offsets(%dma_start3A_259 : memref<800xi32, #tpu.memory_space<vmem>>) semaphore(%arg18 : memref<!tpu.dma_semaphore, #tpu.memory_space<semaphore_mem>>)
      %scan3A_263 = arith.constant 0 : i32
      %scan3A_264 = arith.constant 0 : i32
      %scan3A_265 = arith.constant 12 : i32
      %scan3A_266 = arith.addi %scan3A_264, %scan3A_265 : i32
      %scan3A_267 = arith.constant 1 : i32
      scf.for %scan3A_275 = %scan3A_264 to %scan3A_266 step %scan3A_267  : i32 {
        %mul3A_276 = arith.constant 2 : i32
        %mul3A_277 = arith.muli %scan3A_275, %mul3A_276 : i32
        %add3A = arith.constant 1 : i32
        %add3A_278 = arith.addi %mul3A_277, %add3A : i32
        %dma_start3A_279 = arith.constant 0 : i32
        %dma_start3A_280 = tpu.memref_slice %arg7[%add3A_278, %dma_start3A_279] : memref<25x800xi32, #tpu.memory_space<vmem>> -> memref<1x800xi32, #tpu.memory_space<vmem>>
        %dma_start3A_281 = tpu.memref_squeeze %dma_start3A_280 : memref<1x800xi32, #tpu.memory_space<vmem>> -> memref<800xi32, #tpu.memory_space<vmem>>
        %dma_start3A_282 = arith.constant 0 : i32
        %dma_start3A_283 = arith.constant 0 : i32
        %dma_start3A_284 = tpu.memref_slice %arg16[%dma_start3A_282, %dma_start3A_283] : memref<10240x16xf32, #tpu.memory_space<vmem_shared>> -> memref<10240x16xf32, #tpu.memory_space<vmem_shared>>
        tpu.enqueue_indirect_dma source(%dma_start3A_284 : memref<10240x16xf32, #tpu.memory_space<vmem_shared>>) target(%arg10 : memref<800x16xf32, #tpu.memory_space<vmem>>) offsets(%dma_start3A_281 : memref<800xi32, #tpu.memory_space<vmem>>) semaphore(%arg19 : memref<!tpu.dma_semaphore, #tpu.memory_space<semaphore_mem>>)
        %dma_wait3A_285 = arith.constant 0 : i32
        %dma_wait3A_286 = tpu.memref_slice %arg7[%mul3A_277, %dma_wait3A_285] : memref<25x800xi32, #tpu.memory_space<vmem>> -> memref<1x800xi32, #tpu.memory_space<vmem>>
        %dma_wait3A_287 = tpu.memref_squeeze %dma_wait3A_286 : memref<1x800xi32, #tpu.memory_space<vmem>> -> memref<800xi32, #tpu.memory_space<vmem>>
        %dma_wait3A_288 = arith.constant 0 : i32
        %dma_wait3A_289 = arith.constant 0 : i32
        %dma_wait3A_290 = tpu.memref_slice %arg16[%dma_wait3A_288, %dma_wait3A_289] : memref<10240x16xf32, #tpu.memory_space<vmem_shared>> -> memref<10240x16xf32, #tpu.memory_space<vmem_shared>>
        tpu.wait_indirect_dma semaphore(%arg18 : memref<!tpu.dma_semaphore, #tpu.memory_space<semaphore_mem>>) src(%dma_wait3A_290 : memref<10240x16xf32, #tpu.memory_space<vmem_shared>>) dst(%arg9 : memref<800x16xf32, #tpu.memory_space<vmem>>)
        "tpu.region"() ({
          %run_scoped3A_305 = tpu.sem_alloc : memref<!tpu.dma_semaphore, #tpu.memory_space<semaphore_mem>>
          %dma_start3A_306 = arith.constant 0 : i32
          %dma_start3A_307 = tpu.memref_slice %arg8[%mul3A_277, %dma_start3A_306] : memref<25x800xi32, #tpu.memory_space<vmem>> -> memref<1x800xi32, #tpu.memory_space<vmem>>
          %dma_start3A_308 = tpu.memref_squeeze %dma_start3A_307 : memref<1x800xi32, #tpu.memory_space<vmem>> -> memref<800xi32, #tpu.memory_space<vmem>>
          %dma_start3A_309 = arith.constant 0 : i32
          %dma_start3A_310 = arith.constant 0 : i32
          %dma_start3A_311 = tpu.memref_slice %arg17[%dma_start3A_309, %dma_start3A_310] : memref<10240x16xf32, #tpu.memory_space<vmem_shared>> -> memref<10240x16xf32, #tpu.memory_space<vmem_shared>>
          tpu.enqueue_indirect_dma source(%arg9 : memref<800x16xf32, #tpu.memory_space<vmem>>) target(%dma_start3A_311 : memref<10240x16xf32, #tpu.memory_space<vmem_shared>>) offsets(%dma_start3A_308 : memref<800xi32, #tpu.memory_space<vmem>>) semaphore(%run_scoped3A_305 : memref<!tpu.dma_semaphore, #tpu.memory_space<semaphore_mem>>) {add = true}
          %dma_wait3A_312 = arith.constant 0 : i32
          %dma_wait3A_313 = tpu.memref_slice %arg8[%mul3A_277, %dma_wait3A_312] : memref<25x800xi32, #tpu.memory_space<vmem>> -> memref<1x800xi32, #tpu.memory_space<vmem>>
          %dma_wait3A_314 = tpu.memref_squeeze %dma_wait3A_313 : memref<1x800xi32, #tpu.memory_space<vmem>> -> memref<800xi32, #tpu.memory_space<vmem>>
          %dma_wait3A_315 = arith.constant 0 : i32
          %dma_wait3A_316 = arith.constant 0 : i32
          %dma_wait3A_317 = tpu.memref_slice %arg17[%dma_wait3A_315, %dma_wait3A_316] : memref<10240x16xf32, #tpu.memory_space<vmem_shared>> -> memref<10240x16xf32, #tpu.memory_space<vmem_shared>>
          tpu.wait_indirect_dma semaphore(%run_scoped3A_305 : memref<!tpu.dma_semaphore, #tpu.memory_space<semaphore_mem>>) src(%arg9 : memref<800x16xf32, #tpu.memory_space<vmem>>) dst(%dma_wait3A_317 : memref<10240x16xf32, #tpu.memory_space<vmem_shared>>)
          tpu.yield
        }) : () -> ()
        %add3A_291 = arith.constant 2 : i32
        %add3A_292 = arith.addi %mul3A_277, %add3A_291 : i32
        %dma_start3A_293 = arith.constant 0 : i32
        %dma_start3A_294 = tpu.memref_slice %arg7[%add3A_292, %dma_start3A_293] : memref<25x800xi32, #tpu.memory_space<vmem>> -> memref<1x800xi32, #tpu.memory_space<vmem>>
        %dma_start3A_295 = tpu.memref_squeeze %dma_start3A_294 : memref<1x800xi32, #tpu.memory_space<vmem>> -> memref<800xi32, #tpu.memory_space<vmem>>
        %dma_start3A_296 = arith.constant 0 : i32
        %dma_start3A_297 = arith.constant 0 : i32
        %dma_start3A_298 = tpu.memref_slice %arg16[%dma_start3A_296, %dma_start3A_297] : memref<10240x16xf32, #tpu.memory_space<vmem_shared>> -> memref<10240x16xf32, #tpu.memory_space<vmem_shared>>
        tpu.enqueue_indirect_dma source(%dma_start3A_298 : memref<10240x16xf32, #tpu.memory_space<vmem_shared>>) target(%arg9 : memref<800x16xf32, #tpu.memory_space<vmem>>) offsets(%dma_start3A_295 : memref<800xi32, #tpu.memory_space<vmem>>) semaphore(%arg18 : memref<!tpu.dma_semaphore, #tpu.memory_space<semaphore_mem>>)
        %dma_wait3A_299 = arith.constant 0 : i32
        %dma_wait3A_300 = tpu.memref_slice %arg7[%add3A_278, %dma_wait3A_299] : memref<25x800xi32, #tpu.memory_space<vmem>> -> memref<1x800xi32, #tpu.memory_space<vmem>>
        %dma_wait3A_301 = tpu.memref_squeeze %dma_wait3A_300 : memref<1x800xi32, #tpu.memory_space<vmem>> -> memref<800xi32, #tpu.memory_space<vmem>>
        %dma_wait3A_302 = arith.constant 0 : i32
        %dma_wait3A_303 = arith.constant 0 : i32
        %dma_wait3A_304 = tpu.memref_slice %arg16[%dma_wait3A_302, %dma_wait3A_303] : memref<10240x16xf32, #tpu.memory_space<vmem_shared>> -> memref<10240x16xf32, #tpu.memory_space<vmem_shared>>
        tpu.wait_indirect_dma semaphore(%arg19 : memref<!tpu.dma_semaphore, #tpu.memory_space<semaphore_mem>>) src(%dma_wait3A_304 : memref<10240x16xf32, #tpu.memory_space<vmem_shared>>) dst(%arg10 : memref<800x16xf32, #tpu.memory_space<vmem>>)
        "tpu.region"() ({
          %run_scoped3A_305 = tpu.sem_alloc : memref<!tpu.dma_semaphore, #tpu.memory_space<semaphore_mem>>
          %dma_start3A_306 = arith.constant 0 : i32
          %dma_start3A_307 = tpu.memref_slice %arg8[%add3A_278, %dma_start3A_306] : memref<25x800xi32, #tpu.memory_space<vmem>> -> memref<1x800xi32, #tpu.memory_space<vmem>>
          %dma_start3A_308 = tpu.memref_squeeze %dma_start3A_307 : memref<1x800xi32, #tpu.memory_space<vmem>> -> memref<800xi32, #tpu.memory_space<vmem>>
          %dma_start3A_309 = arith.constant 0 : i32
          %dma_start3A_310 = arith.constant 0 : i32
          %dma_start3A_311 = tpu.memref_slice %arg17[%dma_start3A_309, %dma_start3A_310] : memref<10240x16xf32, #tpu.memory_space<vmem_shared>> -> memref<10240x16xf32, #tpu.memory_space<vmem_shared>>
          tpu.enqueue_indirect_dma source(%arg10 : memref<800x16xf32, #tpu.memory_space<vmem>>) target(%dma_start3A_311 : memref<10240x16xf32, #tpu.memory_space<vmem_shared>>) offsets(%dma_start3A_308 : memref<800xi32, #tpu.memory_space<vmem>>) semaphore(%run_scoped3A_305 : memref<!tpu.dma_semaphore, #tpu.memory_space<semaphore_mem>>) {add = true}
          %dma_wait3A_312 = arith.constant 0 : i32
          %dma_wait3A_313 = tpu.memref_slice %arg8[%add3A_278, %dma_wait3A_312] : memref<25x800xi32, #tpu.memory_space<vmem>> -> memref<1x800xi32, #tpu.memory_space<vmem>>
          %dma_wait3A_314 = tpu.memref_squeeze %dma_wait3A_313 : memref<1x800xi32, #tpu.memory_space<vmem>> -> memref<800xi32, #tpu.memory_space<vmem>>
          %dma_wait3A_315 = arith.constant 0 : i32
          %dma_wait3A_316 = arith.constant 0 : i32
          %dma_wait3A_317 = tpu.memref_slice %arg17[%dma_wait3A_315, %dma_wait3A_316] : memref<10240x16xf32, #tpu.memory_space<vmem_shared>> -> memref<10240x16xf32, #tpu.memory_space<vmem_shared>>
          tpu.wait_indirect_dma semaphore(%run_scoped3A_305 : memref<!tpu.dma_semaphore, #tpu.memory_space<semaphore_mem>>) src(%arg10 : memref<800x16xf32, #tpu.memory_space<vmem>>) dst(%dma_wait3A_317 : memref<10240x16xf32, #tpu.memory_space<vmem_shared>>)
          tpu.yield
        }) : () -> ()
      }
      %scan3A_268 = arith.constant 12 : i32
      %dma_wait3A = arith.constant 24 : i32
      %dma_wait3A_269 = arith.constant 0 : i32
      %dma_wait3A_270 = tpu.memref_slice %arg7[%dma_wait3A, %dma_wait3A_269] : memref<25x800xi32, #tpu.memory_space<vmem>> -> memref<1x800xi32, #tpu.memory_space<vmem>>
      %dma_wait3A_271 = tpu.memref_squeeze %dma_wait3A_270 : memref<1x800xi32, #tpu.memory_space<vmem>> -> memref<800xi32, #tpu.memory_space<vmem>>
      %dma_wait3A_272 = arith.constant 0 : i32
      %dma_wait3A_273 = arith.constant 0 : i32
      %dma_wait3A_274 = tpu.memref_slice %arg16[%dma_wait3A_272, %dma_wait3A_273] : memref<10240x16xf32, #tpu.memory_space<vmem_shared>> -> memref<10240x16xf32, #tpu.memory_space<vmem_shared>>
      tpu.wait_indirect_dma semaphore(%arg18 : memref<!tpu.dma_semaphore, #tpu.memory_space<semaphore_mem>>) src(%dma_wait3A_274 : memref<10240x16xf32, #tpu.memory_space<vmem_shared>>) dst(%arg9 : memref<800x16xf32, #tpu.memory_space<vmem>>)
      %run_scoped3A = arith.constant 24 : i32
      "tpu.region"() ({
        %run_scoped3A_275 = tpu.sem_alloc : memref<!tpu.dma_semaphore, #tpu.memory_space<semaphore_mem>>
        %dma_start3A_276 = arith.constant 0 : i32
        %dma_start3A_277 = tpu.memref_slice %arg8[%run_scoped3A, %dma_start3A_276] : memref<25x800xi32, #tpu.memory_space<vmem>> -> memref<1x800xi32, #tpu.memory_space<vmem>>
        %dma_start3A_278 = tpu.memref_squeeze %dma_start3A_277 : memref<1x800xi32, #tpu.memory_space<vmem>> -> memref<800xi32, #tpu.memory_space<vmem>>
        %dma_start3A_279 = arith.constant 0 : i32
        %dma_start3A_280 = arith.constant 0 : i32
        %dma_start3A_281 = tpu.memref_slice %arg17[%dma_start3A_279, %dma_start3A_280] : memref<10240x16xf32, #tpu.memory_space<vmem_shared>> -> memref<10240x16xf32, #tpu.memory_space<vmem_shared>>
        tpu.enqueue_indirect_dma source(%arg9 : memref<800x16xf32, #tpu.memory_space<vmem>>) target(%dma_start3A_281 : memref<10240x16xf32, #tpu.memory_space<vmem_shared>>) offsets(%dma_start3A_278 : memref<800xi32, #tpu.memory_space<vmem>>) semaphore(%run_scoped3A_275 : memref<!tpu.dma_semaphore, #tpu.memory_space<semaphore_mem>>) {add = true}
        %dma_wait3A_282 = arith.constant 0 : i32
        %dma_wait3A_283 = tpu.memref_slice %arg8[%run_scoped3A, %dma_wait3A_282] : memref<25x800xi32, #tpu.memory_space<vmem>> -> memref<1x800xi32, #tpu.memory_space<vmem>>
        %dma_wait3A_284 = tpu.memref_squeeze %dma_wait3A_283 : memref<1x800xi32, #tpu.memory_space<vmem>> -> memref<800xi32, #tpu.memory_space<vmem>>
        %dma_wait3A_285 = arith.constant 0 : i32
        %dma_wait3A_286 = arith.constant 0 : i32
        %dma_wait3A_287 = tpu.memref_slice %arg17[%dma_wait3A_285, %dma_wait3A_286] : memref<10240x16xf32, #tpu.memory_space<vmem_shared>> -> memref<10240x16xf32, #tpu.memory_space<vmem_shared>>
        tpu.wait_indirect_dma semaphore(%run_scoped3A_275 : memref<!tpu.dma_semaphore, #tpu.memory_space<semaphore_mem>>) src(%arg9 : memref<800x16xf32, #tpu.memory_space<vmem>>) dst(%dma_wait3A_287 : memref<10240x16xf32, #tpu.memory_space<vmem_shared>>)
        tpu.yield
      }) : () -> ()
    } else {
    }
    %barrier3A_239 = arith.constant 0 : index
    tpu.barrier barrier_id(%barrier3A_239)
    %get3A_240 = arith.constant 1 : i32
    %get3A_241 = arith.index_cast %get3A_240 : i32 to index
    %get3A_242 = arith.constant 0 : index
    %get3A_243 = tpu.vector_load %arg15[%get3A_241, %get3A_242] {strides = array<i32>} : memref<11x16xf32, #tpu.memory_space<vmem>>, vector<16xf32>,
    %slice3A_244 = vector.extract_strided_slice %get3A_243 {offsets = [0], sizes = [1], strides = [1]} : vector<16xf32> to vector<1xf32>
    %squeeze3A_245 = vector.extract %slice3A_244[0] : f32 from vector<1xf32>
    %ne3A_246 = arith.constant 0.000000e+00 : f32
    %ne3A_247 = arith.cmpf one, %squeeze3A_245, %ne3A_246 : f32
    %or3A_248 = arith.ori %or3A_231, %ne3A_247 : i1
    %convert_element_type3A_249 = arith.extui %or3A_248 : i1 to i32
    %cond3A_250 = arith.constant 0 : i32
    %cond3A_251 = arith.cmpi ne, %convert_element_type3A_249, %cond3A_250 : i32
    scf.if %cond3A_251 {
      "tpu.region"() ({
        %run_scoped3A = tpu.sem_alloc : memref<!tpu.dma_semaphore, #tpu.memory_space<semaphore_mem>>
        %dma_start3A = arith.constant 0 : i32
        %dma_start3A_263 = tpu.memref_slice %arg17[%mul3A_0, %dma_start3A] : memref<10240x16xf32, #tpu.memory_space<vmem_shared>> -> memref<640x16xf32, #tpu.memory_space<vmem_shared>>
        %dma_start3A_264 = arith.constant 0 : i32
        %dma_start3A_265 = tpu.memref_slice %arg17[%mul3A_0, %dma_start3A_264] : memref<10240x16xf32, #tpu.memory_space<vmem_shared>> -> memref<640x16xf32, #tpu.memory_space<vmem_shared>>
        tpu.enqueue_dma source(%dma_start3A_265 : memref<640x16xf32, #tpu.memory_space<vmem_shared>>) target(%arg11 : memref<640x16xf32, #tpu.memory_space<vmem>>) target_semaphore(%run_scoped3A : memref<!tpu.dma_semaphore, #tpu.memory_space<semaphore_mem>>)
        %dma_wait3A = arith.constant 0 : i32
        %dma_wait3A_266 = tpu.memref_slice %arg17[%mul3A_0, %dma_wait3A] : memref<10240x16xf32, #tpu.memory_space<vmem_shared>> -> memref<640x16xf32, #tpu.memory_space<vmem_shared>>
        %dma_wait3A_267 = arith.constant 0 : i32
        %dma_wait3A_268 = tpu.memref_slice %arg17[%mul3A_0, %dma_wait3A_267] : memref<10240x16xf32, #tpu.memory_space<vmem_shared>> -> memref<640x16xf32, #tpu.memory_space<vmem_shared>>
        tpu.wait_dma2 semaphore(%run_scoped3A : memref<!tpu.dma_semaphore, #tpu.memory_space<semaphore_mem>>) src(%dma_wait3A_268 : memref<640x16xf32, #tpu.memory_space<vmem_shared>>) dst(%arg11 : memref<640x16xf32, #tpu.memory_space<vmem>>)
        tpu.yield
      }) : () -> ()
      %scan3A_257 = arith.constant 0 : i32
      %scan3A_258 = arith.constant 0 : i32
      %scan3A_259 = arith.constant 640 : i32
      %scan3A_260 = arith.addi %scan3A_258, %scan3A_259 : i32
      %scan3A_261 = arith.constant 1 : i32
      scf.for %scan3A_263 = %scan3A_258 to %scan3A_260 step %scan3A_261  : i32 {
        %get3A_264 = arith.index_cast %scan3A_263 : i32 to index
        %get3A_265 = arith.constant 0 : index
        %get3A_266 = tpu.vector_load %arg14[%get3A_264, %get3A_265] {strides = array<i32>} : memref<640x16xf32, #tpu.memory_space<vmem>>, vector<16xf32>,
        %get3A_267 = arith.index_cast %scan3A_263 : i32 to index
        %get3A_268 = arith.constant 0 : index
        %get3A_269 = tpu.vector_load %arg11[%get3A_267, %get3A_268] {strides = array<i32>} : memref<640x16xf32, #tpu.memory_space<vmem>>, vector<16xf32>,
        %mul3A_270 = arith.mulf %get3A_266, %get3A_269 : vector<16xf32>
        %get3A_271 = arith.index_cast %scan3A_263 : i32 to index
        %get3A_272 = arith.constant 0 : index
        %get3A_273 = tpu.vector_load %arg13[%get3A_271, %get3A_272] {strides = array<i32>} : memref<640x16xf32, #tpu.memory_space<vmem>>, vector<16xf32>,
        %mul3A_274 = arith.mulf %get3A_243, %get3A_273 : vector<16xf32>
        %add3A = arith.addf %mul3A_270, %mul3A_274 : vector<16xf32>
        %swap3A = arith.index_cast %scan3A_263 : i32 to index
        %swap3A_275 = arith.constant 0 : index
        %swap3A_276 = tpu.vector_load %arg12[%swap3A, %swap3A_275] {strides = array<i32>} : memref<640x16xf32, #tpu.memory_space<vmem>>, vector<16xf32>,
        tpu.vector_store %arg12[%swap3A, %swap3A_275], %add3A {strides = array<i32>} : memref<640x16xf32, #tpu.memory_space<vmem>>, vector<16xf32>,
        %broadcast_in_dim3A = arith.constant 0.000000e+00 : f32
        %broadcast_in_dim3A_277 = vector.broadcast %broadcast_in_dim3A : f32 to vector<16xf32>
        %swap3A_278 = arith.index_cast %scan3A_263 : i32 to index
        %swap3A_279 = arith.constant 0 : index
        %swap3A_280 = tpu.vector_load %arg11[%swap3A_278, %swap3A_279] {strides = array<i32>} : memref<640x16xf32, #tpu.memory_space<vmem>>, vector<16xf32>,
        tpu.vector_store %arg11[%swap3A_278, %swap3A_279], %broadcast_in_dim3A_277 {strides = array<i32>} : memref<640x16xf32, #tpu.memory_space<vmem>>, vector<16xf32>,
      }
      %scan3A_262 = arith.constant 640 : i32
      "tpu.region"() ({
        %run_scoped3A = tpu.sem_alloc : memref<!tpu.dma_semaphore, #tpu.memory_space<semaphore_mem>>
        %dma_start3A = arith.constant 0 : i32
        %dma_start3A_263 = tpu.memref_slice %arg17[%mul3A_0, %dma_start3A] : memref<10240x16xf32, #tpu.memory_space<vmem_shared>> -> memref<640x16xf32, #tpu.memory_space<vmem_shared>>
        %dma_start3A_264 = arith.constant 0 : i32
        %dma_start3A_265 = tpu.memref_slice %arg17[%mul3A_0, %dma_start3A_264] : memref<10240x16xf32, #tpu.memory_space<vmem_shared>> -> memref<640x16xf32, #tpu.memory_space<vmem_shared>>
        tpu.enqueue_dma source(%arg11 : memref<640x16xf32, #tpu.memory_space<vmem>>) target(%dma_start3A_265 : memref<640x16xf32, #tpu.memory_space<vmem_shared>>) target_semaphore(%run_scoped3A : memref<!tpu.dma_semaphore, #tpu.memory_space<semaphore_mem>>)
        %dma_wait3A = arith.constant 0 : i32
        %dma_wait3A_266 = tpu.memref_slice %arg17[%mul3A_0, %dma_wait3A] : memref<10240x16xf32, #tpu.memory_space<vmem_shared>> -> memref<640x16xf32, #tpu.memory_space<vmem_shared>>
        %dma_wait3A_267 = arith.constant 0 : i32
        %dma_wait3A_268 = tpu.memref_slice %arg17[%mul3A_0, %dma_wait3A_267] : memref<10240x16xf32, #tpu.memory_space<vmem_shared>> -> memref<640x16xf32, #tpu.memory_space<vmem_shared>>
        tpu.wait_dma2 semaphore(%run_scoped3A : memref<!tpu.dma_semaphore, #tpu.memory_space<semaphore_mem>>) src(%arg11 : memref<640x16xf32, #tpu.memory_space<vmem>>) dst(%dma_wait3A_268 : memref<640x16xf32, #tpu.memory_space<vmem_shared>>)
        tpu.yield
      }) : () -> ()
      "tpu.region"() ({
        %run_scoped3A = tpu.sem_alloc : memref<!tpu.dma_semaphore, #tpu.memory_space<semaphore_mem>>
        %dma_start3A = arith.constant 0 : i32
        %dma_start3A_263 = tpu.memref_slice %arg16[%mul3A_0, %dma_start3A] : memref<10240x16xf32, #tpu.memory_space<vmem_shared>> -> memref<640x16xf32, #tpu.memory_space<vmem_shared>>
        %dma_start3A_264 = arith.constant 0 : i32
        %dma_start3A_265 = tpu.memref_slice %arg16[%mul3A_0, %dma_start3A_264] : memref<10240x16xf32, #tpu.memory_space<vmem_shared>> -> memref<640x16xf32, #tpu.memory_space<vmem_shared>>
        tpu.enqueue_dma source(%arg12 : memref<640x16xf32, #tpu.memory_space<vmem>>) target(%dma_start3A_265 : memref<640x16xf32, #tpu.memory_space<vmem_shared>>) target_semaphore(%run_scoped3A : memref<!tpu.dma_semaphore, #tpu.memory_space<semaphore_mem>>)
        %dma_wait3A = arith.constant 0 : i32
        %dma_wait3A_266 = tpu.memref_slice %arg16[%mul3A_0, %dma_wait3A] : memref<10240x16xf32, #tpu.memory_space<vmem_shared>> -> memref<640x16xf32, #tpu.memory_space<vmem_shared>>
        %dma_wait3A_267 = arith.constant 0 : i32
        %dma_wait3A_268 = tpu.memref_slice %arg16[%mul3A_0, %dma_wait3A_267] : memref<10240x16xf32, #tpu.memory_space<vmem_shared>> -> memref<640x16xf32, #tpu.memory_space<vmem_shared>>
        tpu.wait_dma2 semaphore(%run_scoped3A : memref<!tpu.dma_semaphore, #tpu.memory_space<semaphore_mem>>) src(%arg12 : memref<640x16xf32, #tpu.memory_space<vmem>>) dst(%dma_wait3A_268 : memref<640x16xf32, #tpu.memory_space<vmem_shared>>)
        tpu.yield
      }) : () -> ()
    } else {
    }
    %barrier3A_252 = arith.constant 0 : index
    tpu.barrier barrier_id(%barrier3A_252)
    %convert_element_type3A_253 = arith.extui %or3A_248 : i1 to i32
    %cond3A_254 = arith.constant 0 : i32
    %cond3A_255 = arith.cmpi ne, %convert_element_type3A_253, %cond3A_254 : i32
    scf.if %cond3A_255 {
      %dma_start3A = arith.constant 0 : i32
      %dma_start3A_257 = arith.constant 0 : i32
      %dma_start3A_258 = tpu.memref_slice %arg7[%dma_start3A, %dma_start3A_257] : memref<25x800xi32, #tpu.memory_space<vmem>> -> memref<1x800xi32, #tpu.memory_space<vmem>>
      %dma_start3A_259 = tpu.memref_squeeze %dma_start3A_258 : memref<1x800xi32, #tpu.memory_space<vmem>> -> memref<800xi32, #tpu.memory_space<vmem>>
      %dma_start3A_260 = arith.constant 0 : i32
      %dma_start3A_261 = arith.constant 0 : i32
      %dma_start3A_262 = tpu.memref_slice %arg16[%dma_start3A_260, %dma_start3A_261] : memref<10240x16xf32, #tpu.memory_space<vmem_shared>> -> memref<10240x16xf32, #tpu.memory_space<vmem_shared>>
      tpu.enqueue_indirect_dma source(%dma_start3A_262 : memref<10240x16xf32, #tpu.memory_space<vmem_shared>>) target(%arg9 : memref<800x16xf32, #tpu.memory_space<vmem>>) offsets(%dma_start3A_259 : memref<800xi32, #tpu.memory_space<vmem>>) semaphore(%arg18 : memref<!tpu.dma_semaphore, #tpu.memory_space<semaphore_mem>>)
      %scan3A_263 = arith.constant 0 : i32
      %scan3A_264 = arith.constant 0 : i32
      %scan3A_265 = arith.constant 12 : i32
      %scan3A_266 = arith.addi %scan3A_264, %scan3A_265 : i32
      %scan3A_267 = arith.constant 1 : i32
      scf.for %scan3A_275 = %scan3A_264 to %scan3A_266 step %scan3A_267  : i32 {
        %mul3A_276 = arith.constant 2 : i32
        %mul3A_277 = arith.muli %scan3A_275, %mul3A_276 : i32
        %add3A = arith.constant 1 : i32
        %add3A_278 = arith.addi %mul3A_277, %add3A : i32
        %dma_start3A_279 = arith.constant 0 : i32
        %dma_start3A_280 = tpu.memref_slice %arg7[%add3A_278, %dma_start3A_279] : memref<25x800xi32, #tpu.memory_space<vmem>> -> memref<1x800xi32, #tpu.memory_space<vmem>>
        %dma_start3A_281 = tpu.memref_squeeze %dma_start3A_280 : memref<1x800xi32, #tpu.memory_space<vmem>> -> memref<800xi32, #tpu.memory_space<vmem>>
        %dma_start3A_282 = arith.constant 0 : i32
        %dma_start3A_283 = arith.constant 0 : i32
        %dma_start3A_284 = tpu.memref_slice %arg16[%dma_start3A_282, %dma_start3A_283] : memref<10240x16xf32, #tpu.memory_space<vmem_shared>> -> memref<10240x16xf32, #tpu.memory_space<vmem_shared>>
        tpu.enqueue_indirect_dma source(%dma_start3A_284 : memref<10240x16xf32, #tpu.memory_space<vmem_shared>>) target(%arg10 : memref<800x16xf32, #tpu.memory_space<vmem>>) offsets(%dma_start3A_281 : memref<800xi32, #tpu.memory_space<vmem>>) semaphore(%arg19 : memref<!tpu.dma_semaphore, #tpu.memory_space<semaphore_mem>>)
        %dma_wait3A_285 = arith.constant 0 : i32
        %dma_wait3A_286 = tpu.memref_slice %arg7[%mul3A_277, %dma_wait3A_285] : memref<25x800xi32, #tpu.memory_space<vmem>> -> memref<1x800xi32, #tpu.memory_space<vmem>>
        %dma_wait3A_287 = tpu.memref_squeeze %dma_wait3A_286 : memref<1x800xi32, #tpu.memory_space<vmem>> -> memref<800xi32, #tpu.memory_space<vmem>>
        %dma_wait3A_288 = arith.constant 0 : i32
        %dma_wait3A_289 = arith.constant 0 : i32
        %dma_wait3A_290 = tpu.memref_slice %arg16[%dma_wait3A_288, %dma_wait3A_289] : memref<10240x16xf32, #tpu.memory_space<vmem_shared>> -> memref<10240x16xf32, #tpu.memory_space<vmem_shared>>
        tpu.wait_indirect_dma semaphore(%arg18 : memref<!tpu.dma_semaphore, #tpu.memory_space<semaphore_mem>>) src(%dma_wait3A_290 : memref<10240x16xf32, #tpu.memory_space<vmem_shared>>) dst(%arg9 : memref<800x16xf32, #tpu.memory_space<vmem>>)
        "tpu.region"() ({
          %run_scoped3A_305 = tpu.sem_alloc : memref<!tpu.dma_semaphore, #tpu.memory_space<semaphore_mem>>
          %dma_start3A_306 = arith.constant 0 : i32
          %dma_start3A_307 = tpu.memref_slice %arg8[%mul3A_277, %dma_start3A_306] : memref<25x800xi32, #tpu.memory_space<vmem>> -> memref<1x800xi32, #tpu.memory_space<vmem>>
          %dma_start3A_308 = tpu.memref_squeeze %dma_start3A_307 : memref<1x800xi32, #tpu.memory_space<vmem>> -> memref<800xi32, #tpu.memory_space<vmem>>
          %dma_start3A_309 = arith.constant 0 : i32
          %dma_start3A_310 = arith.constant 0 : i32
          %dma_start3A_311 = tpu.memref_slice %arg17[%dma_start3A_309, %dma_start3A_310] : memref<10240x16xf32, #tpu.memory_space<vmem_shared>> -> memref<10240x16xf32, #tpu.memory_space<vmem_shared>>
          tpu.enqueue_indirect_dma source(%arg9 : memref<800x16xf32, #tpu.memory_space<vmem>>) target(%dma_start3A_311 : memref<10240x16xf32, #tpu.memory_space<vmem_shared>>) offsets(%dma_start3A_308 : memref<800xi32, #tpu.memory_space<vmem>>) semaphore(%run_scoped3A_305 : memref<!tpu.dma_semaphore, #tpu.memory_space<semaphore_mem>>) {add = true}
          %dma_wait3A_312 = arith.constant 0 : i32
          %dma_wait3A_313 = tpu.memref_slice %arg8[%mul3A_277, %dma_wait3A_312] : memref<25x800xi32, #tpu.memory_space<vmem>> -> memref<1x800xi32, #tpu.memory_space<vmem>>
          %dma_wait3A_314 = tpu.memref_squeeze %dma_wait3A_313 : memref<1x800xi32, #tpu.memory_space<vmem>> -> memref<800xi32, #tpu.memory_space<vmem>>
          %dma_wait3A_315 = arith.constant 0 : i32
          %dma_wait3A_316 = arith.constant 0 : i32
          %dma_wait3A_317 = tpu.memref_slice %arg17[%dma_wait3A_315, %dma_wait3A_316] : memref<10240x16xf32, #tpu.memory_space<vmem_shared>> -> memref<10240x16xf32, #tpu.memory_space<vmem_shared>>
          tpu.wait_indirect_dma semaphore(%run_scoped3A_305 : memref<!tpu.dma_semaphore, #tpu.memory_space<semaphore_mem>>) src(%arg9 : memref<800x16xf32, #tpu.memory_space<vmem>>) dst(%dma_wait3A_317 : memref<10240x16xf32, #tpu.memory_space<vmem_shared>>)
          tpu.yield
        }) : () -> ()
        %add3A_291 = arith.constant 2 : i32
        %add3A_292 = arith.addi %mul3A_277, %add3A_291 : i32
        %dma_start3A_293 = arith.constant 0 : i32
        %dma_start3A_294 = tpu.memref_slice %arg7[%add3A_292, %dma_start3A_293] : memref<25x800xi32, #tpu.memory_space<vmem>> -> memref<1x800xi32, #tpu.memory_space<vmem>>
        %dma_start3A_295 = tpu.memref_squeeze %dma_start3A_294 : memref<1x800xi32, #tpu.memory_space<vmem>> -> memref<800xi32, #tpu.memory_space<vmem>>
        %dma_start3A_296 = arith.constant 0 : i32
        %dma_start3A_297 = arith.constant 0 : i32
        %dma_start3A_298 = tpu.memref_slice %arg16[%dma_start3A_296, %dma_start3A_297] : memref<10240x16xf32, #tpu.memory_space<vmem_shared>> -> memref<10240x16xf32, #tpu.memory_space<vmem_shared>>
        tpu.enqueue_indirect_dma source(%dma_start3A_298 : memref<10240x16xf32, #tpu.memory_space<vmem_shared>>) target(%arg9 : memref<800x16xf32, #tpu.memory_space<vmem>>) offsets(%dma_start3A_295 : memref<800xi32, #tpu.memory_space<vmem>>) semaphore(%arg18 : memref<!tpu.dma_semaphore, #tpu.memory_space<semaphore_mem>>)
        %dma_wait3A_299 = arith.constant 0 : i32
        %dma_wait3A_300 = tpu.memref_slice %arg7[%add3A_278, %dma_wait3A_299] : memref<25x800xi32, #tpu.memory_space<vmem>> -> memref<1x800xi32, #tpu.memory_space<vmem>>
        %dma_wait3A_301 = tpu.memref_squeeze %dma_wait3A_300 : memref<1x800xi32, #tpu.memory_space<vmem>> -> memref<800xi32, #tpu.memory_space<vmem>>
        %dma_wait3A_302 = arith.constant 0 : i32
        %dma_wait3A_303 = arith.constant 0 : i32
        %dma_wait3A_304 = tpu.memref_slice %arg16[%dma_wait3A_302, %dma_wait3A_303] : memref<10240x16xf32, #tpu.memory_space<vmem_shared>> -> memref<10240x16xf32, #tpu.memory_space<vmem_shared>>
        tpu.wait_indirect_dma semaphore(%arg19 : memref<!tpu.dma_semaphore, #tpu.memory_space<semaphore_mem>>) src(%dma_wait3A_304 : memref<10240x16xf32, #tpu.memory_space<vmem_shared>>) dst(%arg10 : memref<800x16xf32, #tpu.memory_space<vmem>>)
        "tpu.region"() ({
          %run_scoped3A_305 = tpu.sem_alloc : memref<!tpu.dma_semaphore, #tpu.memory_space<semaphore_mem>>
          %dma_start3A_306 = arith.constant 0 : i32
          %dma_start3A_307 = tpu.memref_slice %arg8[%add3A_278, %dma_start3A_306] : memref<25x800xi32, #tpu.memory_space<vmem>> -> memref<1x800xi32, #tpu.memory_space<vmem>>
          %dma_start3A_308 = tpu.memref_squeeze %dma_start3A_307 : memref<1x800xi32, #tpu.memory_space<vmem>> -> memref<800xi32, #tpu.memory_space<vmem>>
          %dma_start3A_309 = arith.constant 0 : i32
          %dma_start3A_310 = arith.constant 0 : i32
          %dma_start3A_311 = tpu.memref_slice %arg17[%dma_start3A_309, %dma_start3A_310] : memref<10240x16xf32, #tpu.memory_space<vmem_shared>> -> memref<10240x16xf32, #tpu.memory_space<vmem_shared>>
          tpu.enqueue_indirect_dma source(%arg10 : memref<800x16xf32, #tpu.memory_space<vmem>>) target(%dma_start3A_311 : memref<10240x16xf32, #tpu.memory_space<vmem_shared>>) offsets(%dma_start3A_308 : memref<800xi32, #tpu.memory_space<vmem>>) semaphore(%run_scoped3A_305 : memref<!tpu.dma_semaphore, #tpu.memory_space<semaphore_mem>>) {add = true}
          %dma_wait3A_312 = arith.constant 0 : i32
          %dma_wait3A_313 = tpu.memref_slice %arg8[%add3A_278, %dma_wait3A_312] : memref<25x800xi32, #tpu.memory_space<vmem>> -> memref<1x800xi32, #tpu.memory_space<vmem>>
          %dma_wait3A_314 = tpu.memref_squeeze %dma_wait3A_313 : memref<1x800xi32, #tpu.memory_space<vmem>> -> memref<800xi32, #tpu.memory_space<vmem>>
          %dma_wait3A_315 = arith.constant 0 : i32
          %dma_wait3A_316 = arith.constant 0 : i32
          %dma_wait3A_317 = tpu.memref_slice %arg17[%dma_wait3A_315, %dma_wait3A_316] : memref<10240x16xf32, #tpu.memory_space<vmem_shared>> -> memref<10240x16xf32, #tpu.memory_space<vmem_shared>>
          tpu.wait_indirect_dma semaphore(%run_scoped3A_305 : memref<!tpu.dma_semaphore, #tpu.memory_space<semaphore_mem>>) src(%arg10 : memref<800x16xf32, #tpu.memory_space<vmem>>) dst(%dma_wait3A_317 : memref<10240x16xf32, #tpu.memory_space<vmem_shared>>)
          tpu.yield
        }) : () -> ()
      }
      %scan3A_268 = arith.constant 12 : i32
      %dma_wait3A = arith.constant 24 : i32
      %dma_wait3A_269 = arith.constant 0 : i32
      %dma_wait3A_270 = tpu.memref_slice %arg7[%dma_wait3A, %dma_wait3A_269] : memref<25x800xi32, #tpu.memory_space<vmem>> -> memref<1x800xi32, #tpu.memory_space<vmem>>
      %dma_wait3A_271 = tpu.memref_squeeze %dma_wait3A_270 : memref<1x800xi32, #tpu.memory_space<vmem>> -> memref<800xi32, #tpu.memory_space<vmem>>
      %dma_wait3A_272 = arith.constant 0 : i32
      %dma_wait3A_273 = arith.constant 0 : i32
      %dma_wait3A_274 = tpu.memref_slice %arg16[%dma_wait3A_272, %dma_wait3A_273] : memref<10240x16xf32, #tpu.memory_space<vmem_shared>> -> memref<10240x16xf32, #tpu.memory_space<vmem_shared>>
      tpu.wait_indirect_dma semaphore(%arg18 : memref<!tpu.dma_semaphore, #tpu.memory_space<semaphore_mem>>) src(%dma_wait3A_274 : memref<10240x16xf32, #tpu.memory_space<vmem_shared>>) dst(%arg9 : memref<800x16xf32, #tpu.memory_space<vmem>>)
      %run_scoped3A = arith.constant 24 : i32
      "tpu.region"() ({
        %run_scoped3A_275 = tpu.sem_alloc : memref<!tpu.dma_semaphore, #tpu.memory_space<semaphore_mem>>
        %dma_start3A_276 = arith.constant 0 : i32
        %dma_start3A_277 = tpu.memref_slice %arg8[%run_scoped3A, %dma_start3A_276] : memref<25x800xi32, #tpu.memory_space<vmem>> -> memref<1x800xi32, #tpu.memory_space<vmem>>
        %dma_start3A_278 = tpu.memref_squeeze %dma_start3A_277 : memref<1x800xi32, #tpu.memory_space<vmem>> -> memref<800xi32, #tpu.memory_space<vmem>>
        %dma_start3A_279 = arith.constant 0 : i32
        %dma_start3A_280 = arith.constant 0 : i32
        %dma_start3A_281 = tpu.memref_slice %arg17[%dma_start3A_279, %dma_start3A_280] : memref<10240x16xf32, #tpu.memory_space<vmem_shared>> -> memref<10240x16xf32, #tpu.memory_space<vmem_shared>>
        tpu.enqueue_indirect_dma source(%arg9 : memref<800x16xf32, #tpu.memory_space<vmem>>) target(%dma_start3A_281 : memref<10240x16xf32, #tpu.memory_space<vmem_shared>>) offsets(%dma_start3A_278 : memref<800xi32, #tpu.memory_space<vmem>>) semaphore(%run_scoped3A_275 : memref<!tpu.dma_semaphore, #tpu.memory_space<semaphore_mem>>) {add = true}
        %dma_wait3A_282 = arith.constant 0 : i32
        %dma_wait3A_283 = tpu.memref_slice %arg8[%run_scoped3A, %dma_wait3A_282] : memref<25x800xi32, #tpu.memory_space<vmem>> -> memref<1x800xi32, #tpu.memory_space<vmem>>
        %dma_wait3A_284 = tpu.memref_squeeze %dma_wait3A_283 : memref<1x800xi32, #tpu.memory_space<vmem>> -> memref<800xi32, #tpu.memory_space<vmem>>
        %dma_wait3A_285 = arith.constant 0 : i32
        %dma_wait3A_286 = arith.constant 0 : i32
        %dma_wait3A_287 = tpu.memref_slice %arg17[%dma_wait3A_285, %dma_wait3A_286] : memref<10240x16xf32, #tpu.memory_space<vmem_shared>> -> memref<10240x16xf32, #tpu.memory_space<vmem_shared>>
        tpu.wait_indirect_dma semaphore(%run_scoped3A_275 : memref<!tpu.dma_semaphore, #tpu.memory_space<semaphore_mem>>) src(%arg9 : memref<800x16xf32, #tpu.memory_space<vmem>>) dst(%dma_wait3A_287 : memref<10240x16xf32, #tpu.memory_space<vmem_shared>>)
        tpu.yield
      }) : () -> ()
    } else {
    }
    %barrier3A_256 = arith.constant 0 : index
    tpu.barrier barrier_id(%barrier3A_256)
    "tpu.region"() ({
      %run_scoped3A = tpu.sem_alloc : memref<!tpu.dma_semaphore, #tpu.memory_space<semaphore_mem>>
      %dma_start3A = arith.constant 0 : i32
      %dma_start3A_257 = tpu.memref_slice %arg5[%mul3A_0, %dma_start3A] : memref<10240x16xf32, #tpu.memory_space<hbm>> -> memref<640x16xf32, #tpu.memory_space<hbm>>
      %dma_start3A_258 = arith.constant 0 : i32
      %dma_start3A_259 = tpu.memref_slice %arg17[%mul3A_0, %dma_start3A_258] : memref<10240x16xf32, #tpu.memory_space<vmem_shared>> -> memref<640x16xf32, #tpu.memory_space<vmem_shared>>
      tpu.enqueue_dma source(%dma_start3A_259 : memref<640x16xf32, #tpu.memory_space<vmem_shared>>) target(%dma_start3A_257 : memref<640x16xf32, #tpu.memory_space<hbm>>) target_semaphore(%run_scoped3A : memref<!tpu.dma_semaphore, #tpu.memory_space<semaphore_mem>>)
      %dma_wait3A = arith.constant 0 : i32
      %dma_wait3A_260 = tpu.memref_slice %arg5[%mul3A_0, %dma_wait3A] : memref<10240x16xf32, #tpu.memory_space<hbm>> -> memref<640x16xf32, #tpu.memory_space<hbm>>
      %dma_wait3A_261 = arith.constant 0 : i32
      %dma_wait3A_262 = tpu.memref_slice %arg17[%mul3A_0, %dma_wait3A_261] : memref<10240x16xf32, #tpu.memory_space<vmem_shared>> -> memref<640x16xf32, #tpu.memory_space<vmem_shared>>
      tpu.wait_dma2 semaphore(%run_scoped3A : memref<!tpu.dma_semaphore, #tpu.memory_space<semaphore_mem>>) src(%dma_wait3A_262 : memref<640x16xf32, #tpu.memory_space<vmem_shared>>) dst(%dma_wait3A_260 : memref<640x16xf32, #tpu.memory_space<hbm>>)
      tpu.yield
    }) : () -> ()
    return
  }
}

module attributes {stable_mosaic.version = 14 : i64} {
  func.func @_mlp_body(%arg0: i32, %arg1: memref<2000x128xf32, #tpu.memory_space<vmem>>, %arg2: memref<128x64xf32, #tpu.memory_space<vmem>>, %arg3: memref<1x64xf32, #tpu.memory_space<vmem>>, %arg4: memref<64x16xf32, #tpu.memory_space<vmem>>, %arg5: memref<1x16xf32, #tpu.memory_space<vmem>>, %arg6: memref<2000x16xf32, #tpu.memory_space<vmem>>) attributes {dimension_semantics = [#tpu.dimension_semantics<arbitrary>], iteration_bounds = array<i64: 5>, scalar_prefetch = 0 : i64, scratch_operands = 0 : i64, tpu.core_type = #tpu.core_type<tc>, window_params = [{transform_indices = @transform_0, window_bounds = array<i64: 2000, 128>}, {pipeline_mode = #tpu.pipeline_mode<synchronous>, transform_indices = @transform_1, window_bounds = array<i64: 128, 64>}, {pipeline_mode = #tpu.pipeline_mode<synchronous>, transform_indices = @transform_2, window_bounds = array<i64: 1, 64>}, {pipeline_mode = #tpu.pipeline_mode<synchronous>, transform_indices = @transform_3, window_bounds = array<i64: 64, 16>}, {pipeline_mode = #tpu.pipeline_mode<synchronous>, transform_indices = @transform_4, window_bounds = array<i64: 1, 16>}, {transform_indices = @transform_5, window_bounds = array<i64: 2000, 16>}]} {
    %get3A = arith.constant 0 : index
    %get3A_0 = arith.constant 0 : index
    %get3A_1 = vector.load %arg1[%get3A, %get3A_0] : memref<2000x128xf32, #tpu.memory_space<vmem>>, vector<2000x128xf32>
    %get3A_2 = arith.constant 0 : index
    %get3A_3 = arith.constant 0 : index
    %get3A_4 = vector.load %arg2[%get3A_2, %get3A_3] : memref<128x64xf32, #tpu.memory_space<vmem>>, vector<128x64xf32>
    %dot_general3A = arith.constant dense<0.000000e+00> : vector<2000x64xf32>
    %dot_general3A_5 = tpu.matmul %get3A_1, %get3A_4, %dot_general3A {dimension_numbers = #tpu.dot_dimension_numbers<[1], [0], [0], [1], [0, 0, 1, 1], [], []>, transpose_lhs_hint = false} : vector<2000x128xf32>, vector<128x64xf32>, vector<2000x64xf32> -> vector<2000x64xf32>
    %get3A_6 = arith.constant 0 : index
    %get3A_7 = arith.constant 0 : index
    %get3A_8 = vector.load %arg3[%get3A_6, %get3A_7] : memref<1x64xf32, #tpu.memory_space<vmem>>, vector<1x64xf32>
    %add3A = vector.broadcast %get3A_8 : vector<1x64xf32> to vector<2000x64xf32>
    %add3A_9 = arith.addf %dot_general3A_5, %add3A : vector<2000x64xf32>
    %max3A = arith.constant 0.000000e+00 : f32
    %max3A_10 = vector.broadcast %max3A : f32 to vector<2000x64xf32>
    %max3A_11 = arith.maximumf %add3A_9, %max3A_10 : vector<2000x64xf32>
    %get3A_12 = arith.constant 0 : index
    %get3A_13 = arith.constant 0 : index
    %get3A_14 = vector.load %arg4[%get3A_12, %get3A_13] : memref<64x16xf32, #tpu.memory_space<vmem>>, vector<64x16xf32>
    %dot_general3A_15 = arith.constant dense<0.000000e+00> : vector<2000x16xf32>
    %dot_general3A_16 = tpu.matmul %max3A_11, %get3A_14, %dot_general3A_15 {dimension_numbers = #tpu.dot_dimension_numbers<[1], [0], [0], [1], [0, 0, 1, 1], [], []>, transpose_lhs_hint = false} : vector<2000x64xf32>, vector<64x16xf32>, vector<2000x16xf32> -> vector<2000x16xf32>
    %get3A_17 = arith.constant 0 : index
    %get3A_18 = arith.constant 0 : index
    %get3A_19 = vector.load %arg5[%get3A_17, %get3A_18] : memref<1x16xf32, #tpu.memory_space<vmem>>, vector<1x16xf32>
    %add3A_20 = vector.broadcast %get3A_19 : vector<1x16xf32> to vector<2000x16xf32>
    %add3A_21 = arith.addf %dot_general3A_16, %add3A_20 : vector<2000x16xf32>
    %swap3A = arith.constant 0 : index
    %swap3A_22 = arith.constant 0 : index
    %swap3A_23 = vector.load %arg6[%swap3A, %swap3A_22] : memref<2000x16xf32, #tpu.memory_space<vmem>>, vector<2000x16xf32>
    tpu.vector_store %arg6[%swap3A, %swap3A_22], %add3A_21 {strides = array<i32>} : memref<2000x16xf32, #tpu.memory_space<vmem>>, vector<2000x16xf32>,
    return
  }
  func.func @transform_0(%arg0: i32) -> (i32, i32) {
    %c0_i32 = arith.constant 0 : i32
    %c0_i32_0 = arith.constant 0 : i32
    return %arg0, %c0_i32 : i32, i32
  }
  func.func @transform_1(%arg0: i32) -> (i32, i32) {
    %c0_i32 = arith.constant 0 : i32
    %c0_i32_0 = arith.constant 0 : i32
    %c0_i32_1 = arith.constant 0 : i32
    return %c0_i32, %c0_i32_0 : i32, i32
  }
  func.func @transform_2(%arg0: i32) -> (i32, i32) {
    %c0_i32 = arith.constant 0 : i32
    %c0_i32_0 = arith.constant 0 : i32
    %c0_i32_1 = arith.constant 0 : i32
    return %c0_i32, %c0_i32_0 : i32, i32
  }
  func.func @transform_3(%arg0: i32) -> (i32, i32) {
    %c0_i32 = arith.constant 0 : i32
    %c0_i32_0 = arith.constant 0 : i32
    %c0_i32_1 = arith.constant 0 : i32
    return %c0_i32, %c0_i32_0 : i32, i32
  }
  func.func @transform_4(%arg0: i32) -> (i32, i32) {
    %c0_i32 = arith.constant 0 : i32
    %c0_i32_0 = arith.constant 0 : i32
    %c0_i32_1 = arith.constant 0 : i32
    return %c0_i32, %c0_i32_0 : i32, i32
  }
  func.func @transform_5(%arg0: i32) -> (i32, i32) {
    %c0_i32 = arith.constant 0 : i32
    %c0_i32_0 = arith.constant 0 : i32
    return %arg0, %c0_i32 : i32, i32
  }
}

module attributes {stable_mosaic.version = 14 : i64} {
  func.func @_lsm_body(%arg0: i32, %arg1: memref<2000x16xf32, #tpu.memory_space<vmem>>, %arg2: memref<2000x16xf32, #tpu.memory_space<vmem>>, %arg3: memref<2000x16xf32, #tpu.memory_space<vmem>>, %arg4: memref<11x16xf32, #tpu.memory_space<vmem>>, %arg5: memref<2000x16xf32, #tpu.memory_space<vmem>>) attributes {dimension_semantics = [#tpu.dimension_semantics<arbitrary>], iteration_bounds = array<i64: 5>, scalar_prefetch = 0 : i64, scratch_operands = 0 : i64, tpu.core_type = #tpu.core_type<tc>, window_params = [{transform_indices = @transform_0, window_bounds = array<i64: 2000, 16>}, {transform_indices = @transform_1, window_bounds = array<i64: 2000, 16>}, {transform_indices = @transform_2, window_bounds = array<i64: 2000, 16>}, {pipeline_mode = #tpu.pipeline_mode<synchronous>, transform_indices = @transform_3, window_bounds = array<i64: 11, 16>}, {transform_indices = @transform_4, window_bounds = array<i64: 2000, 16>}]} {
    %get3A = arith.constant 1 : index
    %get3A_0 = arith.constant 0 : index
    %get3A_1 = vector.load %arg4[%get3A, %get3A_0] : memref<11x16xf32, #tpu.memory_space<vmem>>, vector<10x1xf32>
    %ne3A = arith.constant 0.000000e+00 : f32
    %ne3A_2 = vector.broadcast %ne3A : f32 to vector<10x1xf32>
    %ne3A_3 = arith.cmpf one, %get3A_1, %ne3A_2 : vector<10x1xf32>
    %reduce_or3A = arith.constant 1.000000e+00 : f32
    %reduce_or3A_4 = arith.constant 0.000000e+00 : f32
    %reduce_or3A_5 = vector.broadcast %reduce_or3A : f32 to vector<10x1xf32>
    %reduce_or3A_6 = vector.broadcast %reduce_or3A_4 : f32 to vector<10x1xf32>
    %reduce_or3A_7 = arith.select %ne3A_3, %reduce_or3A_5, %reduce_or3A_6 : vector<10x1xi1>, vector<10x1xf32>
    %reduce_or3A_8 = vector.shape_cast %reduce_or3A_7 : vector<10x1xf32> to vector<1x10x1xf32>
    %reduce_or3A_9 = arith.constant dense<0xFF800000> : vector<1xf32>
    %reduce_or3A_10 = vector.multi_reduction <maximumf>, %reduce_or3A_8, %reduce_or3A_9 [1, 2] : vector<1x10x1xf32> to vector<1xf32>
    %reduce_or3A_11 = vector.shape_cast %reduce_or3A_10 : vector<1xf32> to vector<1x1x1xf32>
    %reduce_or3A_12 = vector.extract %reduce_or3A_11[0, 0, 0] : f32 from vector<1x1x1xf32>
    %reduce_or3A_13 = arith.constant 0.000000e+00 : f32
    %reduce_or3A_14 = arith.cmpf ogt, %reduce_or3A_12, %reduce_or3A_13 : f32
    %get3A_15 = arith.constant 0 : index
    %get3A_16 = arith.constant 0 : index
    %get3A_17 = vector.load %arg2[%get3A_15, %get3A_16] : memref<2000x16xf32, #tpu.memory_space<vmem>>, vector<2000x16xf32>
    %get3A_18 = arith.constant 0 : index
    %get3A_19 = arith.constant 0 : index
    %get3A_20 = vector.load %arg1[%get3A_18, %get3A_19] : memref<2000x16xf32, #tpu.memory_space<vmem>>, vector<2000x16xf32>
    %mul3A = arith.mulf %get3A_17, %get3A_20 : vector<2000x16xf32>
    %jit3A = arith.constant 0.000000e+00 : f32
    %broadcast_in_dim3A = vector.broadcast %jit3A : f32 to vector<2000x16xf32>
    %select_n3A = arith.select %reduce_or3A_14, %mul3A, %broadcast_in_dim3A : vector<2000x16xf32>
    %get3A_21 = arith.constant 0 : index
    %get3A_22 = arith.constant 0 : index
    %get3A_23 = vector.load %arg4[%get3A_21, %get3A_22] : memref<11x16xf32, #tpu.memory_space<vmem>>, vector<1x16xf32>
    %get3A_24 = arith.constant 0 : index
    %get3A_25 = arith.constant 0 : index
    %get3A_26 = vector.load %arg3[%get3A_24, %get3A_25] : memref<2000x16xf32, #tpu.memory_space<vmem>>, vector<2000x16xf32>
    %mul3A_27 = vector.broadcast %get3A_23 : vector<1x16xf32> to vector<2000x16xf32>
    %mul3A_28 = arith.mulf %mul3A_27, %get3A_26 : vector<2000x16xf32>
    %add3A = arith.addf %select_n3A, %mul3A_28 : vector<2000x16xf32>
    %reduce_max3A = arith.constant dense<0xFF800000> : vector<2000xf32>
    %reduce_max3A_29 = vector.multi_reduction <maximumf>, %add3A, %reduce_max3A [1] : vector<2000x16xf32> to vector<2000xf32>
    %broadcast_in_dim3A_30 = vector.shape_cast %reduce_max3A_29 : vector<2000xf32> to vector<2000x1xf32>
    %sub3A = vector.broadcast %broadcast_in_dim3A_30 : vector<2000x1xf32> to vector<2000x16xf32>
    %sub3A_31 = arith.subf %add3A, %sub3A : vector<2000x16xf32>
    %exp3A = math.exp %sub3A_31 : vector<2000x16xf32>
    %sub3A_32 = vector.broadcast %broadcast_in_dim3A_30 : vector<2000x1xf32> to vector<2000x16xf32>
    %sub3A_33 = arith.subf %add3A, %sub3A_32 : vector<2000x16xf32>
    %reduce_sum3A = arith.constant dense<0.000000e+00> : vector<2000xf32>
    %reduce_sum3A_34 = vector.multi_reduction <add>, %exp3A, %reduce_sum3A [1] : vector<2000x16xf32> to vector<2000xf32>
    %broadcast_in_dim3A_35 = vector.shape_cast %reduce_sum3A_34 : vector<2000xf32> to vector<2000x1xf32>
    %log3A = math.log %broadcast_in_dim3A_35 : vector<2000x1xf32>
    %sub3A_36 = vector.broadcast %log3A : vector<2000x1xf32> to vector<2000x16xf32>
    %sub3A_37 = arith.subf %sub3A_33, %sub3A_36 : vector<2000x16xf32>
    %swap3A = arith.constant 0 : index
    %swap3A_38 = arith.constant 0 : index
    %swap3A_39 = vector.load %arg5[%swap3A, %swap3A_38] : memref<2000x16xf32, #tpu.memory_space<vmem>>, vector<2000x16xf32>
    tpu.vector_store %arg5[%swap3A, %swap3A_38], %sub3A_37 {strides = array<i32>} : memref<2000x16xf32, #tpu.memory_space<vmem>>, vector<2000x16xf32>,
    return
  }
  func.func @transform_0(%arg0: i32) -> (i32, i32) {
    %c0_i32 = arith.constant 0 : i32
    %c0_i32_0 = arith.constant 0 : i32
    return %arg0, %c0_i32 : i32, i32
  }
  func.func @transform_1(%arg0: i32) -> (i32, i32) {
    %c0_i32 = arith.constant 0 : i32
    %c0_i32_0 = arith.constant 0 : i32
    return %arg0, %c0_i32 : i32, i32
  }
  func.func @transform_2(%arg0: i32) -> (i32, i32) {
    %c0_i32 = arith.constant 0 : i32
    %c0_i32_0 = arith.constant 0 : i32
    return %arg0, %c0_i32 : i32, i32
  }
  func.func @transform_3(%arg0: i32) -> (i32, i32) {
    %c0_i32 = arith.constant 0 : i32
    %c0_i32_0 = arith.constant 0 : i32
    %c0_i32_1 = arith.constant 0 : i32
    return %c0_i32, %c0_i32_0 : i32, i32
  }
  func.func @transform_4(%arg0: i32) -> (i32, i32) {
    %c0_i32 = arith.constant 0 : i32
    %c0_i32_0 = arith.constant 0 : i32
    return %arg0, %c0_i32 : i32, i32
  }
}

</mosaic_0001>

<sc_bundles>
// kernel: kernel.5.cloned.1.call-start
scs
__scs_entry_jumppad:
0x0: {  	(pc) =	sbr.rel $0x88, $3  }
0x1: {  	(tag) =	ssettag $0x0;
	lr =	simm.s32 $0x1  }
0x2: {  	[smem:$0x3F9A] =	sst lr;
	_ =	strace $0xD0000000  }
0x3: {  	_ = 	snop  }
0x4: {  	_ = 	snop  }
0x5: {  	_ = 	snop  }
0x6: {  	_ = 	snop  }
0x7: {  	_ = 	snop  }
__scs_overlays_trampoline_lowered:
0x8: {  	[smem:$0x3FA9] =	sst s0  }
0x9: {  	[smem:$0x3FAA] =	sst s1  }
0xa: {  	[smem:$0x3FAB] =	sst s2  }
0xb: {  	[smem:$0x3FAC] =	sst s3  }
0xc: {  	[smem:$0x3FAD] =	sst s4  }
0xd: {  	[smem:$0x3FAE] =	sst s5  }
0xe: {  	[smem:$0x3FAF] =	sst s6  }
0xf: {  	[smem:$0x3FB0] =	sst s7  }
0x10: {  	[smem:$0x3FB1] =	sst s8  }
0x11: {  	[smem:$0x3FB2] =	sst s9;
	s0 =	simm.s32 @!p0 $0x0  }
0x12: {  	s1 =	sld [smem:$0x3F98];
	s0 =	simm.s32 @p0 $0x1  }
0x13: {  	[smem:$0x3FB3] =	sst s0;
	s0 =	simm.s32 @!p1 $0x0  }
0x14: {  	s2 =	sld [smem:$0x3F97];
	s0 =	simm.s32 @p1 $0x1  }
0x15: {  	[smem:$0x3FB4] =	sst s0;
	s0 =	simm.s32 @!p2 $0x0  }
0x16: {  	s3 =	sld [smem:$0x3FDB];
	s0 =	simm.s32 @p2 $0x1  }
0x17: {  	s4 =	simm.s32 $0x1BF5;
	[smem:$0x3FB6] =	sst s0  }
0x18: {  	s0 =	sld [smem:$0x3F99];
	_ =	swait.ge [sflag:s4], $0x0  }
0x19: {  	s7 =	sld [smem:$0x3F9A]  }
0x1a: {  	s8 =	sadd.s32 $0xFFFFE003, lr  }
0x1b: {  	s9 =	sadd.s32 $0xFFFFFEF7, lr;
	s5 =	simm.s32 $0xFFFFFFFF;
	p2 =	slt.u32 s8, $0xFFFFF086  }
0x1c: {  	p1 =	slt.u32 s9, $0xF7A;
	s5 =	simm.s32 @!p2 $0x0  }
0x1d: {  	s5 =	simm.s32 @p1 $0x1;
	p0 =	seq.s32 s7, s2  }
0x1e: {  	s7 =	smul.u32 @!p0 $0xF7A, s2;
	p2 =	seq.s32 @!p0 s5, $0x0  }
0x1f: {  	s9 =	smul.u32 $0xF7A, s1;
	s8 =	simm.s32 @!p0 $0x1BF5;
	p2 =	por !p2, p0  }
0x20: {  	[sflag:s8] =	ssyncset.s32 @!p0 $0xFFFFF086;
	s6 =	sadd.s32 @!p0 s3, s7;
	s7 =	simm.s32 @!p0 $0x108  }
0x21: {  	s3 =	sadd.s32 s3, s9;
	s6 =	sadd.s32 @!p0 $0x88, s6;
	s7 =	simm.s32 @p2 $0x1082  }
0x22: {  	[simem:s7], [sflag:s8] =	dma.local @!p0 [hbm:s6], $0xF7A  }
0x23: {  	s9 =	sor.u32 $0xD0000000, s2;
	s6 =	simm.s32 $0x108;
	_ =	swait.ge @!p0 [sflag:s8], $0x0  }
0x24: {  	s3 =	sadd.s32 $0x88, s3;
	s6 =	simm.s32 @!p1 $0x1082;
	[sflag:s4] =	ssyncset.s32 $0xFFFFF086  }
0x25: {  	[simem:s6], [sflag:s4] =	dma.local [hbm:s3], $0xF7A  }
0x26: {  	[smem:$0x3F9A] =	sst s1;
	(tag) =	ssettag s2;
	_ =	strace s9  }
0x27: {  	s1 =	sld [smem:$0x3FAA]  }
0x28: {  	s2 =	sld [smem:$0x3FAB]  }
0x29: {  	s4 =	sld [smem:$0x3FAD]  }
0x2a: {  	p0 =	seq.s32 s5, $0x0;
	s5 =	sld [smem:$0x3FAE]  }
0x2b: {  	s6 =	sld [smem:$0x3FAF]  }
0x2c: {  	s7 =	sld [smem:$0x3FB0]  }
0x2d: {  	s3 =	simm.s32 $0x108;
	s8 =	sld [smem:$0x3FB1]  }
0x2e: {  	s3 =	simm.s32 @!p0 $0x1082;
	s9 =	sld [smem:$0x3FB2]  }
0x2f: {  	lr =	sadd.s32 s0, s3;
	s0 =	sld [smem:$0x3FA9]  }
0x30: {  	s3 =	sld [smem:$0x3FAC]  }
0x31: {  	[smem:$0x3FB5] =	sst s10  }
0x32: {  	s10 =	sld [smem:$0x3FB3];
	_ =	sdelay $0x3  }
0x33: {  	p0 =	seq.s32 s10, $0x1;
	s10 =	sld [smem:$0x3FB5];
	_ =	sdelay $0x3  }
0x34: {  	[smem:$0x3FB5] =	sst s10  }
0x35: {  	s10 =	sld [smem:$0x3FB4];
	_ =	sdelay $0x3  }
0x36: {  	p1 =	seq.s32 s10, $0x1;
	s10 =	sld [smem:$0x3FB5];
	_ =	sdelay $0x3  }
0x37: {  	[smem:$0x3FB5] =	sst s10  }
0x38: {  	s10 =	sld [smem:$0x3FB6]  }
0x39: {  	_ = 	snop;
	(pc) =	sbr.ind lr, $3  }
0x3a: {  	_ = 	snop  }
0x3b: {  	_ = 	snop  }
0x3c: {  	p2 =	seq.s32 s10, $0x1;
	s10 =	sld [smem:$0x3FB5]  }
0x3d: {  	_ =	shalt  }
0x3e: {  	_ =	shalt  }
0x3f: {  	_ =	shalt  }
0x40: {  	_ =	shalt  }
0x41: {  	_ =	shalt  }
0x42: {  	_ =	shalt  }
0x43: {  	_ =	shalt  }
0x44: {  	_ =	shalt  }
0x45: {  	_ =	shalt  }
0x46: {  	_ =	shalt  }
0x47: {  	_ =	shalt  }
0x48: {  	_ =	shalt  }
0x49: {  	_ =	shalt  }
0x4a: {  	_ =	shalt  }
0x4b: {  	_ =	shalt  }
0x4c: {  	_ =	shalt  }
0x4d: {  	_ =	shalt  }
0x4e: {  	_ =	shalt  }
0x4f: {  	_ =	shalt  }
0x50: {  	_ =	shalt  }
0x51: {  	_ =	shalt  }
0x52: {  	_ =	shalt  }
0x53: {  	_ =	shalt  }
0x54: {  	_ =	shalt  }
0x55: {  	_ =	shalt  }
0x56: {  	_ =	shalt  }
0x57: {  	_ =	shalt  }
0x58: {  	_ =	shalt  }
0x59: {  	_ =	shalt  }
0x5a: {  	_ =	shalt  }
0x5b: {  	_ =	shalt  }
0x5c: {  	_ =	shalt  }
0x5d: {  	_ =	shalt  }
0x5e: {  	_ =	shalt  }
0x5f: {  	_ =	shalt  }
0x60: {  	_ =	shalt  }
0x61: {  	_ =	shalt  }
0x62: {  	_ =	shalt  }
0x63: {  	_ =	shalt  }
0x64: {  	_ =	shalt  }
0x65: {  	_ =	shalt  }
0x66: {  	_ =	shalt  }
0x67: {  	_ =	shalt  }
0x68: {  	_ =	shalt  }
0x69: {  	_ =	shalt  }
0x6a: {  	_ =	shalt  }
0x6b: {  	_ =	shalt  }
0x6c: {  	_ =	shalt  }
0x6d: {  	_ =	shalt  }
0x6e: {  	_ =	shalt  }
0x6f: {  	_ =	shalt  }
0x70: {  	_ =	shalt  }
0x71: {  	_ =	shalt  }
0x72: {  	_ =	shalt  }
0x73: {  	_ =	shalt  }
0x74: {  	_ =	shalt  }
0x75: {  	_ =	shalt  }
0x76: {  	_ =	shalt  }
0x77: {  	_ =	shalt  }
0x78: {  	_ =	shalt  }
0x79: {  	_ =	shalt  }
0x7a: {  	_ =	shalt  }
0x7b: {  	_ =	shalt  }
0x7c: {  	_ =	shalt  }
0x7d: {  	_ =	shalt  }
0x7e: {  	_ =	shalt  }
0x7f: {  	_ =	shalt  }
0x80: {  	_ =	shalt  }
0x81: {  	_ =	shalt  }
0x82: {  	_ =	shalt  }
0x83: {  	_ =	shalt  }
0x84: {  	_ =	shalt  }
0x85: {  	_ =	shalt  }
0x86: {  	_ =	shalt  }
0x87: {  	_ =	shalt  }
.Lfunc_end0:
.L_simem_size_0:
called_computation_lowered:
.L_overlay_start_0:
0x88: {  	s0 =	sld [smem:$0x3FD9]  }
0x89: {  	s1 =	sld [smem:$0x3FFE];
	_ =	sdelay $0x3  }
0x8a: {  	s0 =	sadd.s32 s1, s0  }
0x8b: {  	[smem:$0x3FC1] =	sst s0  }
0x8c: {  	_ = 	snop  }
0x8d: {  	s0 =	sld [smem:$0x3FD0];
	(tm) =	ssettm $0x1  }
0x8e: {  	s16 =	sld [smem:$0x3FFB];
	_ =	sdelay $0x3  }
0x8f: {  	_ =	strace s16  }
0x90: {  	s1 =	sld [smem:$0x3FFC];
	_ =	sdelay $0x3  }
0x91: {  	_ =	strace s1  }
0x92: {  	s1 =	sld [smem:$0x3FFD];
	_ =	sdelay $0x3  }
0x93: {  	_ =	strace s1  }
0x94: {  	_ =	strace $0x8FFFFFFF  }
0x95: {  	s17 =	sld [smem:$0x3FDB];
	_ =	sdelay $0x1  }
0x96: {  	s2 =	simm.s32 $_scs_section_size  }
0x97: {  	s3 =	simm.s32 $_size__tile_overlayer_lowered;
	s4 =	simm.s32 $_tile_overlayer_lowered  }
0x98: {  	s20 =	simm.s32 $0x1BFF;
	s19 =	sshll.u32 s4, $0x1;
	s1 =	sadd.s32 s2, s17  }
0x99: {  	s5 =	simm.s32 $0x0;
	s18 =	sshll.u32 s3, $0x1;
	s3 =	sadd.s32 s19, s1  }
0x9a: {  	[timem:s5], [sflag:s20] =	dma.local [hbm:s3], s18  }
0x9b: {  	_ =	swait.ge [sflag:s20], s18  }
0x9c: {  	s2 =	ssub.s32 $0x0, s18;
	[sflag:s20] =	ssyncset.done $0x0  }
0x9d: {  	[sflag:s20] =	ssyncadd.s32 s2;
	_ =	sdelay $0x1  }
0x9e: {  	s21 =	simm.s32 $0x1B8B  }
0x9f: {  	_ =	swait.ge [sflag:s21], $0x1  }
0xa0: {  	[sflag:s21] =	ssyncset.done $0x0  }
0xa1: {  	s23 =	simm.s32 $0x1B8E;
	s22 =	sld [smem:$0x3FFE];
	[sflag:s21] =	ssyncadd.s32 $0xFFFFFFFF  }
0xa2: {  	s24 =	simm.s32 $execute0_lowered;
	[smem:$0x3FD2] =	sst s23  }
0xa3: {  	s3 =	sshll.u32 s24, $0x1;
	_ =	strace $0x80000046;
	[dreg:$0x1] =	wrdreg $0xFFFFFFFF  }
0xa4: {  	s25 =	simm.s32 $_size_execute0_lowered;
	s1 =	sadd.s32 s1, s3;
	[dreg:$0x0] =	wrdreg $0x0  }
0xa5: {  	s3 =	sshll.u32 s25, $0x1;
	[dreg:$0x2] =	wrdreg s1  }
0xa6: {  	[dreg:$0x3] =	wrdreg s3  }
0xa7: {  	[dreg:$0x4] =	wrdreg $0xC0  }
0xa8: {  	_ =	task [dreg:s5], $0x5FFFF  }
0xa9: {  	[dreg:$0x1] =	wrdreg $0xFFFFFFFF  }
0xaa: {  	[dreg:$0x0] =	wrdreg $0x60  }
0xab: {  	[dreg:$0x2] =	wrdreg s22  }
0xac: {  	[dreg:$0x3] =	wrdreg s0  }
0xad: {  	[dreg:$0x4] =	wrdreg $0x1C8F00  }
0xae: {  	[dreg:$0x5] =	wrdreg $0x1A0F00  }
0xaf: {  	[dreg:$0x6] =	wrdreg $0x9  }
0xb0: {  	_ =	task.clear_ibuf [dreg:s5], $0x7FFFF;
	_ =	strace $0x90000046  }
0xb1: {  	s26 =	simm.s32 $0x9;
	_ =	strace $0x80000048  }
0xb2: {  	_ =	swait.ge [sflag:s26], $0x1  }
0xb3: {  	[sflag:s26] =	ssyncadd.s32 $0xFFFFFFFF  }
0xb4: {  	_ =	strace $0x90000048  }
0xb5: {  	_ =	sfence  }
0xb6: {  	s28 =	sld [smem:$0x0];
	_ =	sdelay $0x1  }
0xb7: {  	s29 =	srdreg.scid  }
0xb8: {  	s30 =	sshll.u32 s29, $0xD;
	s31 =	sshrl.u32 s29, $0x2  }
0xb9: {  	s2 =	sand.u32 $0x4000, s30;
	s1 =	sand.u32 $0x1, s29;
	s0 =	sadd.s32 s31, s28  }
0xba: {  	s1 =	sor.u32 s2, s1;
	s0 =	sshll.u32 s0, $0x11  }
0xbb: {  	s0 =	sor.u32 s0, s1  }
0xbc: {  	s0 =	sadd.s32 $0x8F2B, s0  }
0xbd: {  	[sflag:s0] =	ssyncadd.remote.s32 $0x1  }
0xbe: {  	_ =	sfence.sel $0xFFFF  }
0xbf: {  	[dreg:$0x0] =	wrdreg $0xFFFFFFFF;
	(pc) =	sbr.abs _section_cstart, $3  }
0xc0: {  	[dreg:$0x1] =	wrdreg $0xFFFFFFFF  }
0xc1: {  	_ =	task.clear_ibuf [dreg:s5], $0x2FFFF;
	_ =	strace $0x9FFFFFFF  }
0xc2: {  	(tm) =	ssettm $0x7FFFFFFF  }
0xc3: {  	_ =	shalt  }
tec
execute0_lowered:
.L_overlay_start_1:
0x0: {  	(tag) =	ssettag $0x1  }
0x1: {  	s2 =	rddreg [dreg:$0x0]  }
0x2: {  	s4 =	rddreg [dreg:$0x1]  }
0x3: {  	s1 =	rddreg [dreg:$0x2]  }
0x4: {  	s3 =	rddreg [dreg:$0x3]  }
0x5: {  	s0 =	rddreg [dreg:$0x4];
	s5 =	simm.s32 $0x0  }
0x6: {  	[smem:$0x7FF] =	sst s5  }
0x7: {  	s6 =	simm.s32 $0x1A040;
	s31 =	simm.s32 $0x3;
	_ =	strace $0x80000047  }
0x8: {  	[tilespmem:s6], [sflag:$0x3] =	stream.linear.gather [hbm4b:s4+s5], $0xB0, $0x38;
	[tilespmem:$0x1F0F0] =	vst v63  }
0x9: {  	_ =	swait.ge [sflag:s31], $0xB0  }
0xa: {  	[sflag:s31] =	ssyncset.done $0x0  }
0xb: {  	[sflag:s31] =	ssyncadd.s32 $0xFFFFFF50  }
0xc: {  	v7 =	vld [tilespmem:$0x1A050]  }
0xd: {  	v8 =	vld [tilespmem:$0x1A060]  }
0xe: {  	v9 =	vld [tilespmem:$0x1A070]  }
0xf: {  	v10 =	vld [tilespmem:$0x1A080]  }
0x10: {  	v6 =	vld [tilespmem:$0x1A090]  }
0x11: {  	v5 =	vld [tilespmem:$0x1A0A0]  }
0x12: {  	v4 =	vld [tilespmem:$0x1A0B0]  }
0x13: {  	s8 =	sadd.s32 $0x14600, s2;
	v3 =	vld [tilespmem:$0x1A0C0]  }
0x14: {  	s10 =	sadd.s32 $0xC00, s2;
	s9 =	sadd.s32 $0x19600, s2;
	s6 =	sadd.s32 $0x1E600, s2;
	v2 =	vld [tilespmem:$0x1A0D0]  }
0x15: {  	v0 =	vimm.f32 $0.0e+00;
	s2 =	stileid.u32;
	s4 =	simm.s32 $0x40;
	s5 =	simm.s32 $0x0;
	v1 =	vld [tilespmem:$0x1A0E0]  }
.LBB2_1:
0x16: {  	p0 =	sne.s32 s4, $0x9FC0;
	[tilespmem:s5+$0x10040] =	vst v0;
	s5 =	smov.u32 s4;
	s4 =	sadd.s32 $0x40, s4  }
.Ltmp0:
0x17: {  	(pc) =	sbr.rel @p0 .LBB2_1-.Ltmp0, $2  }
0x18: {  	_ =	sdelay $0x2  }
0x19: {  	s5 =	sshra.s32 s5, $0x2  }
0x1a: {  	(v2sf) =	vpush v7, $0x0;
	_ =	sdelay $0x2  }
0x1b: {  	(v2sf) =	vpush v8, $0x0;
	_ =	sdelay $0x3  }
0x1c: {  	(v2sf) =	vpush v9, $0x0;
	_ =	sdelay $0x3  }
0x1d: {  	(v2sf) =	vpush v10, $0x0;
	_ =	sdelay $0x3  }
0x1e: {  	s4 =	spop (v2sf);
	(v2sf) =	vpush v6, $0x0  }
0x1f: {  	p0 =	slt.f32 s4, $0.0e+00;
	p1 =	sgt.f32 s4, $0.0e+00  }
0x20: {  	_ = 	snop  }
0x21: {  	s4 =	spop (v2sf);
	p0 =	por p1, p0  }
0x22: {  	(v2sf) =	vpush v5, $0x0;
	p1 =	slt.f32 @!p0 s4, $0.0e+00;
	p2 =	sgt.f32 @!p0 s4, $0.0e+00  }
0x23: {  	_ = 	snop  }
0x24: {  	p1 =	por @!p0 p2, p1  }
0x25: {  	s4 =	spop (v2sf);
	p0 =	por p0, p1  }
0x26: {  	(v2sf) =	vpush v4, $0x0;
	p1 =	slt.f32 @!p0 s4, $0.0e+00;
	p2 =	sgt.f32 @!p0 s4, $0.0e+00  }
0x27: {  	_ = 	snop  }
0x28: {  	p1 =	por @!p0 p2, p1  }
0x29: {  	s4 =	spop (v2sf);
	p0 =	por p0, p1  }
0x2a: {  	(v2sf) =	vpush v3, $0x0;
	p1 =	slt.f32 @!p0 s4, $0.0e+00;
	p2 =	sgt.f32 @!p0 s4, $0.0e+00  }
0x2b: {  	_ = 	snop  }
0x2c: {  	p1 =	por @!p0 p2, p1  }
0x2d: {  	s4 =	spop (v2sf);
	p0 =	por p0, p1  }
0x2e: {  	(v2sf) =	vpush v2, $0x0;
	p1 =	slt.f32 @!p0 s4, $0.0e+00;
	p2 =	sgt.f32 @!p0 s4, $0.0e+00  }
0x2f: {  	_ = 	snop  }
0x30: {  	p1 =	por @!p0 p2, p1  }
0x31: {  	s4 =	spop (v2sf);
	p0 =	por p0, p1  }
0x32: {  	(v2sf) =	vpush v1, $0x0;
	p1 =	slt.f32 @!p0 s4, $0.0e+00;
	p2 =	sgt.f32 @!p0 s4, $0.0e+00  }
0x33: {  	_ = 	snop  }
0x34: {  	p1 =	por @!p0 p2, p1  }
0x35: {  	s4 =	spop (v2sf);
	p0 =	por p0, p1  }
0x36: {  	p1 =	slt.f32 @!p0 s4, $0.0e+00;
	p2 =	sgt.f32 @!p0 s4, $0.0e+00  }
0x37: {  	_ = 	snop  }
0x38: {  	p1 =	por @!p0 p2, p1  }
0x39: {  	s4 =	spop (v2sf);
	p0 =	por p0, p1  }
0x3a: {  	p1 =	slt.f32 @!p0 s4, $0.0e+00;
	p2 =	sgt.f32 @!p0 s4, $0.0e+00  }
0x3b: {  	_ = 	snop  }
0x3c: {  	p1 =	por @!p0 p2, p1  }
0x3d: {  	s7 =	spop (v2sf);
	p0 =	por p0, p1  }
0x3e: {  	p1 =	slt.f32 @!p0 s7, $0.0e+00;
	p2 =	sgt.f32 @!p0 s7, $0.0e+00  }
0x3f: {  	_ = 	snop  }
0x40: {  	s12 =	smul.u32 $0x2800, s2;
	p1 =	por @!p0 p2, p1  }
0x41: {  	[tilespmem:s5+$0x10040] =	vst v0;
	s31 =	simm.s32 $0x10040;
	s5 =	spop (v2sf);
	p0 =	por p0, p1  }
0x42: {  	s4 =	sadd.s32 s12, s1;
	p1 =	slt.f32 @!p0 s5, $0.0e+00;
	p2 =	sgt.f32 @!p0 s5, $0.0e+00  }
0x43: {  	[spmem:s4] =	stream.linear.scatter [tilespmem:s31], [sflag:$0x3], $0x2800, $0x38;
	[tilespmem:$0x1F0F0] =	vst v63  }
0x44: {  	p1 =	por @!p0 p2, p1  }
0x45: {  	p1 =	por @!p0 !p1, !p1  }
0x46: {  	s11 =	simm.s32 $0x3;
	p0 =	por p0, !p1  }
.Ltmp1:
0x47: {  	_ =	swait.ge [sflag:s11], $0x2800;
	(pc) =	sbr.rel @!p0 .LBB2_12-.Ltmp1, $4  }
0x48: {  	[sflag:s11] =	ssyncset.done $0x0  }
0x49: {  	[sflag:s11] =	ssyncadd.s32 $0xFFFFD800  }
0x4a: {  	[bflag:$0x0] =	sbarrier.arrive $0xFFFF  }
0x4b: {  	s7 =	sshrl.u32 s12, $0x3;
	s5 =	sadd.s32 s12, s3  }
0x4c: {  	s12 =	smul.u32 $0x4E20, s2;
	_ =	sdelay $0x1  }
0x4d: {  	s12 =	sshrl.u32 s12, $0x3  }
0x4e: {  	s10 =	sadd.s32 s10, s12;
	s12 =	simm.s32 $0x0  }
0x4f: {  	[tilespmem:s12], [sflag:$0x3] =	stream.linear.gather [hbm4b:s10+s12], $0x4E20, $0x38;
	[tilespmem:$0x1F0F0] =	vst v63  }
0x50: {  	_ =	swait.ge [sflag:s11], $0x4E20  }
0x51: {  	[sflag:s11] =	ssyncset.done $0x0  }
0x52: {  	s13 =	simm.s32 $0x4E20;
	s10 =	sadd.s32 $0x9C40, s10;
	[sflag:s11] =	ssyncadd.s32 $0xFFFFB1E0  }
0x53: {  	[tilespmem:s13], [sflag:$0x3] =	stream.linear.gather [hbm4b:s10+s12], $0x4E20, $0x38;
	[tilespmem:$0x1F0F0] =	vst v63  }
0x54: {  	_ =	swait.ge [sflag:s11], $0x4E20  }
0x55: {  	[sflag:s11] =	ssyncset.done $0x0  }
0x56: {  	v0 =	vimm.f32 $1.000000000e+00;
	s10 =	sadd.s32 s8, s7;
	s8 =	sadd.s32 s9, s7;
	[sflag:s11] =	ssyncadd.s32 $0xFFFFB1E0  }
.LBB2_4:
0x57: {  	p0 =	sne.s32 s12, $0xC7C0  }
.Ltmp2:
0x58: {  	_ = 	snop;
	(pc) =	sbr.rel @p0 .LBB2_4-.Ltmp2, $3  }
0x59: {  	_ =	sdelay $0x1  }
0x5a: {  	s9 =	sshra.s32 s12, $0x2  }
0x5b: {  	s12 =	sadd.s32 $0x40, s12;
	[tilespmem:s9+$0x9C40] =	vst v0  }
0x5c: {  	s9 =	simm.s32 $0x320  }
0x5d: {  	s12 =	simm.s32 $0x9C40;
	s11 =	simm.s32 $0x3;
	s13 =	simm.s32 $0x0  }
0x5e: {  	[spmem:s1] =	stream.indirect.scatter.add.f32 [tilespmem:s12], [sflag:$0x3], $0x10, s13, s9, $0xb8;
	[tilespmem:$0x1F0F0] =	vst v63  }
0x5f: {  	_ =	swait.ge [sflag:s11], $0x3200  }
0x60: {  	s13 =	simm.s32 $0xC80;
	[sflag:s11] =	ssyncset.done $0x0  }
.LBB2_6:
0x61: {  	s14 =	sshra.s32 s13, $0x2;
	[sflag:s11] =	ssyncadd.s32 $0xFFFFCE00;
	p0 =	sne.s32 s13, $0x12C00  }
0x62: {  	[spmem:s1] =	stream.indirect.scatter.add.f32 [tilespmem:s12], [sflag:$0x3], $0x10, s14, s9, $0xb8;
	[tilespmem:$0x1F0F0] =	vst v63  }
.Ltmp3:
0x63: {  	_ = 	snop;
	(pc) =	sbr.rel @p0 .LBB2_6-.Ltmp3, $4  }
0x64: {  	_ = 	snop  }
0x65: {  	s13 =	sadd.s32 $0xC80, s13  }
0x66: {  	_ =	swait.ge [sflag:s11], $0x3200  }
0x67: {  	[sflag:s11] =	ssyncset.done $0x0  }
0x68: {  	[sflag:s11] =	ssyncadd.s32 $0xFFFFCE00  }
0x69: {  	s9 =	simm.s32 $0x10040;
	s30 =	simm.s32 $0x3;
	[bflag:$0x0] =	sbarrier.arrive $0xFFFF  }
0x6a: {  	[tilespmem:s9], [sflag:$0x3] =	stream.linear.gather [spmem:s4], $0x2800, $0x38;
	[tilespmem:$0x1F0F0] =	vst v63  }
0x6b: {  	_ =	swait.ge [sflag:s30], $0x2800  }
0x6c: {  	[sflag:s30] =	ssyncset.done $0x0  }
0x6d: {  	s31 =	simm.s32 $0x0;
	s12 =	simm.s32 $0x12840;
	[sflag:s30] =	ssyncadd.s32 $0xFFFFD800  }
0x6e: {  	[tilespmem:s12], [sflag:$0x3] =	stream.linear.gather [hbm4b:s10+s31], $0x2800, $0x38;
	[tilespmem:$0x1F0F0] =	vst v63  }
0x6f: {  	_ =	swait.ge [sflag:s30], $0x2800  }
0x70: {  	[sflag:s30] =	ssyncset.done $0x0  }
0x71: {  	s9 =	simm.s32 $0x0;
	[sflag:s30] =	ssyncadd.s32 $0xFFFFD800  }
0x72: {  	v1 =	vld [tilespmem:s9+$0x10040];
	_ =	sdelay $0x4  }
0x73: {  	v0 =	vshrl.u32 v1, $0x1;
	v2 =	vmul.f32 $5.000000000e-01, v1  }
0x74: {  	v0 =	vsub.s32 $0x5F3759DF, v0  }
0x75: {  	v3 =	vmul.f32 v0, v2;
	_ =	sdelay $0x1  }
0x76: {  	v3 =	vmul.f32 v0, v3;
	_ =	sdelay $0x1  }
0x77: {  	v3 =	vsub.f32 $1.500000000e+00, v3;
	_ =	sdelay $0x1  }
0x78: {  	v0 =	vmul.f32 v0, v3;
	_ =	sdelay $0x1  }
0x79: {  	v3 =	vmul.f32 v0, v2;
	_ =	sdelay $0x1  }
0x7a: {  	v3 =	vmul.f32 v3, v0;
	_ =	sdelay $0x1  }
0x7b: {  	v3 =	vsub.f32 $1.500000000e+00, v3;
	_ =	sdelay $0x1  }
0x7c: {  	v3 =	vmul.f32 v3, v0;
	_ =	sdelay $0x1  }
0x7d: {  	v0 =	vmul.f32 v3, v2;
	_ =	sdelay $0x1  }
0x7e: {  	v2 =	vmul.f32 v0, v3;
	_ =	sdelay $0x1  }
0x7f: {  	v4 =	vsub.f32 $1.500000000e+00, v2;
	v2 =	vld [tilespmem:s9+$0x12840]  }
0x80: {  	s11 =	simm.s32 $0x80;
	s10 =	simm.s32 $0x40;
	v0 =	vld [tilespmem:$0x1A0E0]  }
.LBB2_8:
0x81: {  	p0 =	sne.s32 s11, $0x9FC0;
	v3 =	vmul.f32 v4, v3  }
0x82: {  	vm0 =	vgt.f32 v1, $5.000000000e-01  }
0x83: {  	v1 =	vnsel vm0, $0x0, v3  }
0x84: {  	s12 =	sshra.s32 s10, $0x2;
	s10 =	smov.u32 s11;
	v2 =	vmul.f32 v1, v2;
	v3 =	vmul.f32 v1, v1;
	[tilespmem:s9+$0x10040] =	vst v1  }
0x85: {  	v1 =	vld [tilespmem:s12+$0x10040]  }
0x86: {  	[tilespmem:s9+$0x17840] =	vst v3;
	v3 =	vmul.f32 v2, v0  }
0x87: {  	[tilespmem:s9+$0x15040] =	vst v2  }
0x88: {  	[tilespmem:s9+$0x12840] =	vst v3;
	s9 =	smov.u32 s12;
	_ =	sdelay $0x1  }
0x89: {  	v2 =	vshrl.u32 v1, $0x1;
	v4 =	vmul.f32 $5.000000000e-01, v1  }
0x8a: {  	v2 =	vsub.s32 $0x5F3759DF, v2  }
0x8b: {  	v3 =	vmul.f32 v2, v4;
	_ =	sdelay $0x1  }
0x8c: {  	v3 =	vmul.f32 v2, v3;
	_ =	sdelay $0x1  }
0x8d: {  	v3 =	vsub.f32 $1.500000000e+00, v3;
	_ =	sdelay $0x1  }
0x8e: {  	v2 =	vmul.f32 v2, v3;
	_ =	sdelay $0x1  }
0x8f: {  	v3 =	vmul.f32 v2, v4;
	_ =	sdelay $0x1  }
0x90: {  	v3 =	vmul.f32 v3, v2;
	_ =	sdelay $0x1  }
0x91: {  	v3 =	vsub.f32 $1.500000000e+00, v3;
	_ =	sdelay $0x1  }
0x92: {  	v3 =	vmul.f32 v3, v2;
	_ =	sdelay $0x1  }
0x93: {  	v2 =	vmul.f32 v3, v4  }
.Ltmp4:
0x94: {  	(pc) =	sbr.rel @p0 .LBB2_8-.Ltmp4, $3  }
0x95: {  	v2 =	vmul.f32 v2, v3;
	_ =	sdelay $0x1  }
0x96: {  	v4 =	vsub.f32 $1.500000000e+00, v2;
	v2 =	vld [tilespmem:s9+$0x12840]  }
0x97: {  	s11 =	sadd.s32 $0x40, s11  }
0x98: {  	v3 =	vmul.f32 v4, v3  }
0x99: {  	vm0 =	vgt.f32 v1, $5.000000000e-01  }
0x9a: {  	v1 =	vnsel vm0, $0x0, v3  }
0x9b: {  	s10 =	sshra.s32 s10, $0x2;
	[tilespmem:s9+$0x10040] =	vst v1  }
0x9c: {  	v3 =	vld [tilespmem:s10+$0x10040];
	_ =	sdelay $0x4  }
0x9d: {  	v63 =	vshrl.u32 v3, $0x1;
	v5 =	vmul.f32 $5.000000000e-01, v3  }
0x9e: {  	v4 =	vsub.s32 $0x5F3759DF, v63  }
0x9f: {  	v6 =	vmul.f32 v4, v5;
	_ =	sdelay $0x1  }
0xa0: {  	v6 =	vmul.f32 v4, v6;
	_ =	sdelay $0x1  }
0xa1: {  	v6 =	vsub.f32 $1.500000000e+00, v6;
	_ =	sdelay $0x1  }
0xa2: {  	v4 =	vmul.f32 v4, v6;
	_ =	sdelay $0x1  }
0xa3: {  	v6 =	vmul.f32 v4, v5;
	_ =	sdelay $0x1  }
0xa4: {  	v6 =	vmul.f32 v6, v4;
	_ =	sdelay $0x1  }
0xa5: {  	v6 =	vsub.f32 $1.500000000e+00, v6;
	_ =	sdelay $0x1  }
0xa6: {  	v4 =	vmul.f32 v6, v4  }
0xa7: {  	v2 =	vmul.f32 v1, v2;
	v1 =	vmul.f32 v1, v1  }
0xa8: {  	v5 =	vmul.f32 v4, v5  }
0xa9: {  	[tilespmem:s9+$0x17840] =	vst v1;
	v1 =	vmul.f32 v2, v0  }
0xaa: {  	[tilespmem:s9+$0x15040] =	vst v2;
	v2 =	vmul.f32 v5, v4  }
0xab: {  	[tilespmem:s9+$0x12840] =	vst v1  }
0xac: {  	v1 =	vsub.f32 $1.500000000e+00, v2;
	v2 =	vld [tilespmem:s10+$0x12840];
	_ =	sdelay $0x1  }
0xad: {  	v1 =	vmul.f32 v1, v4  }
0xae: {  	vm15 =	vgt.f32 v3, $5.000000000e-01  }
0xaf: {  	v1 =	vnsel vm15, $0x0, v1  }
0xb0: {  	v2 =	vmul.f32 v1, v2;
	v3 =	vmul.f32 v1, v1  }
0xb1: {  	[tilespmem:s10+$0x10040] =	vst v1  }
0xb2: {  	[tilespmem:s10+$0x17840] =	vst v3;
	v0 =	vmul.f32 v2, v0  }
0xb3: {  	[tilespmem:s10+$0x15040] =	vst v2  }
0xb4: {  	s28 =	simm.s32 $0x0;
	s29 =	simm.s32 $0x10040;
	s30 =	simm.s32 $0x3;
	[tilespmem:s10+$0x12840] =	vst v0  }
0xb5: {  	[hbm4b:s8+s28] =	stream.linear.scatter [tilespmem:s29], [sflag:$0x3], $0x2800, $0x38;
	[tilespmem:$0x1F0F0] =	vst v63  }
0xb6: {  	_ =	swait.ge [sflag:s30], $0x2800  }
0xb7: {  	[sflag:s30] =	ssyncset.done $0x0  }
0xb8: {  	s31 =	simm.s32 $0x12840;
	[sflag:s30] =	ssyncadd.s32 $0xFFFFD800  }
0xb9: {  	[spmem:s5] =	stream.linear.scatter [tilespmem:s31], [sflag:$0x3], $0x2800, $0x38;
	[tilespmem:$0x1F0F0] =	vst v63  }
0xba: {  	_ =	swait.ge [sflag:s30], $0x2800  }
0xbb: {  	[sflag:s30] =	ssyncset.done $0x0  }
0xbc: {  	s9 =	simm.s32 $0x0;
	v0 =	vimm.f32 $0.0e+00;
	s8 =	simm.s32 $0x40;
	[sflag:s30] =	ssyncadd.s32 $0xFFFFD800  }
.LBB2_10:
0xbd: {  	p0 =	sne.s32 s8, $0x9FC0;
	[tilespmem:s9+$0x10040] =	vst v0;
	s9 =	smov.u32 s8;
	s8 =	sadd.s32 $0x40, s8  }
.Ltmp5:
0xbe: {  	(pc) =	sbr.rel @p0 .LBB2_10-.Ltmp5, $2  }
0xbf: {  	_ =	sdelay $0x2  }
0xc0: {  	s9 =	sshra.s32 s9, $0x2  }
0xc1: {  	[tilespmem:s9+$0x10040] =	vst v0;
	s8 =	simm.s32 $0x10040;
	s31 =	simm.s32 $0x3  }
0xc2: {  	[spmem:s4] =	stream.linear.scatter [tilespmem:s8], [sflag:$0x3], $0x2800, $0x38;
	[tilespmem:$0x1F0F0] =	vst v63  }
0xc3: {  	_ =	swait.ge [sflag:s31], $0x2800  }
0xc4: {  	[sflag:s31] =	ssyncset.done $0x0  }
0xc5: {  	[sflag:s31] =	ssyncadd.s32 $0xFFFFD800  }
.LBB2_12:
0xc6: {  	[bflag:$0x0] =	sbarrier.arrive $0xFFFF  }
0xc7: {  	v0 =	vld [tilespmem:$0x1A0E0];
	_ =	sdelay $0x4  }
0xc8: {  	(v2sf) =	vpush v0, $0x0;
	_ =	sdelay $0xe  }
0xc9: {  	s8 =	spop (v2sf)  }
0xca: {  	p0 =	slt.f32 s8, $0.0e+00;
	p1 =	sgt.f32 s8, $0.0e+00  }
0xcb: {  	_ = 	snop  }
0xcc: {  	p0 =	por p1, p0  }
0xcd: {  	p0 =	por !p0, !p0  }
.Ltmp6:
0xce: {  	_ = 	snop;
	(pc) =	sbr.rel @p0 .LBB2_16-.Ltmp6, $2  }
0xcf: {  	_ =	sdelay $0x2  }
0xd0: {  	s6 =	sadd.s32 s6, s7  }
0xd1: {  	s7 =	simm.s32 $0x320;
	s8 =	simm.s32 $0x0;
	s9 =	simm.s32 $0x9C40  }
0xd2: {  	[tilespmem:s9], [sflag:$0x1] =	stream.indirect.gather [spmem:s3], $0x10, s8, s7, $0xb8;
	[tilespmem:$0x1F0F0] =	vst v63  }
0xd3: {  	s11 =	simm.s32 $0x1;
	s10 =	simm.s32 $0x320;
	s8 =	simm.s32 $0xCE40  }
0xd4: {  	[tilespmem:s8], [sflag:$0x2] =	stream.indirect.gather [spmem:s3], $0x10, s10, s7, $0xb8;
	[tilespmem:$0x1F0F0] =	vst v63  }
0xd5: {  	_ =	swait.ge [sflag:s11], $0x3200  }
0xd6: {  	[sflag:s11] =	ssyncset.done $0x0  }
0xd7: {  	s12 =	simm.s32 $0x4E20;
	s10 =	simm.s32 $0x3;
	[sflag:s11] =	ssyncadd.s32 $0xFFFFCE00  }
0xd8: {  	[spmem:s1] =	stream.indirect.scatter.add.f32 [tilespmem:s9], [sflag:$0x3], $0x10, s12, s7, $0xb8;
	[tilespmem:$0x1F0F0] =	vst v63  }
0xd9: {  	_ =	swait.ge [sflag:s10], $0x3200  }
0xda: {  	[sflag:s10] =	ssyncset.done $0x0  }
0xdb: {  	s13 =	simm.s32 $0x640;
	s12 =	simm.s32 $0x2;
	[sflag:s10] =	ssyncadd.s32 $0xFFFFCE00  }
0xdc: {  	[tilespmem:s9], [sflag:$0x1] =	stream.indirect.gather [spmem:s3], $0x10, s13, s7, $0xb8;
	[tilespmem:$0x1F0F0] =	vst v63  }
0xdd: {  	_ =	swait.ge [sflag:s12], $0x3200  }
0xde: {  	[sflag:s12] =	ssyncset.done $0x0  }
0xdf: {  	s31 =	simm.s32 $0x5140;
	[sflag:s12] =	ssyncadd.s32 $0xFFFFCE00  }
0xe0: {  	[spmem:s1] =	stream.indirect.scatter.add.f32 [tilespmem:s8], [sflag:$0x3], $0x10, s31, s7, $0xb8;
	[tilespmem:$0x1F0F0] =	vst v63  }
0xe1: {  	_ =	swait.ge [sflag:s10], $0x3200  }
0xe2: {  	s14 =	simm.s32 $0x3200;
	s13 =	simm.s32 $0x640;
	[sflag:s10] =	ssyncset.done $0x0  }
.LBB2_14:
0xe3: {  	s15 =	sadd.s32 $0x320, s13  }
0xe4: {  	[sflag:s10] =	ssyncadd.s32 $0xFFFFCE00;
	s16 =	smov.u32 s14;
	s17 =	sadd.s32 $0x1900, s14  }
0xe5: {  	[tilespmem:s8], [sflag:$0x2] =	stream.indirect.gather [spmem:s3], $0x10, s15, s7, $0xb8;
	[tilespmem:$0x1F0F0] =	vst v63  }
0xe6: {  	p0 =	sne.s32 s14, $0x11300;
	_ =	swait.ge [sflag:s11], $0x3200  }
0xe7: {  	[sflag:s11] =	ssyncset.done $0x0  }
0xe8: {  	s14 =	sadd.s32 $0x4E20, s13;
	[sflag:s11] =	ssyncadd.s32 $0xFFFFCE00  }
0xe9: {  	[spmem:s1] =	stream.indirect.scatter.add.f32 [tilespmem:s9], [sflag:$0x3], $0x10, s14, s7, $0xb8;
	[tilespmem:$0x1F0F0] =	vst v63  }
0xea: {  	_ =	swait.ge [sflag:s10], $0x3200  }
0xeb: {  	[sflag:s10] =	ssyncset.done $0x0  }
0xec: {  	s14 =	sadd.s32 $0x640, s13;
	[sflag:s10] =	ssyncadd.s32 $0xFFFFCE00  }
0xed: {  	[tilespmem:s9], [sflag:$0x1] =	stream.indirect.gather [spmem:s3], $0x10, s14, s7, $0xb8;
	[tilespmem:$0x1F0F0] =	vst v63  }
0xee: {  	_ =	swait.ge [sflag:s12], $0x3200  }
.Ltmp7:
0xef: {  	[sflag:s12] =	ssyncset.done $0x0;
	(pc) =	sbr.rel @p0 .LBB2_14-.Ltmp7, $4  }
0xf0: {  	s13 =	sadd.s32 $0x5140, s13;
	[sflag:s12] =	ssyncadd.s32 $0xFFFFCE00  }
0xf1: {  	[spmem:s1] =	stream.indirect.scatter.add.f32 [tilespmem:s8], [sflag:$0x3], $0x10, s13, s7, $0xb8;
	[tilespmem:$0x1F0F0] =	vst v63  }
0xf2: {  	_ =	swait.ge [sflag:s10], $0x3200  }
0xf3: {  	s14 =	smov.u32 s17;
	s13 =	sshra.s32 s16, $0x2;
	[sflag:s10] =	ssyncset.done $0x0  }
0xf4: {  	s14 =	sadd.s32 $0x320, s13;
	[sflag:s10] =	ssyncadd.s32 $0xFFFFCE00  }
0xf5: {  	[tilespmem:s8], [sflag:$0x2] =	stream.indirect.gather [spmem:s3], $0x10, s14, s7, $0xb8;
	[tilespmem:$0x1F0F0] =	vst v63  }
0xf6: {  	_ =	swait.ge [sflag:s11], $0x3200  }
0xf7: {  	[sflag:s11] =	ssyncset.done $0x0  }
0xf8: {  	s23 =	sadd.s32 $0x4E20, s13;
	[sflag:s11] =	ssyncadd.s32 $0xFFFFCE00  }
0xf9: {  	[spmem:s1] =	stream.indirect.scatter.add.f32 [tilespmem:s9], [sflag:$0x3], $0x10, s23, s7, $0xb8;
	[tilespmem:$0x1F0F0] =	vst v63  }
0xfa: {  	_ =	swait.ge [sflag:s10], $0x3200  }
0xfb: {  	[sflag:s10] =	ssyncset.done $0x0  }
0xfc: {  	s24 =	sadd.s32 $0x640, s13;
	[sflag:s10] =	ssyncadd.s32 $0xFFFFCE00  }
0xfd: {  	[tilespmem:s9], [sflag:$0x1] =	stream.indirect.gather [spmem:s3], $0x10, s24, s7, $0xb8;
	[tilespmem:$0x1F0F0] =	vst v63  }
0xfe: {  	_ =	swait.ge [sflag:s12], $0x3200  }
0xff: {  	[sflag:s12] =	ssyncset.done $0x0  }
0x100: {  	s25 =	sadd.s32 $0x5140, s13;
	[sflag:s12] =	ssyncadd.s32 $0xFFFFCE00  }
0x101: {  	[spmem:s1] =	stream.indirect.scatter.add.f32 [tilespmem:s8], [sflag:$0x3], $0x10, s25, s7, $0xb8;
	[tilespmem:$0x1F0F0] =	vst v63  }
0x102: {  	_ =	swait.ge [sflag:s10], $0x3200  }
0x103: {  	[sflag:s10] =	ssyncset.done $0x0  }
0x104: {  	s26 =	simm.s32 $0x1;
	[sflag:s10] =	ssyncadd.s32 $0xFFFFCE00  }
0x105: {  	_ =	swait.ge [sflag:s26], $0x3200  }
0x106: {  	s28 =	simm.s32 $0x320;
	s29 =	simm.s32 $0x9920;
	[sflag:s26] =	ssyncset.done $0x0  }
0x107: {  	s30 =	simm.s32 $0x9C40;
	s31 =	simm.s32 $0x3;
	[sflag:s26] =	ssyncadd.s32 $0xFFFFCE00  }
0x108: {  	[spmem:s1] =	stream.indirect.scatter.add.f32 [tilespmem:s30], [sflag:$0x3], $0x10, s29, s28, $0xb8;
	[tilespmem:$0x1F0F0] =	vst v63  }
.Ltmp8:
0x109: {  	_ =	swait.ge [sflag:s31], $0x3200;
	(pc) =	sbr.rel .LBB2_17-.Ltmp8, $4  }
0x10a: {  	[sflag:s31] =	ssyncset.done $0x0  }
0x10b: {  	[sflag:s31] =	ssyncadd.s32 $0xFFFFCE00  }
0x10c: {  	[bflag:$0x0] =	sbarrier.arrive $0xFFFF  }
0x10d: {  	v0 =	vld [tilespmem:$0x1A0D0]  }
.LBB2_16:
0x10e: {  	[bflag:$0x0] =	sbarrier.arrive $0xFFFF  }
0x10f: {  	v0 =	vld [tilespmem:$0x1A0D0];
	_ =	sdelay $0x4  }
0x110: {  	(v2sf) =	vpush v0, $0x0;
	_ =	sdelay $0xe  }
0x111: {  	s7 =	spop (v2sf)  }
0x112: {  	p0 =	slt.f32 s7, $0.0e+00;
	p1 =	sgt.f32 s7, $0.0e+00  }
0x113: {  	_ = 	snop  }
0x114: {  	p0 =	por p1, p0  }
0x115: {  	p0 =	por !p0, !p0  }
.Ltmp9:
0x116: {  	_ = 	snop;
	(pc) =	sbr.rel @p0 .LBB2_22-.Ltmp9, $1  }
0x117: {  	_ =	sdelay $0x3  }
.LBB2_17:
0x118: {  	s7 =	simm.s32 $0x10040;
	s31 =	simm.s32 $0x3  }
0x119: {  	[tilespmem:s7], [sflag:$0x3] =	stream.linear.gather [spmem:s4], $0x2800, $0x38;
	[tilespmem:$0x1F0F0] =	vst v63  }
0x11a: {  	_ =	swait.ge [sflag:s31], $0x2800  }
0x11b: {  	[sflag:s31] =	ssyncset.done $0x0  }
0x11c: {  	s8 =	simm.s32 $0x0;
	[sflag:s31] =	ssyncadd.s32 $0xFFFFD800  }
0x11d: {  	v3 =	vld [tilespmem:s8+$0x10040]  }
0x11e: {  	v4 =	vld [tilespmem:s8+$0x17840]  }
0x11f: {  	v5 =	vld [tilespmem:s8+$0x15040];
	_ =	sdelay $0x1  }
0x120: {  	v1 =	vimm.f32 $0.0e+00  }
0x121: {  	s7 =	simm.s32 $0x10;
	[tilespmem:s8+$0x10040] =	vst v1  }
0x122: {  	v2 =	vld [tilespmem:s7+$0x10040]  }
0x123: {  	s9 =	simm.s32 $0x80;
	s10 =	simm.s32 $0xC0;
	[tilespmem:s7+$0x10040] =	vst v1;
	v4 =	vmul.f32 v3, v4;
	v3 =	vld [tilespmem:s7+$0x17840];
	v5 =	vmul.f32 v5, v0  }
.LBB2_18:
0x124: {  	p0 =	sne.s32 s10, $0x9FC0;
	v6 =	vld [tilespmem:s7+$0x15040];
	s11 =	smov.u32 s10;
	s10 =	sadd.s32 $0x40, s10  }
.Ltmp10:
0x125: {  	v4 =	vadd.f32 v5, v4;
	(pc) =	sbr.rel @p0 .LBB2_18-.Ltmp10, $4  }
0x126: {  	_ = 	snop  }
0x127: {  	[tilespmem:s8+$0x12840] =	vst v4;
	s8 =	smov.u32 s7;
	s7 =	sshra.s32 s9, $0x2;
	s9 =	smov.u32 s11  }
0x128: {  	[tilespmem:s7+$0x10040] =	vst v1;
	v4 =	vmul.f32 v2, v3;
	v2 =	vld [tilespmem:s7+$0x10040]  }
0x129: {  	v3 =	vld [tilespmem:s7+$0x17840];
	v5 =	vmul.f32 v6, v0  }
0x12a: {  	_ = 	snop  }
0x12b: {  	v4 =	vadd.f32 v5, v4;
	_ =	sdelay $0x1  }
0x12c: {  	v61 =	vld [tilespmem:s7+$0x15040];
	s9 =	sshra.s32 s9, $0x2;
	[tilespmem:s8+$0x12840] =	vst v4  }
0x12d: {  	v4 =	vld [tilespmem:s9+$0x10040]  }
0x12e: {  	v6 =	vld [tilespmem:s9+$0x17840]  }
0x12f: {  	v7 =	vld [tilespmem:s9+$0x15040];
	_ =	sdelay $0x3  }
0x130: {  	v2 =	vmul.f32 v2, v3;
	v62 =	vmul.f32 v61, v0  }
0x131: {  	v4 =	vmul.f32 v4, v6;
	v63 =	vmul.f32 v7, v0  }
0x132: {  	v2 =	vadd.f32 v62, v2  }
0x133: {  	[tilespmem:s9+$0x10040] =	vst v1;
	v0 =	vadd.f32 v63, v4  }
0x134: {  	[tilespmem:s7+$0x12840] =	vst v2  }
0x135: {  	s26 =	simm.s32 $0x10040;
	s7 =	simm.s32 $0x3;
	[tilespmem:s9+$0x12840] =	vst v0  }
0x136: {  	[spmem:s4] =	stream.linear.scatter [tilespmem:s26], [sflag:$0x3], $0x2800, $0x38;
	[tilespmem:$0x1F0F0] =	vst v63  }
0x137: {  	_ =	swait.ge [sflag:s7], $0x2800  }
0x138: {  	[sflag:s7] =	ssyncset.done $0x0  }
0x139: {  	s28 =	simm.s32 $0x12840;
	[sflag:s7] =	ssyncadd.s32 $0xFFFFD800  }
0x13a: {  	[spmem:s5] =	stream.linear.scatter [tilespmem:s28], [sflag:$0x3], $0x2800, $0x38;
	[tilespmem:$0x1F0F0] =	vst v63  }
0x13b: {  	_ =	swait.ge [sflag:s7], $0x2800  }
0x13c: {  	[sflag:s7] =	ssyncset.done $0x0  }
0x13d: {  	s29 =	simm.s32 $0x0;
	[sflag:s7] =	ssyncadd.s32 $0xFFFFD800  }
0x13e: {  	s10 =	simm.s32 $0x9C40;
	s8 =	simm.s32 $0x320;
	[bflag:$0x0] =	sbarrier.arrive $0xFFFF  }
0x13f: {  	[tilespmem:s10], [sflag:$0x1] =	stream.indirect.gather [spmem:s3], $0x10, s29, s8, $0xb8;
	[tilespmem:$0x1F0F0] =	vst v63  }
0x140: {  	s11 =	simm.s32 $0x1;
	s12 =	simm.s32 $0x320;
	s9 =	simm.s32 $0xCE40  }
0x141: {  	[tilespmem:s9], [sflag:$0x2] =	stream.indirect.gather [spmem:s3], $0x10, s12, s8, $0xb8;
	[tilespmem:$0x1F0F0] =	vst v63  }
0x142: {  	_ =	swait.ge [sflag:s11], $0x3200  }
0x143: {  	[sflag:s11] =	ssyncset.done $0x0  }
0x144: {  	s30 =	simm.s32 $0x4E20;
	[sflag:s11] =	ssyncadd.s32 $0xFFFFCE00  }
0x145: {  	[spmem:s1] =	stream.indirect.scatter.add.f32 [tilespmem:s10], [sflag:$0x3], $0x10, s30, s8, $0xb8;
	[tilespmem:$0x1F0F0] =	vst v63  }
0x146: {  	_ =	swait.ge [sflag:s7], $0x3200  }
0x147: {  	[sflag:s7] =	ssyncset.done $0x0  }
0x148: {  	s13 =	simm.s32 $0x640;
	s12 =	simm.s32 $0x2;
	[sflag:s7] =	ssyncadd.s32 $0xFFFFCE00  }
0x149: {  	[tilespmem:s10], [sflag:$0x1] =	stream.indirect.gather [spmem:s3], $0x10, s13, s8, $0xb8;
	[tilespmem:$0x1F0F0] =	vst v63  }
0x14a: {  	_ =	swait.ge [sflag:s12], $0x3200  }
0x14b: {  	[sflag:s12] =	ssyncset.done $0x0  }
0x14c: {  	s31 =	simm.s32 $0x5140;
	[sflag:s12] =	ssyncadd.s32 $0xFFFFCE00  }
0x14d: {  	[spmem:s1] =	stream.indirect.scatter.add.f32 [tilespmem:s9], [sflag:$0x3], $0x10, s31, s8, $0xb8;
	[tilespmem:$0x1F0F0] =	vst v63  }
0x14e: {  	_ =	swait.ge [sflag:s7], $0x3200  }
0x14f: {  	s14 =	simm.s32 $0x3200;
	s13 =	simm.s32 $0x640;
	[sflag:s7] =	ssyncset.done $0x0  }
.LBB2_20:
0x150: {  	s15 =	sadd.s32 $0x320, s13  }
0x151: {  	[sflag:s7] =	ssyncadd.s32 $0xFFFFCE00;
	s16 =	smov.u32 s14;
	s17 =	sadd.s32 $0x1900, s14  }
0x152: {  	[tilespmem:s9], [sflag:$0x2] =	stream.indirect.gather [spmem:s3], $0x10, s15, s8, $0xb8;
	[tilespmem:$0x1F0F0] =	vst v63  }
0x153: {  	p0 =	sne.s32 s14, $0x11300;
	_ =	swait.ge [sflag:s11], $0x3200  }
0x154: {  	[sflag:s11] =	ssyncset.done $0x0  }
0x155: {  	s14 =	sadd.s32 $0x4E20, s13;
	[sflag:s11] =	ssyncadd.s32 $0xFFFFCE00  }
0x156: {  	[spmem:s1] =	stream.indirect.scatter.add.f32 [tilespmem:s10], [sflag:$0x3], $0x10, s14, s8, $0xb8;
	[tilespmem:$0x1F0F0] =	vst v63  }
0x157: {  	_ =	swait.ge [sflag:s7], $0x3200  }
0x158: {  	[sflag:s7] =	ssyncset.done $0x0  }
0x159: {  	s14 =	sadd.s32 $0x640, s13;
	[sflag:s7] =	ssyncadd.s32 $0xFFFFCE00  }
0x15a: {  	[tilespmem:s10], [sflag:$0x1] =	stream.indirect.gather [spmem:s3], $0x10, s14, s8, $0xb8;
	[tilespmem:$0x1F0F0] =	vst v63  }
0x15b: {  	_ =	swait.ge [sflag:s12], $0x3200  }
.Ltmp11:
0x15c: {  	[sflag:s12] =	ssyncset.done $0x0;
	(pc) =	sbr.rel @p0 .LBB2_20-.Ltmp11, $4  }
0x15d: {  	s13 =	sadd.s32 $0x5140, s13;
	[sflag:s12] =	ssyncadd.s32 $0xFFFFCE00  }
0x15e: {  	[spmem:s1] =	stream.indirect.scatter.add.f32 [tilespmem:s9], [sflag:$0x3], $0x10, s13, s8, $0xb8;
	[tilespmem:$0x1F0F0] =	vst v63  }
0x15f: {  	_ =	swait.ge [sflag:s7], $0x3200  }
0x160: {  	s14 =	smov.u32 s17;
	s13 =	sshra.s32 s16, $0x2;
	[sflag:s7] =	ssyncset.done $0x0  }
0x161: {  	s14 =	sadd.s32 $0x320, s13;
	[sflag:s7] =	ssyncadd.s32 $0xFFFFCE00  }
0x162: {  	[tilespmem:s9], [sflag:$0x2] =	stream.indirect.gather [spmem:s3], $0x10, s14, s8, $0xb8;
	[tilespmem:$0x1F0F0] =	vst v63  }
0x163: {  	_ =	swait.ge [sflag:s11], $0x3200  }
0x164: {  	[sflag:s11] =	ssyncset.done $0x0  }
0x165: {  	s23 =	sadd.s32 $0x4E20, s13;
	[sflag:s11] =	ssyncadd.s32 $0xFFFFCE00  }
0x166: {  	[spmem:s1] =	stream.indirect.scatter.add.f32 [tilespmem:s10], [sflag:$0x3], $0x10, s23, s8, $0xb8;
	[tilespmem:$0x1F0F0] =	vst v63  }
0x167: {  	_ =	swait.ge [sflag:s7], $0x3200  }
0x168: {  	[sflag:s7] =	ssyncset.done $0x0  }
0x169: {  	s24 =	sadd.s32 $0x640, s13;
	[sflag:s7] =	ssyncadd.s32 $0xFFFFCE00  }
0x16a: {  	[tilespmem:s10], [sflag:$0x1] =	stream.indirect.gather [spmem:s3], $0x10, s24, s8, $0xb8;
	[tilespmem:$0x1F0F0] =	vst v63  }
0x16b: {  	_ =	swait.ge [sflag:s12], $0x3200  }
0x16c: {  	[sflag:s12] =	ssyncset.done $0x0  }
0x16d: {  	s25 =	sadd.s32 $0x5140, s13;
	[sflag:s12] =	ssyncadd.s32 $0xFFFFCE00  }
0x16e: {  	[spmem:s1] =	stream.indirect.scatter.add.f32 [tilespmem:s9], [sflag:$0x3], $0x10, s25, s8, $0xb8;
	[tilespmem:$0x1F0F0] =	vst v63  }
0x16f: {  	_ =	swait.ge [sflag:s7], $0x3200  }
0x170: {  	[sflag:s7] =	ssyncset.done $0x0  }
0x171: {  	s26 =	simm.s32 $0x1;
	[sflag:s7] =	ssyncadd.s32 $0xFFFFCE00  }
0x172: {  	_ =	swait.ge [sflag:s26], $0x3200  }
0x173: {  	s28 =	simm.s32 $0x320;
	s29 =	simm.s32 $0x9920;
	[sflag:s26] =	ssyncset.done $0x0  }
0x174: {  	s30 =	simm.s32 $0x9C40;
	s31 =	simm.s32 $0x3;
	[sflag:s26] =	ssyncadd.s32 $0xFFFFCE00  }
0x175: {  	[spmem:s1] =	stream.indirect.scatter.add.f32 [tilespmem:s30], [sflag:$0x3], $0x10, s29, s28, $0xb8;
	[tilespmem:$0x1F0F0] =	vst v63  }
0x176: {  	_ =	swait.ge [sflag:s31], $0x3200  }
0x177: {  	[sflag:s31] =	ssyncset.done $0x0  }
0x178: {  	[sflag:s31] =	ssyncadd.s32 $0xFFFFCE00  }
0x179: {  	[bflag:$0x0] =	sbarrier.arrive $0xFFFF  }
0x17a: {  	v0 =	vld [tilespmem:$0x1A0C0]  }
.LBB2_23:
0x17b: {  	s7 =	simm.s32 $0x10040;
	s31 =	simm.s32 $0x3  }
0x17c: {  	[tilespmem:s7], [sflag:$0x3] =	stream.linear.gather [spmem:s4], $0x2800, $0x38;
	[tilespmem:$0x1F0F0] =	vst v63  }
0x17d: {  	_ =	swait.ge [sflag:s31], $0x2800  }
0x17e: {  	[sflag:s31] =	ssyncset.done $0x0  }
0x17f: {  	s8 =	simm.s32 $0x0;
	[sflag:s31] =	ssyncadd.s32 $0xFFFFD800  }
0x180: {  	v3 =	vld [tilespmem:s8+$0x10040]  }
0x181: {  	v4 =	vld [tilespmem:s8+$0x17840]  }
0x182: {  	v5 =	vld [tilespmem:s8+$0x15040];
	_ =	sdelay $0x1  }
0x183: {  	v1 =	vimm.f32 $0.0e+00  }
0x184: {  	s7 =	simm.s32 $0x10;
	[tilespmem:s8+$0x10040] =	vst v1  }
0x185: {  	v2 =	vld [tilespmem:s7+$0x10040]  }
0x186: {  	s9 =	simm.s32 $0x80;
	s10 =	simm.s32 $0xC0;
	[tilespmem:s7+$0x10040] =	vst v1;
	v4 =	vmul.f32 v3, v4;
	v3 =	vld [tilespmem:s7+$0x17840];
	v5 =	vmul.f32 v5, v0  }
.LBB2_24:
0x187: {  	p0 =	sne.s32 s10, $0x9FC0;
	v6 =	vld [tilespmem:s7+$0x15040];
	s11 =	smov.u32 s10;
	s10 =	sadd.s32 $0x40, s10  }
.Ltmp12:
0x188: {  	v4 =	vadd.f32 v5, v4;
	(pc) =	sbr.rel @p0 .LBB2_24-.Ltmp12, $4  }
0x189: {  	_ = 	snop  }
0x18a: {  	[tilespmem:s8+$0x12840] =	vst v4;
	s8 =	smov.u32 s7;
	s7 =	sshra.s32 s9, $0x2;
	s9 =	smov.u32 s11  }
0x18b: {  	[tilespmem:s7+$0x10040] =	vst v1;
	v4 =	vmul.f32 v2, v3;
	v2 =	vld [tilespmem:s7+$0x10040]  }
0x18c: {  	v3 =	vld [tilespmem:s7+$0x17840];
	v5 =	vmul.f32 v6, v0  }
0x18d: {  	_ = 	snop  }
0x18e: {  	v4 =	vadd.f32 v5, v4;
	_ =	sdelay $0x1  }
0x18f: {  	v61 =	vld [tilespmem:s7+$0x15040];
	s9 =	sshra.s32 s9, $0x2;
	[tilespmem:s8+$0x12840] =	vst v4  }
0x190: {  	v4 =	vld [tilespmem:s9+$0x10040]  }
0x191: {  	v6 =	vld [tilespmem:s9+$0x17840]  }
0x192: {  	v7 =	vld [tilespmem:s9+$0x15040];
	_ =	sdelay $0x3  }
0x193: {  	v2 =	vmul.f32 v2, v3;
	v62 =	vmul.f32 v61, v0  }
0x194: {  	v4 =	vmul.f32 v4, v6;
	v63 =	vmul.f32 v7, v0  }
0x195: {  	v2 =	vadd.f32 v62, v2  }
0x196: {  	[tilespmem:s9+$0x10040] =	vst v1;
	v0 =	vadd.f32 v63, v4  }
0x197: {  	[tilespmem:s7+$0x12840] =	vst v2  }
0x198: {  	s26 =	simm.s32 $0x10040;
	s7 =	simm.s32 $0x3;
	[tilespmem:s9+$0x12840] =	vst v0  }
0x199: {  	[spmem:s4] =	stream.linear.scatter [tilespmem:s26], [sflag:$0x3], $0x2800, $0x38;
	[tilespmem:$0x1F0F0] =	vst v63  }
0x19a: {  	_ =	swait.ge [sflag:s7], $0x2800  }
0x19b: {  	[sflag:s7] =	ssyncset.done $0x0  }
0x19c: {  	s28 =	simm.s32 $0x12840;
	[sflag:s7] =	ssyncadd.s32 $0xFFFFD800  }
0x19d: {  	[spmem:s5] =	stream.linear.scatter [tilespmem:s28], [sflag:$0x3], $0x2800, $0x38;
	[tilespmem:$0x1F0F0] =	vst v63  }
0x19e: {  	_ =	swait.ge [sflag:s7], $0x2800  }
0x19f: {  	[sflag:s7] =	ssyncset.done $0x0  }
0x1a0: {  	s29 =	simm.s32 $0x0;
	[sflag:s7] =	ssyncadd.s32 $0xFFFFD800  }
0x1a1: {  	s10 =	simm.s32 $0x9C40;
	s8 =	simm.s32 $0x320;
	[bflag:$0x0] =	sbarrier.arrive $0xFFFF  }
0x1a2: {  	[tilespmem:s10], [sflag:$0x1] =	stream.indirect.gather [spmem:s3], $0x10, s29, s8, $0xb8;
	[tilespmem:$0x1F0F0] =	vst v63  }
0x1a3: {  	s11 =	simm.s32 $0x1;
	s12 =	simm.s32 $0x320;
	s9 =	simm.s32 $0xCE40  }
0x1a4: {  	[tilespmem:s9], [sflag:$0x2] =	stream.indirect.gather [spmem:s3], $0x10, s12, s8, $0xb8;
	[tilespmem:$0x1F0F0] =	vst v63  }
0x1a5: {  	_ =	swait.ge [sflag:s11], $0x3200  }
0x1a6: {  	[sflag:s11] =	ssyncset.done $0x0  }
0x1a7: {  	s30 =	simm.s32 $0x4E20;
	[sflag:s11] =	ssyncadd.s32 $0xFFFFCE00  }
0x1a8: {  	[spmem:s1] =	stream.indirect.scatter.add.f32 [tilespmem:s10], [sflag:$0x3], $0x10, s30, s8, $0xb8;
	[tilespmem:$0x1F0F0] =	vst v63  }
0x1a9: {  	_ =	swait.ge [sflag:s7], $0x3200  }
0x1aa: {  	[sflag:s7] =	ssyncset.done $0x0  }
0x1ab: {  	s13 =	simm.s32 $0x640;
	s12 =	simm.s32 $0x2;
	[sflag:s7] =	ssyncadd.s32 $0xFFFFCE00  }
0x1ac: {  	[tilespmem:s10], [sflag:$0x1] =	stream.indirect.gather [spmem:s3], $0x10, s13, s8, $0xb8;
	[tilespmem:$0x1F0F0] =	vst v63  }
0x1ad: {  	_ =	swait.ge [sflag:s12], $0x3200  }
0x1ae: {  	[sflag:s12] =	ssyncset.done $0x0  }
0x1af: {  	s31 =	simm.s32 $0x5140;
	[sflag:s12] =	ssyncadd.s32 $0xFFFFCE00  }
0x1b0: {  	[spmem:s1] =	stream.indirect.scatter.add.f32 [tilespmem:s9], [sflag:$0x3], $0x10, s31, s8, $0xb8;
	[tilespmem:$0x1F0F0] =	vst v63  }
0x1b1: {  	_ =	swait.ge [sflag:s7], $0x3200  }
0x1b2: {  	s14 =	simm.s32 $0x3200;
	s13 =	simm.s32 $0x640;
	[sflag:s7] =	ssyncset.done $0x0  }
.LBB2_26:
0x1b3: {  	s15 =	sadd.s32 $0x320, s13  }
0x1b4: {  	[sflag:s7] =	ssyncadd.s32 $0xFFFFCE00;
	s16 =	smov.u32 s14;
	s17 =	sadd.s32 $0x1900, s14  }
0x1b5: {  	[tilespmem:s9], [sflag:$0x2] =	stream.indirect.gather [spmem:s3], $0x10, s15, s8, $0xb8;
	[tilespmem:$0x1F0F0] =	vst v63  }
0x1b6: {  	p0 =	sne.s32 s14, $0x11300;
	_ =	swait.ge [sflag:s11], $0x3200  }
0x1b7: {  	[sflag:s11] =	ssyncset.done $0x0  }
0x1b8: {  	s14 =	sadd.s32 $0x4E20, s13;
	[sflag:s11] =	ssyncadd.s32 $0xFFFFCE00  }
0x1b9: {  	[spmem:s1] =	stream.indirect.scatter.add.f32 [tilespmem:s10], [sflag:$0x3], $0x10, s14, s8, $0xb8;
	[tilespmem:$0x1F0F0] =	vst v63  }
0x1ba: {  	_ =	swait.ge [sflag:s7], $0x3200  }
0x1bb: {  	[sflag:s7] =	ssyncset.done $0x0  }
0x1bc: {  	s14 =	sadd.s32 $0x640, s13;
	[sflag:s7] =	ssyncadd.s32 $0xFFFFCE00  }
0x1bd: {  	[tilespmem:s10], [sflag:$0x1] =	stream.indirect.gather [spmem:s3], $0x10, s14, s8, $0xb8;
	[tilespmem:$0x1F0F0] =	vst v63  }
0x1be: {  	_ =	swait.ge [sflag:s12], $0x3200  }
.Ltmp13:
0x1bf: {  	[sflag:s12] =	ssyncset.done $0x0;
	(pc) =	sbr.rel @p0 .LBB2_26-.Ltmp13, $4  }
0x1c0: {  	s13 =	sadd.s32 $0x5140, s13;
	[sflag:s12] =	ssyncadd.s32 $0xFFFFCE00  }
0x1c1: {  	[spmem:s1] =	stream.indirect.scatter.add.f32 [tilespmem:s9], [sflag:$0x3], $0x10, s13, s8, $0xb8;
	[tilespmem:$0x1F0F0] =	vst v63  }
0x1c2: {  	_ =	swait.ge [sflag:s7], $0x3200  }
0x1c3: {  	s14 =	smov.u32 s17;
	s13 =	sshra.s32 s16, $0x2;
	[sflag:s7] =	ssyncset.done $0x0  }
0x1c4: {  	s14 =	sadd.s32 $0x320, s13;
	[sflag:s7] =	ssyncadd.s32 $0xFFFFCE00  }
0x1c5: {  	[tilespmem:s9], [sflag:$0x2] =	stream.indirect.gather [spmem:s3], $0x10, s14, s8, $0xb8;
	[tilespmem:$0x1F0F0] =	vst v63  }
0x1c6: {  	_ =	swait.ge [sflag:s11], $0x3200  }
0x1c7: {  	[sflag:s11] =	ssyncset.done $0x0  }
0x1c8: {  	s23 =	sadd.s32 $0x4E20, s13;
	[sflag:s11] =	ssyncadd.s32 $0xFFFFCE00  }
0x1c9: {  	[spmem:s1] =	stream.indirect.scatter.add.f32 [tilespmem:s10], [sflag:$0x3], $0x10, s23, s8, $0xb8;
	[tilespmem:$0x1F0F0] =	vst v63  }
0x1ca: {  	_ =	swait.ge [sflag:s7], $0x3200  }
0x1cb: {  	[sflag:s7] =	ssyncset.done $0x0  }
0x1cc: {  	s24 =	sadd.s32 $0x640, s13;
	[sflag:s7] =	ssyncadd.s32 $0xFFFFCE00  }
0x1cd: {  	[tilespmem:s10], [sflag:$0x1] =	stream.indirect.gather [spmem:s3], $0x10, s24, s8, $0xb8;
	[tilespmem:$0x1F0F0] =	vst v63  }
0x1ce: {  	_ =	swait.ge [sflag:s12], $0x3200  }
0x1cf: {  	[sflag:s12] =	ssyncset.done $0x0  }
0x1d0: {  	s25 =	sadd.s32 $0x5140, s13;
	[sflag:s12] =	ssyncadd.s32 $0xFFFFCE00  }
0x1d1: {  	[spmem:s1] =	stream.indirect.scatter.add.f32 [tilespmem:s9], [sflag:$0x3], $0x10, s25, s8, $0xb8;
	[tilespmem:$0x1F0F0] =	vst v63  }
0x1d2: {  	_ =	swait.ge [sflag:s7], $0x3200  }
0x1d3: {  	[sflag:s7] =	ssyncset.done $0x0  }
0x1d4: {  	s26 =	simm.s32 $0x1;
	[sflag:s7] =	ssyncadd.s32 $0xFFFFCE00  }
0x1d5: {  	_ =	swait.ge [sflag:s26], $0x3200  }
0x1d6: {  	s28 =	simm.s32 $0x320;
	s29 =	simm.s32 $0x9920;
	[sflag:s26] =	ssyncset.done $0x0  }
0x1d7: {  	s30 =	simm.s32 $0x9C40;
	s31 =	simm.s32 $0x3;
	[sflag:s26] =	ssyncadd.s32 $0xFFFFCE00  }
0x1d8: {  	[spmem:s1] =	stream.indirect.scatter.add.f32 [tilespmem:s30], [sflag:$0x3], $0x10, s29, s28, $0xb8;
	[tilespmem:$0x1F0F0] =	vst v63  }
0x1d9: {  	_ =	swait.ge [sflag:s31], $0x3200  }
0x1da: {  	[sflag:s31] =	ssyncset.done $0x0  }
0x1db: {  	[sflag:s31] =	ssyncadd.s32 $0xFFFFCE00  }
0x1dc: {  	[bflag:$0x0] =	sbarrier.arrive $0xFFFF  }
0x1dd: {  	v0 =	vld [tilespmem:$0x1A0B0]  }
.LBB2_29:
0x1de: {  	s7 =	simm.s32 $0x10040;
	s31 =	simm.s32 $0x3  }
0x1df: {  	[tilespmem:s7], [sflag:$0x3] =	stream.linear.gather [spmem:s4], $0x2800, $0x38;
	[tilespmem:$0x1F0F0] =	vst v63  }
0x1e0: {  	_ =	swait.ge [sflag:s31], $0x2800  }
0x1e1: {  	[sflag:s31] =	ssyncset.done $0x0  }
0x1e2: {  	s8 =	simm.s32 $0x0;
	[sflag:s31] =	ssyncadd.s32 $0xFFFFD800  }
0x1e3: {  	v3 =	vld [tilespmem:s8+$0x10040]  }
0x1e4: {  	v4 =	vld [tilespmem:s8+$0x17840]  }
0x1e5: {  	v5 =	vld [tilespmem:s8+$0x15040];
	_ =	sdelay $0x1  }
0x1e6: {  	v1 =	vimm.f32 $0.0e+00  }
0x1e7: {  	s7 =	simm.s32 $0x10;
	[tilespmem:s8+$0x10040] =	vst v1  }
0x1e8: {  	v2 =	vld [tilespmem:s7+$0x10040]  }
0x1e9: {  	s9 =	simm.s32 $0x80;
	s10 =	simm.s32 $0xC0;
	[tilespmem:s7+$0x10040] =	vst v1;
	v4 =	vmul.f32 v3, v4;
	v3 =	vld [tilespmem:s7+$0x17840];
	v5 =	vmul.f32 v5, v0  }
.LBB2_30:
0x1ea: {  	p0 =	sne.s32 s10, $0x9FC0;
	v6 =	vld [tilespmem:s7+$0x15040];
	s11 =	smov.u32 s10;
	s10 =	sadd.s32 $0x40, s10  }
.Ltmp14:
0x1eb: {  	v4 =	vadd.f32 v5, v4;
	(pc) =	sbr.rel @p0 .LBB2_30-.Ltmp14, $4  }
0x1ec: {  	_ = 	snop  }
0x1ed: {  	[tilespmem:s8+$0x12840] =	vst v4;
	s8 =	smov.u32 s7;
	s7 =	sshra.s32 s9, $0x2;
	s9 =	smov.u32 s11  }
0x1ee: {  	[tilespmem:s7+$0x10040] =	vst v1;
	v4 =	vmul.f32 v2, v3;
	v2 =	vld [tilespmem:s7+$0x10040]  }
0x1ef: {  	v3 =	vld [tilespmem:s7+$0x17840];
	v5 =	vmul.f32 v6, v0  }
0x1f0: {  	_ = 	snop  }
0x1f1: {  	v4 =	vadd.f32 v5, v4;
	_ =	sdelay $0x1  }
0x1f2: {  	v61 =	vld [tilespmem:s7+$0x15040];
	s9 =	sshra.s32 s9, $0x2;
	[tilespmem:s8+$0x12840] =	vst v4  }
0x1f3: {  	v4 =	vld [tilespmem:s9+$0x10040]  }
0x1f4: {  	v6 =	vld [tilespmem:s9+$0x17840]  }
0x1f5: {  	v7 =	vld [tilespmem:s9+$0x15040];
	_ =	sdelay $0x3  }
0x1f6: {  	v2 =	vmul.f32 v2, v3;
	v62 =	vmul.f32 v61, v0  }
0x1f7: {  	v4 =	vmul.f32 v4, v6;
	v63 =	vmul.f32 v7, v0  }
0x1f8: {  	v2 =	vadd.f32 v62, v2  }
0x1f9: {  	[tilespmem:s9+$0x10040] =	vst v1;
	v0 =	vadd.f32 v63, v4  }
0x1fa: {  	[tilespmem:s7+$0x12840] =	vst v2  }
0x1fb: {  	s26 =	simm.s32 $0x10040;
	s7 =	simm.s32 $0x3;
	[tilespmem:s9+$0x12840] =	vst v0  }
0x1fc: {  	[spmem:s4] =	stream.linear.scatter [tilespmem:s26], [sflag:$0x3], $0x2800, $0x38;
	[tilespmem:$0x1F0F0] =	vst v63  }
0x1fd: {  	_ =	swait.ge [sflag:s7], $0x2800  }
0x1fe: {  	[sflag:s7] =	ssyncset.done $0x0  }
0x1ff: {  	s28 =	simm.s32 $0x12840;
	[sflag:s7] =	ssyncadd.s32 $0xFFFFD800  }
0x200: {  	[spmem:s5] =	stream.linear.scatter [tilespmem:s28], [sflag:$0x3], $0x2800, $0x38;
	[tilespmem:$0x1F0F0] =	vst v63  }
0x201: {  	_ =	swait.ge [sflag:s7], $0x2800  }
0x202: {  	[sflag:s7] =	ssyncset.done $0x0  }
0x203: {  	s29 =	simm.s32 $0x0;
	[sflag:s7] =	ssyncadd.s32 $0xFFFFD800  }
0x204: {  	s10 =	simm.s32 $0x9C40;
	s8 =	simm.s32 $0x320;
	[bflag:$0x0] =	sbarrier.arrive $0xFFFF  }
0x205: {  	[tilespmem:s10], [sflag:$0x1] =	stream.indirect.gather [spmem:s3], $0x10, s29, s8, $0xb8;
	[tilespmem:$0x1F0F0] =	vst v63  }
0x206: {  	s11 =	simm.s32 $0x1;
	s12 =	simm.s32 $0x320;
	s9 =	simm.s32 $0xCE40  }
0x207: {  	[tilespmem:s9], [sflag:$0x2] =	stream.indirect.gather [spmem:s3], $0x10, s12, s8, $0xb8;
	[tilespmem:$0x1F0F0] =	vst v63  }
0x208: {  	_ =	swait.ge [sflag:s11], $0x3200  }
0x209: {  	[sflag:s11] =	ssyncset.done $0x0  }
0x20a: {  	s30 =	simm.s32 $0x4E20;
	[sflag:s11] =	ssyncadd.s32 $0xFFFFCE00  }
0x20b: {  	[spmem:s1] =	stream.indirect.scatter.add.f32 [tilespmem:s10], [sflag:$0x3], $0x10, s30, s8, $0xb8;
	[tilespmem:$0x1F0F0] =	vst v63  }
0x20c: {  	_ =	swait.ge [sflag:s7], $0x3200  }
0x20d: {  	[sflag:s7] =	ssyncset.done $0x0  }
0x20e: {  	s13 =	simm.s32 $0x640;
	s12 =	simm.s32 $0x2;
	[sflag:s7] =	ssyncadd.s32 $0xFFFFCE00  }
0x20f: {  	[tilespmem:s10], [sflag:$0x1] =	stream.indirect.gather [spmem:s3], $0x10, s13, s8, $0xb8;
	[tilespmem:$0x1F0F0] =	vst v63  }
0x210: {  	_ =	swait.ge [sflag:s12], $0x3200  }
0x211: {  	[sflag:s12] =	ssyncset.done $0x0  }
0x212: {  	s31 =	simm.s32 $0x5140;
	[sflag:s12] =	ssyncadd.s32 $0xFFFFCE00  }
0x213: {  	[spmem:s1] =	stream.indirect.scatter.add.f32 [tilespmem:s9], [sflag:$0x3], $0x10, s31, s8, $0xb8;
	[tilespmem:$0x1F0F0] =	vst v63  }
0x214: {  	_ =	swait.ge [sflag:s7], $0x3200  }
0x215: {  	s14 =	simm.s32 $0x3200;
	s13 =	simm.s32 $0x640;
	[sflag:s7] =	ssyncset.done $0x0  }
.LBB2_32:
0x216: {  	s15 =	sadd.s32 $0x320, s13  }
0x217: {  	[sflag:s7] =	ssyncadd.s32 $0xFFFFCE00;
	s16 =	smov.u32 s14;
	s17 =	sadd.s32 $0x1900, s14  }
0x218: {  	[tilespmem:s9], [sflag:$0x2] =	stream.indirect.gather [spmem:s3], $0x10, s15, s8, $0xb8;
	[tilespmem:$0x1F0F0] =	vst v63  }
0x219: {  	p0 =	sne.s32 s14, $0x11300;
	_ =	swait.ge [sflag:s11], $0x3200  }
0x21a: {  	[sflag:s11] =	ssyncset.done $0x0  }
0x21b: {  	s14 =	sadd.s32 $0x4E20, s13;
	[sflag:s11] =	ssyncadd.s32 $0xFFFFCE00  }
0x21c: {  	[spmem:s1] =	stream.indirect.scatter.add.f32 [tilespmem:s10], [sflag:$0x3], $0x10, s14, s8, $0xb8;
	[tilespmem:$0x1F0F0] =	vst v63  }
0x21d: {  	_ =	swait.ge [sflag:s7], $0x3200  }
0x21e: {  	[sflag:s7] =	ssyncset.done $0x0  }
0x21f: {  	s14 =	sadd.s32 $0x640, s13;
	[sflag:s7] =	ssyncadd.s32 $0xFFFFCE00  }
0x220: {  	[tilespmem:s10], [sflag:$0x1] =	stream.indirect.gather [spmem:s3], $0x10, s14, s8, $0xb8;
	[tilespmem:$0x1F0F0] =	vst v63  }
0x221: {  	_ =	swait.ge [sflag:s12], $0x3200  }
.Ltmp15:
0x222: {  	[sflag:s12] =	ssyncset.done $0x0;
	(pc) =	sbr.rel @p0 .LBB2_32-.Ltmp15, $4  }
0x223: {  	s13 =	sadd.s32 $0x5140, s13;
	[sflag:s12] =	ssyncadd.s32 $0xFFFFCE00  }
0x224: {  	[spmem:s1] =	stream.indirect.scatter.add.f32 [tilespmem:s9], [sflag:$0x3], $0x10, s13, s8, $0xb8;
	[tilespmem:$0x1F0F0] =	vst v63  }
0x225: {  	_ =	swait.ge [sflag:s7], $0x3200  }
0x226: {  	s14 =	smov.u32 s17;
	s13 =	sshra.s32 s16, $0x2;
	[sflag:s7] =	ssyncset.done $0x0  }
0x227: {  	s14 =	sadd.s32 $0x320, s13;
	[sflag:s7] =	ssyncadd.s32 $0xFFFFCE00  }
0x228: {  	[tilespmem:s9], [sflag:$0x2] =	stream.indirect.gather [spmem:s3], $0x10, s14, s8, $0xb8;
	[tilespmem:$0x1F0F0] =	vst v63  }
0x229: {  	_ =	swait.ge [sflag:s11], $0x3200  }
0x22a: {  	[sflag:s11] =	ssyncset.done $0x0  }
0x22b: {  	s23 =	sadd.s32 $0x4E20, s13;
	[sflag:s11] =	ssyncadd.s32 $0xFFFFCE00  }
0x22c: {  	[spmem:s1] =	stream.indirect.scatter.add.f32 [tilespmem:s10], [sflag:$0x3], $0x10, s23, s8, $0xb8;
	[tilespmem:$0x1F0F0] =	vst v63  }
0x22d: {  	_ =	swait.ge [sflag:s7], $0x3200  }
0x22e: {  	[sflag:s7] =	ssyncset.done $0x0  }
0x22f: {  	s24 =	sadd.s32 $0x640, s13;
	[sflag:s7] =	ssyncadd.s32 $0xFFFFCE00  }
0x230: {  	[tilespmem:s10], [sflag:$0x1] =	stream.indirect.gather [spmem:s3], $0x10, s24, s8, $0xb8;
	[tilespmem:$0x1F0F0] =	vst v63  }
0x231: {  	_ =	swait.ge [sflag:s12], $0x3200  }
0x232: {  	[sflag:s12] =	ssyncset.done $0x0  }
0x233: {  	s25 =	sadd.s32 $0x5140, s13;
	[sflag:s12] =	ssyncadd.s32 $0xFFFFCE00  }
0x234: {  	[spmem:s1] =	stream.indirect.scatter.add.f32 [tilespmem:s9], [sflag:$0x3], $0x10, s25, s8, $0xb8;
	[tilespmem:$0x1F0F0] =	vst v63  }
0x235: {  	_ =	swait.ge [sflag:s7], $0x3200  }
0x236: {  	[sflag:s7] =	ssyncset.done $0x0  }
0x237: {  	s26 =	simm.s32 $0x1;
	[sflag:s7] =	ssyncadd.s32 $0xFFFFCE00  }
0x238: {  	_ =	swait.ge [sflag:s26], $0x3200  }
0x239: {  	s28 =	simm.s32 $0x320;
	s29 =	simm.s32 $0x9920;
	[sflag:s26] =	ssyncset.done $0x0  }
0x23a: {  	s30 =	simm.s32 $0x9C40;
	s31 =	simm.s32 $0x3;
	[sflag:s26] =	ssyncadd.s32 $0xFFFFCE00  }
0x23b: {  	[spmem:s1] =	stream.indirect.scatter.add.f32 [tilespmem:s30], [sflag:$0x3], $0x10, s29, s28, $0xb8;
	[tilespmem:$0x1F0F0] =	vst v63  }
0x23c: {  	_ =	swait.ge [sflag:s31], $0x3200  }
0x23d: {  	[sflag:s31] =	ssyncset.done $0x0  }
0x23e: {  	[sflag:s31] =	ssyncadd.s32 $0xFFFFCE00  }
0x23f: {  	[bflag:$0x0] =	sbarrier.arrive $0xFFFF  }
0x240: {  	v0 =	vld [tilespmem:$0x1A0A0]  }
.LBB2_35:
0x241: {  	s7 =	simm.s32 $0x10040;
	s31 =	simm.s32 $0x3  }
0x242: {  	[tilespmem:s7], [sflag:$0x3] =	stream.linear.gather [spmem:s4], $0x2800, $0x38;
	[tilespmem:$0x1F0F0] =	vst v63  }
0x243: {  	_ =	swait.ge [sflag:s31], $0x2800  }
0x244: {  	[sflag:s31] =	ssyncset.done $0x0  }
0x245: {  	s8 =	simm.s32 $0x0;
	[sflag:s31] =	ssyncadd.s32 $0xFFFFD800  }
0x246: {  	v3 =	vld [tilespmem:s8+$0x10040]  }
0x247: {  	v4 =	vld [tilespmem:s8+$0x17840]  }
0x248: {  	v5 =	vld [tilespmem:s8+$0x15040];
	_ =	sdelay $0x1  }
0x249: {  	v1 =	vimm.f32 $0.0e+00  }
0x24a: {  	s7 =	simm.s32 $0x10;
	[tilespmem:s8+$0x10040] =	vst v1  }
0x24b: {  	v2 =	vld [tilespmem:s7+$0x10040]  }
0x24c: {  	s9 =	simm.s32 $0x80;
	s10 =	simm.s32 $0xC0;
	[tilespmem:s7+$0x10040] =	vst v1;
	v4 =	vmul.f32 v3, v4;
	v3 =	vld [tilespmem:s7+$0x17840];
	v5 =	vmul.f32 v5, v0  }
.LBB2_36:
0x24d: {  	p0 =	sne.s32 s10, $0x9FC0;
	v6 =	vld [tilespmem:s7+$0x15040];
	s11 =	smov.u32 s10;
	s10 =	sadd.s32 $0x40, s10  }
.Ltmp16:
0x24e: {  	v4 =	vadd.f32 v5, v4;
	(pc) =	sbr.rel @p0 .LBB2_36-.Ltmp16, $4  }
0x24f: {  	_ = 	snop  }
0x250: {  	[tilespmem:s8+$0x12840] =	vst v4;
	s8 =	smov.u32 s7;
	s7 =	sshra.s32 s9, $0x2;
	s9 =	smov.u32 s11  }
0x251: {  	[tilespmem:s7+$0x10040] =	vst v1;
	v4 =	vmul.f32 v2, v3;
	v2 =	vld [tilespmem:s7+$0x10040]  }
0x252: {  	v3 =	vld [tilespmem:s7+$0x17840];
	v5 =	vmul.f32 v6, v0  }
0x253: {  	_ = 	snop  }
0x254: {  	v4 =	vadd.f32 v5, v4;
	_ =	sdelay $0x1  }
0x255: {  	v61 =	vld [tilespmem:s7+$0x15040];
	s9 =	sshra.s32 s9, $0x2;
	[tilespmem:s8+$0x12840] =	vst v4  }
0x256: {  	v4 =	vld [tilespmem:s9+$0x10040]  }
0x257: {  	v6 =	vld [tilespmem:s9+$0x17840]  }
0x258: {  	v7 =	vld [tilespmem:s9+$0x15040];
	_ =	sdelay $0x3  }
0x259: {  	v2 =	vmul.f32 v2, v3;
	v62 =	vmul.f32 v61, v0  }
0x25a: {  	v4 =	vmul.f32 v4, v6;
	v63 =	vmul.f32 v7, v0  }
0x25b: {  	v2 =	vadd.f32 v62, v2  }
0x25c: {  	[tilespmem:s9+$0x10040] =	vst v1;
	v0 =	vadd.f32 v63, v4  }
0x25d: {  	[tilespmem:s7+$0x12840] =	vst v2  }
0x25e: {  	s26 =	simm.s32 $0x10040;
	s7 =	simm.s32 $0x3;
	[tilespmem:s9+$0x12840] =	vst v0  }
0x25f: {  	[spmem:s4] =	stream.linear.scatter [tilespmem:s26], [sflag:$0x3], $0x2800, $0x38;
	[tilespmem:$0x1F0F0] =	vst v63  }
0x260: {  	_ =	swait.ge [sflag:s7], $0x2800  }
0x261: {  	[sflag:s7] =	ssyncset.done $0x0  }
0x262: {  	s28 =	simm.s32 $0x12840;
	[sflag:s7] =	ssyncadd.s32 $0xFFFFD800  }
0x263: {  	[spmem:s5] =	stream.linear.scatter [tilespmem:s28], [sflag:$0x3], $0x2800, $0x38;
	[tilespmem:$0x1F0F0] =	vst v63  }
0x264: {  	_ =	swait.ge [sflag:s7], $0x2800  }
0x265: {  	[sflag:s7] =	ssyncset.done $0x0  }
0x266: {  	s29 =	simm.s32 $0x0;
	[sflag:s7] =	ssyncadd.s32 $0xFFFFD800  }
0x267: {  	s10 =	simm.s32 $0x9C40;
	s8 =	simm.s32 $0x320;
	[bflag:$0x0] =	sbarrier.arrive $0xFFFF  }
0x268: {  	[tilespmem:s10], [sflag:$0x1] =	stream.indirect.gather [spmem:s3], $0x10, s29, s8, $0xb8;
	[tilespmem:$0x1F0F0] =	vst v63  }
0x269: {  	s11 =	simm.s32 $0x1;
	s12 =	simm.s32 $0x320;
	s9 =	simm.s32 $0xCE40  }
0x26a: {  	[tilespmem:s9], [sflag:$0x2] =	stream.indirect.gather [spmem:s3], $0x10, s12, s8, $0xb8;
	[tilespmem:$0x1F0F0] =	vst v63  }
0x26b: {  	_ =	swait.ge [sflag:s11], $0x3200  }
0x26c: {  	[sflag:s11] =	ssyncset.done $0x0  }
0x26d: {  	s30 =	simm.s32 $0x4E20;
	[sflag:s11] =	ssyncadd.s32 $0xFFFFCE00  }
0x26e: {  	[spmem:s1] =	stream.indirect.scatter.add.f32 [tilespmem:s10], [sflag:$0x3], $0x10, s30, s8, $0xb8;
	[tilespmem:$0x1F0F0] =	vst v63  }
0x26f: {  	_ =	swait.ge [sflag:s7], $0x3200  }
0x270: {  	[sflag:s7] =	ssyncset.done $0x0  }
0x271: {  	s13 =	simm.s32 $0x640;
	s12 =	simm.s32 $0x2;
	[sflag:s7] =	ssyncadd.s32 $0xFFFFCE00  }
0x272: {  	[tilespmem:s10], [sflag:$0x1] =	stream.indirect.gather [spmem:s3], $0x10, s13, s8, $0xb8;
	[tilespmem:$0x1F0F0] =	vst v63  }
0x273: {  	_ =	swait.ge [sflag:s12], $0x3200  }
0x274: {  	[sflag:s12] =	ssyncset.done $0x0  }
0x275: {  	s31 =	simm.s32 $0x5140;
	[sflag:s12] =	ssyncadd.s32 $0xFFFFCE00  }
0x276: {  	[spmem:s1] =	stream.indirect.scatter.add.f32 [tilespmem:s9], [sflag:$0x3], $0x10, s31, s8, $0xb8;
	[tilespmem:$0x1F0F0] =	vst v63  }
0x277: {  	_ =	swait.ge [sflag:s7], $0x3200  }
0x278: {  	s14 =	simm.s32 $0x3200;
	s13 =	simm.s32 $0x640;
	[sflag:s7] =	ssyncset.done $0x0  }
.LBB2_38:
0x279: {  	s15 =	sadd.s32 $0x320, s13  }
0x27a: {  	[sflag:s7] =	ssyncadd.s32 $0xFFFFCE00;
	s16 =	smov.u32 s14;
	s17 =	sadd.s32 $0x1900, s14  }
0x27b: {  	[tilespmem:s9], [sflag:$0x2] =	stream.indirect.gather [spmem:s3], $0x10, s15, s8, $0xb8;
	[tilespmem:$0x1F0F0] =	vst v63  }
0x27c: {  	p0 =	sne.s32 s14, $0x11300;
	_ =	swait.ge [sflag:s11], $0x3200  }
0x27d: {  	[sflag:s11] =	ssyncset.done $0x0  }
0x27e: {  	s14 =	sadd.s32 $0x4E20, s13;
	[sflag:s11] =	ssyncadd.s32 $0xFFFFCE00  }
0x27f: {  	[spmem:s1] =	stream.indirect.scatter.add.f32 [tilespmem:s10], [sflag:$0x3], $0x10, s14, s8, $0xb8;
	[tilespmem:$0x1F0F0] =	vst v63  }
0x280: {  	_ =	swait.ge [sflag:s7], $0x3200  }
0x281: {  	[sflag:s7] =	ssyncset.done $0x0  }
0x282: {  	s14 =	sadd.s32 $0x640, s13;
	[sflag:s7] =	ssyncadd.s32 $0xFFFFCE00  }
0x283: {  	[tilespmem:s10], [sflag:$0x1] =	stream.indirect.gather [spmem:s3], $0x10, s14, s8, $0xb8;
	[tilespmem:$0x1F0F0] =	vst v63  }
0x284: {  	_ =	swait.ge [sflag:s12], $0x3200  }
.Ltmp17:
0x285: {  	[sflag:s12] =	ssyncset.done $0x0;
	(pc) =	sbr.rel @p0 .LBB2_38-.Ltmp17, $4  }
0x286: {  	s13 =	sadd.s32 $0x5140, s13;
	[sflag:s12] =	ssyncadd.s32 $0xFFFFCE00  }
0x287: {  	[spmem:s1] =	stream.indirect.scatter.add.f32 [tilespmem:s9], [sflag:$0x3], $0x10, s13, s8, $0xb8;
	[tilespmem:$0x1F0F0] =	vst v63  }
0x288: {  	_ =	swait.ge [sflag:s7], $0x3200  }
0x289: {  	s14 =	smov.u32 s17;
	s13 =	sshra.s32 s16, $0x2;
	[sflag:s7] =	ssyncset.done $0x0  }
0x28a: {  	s14 =	sadd.s32 $0x320, s13;
	[sflag:s7] =	ssyncadd.s32 $0xFFFFCE00  }
0x28b: {  	[tilespmem:s9], [sflag:$0x2] =	stream.indirect.gather [spmem:s3], $0x10, s14, s8, $0xb8;
	[tilespmem:$0x1F0F0] =	vst v63  }
0x28c: {  	_ =	swait.ge [sflag:s11], $0x3200  }
0x28d: {  	[sflag:s11] =	ssyncset.done $0x0  }
0x28e: {  	s23 =	sadd.s32 $0x4E20, s13;
	[sflag:s11] =	ssyncadd.s32 $0xFFFFCE00  }
0x28f: {  	[spmem:s1] =	stream.indirect.scatter.add.f32 [tilespmem:s10], [sflag:$0x3], $0x10, s23, s8, $0xb8;
	[tilespmem:$0x1F0F0] =	vst v63  }
0x290: {  	_ =	swait.ge [sflag:s7], $0x3200  }
0x291: {  	[sflag:s7] =	ssyncset.done $0x0  }
0x292: {  	s24 =	sadd.s32 $0x640, s13;
	[sflag:s7] =	ssyncadd.s32 $0xFFFFCE00  }
0x293: {  	[tilespmem:s10], [sflag:$0x1] =	stream.indirect.gather [spmem:s3], $0x10, s24, s8, $0xb8;
	[tilespmem:$0x1F0F0] =	vst v63  }
0x294: {  	_ =	swait.ge [sflag:s12], $0x3200  }
0x295: {  	[sflag:s12] =	ssyncset.done $0x0  }
0x296: {  	s25 =	sadd.s32 $0x5140, s13;
	[sflag:s12] =	ssyncadd.s32 $0xFFFFCE00  }
0x297: {  	[spmem:s1] =	stream.indirect.scatter.add.f32 [tilespmem:s9], [sflag:$0x3], $0x10, s25, s8, $0xb8;
	[tilespmem:$0x1F0F0] =	vst v63  }
0x298: {  	_ =	swait.ge [sflag:s7], $0x3200  }
0x299: {  	[sflag:s7] =	ssyncset.done $0x0  }
0x29a: {  	s26 =	simm.s32 $0x1;
	[sflag:s7] =	ssyncadd.s32 $0xFFFFCE00  }
0x29b: {  	_ =	swait.ge [sflag:s26], $0x3200  }
0x29c: {  	s28 =	simm.s32 $0x320;
	s29 =	simm.s32 $0x9920;
	[sflag:s26] =	ssyncset.done $0x0  }
0x29d: {  	s30 =	simm.s32 $0x9C40;
	s31 =	simm.s32 $0x3;
	[sflag:s26] =	ssyncadd.s32 $0xFFFFCE00  }
0x29e: {  	[spmem:s1] =	stream.indirect.scatter.add.f32 [tilespmem:s30], [sflag:$0x3], $0x10, s29, s28, $0xb8;
	[tilespmem:$0x1F0F0] =	vst v63  }
0x29f: {  	_ =	swait.ge [sflag:s31], $0x3200  }
0x2a0: {  	[sflag:s31] =	ssyncset.done $0x0  }
0x2a1: {  	[sflag:s31] =	ssyncadd.s32 $0xFFFFCE00  }
0x2a2: {  	[bflag:$0x0] =	sbarrier.arrive $0xFFFF  }
0x2a3: {  	v0 =	vld [tilespmem:$0x1A090]  }
.LBB2_41:
0x2a4: {  	s7 =	simm.s32 $0x10040;
	s31 =	simm.s32 $0x3  }
0x2a5: {  	[tilespmem:s7], [sflag:$0x3] =	stream.linear.gather [spmem:s4], $0x2800, $0x38;
	[tilespmem:$0x1F0F0] =	vst v63  }
0x2a6: {  	_ =	swait.ge [sflag:s31], $0x2800  }
0x2a7: {  	[sflag:s31] =	ssyncset.done $0x0  }
0x2a8: {  	s8 =	simm.s32 $0x0;
	[sflag:s31] =	ssyncadd.s32 $0xFFFFD800  }
0x2a9: {  	v3 =	vld [tilespmem:s8+$0x10040]  }
0x2aa: {  	v4 =	vld [tilespmem:s8+$0x17840]  }
0x2ab: {  	v5 =	vld [tilespmem:s8+$0x15040];
	_ =	sdelay $0x1  }
0x2ac: {  	v1 =	vimm.f32 $0.0e+00  }
0x2ad: {  	s7 =	simm.s32 $0x10;
	[tilespmem:s8+$0x10040] =	vst v1  }
0x2ae: {  	v2 =	vld [tilespmem:s7+$0x10040]  }
0x2af: {  	s9 =	simm.s32 $0x80;
	s10 =	simm.s32 $0xC0;
	[tilespmem:s7+$0x10040] =	vst v1;
	v4 =	vmul.f32 v3, v4;
	v3 =	vld [tilespmem:s7+$0x17840];
	v5 =	vmul.f32 v5, v0  }
.LBB2_42:
0x2b0: {  	p0 =	sne.s32 s10, $0x9FC0;
	v6 =	vld [tilespmem:s7+$0x15040];
	s11 =	smov.u32 s10;
	s10 =	sadd.s32 $0x40, s10  }
.Ltmp18:
0x2b1: {  	v4 =	vadd.f32 v5, v4;
	(pc) =	sbr.rel @p0 .LBB2_42-.Ltmp18, $4  }
0x2b2: {  	_ = 	snop  }
0x2b3: {  	[tilespmem:s8+$0x12840] =	vst v4;
	s8 =	smov.u32 s7;
	s7 =	sshra.s32 s9, $0x2;
	s9 =	smov.u32 s11  }
0x2b4: {  	[tilespmem:s7+$0x10040] =	vst v1;
	v4 =	vmul.f32 v2, v3;
	v2 =	vld [tilespmem:s7+$0x10040]  }
0x2b5: {  	v3 =	vld [tilespmem:s7+$0x17840];
	v5 =	vmul.f32 v6, v0  }
0x2b6: {  	_ = 	snop  }
0x2b7: {  	v4 =	vadd.f32 v5, v4;
	_ =	sdelay $0x1  }
0x2b8: {  	v61 =	vld [tilespmem:s7+$0x15040];
	s9 =	sshra.s32 s9, $0x2;
	[tilespmem:s8+$0x12840] =	vst v4  }
0x2b9: {  	v4 =	vld [tilespmem:s9+$0x10040]  }
0x2ba: {  	v6 =	vld [tilespmem:s9+$0x17840]  }
0x2bb: {  	v7 =	vld [tilespmem:s9+$0x15040];
	_ =	sdelay $0x3  }
0x2bc: {  	v2 =	vmul.f32 v2, v3;
	v62 =	vmul.f32 v61, v0  }
0x2bd: {  	v4 =	vmul.f32 v4, v6;
	v63 =	vmul.f32 v7, v0  }
0x2be: {  	v2 =	vadd.f32 v62, v2  }
0x2bf: {  	[tilespmem:s9+$0x10040] =	vst v1;
	v0 =	vadd.f32 v63, v4  }
0x2c0: {  	[tilespmem:s7+$0x12840] =	vst v2  }
0x2c1: {  	s26 =	simm.s32 $0x10040;
	s7 =	simm.s32 $0x3;
	[tilespmem:s9+$0x12840] =	vst v0  }
0x2c2: {  	[spmem:s4] =	stream.linear.scatter [tilespmem:s26], [sflag:$0x3], $0x2800, $0x38;
	[tilespmem:$0x1F0F0] =	vst v63  }
0x2c3: {  	_ =	swait.ge [sflag:s7], $0x2800  }
0x2c4: {  	[sflag:s7] =	ssyncset.done $0x0  }
0x2c5: {  	s28 =	simm.s32 $0x12840;
	[sflag:s7] =	ssyncadd.s32 $0xFFFFD800  }
0x2c6: {  	[spmem:s5] =	stream.linear.scatter [tilespmem:s28], [sflag:$0x3], $0x2800, $0x38;
	[tilespmem:$0x1F0F0] =	vst v63  }
0x2c7: {  	_ =	swait.ge [sflag:s7], $0x2800  }
0x2c8: {  	[sflag:s7] =	ssyncset.done $0x0  }
0x2c9: {  	s29 =	simm.s32 $0x0;
	[sflag:s7] =	ssyncadd.s32 $0xFFFFD800  }
0x2ca: {  	s10 =	simm.s32 $0x9C40;
	s8 =	simm.s32 $0x320;
	[bflag:$0x0] =	sbarrier.arrive $0xFFFF  }
0x2cb: {  	[tilespmem:s10], [sflag:$0x1] =	stream.indirect.gather [spmem:s3], $0x10, s29, s8, $0xb8;
	[tilespmem:$0x1F0F0] =	vst v63  }
0x2cc: {  	s11 =	simm.s32 $0x1;
	s12 =	simm.s32 $0x320;
	s9 =	simm.s32 $0xCE40  }
0x2cd: {  	[tilespmem:s9], [sflag:$0x2] =	stream.indirect.gather [spmem:s3], $0x10, s12, s8, $0xb8;
	[tilespmem:$0x1F0F0] =	vst v63  }
0x2ce: {  	_ =	swait.ge [sflag:s11], $0x3200  }
0x2cf: {  	[sflag:s11] =	ssyncset.done $0x0  }
0x2d0: {  	s30 =	simm.s32 $0x4E20;
	[sflag:s11] =	ssyncadd.s32 $0xFFFFCE00  }
0x2d1: {  	[spmem:s1] =	stream.indirect.scatter.add.f32 [tilespmem:s10], [sflag:$0x3], $0x10, s30, s8, $0xb8;
	[tilespmem:$0x1F0F0] =	vst v63  }
0x2d2: {  	_ =	swait.ge [sflag:s7], $0x3200  }
0x2d3: {  	[sflag:s7] =	ssyncset.done $0x0  }
0x2d4: {  	s13 =	simm.s32 $0x640;
	s12 =	simm.s32 $0x2;
	[sflag:s7] =	ssyncadd.s32 $0xFFFFCE00  }
0x2d5: {  	[tilespmem:s10], [sflag:$0x1] =	stream.indirect.gather [spmem:s3], $0x10, s13, s8, $0xb8;
	[tilespmem:$0x1F0F0] =	vst v63  }
0x2d6: {  	_ =	swait.ge [sflag:s12], $0x3200  }
0x2d7: {  	[sflag:s12] =	ssyncset.done $0x0  }
0x2d8: {  	s31 =	simm.s32 $0x5140;
	[sflag:s12] =	ssyncadd.s32 $0xFFFFCE00  }
0x2d9: {  	[spmem:s1] =	stream.indirect.scatter.add.f32 [tilespmem:s9], [sflag:$0x3], $0x10, s31, s8, $0xb8;
	[tilespmem:$0x1F0F0] =	vst v63  }
0x2da: {  	_ =	swait.ge [sflag:s7], $0x3200  }
0x2db: {  	s14 =	simm.s32 $0x3200;
	s13 =	simm.s32 $0x640;
	[sflag:s7] =	ssyncset.done $0x0  }
.LBB2_44:
0x2dc: {  	s15 =	sadd.s32 $0x320, s13  }
0x2dd: {  	[sflag:s7] =	ssyncadd.s32 $0xFFFFCE00;
	s16 =	smov.u32 s14;
	s17 =	sadd.s32 $0x1900, s14  }
0x2de: {  	[tilespmem:s9], [sflag:$0x2] =	stream.indirect.gather [spmem:s3], $0x10, s15, s8, $0xb8;
	[tilespmem:$0x1F0F0] =	vst v63  }
0x2df: {  	p0 =	sne.s32 s14, $0x11300;
	_ =	swait.ge [sflag:s11], $0x3200  }
0x2e0: {  	[sflag:s11] =	ssyncset.done $0x0  }
0x2e1: {  	s14 =	sadd.s32 $0x4E20, s13;
	[sflag:s11] =	ssyncadd.s32 $0xFFFFCE00  }
0x2e2: {  	[spmem:s1] =	stream.indirect.scatter.add.f32 [tilespmem:s10], [sflag:$0x3], $0x10, s14, s8, $0xb8;
	[tilespmem:$0x1F0F0] =	vst v63  }
0x2e3: {  	_ =	swait.ge [sflag:s7], $0x3200  }
0x2e4: {  	[sflag:s7] =	ssyncset.done $0x0  }
0x2e5: {  	s14 =	sadd.s32 $0x640, s13;
	[sflag:s7] =	ssyncadd.s32 $0xFFFFCE00  }
0x2e6: {  	[tilespmem:s10], [sflag:$0x1] =	stream.indirect.gather [spmem:s3], $0x10, s14, s8, $0xb8;
	[tilespmem:$0x1F0F0] =	vst v63  }
0x2e7: {  	_ =	swait.ge [sflag:s12], $0x3200  }
.Ltmp19:
0x2e8: {  	[sflag:s12] =	ssyncset.done $0x0;
	(pc) =	sbr.rel @p0 .LBB2_44-.Ltmp19, $4  }
0x2e9: {  	s13 =	sadd.s32 $0x5140, s13;
	[sflag:s12] =	ssyncadd.s32 $0xFFFFCE00  }
0x2ea: {  	[spmem:s1] =	stream.indirect.scatter.add.f32 [tilespmem:s9], [sflag:$0x3], $0x10, s13, s8, $0xb8;
	[tilespmem:$0x1F0F0] =	vst v63  }
0x2eb: {  	_ =	swait.ge [sflag:s7], $0x3200  }
0x2ec: {  	s14 =	smov.u32 s17;
	s13 =	sshra.s32 s16, $0x2;
	[sflag:s7] =	ssyncset.done $0x0  }
0x2ed: {  	s14 =	sadd.s32 $0x320, s13;
	[sflag:s7] =	ssyncadd.s32 $0xFFFFCE00  }
0x2ee: {  	[tilespmem:s9], [sflag:$0x2] =	stream.indirect.gather [spmem:s3], $0x10, s14, s8, $0xb8;
	[tilespmem:$0x1F0F0] =	vst v63  }
0x2ef: {  	_ =	swait.ge [sflag:s11], $0x3200  }
0x2f0: {  	[sflag:s11] =	ssyncset.done $0x0  }
0x2f1: {  	s23 =	sadd.s32 $0x4E20, s13;
	[sflag:s11] =	ssyncadd.s32 $0xFFFFCE00  }
0x2f2: {  	[spmem:s1] =	stream.indirect.scatter.add.f32 [tilespmem:s10], [sflag:$0x3], $0x10, s23, s8, $0xb8;
	[tilespmem:$0x1F0F0] =	vst v63  }
0x2f3: {  	_ =	swait.ge [sflag:s7], $0x3200  }
0x2f4: {  	[sflag:s7] =	ssyncset.done $0x0  }
0x2f5: {  	s24 =	sadd.s32 $0x640, s13;
	[sflag:s7] =	ssyncadd.s32 $0xFFFFCE00  }
0x2f6: {  	[tilespmem:s10], [sflag:$0x1] =	stream.indirect.gather [spmem:s3], $0x10, s24, s8, $0xb8;
	[tilespmem:$0x1F0F0] =	vst v63  }
0x2f7: {  	_ =	swait.ge [sflag:s12], $0x3200  }
0x2f8: {  	[sflag:s12] =	ssyncset.done $0x0  }
0x2f9: {  	s25 =	sadd.s32 $0x5140, s13;
	[sflag:s12] =	ssyncadd.s32 $0xFFFFCE00  }
0x2fa: {  	[spmem:s1] =	stream.indirect.scatter.add.f32 [tilespmem:s9], [sflag:$0x3], $0x10, s25, s8, $0xb8;
	[tilespmem:$0x1F0F0] =	vst v63  }
0x2fb: {  	_ =	swait.ge [sflag:s7], $0x3200  }
0x2fc: {  	[sflag:s7] =	ssyncset.done $0x0  }
0x2fd: {  	s26 =	simm.s32 $0x1;
	[sflag:s7] =	ssyncadd.s32 $0xFFFFCE00  }
0x2fe: {  	_ =	swait.ge [sflag:s26], $0x3200  }
0x2ff: {  	s28 =	simm.s32 $0x320;
	s29 =	simm.s32 $0x9920;
	[sflag:s26] =	ssyncset.done $0x0  }
0x300: {  	s30 =	simm.s32 $0x9C40;
	s31 =	simm.s32 $0x3;
	[sflag:s26] =	ssyncadd.s32 $0xFFFFCE00  }
0x301: {  	[spmem:s1] =	stream.indirect.scatter.add.f32 [tilespmem:s30], [sflag:$0x3], $0x10, s29, s28, $0xb8;
	[tilespmem:$0x1F0F0] =	vst v63  }
0x302: {  	_ =	swait.ge [sflag:s31], $0x3200  }
0x303: {  	[sflag:s31] =	ssyncset.done $0x0  }
0x304: {  	[sflag:s31] =	ssyncadd.s32 $0xFFFFCE00  }
0x305: {  	[bflag:$0x0] =	sbarrier.arrive $0xFFFF  }
0x306: {  	v0 =	vld [tilespmem:$0x1A080]  }
.LBB2_47:
0x307: {  	s7 =	simm.s32 $0x10040;
	s31 =	simm.s32 $0x3  }
0x308: {  	[tilespmem:s7], [sflag:$0x3] =	stream.linear.gather [spmem:s4], $0x2800, $0x38;
	[tilespmem:$0x1F0F0] =	vst v63  }
0x309: {  	_ =	swait.ge [sflag:s31], $0x2800  }
0x30a: {  	[sflag:s31] =	ssyncset.done $0x0  }
0x30b: {  	s8 =	simm.s32 $0x0;
	[sflag:s31] =	ssyncadd.s32 $0xFFFFD800  }
0x30c: {  	v3 =	vld [tilespmem:s8+$0x10040]  }
0x30d: {  	v4 =	vld [tilespmem:s8+$0x17840]  }
0x30e: {  	v5 =	vld [tilespmem:s8+$0x15040];
	_ =	sdelay $0x1  }
0x30f: {  	v1 =	vimm.f32 $0.0e+00  }
0x310: {  	s7 =	simm.s32 $0x10;
	[tilespmem:s8+$0x10040] =	vst v1  }
0x311: {  	v2 =	vld [tilespmem:s7+$0x10040]  }
0x312: {  	s9 =	simm.s32 $0x80;
	s10 =	simm.s32 $0xC0;
	[tilespmem:s7+$0x10040] =	vst v1;
	v4 =	vmul.f32 v3, v4;
	v3 =	vld [tilespmem:s7+$0x17840];
	v5 =	vmul.f32 v5, v0  }
.LBB2_48:
0x313: {  	p0 =	sne.s32 s10, $0x9FC0;
	v6 =	vld [tilespmem:s7+$0x15040];
	s11 =	smov.u32 s10;
	s10 =	sadd.s32 $0x40, s10  }
.Ltmp20:
0x314: {  	v4 =	vadd.f32 v5, v4;
	(pc) =	sbr.rel @p0 .LBB2_48-.Ltmp20, $4  }
0x315: {  	_ = 	snop  }
0x316: {  	[tilespmem:s8+$0x12840] =	vst v4;
	s8 =	smov.u32 s7;
	s7 =	sshra.s32 s9, $0x2;
	s9 =	smov.u32 s11  }
0x317: {  	[tilespmem:s7+$0x10040] =	vst v1;
	v4 =	vmul.f32 v2, v3;
	v2 =	vld [tilespmem:s7+$0x10040]  }
0x318: {  	v3 =	vld [tilespmem:s7+$0x17840];
	v5 =	vmul.f32 v6, v0  }
0x319: {  	_ = 	snop  }
0x31a: {  	v4 =	vadd.f32 v5, v4;
	_ =	sdelay $0x1  }
0x31b: {  	v61 =	vld [tilespmem:s7+$0x15040];
	s9 =	sshra.s32 s9, $0x2;
	[tilespmem:s8+$0x12840] =	vst v4  }
0x31c: {  	v4 =	vld [tilespmem:s9+$0x10040]  }
0x31d: {  	v6 =	vld [tilespmem:s9+$0x17840]  }
0x31e: {  	v7 =	vld [tilespmem:s9+$0x15040];
	_ =	sdelay $0x3  }
0x31f: {  	v2 =	vmul.f32 v2, v3;
	v62 =	vmul.f32 v61, v0  }
0x320: {  	v4 =	vmul.f32 v4, v6;
	v63 =	vmul.f32 v7, v0  }
0x321: {  	v2 =	vadd.f32 v62, v2  }
0x322: {  	[tilespmem:s9+$0x10040] =	vst v1;
	v0 =	vadd.f32 v63, v4  }
0x323: {  	[tilespmem:s7+$0x12840] =	vst v2  }
0x324: {  	s26 =	simm.s32 $0x10040;
	s7 =	simm.s32 $0x3;
	[tilespmem:s9+$0x12840] =	vst v0  }
0x325: {  	[spmem:s4] =	stream.linear.scatter [tilespmem:s26], [sflag:$0x3], $0x2800, $0x38;
	[tilespmem:$0x1F0F0] =	vst v63  }
0x326: {  	_ =	swait.ge [sflag:s7], $0x2800  }
0x327: {  	[sflag:s7] =	ssyncset.done $0x0  }
0x328: {  	s28 =	simm.s32 $0x12840;
	[sflag:s7] =	ssyncadd.s32 $0xFFFFD800  }
0x329: {  	[spmem:s5] =	stream.linear.scatter [tilespmem:s28], [sflag:$0x3], $0x2800, $0x38;
	[tilespmem:$0x1F0F0] =	vst v63  }
0x32a: {  	_ =	swait.ge [sflag:s7], $0x2800  }
0x32b: {  	[sflag:s7] =	ssyncset.done $0x0  }
0x32c: {  	s29 =	simm.s32 $0x0;
	[sflag:s7] =	ssyncadd.s32 $0xFFFFD800  }
0x32d: {  	s10 =	simm.s32 $0x9C40;
	s8 =	simm.s32 $0x320;
	[bflag:$0x0] =	sbarrier.arrive $0xFFFF  }
0x32e: {  	[tilespmem:s10], [sflag:$0x1] =	stream.indirect.gather [spmem:s3], $0x10, s29, s8, $0xb8;
	[tilespmem:$0x1F0F0] =	vst v63  }
0x32f: {  	s11 =	simm.s32 $0x1;
	s12 =	simm.s32 $0x320;
	s9 =	simm.s32 $0xCE40  }
0x330: {  	[tilespmem:s9], [sflag:$0x2] =	stream.indirect.gather [spmem:s3], $0x10, s12, s8, $0xb8;
	[tilespmem:$0x1F0F0] =	vst v63  }
0x331: {  	_ =	swait.ge [sflag:s11], $0x3200  }
0x332: {  	[sflag:s11] =	ssyncset.done $0x0  }
0x333: {  	s30 =	simm.s32 $0x4E20;
	[sflag:s11] =	ssyncadd.s32 $0xFFFFCE00  }
0x334: {  	[spmem:s1] =	stream.indirect.scatter.add.f32 [tilespmem:s10], [sflag:$0x3], $0x10, s30, s8, $0xb8;
	[tilespmem:$0x1F0F0] =	vst v63  }
0x335: {  	_ =	swait.ge [sflag:s7], $0x3200  }
0x336: {  	[sflag:s7] =	ssyncset.done $0x0  }
0x337: {  	s13 =	simm.s32 $0x640;
	s12 =	simm.s32 $0x2;
	[sflag:s7] =	ssyncadd.s32 $0xFFFFCE00  }
0x338: {  	[tilespmem:s10], [sflag:$0x1] =	stream.indirect.gather [spmem:s3], $0x10, s13, s8, $0xb8;
	[tilespmem:$0x1F0F0] =	vst v63  }
0x339: {  	_ =	swait.ge [sflag:s12], $0x3200  }
0x33a: {  	[sflag:s12] =	ssyncset.done $0x0  }
0x33b: {  	s31 =	simm.s32 $0x5140;
	[sflag:s12] =	ssyncadd.s32 $0xFFFFCE00  }
0x33c: {  	[spmem:s1] =	stream.indirect.scatter.add.f32 [tilespmem:s9], [sflag:$0x3], $0x10, s31, s8, $0xb8;
	[tilespmem:$0x1F0F0] =	vst v63  }
0x33d: {  	_ =	swait.ge [sflag:s7], $0x3200  }
0x33e: {  	s14 =	simm.s32 $0x3200;
	s13 =	simm.s32 $0x640;
	[sflag:s7] =	ssyncset.done $0x0  }
.LBB2_50:
0x33f: {  	s15 =	sadd.s32 $0x320, s13  }
0x340: {  	[sflag:s7] =	ssyncadd.s32 $0xFFFFCE00;
	s16 =	smov.u32 s14;
	s17 =	sadd.s32 $0x1900, s14  }
0x341: {  	[tilespmem:s9], [sflag:$0x2] =	stream.indirect.gather [spmem:s3], $0x10, s15, s8, $0xb8;
	[tilespmem:$0x1F0F0] =	vst v63  }
0x342: {  	p0 =	sne.s32 s14, $0x11300;
	_ =	swait.ge [sflag:s11], $0x3200  }
0x343: {  	[sflag:s11] =	ssyncset.done $0x0  }
0x344: {  	s14 =	sadd.s32 $0x4E20, s13;
	[sflag:s11] =	ssyncadd.s32 $0xFFFFCE00  }
0x345: {  	[spmem:s1] =	stream.indirect.scatter.add.f32 [tilespmem:s10], [sflag:$0x3], $0x10, s14, s8, $0xb8;
	[tilespmem:$0x1F0F0] =	vst v63  }
0x346: {  	_ =	swait.ge [sflag:s7], $0x3200  }
0x347: {  	[sflag:s7] =	ssyncset.done $0x0  }
0x348: {  	s14 =	sadd.s32 $0x640, s13;
	[sflag:s7] =	ssyncadd.s32 $0xFFFFCE00  }
0x349: {  	[tilespmem:s10], [sflag:$0x1] =	stream.indirect.gather [spmem:s3], $0x10, s14, s8, $0xb8;
	[tilespmem:$0x1F0F0] =	vst v63  }
0x34a: {  	_ =	swait.ge [sflag:s12], $0x3200  }
.Ltmp21:
0x34b: {  	[sflag:s12] =	ssyncset.done $0x0;
	(pc) =	sbr.rel @p0 .LBB2_50-.Ltmp21, $4  }
0x34c: {  	s13 =	sadd.s32 $0x5140, s13;
	[sflag:s12] =	ssyncadd.s32 $0xFFFFCE00  }
0x34d: {  	[spmem:s1] =	stream.indirect.scatter.add.f32 [tilespmem:s9], [sflag:$0x3], $0x10, s13, s8, $0xb8;
	[tilespmem:$0x1F0F0] =	vst v63  }
0x34e: {  	_ =	swait.ge [sflag:s7], $0x3200  }
0x34f: {  	s14 =	smov.u32 s17;
	s13 =	sshra.s32 s16, $0x2;
	[sflag:s7] =	ssyncset.done $0x0  }
0x350: {  	s14 =	sadd.s32 $0x320, s13;
	[sflag:s7] =	ssyncadd.s32 $0xFFFFCE00  }
0x351: {  	[tilespmem:s9], [sflag:$0x2] =	stream.indirect.gather [spmem:s3], $0x10, s14, s8, $0xb8;
	[tilespmem:$0x1F0F0] =	vst v63  }
0x352: {  	_ =	swait.ge [sflag:s11], $0x3200  }
0x353: {  	[sflag:s11] =	ssyncset.done $0x0  }
0x354: {  	s23 =	sadd.s32 $0x4E20, s13;
	[sflag:s11] =	ssyncadd.s32 $0xFFFFCE00  }
0x355: {  	[spmem:s1] =	stream.indirect.scatter.add.f32 [tilespmem:s10], [sflag:$0x3], $0x10, s23, s8, $0xb8;
	[tilespmem:$0x1F0F0] =	vst v63  }
0x356: {  	_ =	swait.ge [sflag:s7], $0x3200  }
0x357: {  	[sflag:s7] =	ssyncset.done $0x0  }
0x358: {  	s24 =	sadd.s32 $0x640, s13;
	[sflag:s7] =	ssyncadd.s32 $0xFFFFCE00  }
0x359: {  	[tilespmem:s10], [sflag:$0x1] =	stream.indirect.gather [spmem:s3], $0x10, s24, s8, $0xb8;
	[tilespmem:$0x1F0F0] =	vst v63  }
0x35a: {  	_ =	swait.ge [sflag:s12], $0x3200  }
0x35b: {  	[sflag:s12] =	ssyncset.done $0x0  }
0x35c: {  	s25 =	sadd.s32 $0x5140, s13;
	[sflag:s12] =	ssyncadd.s32 $0xFFFFCE00  }
0x35d: {  	[spmem:s1] =	stream.indirect.scatter.add.f32 [tilespmem:s9], [sflag:$0x3], $0x10, s25, s8, $0xb8;
	[tilespmem:$0x1F0F0] =	vst v63  }
0x35e: {  	_ =	swait.ge [sflag:s7], $0x3200  }
0x35f: {  	[sflag:s7] =	ssyncset.done $0x0  }
0x360: {  	s26 =	simm.s32 $0x1;
	[sflag:s7] =	ssyncadd.s32 $0xFFFFCE00  }
0x361: {  	_ =	swait.ge [sflag:s26], $0x3200  }
0x362: {  	s28 =	simm.s32 $0x320;
	s29 =	simm.s32 $0x9920;
	[sflag:s26] =	ssyncset.done $0x0  }
0x363: {  	s30 =	simm.s32 $0x9C40;
	s31 =	simm.s32 $0x3;
	[sflag:s26] =	ssyncadd.s32 $0xFFFFCE00  }
0x364: {  	[spmem:s1] =	stream.indirect.scatter.add.f32 [tilespmem:s30], [sflag:$0x3], $0x10, s29, s28, $0xb8;
	[tilespmem:$0x1F0F0] =	vst v63  }
0x365: {  	_ =	swait.ge [sflag:s31], $0x3200  }
0x366: {  	[sflag:s31] =	ssyncset.done $0x0  }
0x367: {  	[sflag:s31] =	ssyncadd.s32 $0xFFFFCE00  }
0x368: {  	[bflag:$0x0] =	sbarrier.arrive $0xFFFF  }
0x369: {  	v0 =	vld [tilespmem:$0x1A070]  }
.LBB2_53:
0x36a: {  	s7 =	simm.s32 $0x10040;
	s31 =	simm.s32 $0x3  }
0x36b: {  	[tilespmem:s7], [sflag:$0x3] =	stream.linear.gather [spmem:s4], $0x2800, $0x38;
	[tilespmem:$0x1F0F0] =	vst v63  }
0x36c: {  	_ =	swait.ge [sflag:s31], $0x2800  }
0x36d: {  	[sflag:s31] =	ssyncset.done $0x0  }
0x36e: {  	s8 =	simm.s32 $0x0;
	[sflag:s31] =	ssyncadd.s32 $0xFFFFD800  }
0x36f: {  	v3 =	vld [tilespmem:s8+$0x10040]  }
0x370: {  	v4 =	vld [tilespmem:s8+$0x17840]  }
0x371: {  	v5 =	vld [tilespmem:s8+$0x15040];
	_ =	sdelay $0x1  }
0x372: {  	v1 =	vimm.f32 $0.0e+00  }
0x373: {  	s7 =	simm.s32 $0x10;
	[tilespmem:s8+$0x10040] =	vst v1  }
0x374: {  	v2 =	vld [tilespmem:s7+$0x10040]  }
0x375: {  	s9 =	simm.s32 $0x80;
	s10 =	simm.s32 $0xC0;
	[tilespmem:s7+$0x10040] =	vst v1;
	v4 =	vmul.f32 v3, v4;
	v3 =	vld [tilespmem:s7+$0x17840];
	v5 =	vmul.f32 v5, v0  }
.LBB2_54:
0x376: {  	p0 =	sne.s32 s10, $0x9FC0;
	v6 =	vld [tilespmem:s7+$0x15040];
	s11 =	smov.u32 s10;
	s10 =	sadd.s32 $0x40, s10  }
.Ltmp22:
0x377: {  	v4 =	vadd.f32 v5, v4;
	(pc) =	sbr.rel @p0 .LBB2_54-.Ltmp22, $4  }
0x378: {  	_ = 	snop  }
0x379: {  	[tilespmem:s8+$0x12840] =	vst v4;
	s8 =	smov.u32 s7;
	s7 =	sshra.s32 s9, $0x2;
	s9 =	smov.u32 s11  }
0x37a: {  	[tilespmem:s7+$0x10040] =	vst v1;
	v4 =	vmul.f32 v2, v3;
	v2 =	vld [tilespmem:s7+$0x10040]  }
0x37b: {  	v3 =	vld [tilespmem:s7+$0x17840];
	v5 =	vmul.f32 v6, v0  }
0x37c: {  	_ = 	snop  }
0x37d: {  	v4 =	vadd.f32 v5, v4;
	_ =	sdelay $0x1  }
0x37e: {  	v61 =	vld [tilespmem:s7+$0x15040];
	s9 =	sshra.s32 s9, $0x2;
	[tilespmem:s8+$0x12840] =	vst v4  }
0x37f: {  	v4 =	vld [tilespmem:s9+$0x10040]  }
0x380: {  	v6 =	vld [tilespmem:s9+$0x17840]  }
0x381: {  	v7 =	vld [tilespmem:s9+$0x15040];
	_ =	sdelay $0x3  }
0x382: {  	v2 =	vmul.f32 v2, v3;
	v62 =	vmul.f32 v61, v0  }
0x383: {  	v4 =	vmul.f32 v4, v6;
	v63 =	vmul.f32 v7, v0  }
0x384: {  	v2 =	vadd.f32 v62, v2  }
0x385: {  	[tilespmem:s9+$0x10040] =	vst v1;
	v0 =	vadd.f32 v63, v4  }
0x386: {  	[tilespmem:s7+$0x12840] =	vst v2  }
0x387: {  	s26 =	simm.s32 $0x10040;
	s7 =	simm.s32 $0x3;
	[tilespmem:s9+$0x12840] =	vst v0  }
0x388: {  	[spmem:s4] =	stream.linear.scatter [tilespmem:s26], [sflag:$0x3], $0x2800, $0x38;
	[tilespmem:$0x1F0F0] =	vst v63  }
0x389: {  	_ =	swait.ge [sflag:s7], $0x2800  }
0x38a: {  	[sflag:s7] =	ssyncset.done $0x0  }
0x38b: {  	s28 =	simm.s32 $0x12840;
	[sflag:s7] =	ssyncadd.s32 $0xFFFFD800  }
0x38c: {  	[spmem:s5] =	stream.linear.scatter [tilespmem:s28], [sflag:$0x3], $0x2800, $0x38;
	[tilespmem:$0x1F0F0] =	vst v63  }
0x38d: {  	_ =	swait.ge [sflag:s7], $0x2800  }
0x38e: {  	[sflag:s7] =	ssyncset.done $0x0  }
0x38f: {  	s29 =	simm.s32 $0x0;
	[sflag:s7] =	ssyncadd.s32 $0xFFFFD800  }
0x390: {  	s10 =	simm.s32 $0x9C40;
	s8 =	simm.s32 $0x320;
	[bflag:$0x0] =	sbarrier.arrive $0xFFFF  }
0x391: {  	[tilespmem:s10], [sflag:$0x1] =	stream.indirect.gather [spmem:s3], $0x10, s29, s8, $0xb8;
	[tilespmem:$0x1F0F0] =	vst v63  }
0x392: {  	s11 =	simm.s32 $0x1;
	s12 =	simm.s32 $0x320;
	s9 =	simm.s32 $0xCE40  }
0x393: {  	[tilespmem:s9], [sflag:$0x2] =	stream.indirect.gather [spmem:s3], $0x10, s12, s8, $0xb8;
	[tilespmem:$0x1F0F0] =	vst v63  }
0x394: {  	_ =	swait.ge [sflag:s11], $0x3200  }
0x395: {  	[sflag:s11] =	ssyncset.done $0x0  }
0x396: {  	s30 =	simm.s32 $0x4E20;
	[sflag:s11] =	ssyncadd.s32 $0xFFFFCE00  }
0x397: {  	[spmem:s1] =	stream.indirect.scatter.add.f32 [tilespmem:s10], [sflag:$0x3], $0x10, s30, s8, $0xb8;
	[tilespmem:$0x1F0F0] =	vst v63  }
0x398: {  	_ =	swait.ge [sflag:s7], $0x3200  }
0x399: {  	[sflag:s7] =	ssyncset.done $0x0  }
0x39a: {  	s13 =	simm.s32 $0x640;
	s12 =	simm.s32 $0x2;
	[sflag:s7] =	ssyncadd.s32 $0xFFFFCE00  }
0x39b: {  	[tilespmem:s10], [sflag:$0x1] =	stream.indirect.gather [spmem:s3], $0x10, s13, s8, $0xb8;
	[tilespmem:$0x1F0F0] =	vst v63  }
0x39c: {  	_ =	swait.ge [sflag:s12], $0x3200  }
0x39d: {  	[sflag:s12] =	ssyncset.done $0x0  }
0x39e: {  	s31 =	simm.s32 $0x5140;
	[sflag:s12] =	ssyncadd.s32 $0xFFFFCE00  }
0x39f: {  	[spmem:s1] =	stream.indirect.scatter.add.f32 [tilespmem:s9], [sflag:$0x3], $0x10, s31, s8, $0xb8;
	[tilespmem:$0x1F0F0] =	vst v63  }
0x3a0: {  	_ =	swait.ge [sflag:s7], $0x3200  }
0x3a1: {  	s14 =	simm.s32 $0x3200;
	s13 =	simm.s32 $0x640;
	[sflag:s7] =	ssyncset.done $0x0  }
.LBB2_56:
0x3a2: {  	s15 =	sadd.s32 $0x320, s13  }
0x3a3: {  	[sflag:s7] =	ssyncadd.s32 $0xFFFFCE00;
	s16 =	smov.u32 s14;
	s17 =	sadd.s32 $0x1900, s14  }
0x3a4: {  	[tilespmem:s9], [sflag:$0x2] =	stream.indirect.gather [spmem:s3], $0x10, s15, s8, $0xb8;
	[tilespmem:$0x1F0F0] =	vst v63  }
0x3a5: {  	p0 =	sne.s32 s14, $0x11300;
	_ =	swait.ge [sflag:s11], $0x3200  }
0x3a6: {  	[sflag:s11] =	ssyncset.done $0x0  }
0x3a7: {  	s14 =	sadd.s32 $0x4E20, s13;
	[sflag:s11] =	ssyncadd.s32 $0xFFFFCE00  }
0x3a8: {  	[spmem:s1] =	stream.indirect.scatter.add.f32 [tilespmem:s10], [sflag:$0x3], $0x10, s14, s8, $0xb8;
	[tilespmem:$0x1F0F0] =	vst v63  }
0x3a9: {  	_ =	swait.ge [sflag:s7], $0x3200  }
0x3aa: {  	[sflag:s7] =	ssyncset.done $0x0  }
0x3ab: {  	s14 =	sadd.s32 $0x640, s13;
	[sflag:s7] =	ssyncadd.s32 $0xFFFFCE00  }
0x3ac: {  	[tilespmem:s10], [sflag:$0x1] =	stream.indirect.gather [spmem:s3], $0x10, s14, s8, $0xb8;
	[tilespmem:$0x1F0F0] =	vst v63  }
0x3ad: {  	_ =	swait.ge [sflag:s12], $0x3200  }
.Ltmp23:
0x3ae: {  	[sflag:s12] =	ssyncset.done $0x0;
	(pc) =	sbr.rel @p0 .LBB2_56-.Ltmp23, $4  }
0x3af: {  	s13 =	sadd.s32 $0x5140, s13;
	[sflag:s12] =	ssyncadd.s32 $0xFFFFCE00  }
0x3b0: {  	[spmem:s1] =	stream.indirect.scatter.add.f32 [tilespmem:s9], [sflag:$0x3], $0x10, s13, s8, $0xb8;
	[tilespmem:$0x1F0F0] =	vst v63  }
0x3b1: {  	_ =	swait.ge [sflag:s7], $0x3200  }
0x3b2: {  	s14 =	smov.u32 s17;
	s13 =	sshra.s32 s16, $0x2;
	[sflag:s7] =	ssyncset.done $0x0  }
0x3b3: {  	s14 =	sadd.s32 $0x320, s13;
	[sflag:s7] =	ssyncadd.s32 $0xFFFFCE00  }
0x3b4: {  	[tilespmem:s9], [sflag:$0x2] =	stream.indirect.gather [spmem:s3], $0x10, s14, s8, $0xb8;
	[tilespmem:$0x1F0F0] =	vst v63  }
0x3b5: {  	_ =	swait.ge [sflag:s11], $0x3200  }
0x3b6: {  	[sflag:s11] =	ssyncset.done $0x0  }
0x3b7: {  	s23 =	sadd.s32 $0x4E20, s13;
	[sflag:s11] =	ssyncadd.s32 $0xFFFFCE00  }
0x3b8: {  	[spmem:s1] =	stream.indirect.scatter.add.f32 [tilespmem:s10], [sflag:$0x3], $0x10, s23, s8, $0xb8;
	[tilespmem:$0x1F0F0] =	vst v63  }
0x3b9: {  	_ =	swait.ge [sflag:s7], $0x3200  }
0x3ba: {  	[sflag:s7] =	ssyncset.done $0x0  }
0x3bb: {  	s24 =	sadd.s32 $0x640, s13;
	[sflag:s7] =	ssyncadd.s32 $0xFFFFCE00  }
0x3bc: {  	[tilespmem:s10], [sflag:$0x1] =	stream.indirect.gather [spmem:s3], $0x10, s24, s8, $0xb8;
	[tilespmem:$0x1F0F0] =	vst v63  }
0x3bd: {  	_ =	swait.ge [sflag:s12], $0x3200  }
0x3be: {  	[sflag:s12] =	ssyncset.done $0x0  }
0x3bf: {  	s25 =	sadd.s32 $0x5140, s13;
	[sflag:s12] =	ssyncadd.s32 $0xFFFFCE00  }
0x3c0: {  	[spmem:s1] =	stream.indirect.scatter.add.f32 [tilespmem:s9], [sflag:$0x3], $0x10, s25, s8, $0xb8;
	[tilespmem:$0x1F0F0] =	vst v63  }
0x3c1: {  	_ =	swait.ge [sflag:s7], $0x3200  }
0x3c2: {  	[sflag:s7] =	ssyncset.done $0x0  }
0x3c3: {  	s26 =	simm.s32 $0x1;
	[sflag:s7] =	ssyncadd.s32 $0xFFFFCE00  }
0x3c4: {  	_ =	swait.ge [sflag:s26], $0x3200  }
0x3c5: {  	s28 =	simm.s32 $0x320;
	s29 =	simm.s32 $0x9920;
	[sflag:s26] =	ssyncset.done $0x0  }
0x3c6: {  	s30 =	simm.s32 $0x9C40;
	s31 =	simm.s32 $0x3;
	[sflag:s26] =	ssyncadd.s32 $0xFFFFCE00  }
0x3c7: {  	[spmem:s1] =	stream.indirect.scatter.add.f32 [tilespmem:s30], [sflag:$0x3], $0x10, s29, s28, $0xb8;
	[tilespmem:$0x1F0F0] =	vst v63  }
0x3c8: {  	_ =	swait.ge [sflag:s31], $0x3200  }
0x3c9: {  	[sflag:s31] =	ssyncset.done $0x0  }
0x3ca: {  	[sflag:s31] =	ssyncadd.s32 $0xFFFFCE00  }
0x3cb: {  	[bflag:$0x0] =	sbarrier.arrive $0xFFFF  }
0x3cc: {  	v0 =	vld [tilespmem:$0x1A060]  }
.LBB2_59:
0x3cd: {  	s7 =	simm.s32 $0x10040;
	s31 =	simm.s32 $0x3  }
0x3ce: {  	[tilespmem:s7], [sflag:$0x3] =	stream.linear.gather [spmem:s4], $0x2800, $0x38;
	[tilespmem:$0x1F0F0] =	vst v63  }
0x3cf: {  	_ =	swait.ge [sflag:s31], $0x2800  }
0x3d0: {  	[sflag:s31] =	ssyncset.done $0x0  }
0x3d1: {  	s8 =	simm.s32 $0x0;
	[sflag:s31] =	ssyncadd.s32 $0xFFFFD800  }
0x3d2: {  	v3 =	vld [tilespmem:s8+$0x10040]  }
0x3d3: {  	v4 =	vld [tilespmem:s8+$0x17840]  }
0x3d4: {  	v5 =	vld [tilespmem:s8+$0x15040];
	_ =	sdelay $0x1  }
0x3d5: {  	v1 =	vimm.f32 $0.0e+00  }
0x3d6: {  	s7 =	simm.s32 $0x10;
	[tilespmem:s8+$0x10040] =	vst v1  }
0x3d7: {  	v2 =	vld [tilespmem:s7+$0x10040]  }
0x3d8: {  	s9 =	simm.s32 $0x80;
	s10 =	simm.s32 $0xC0;
	[tilespmem:s7+$0x10040] =	vst v1;
	v4 =	vmul.f32 v3, v4;
	v3 =	vld [tilespmem:s7+$0x17840];
	v5 =	vmul.f32 v5, v0  }
.LBB2_60:
0x3d9: {  	p0 =	sne.s32 s10, $0x9FC0;
	v6 =	vld [tilespmem:s7+$0x15040];
	s11 =	smov.u32 s10;
	s10 =	sadd.s32 $0x40, s10  }
.Ltmp24:
0x3da: {  	v4 =	vadd.f32 v5, v4;
	(pc) =	sbr.rel @p0 .LBB2_60-.Ltmp24, $4  }
0x3db: {  	_ = 	snop  }
0x3dc: {  	[tilespmem:s8+$0x12840] =	vst v4;
	s8 =	smov.u32 s7;
	s7 =	sshra.s32 s9, $0x2;
	s9 =	smov.u32 s11  }
0x3dd: {  	[tilespmem:s7+$0x10040] =	vst v1;
	v4 =	vmul.f32 v2, v3;
	v2 =	vld [tilespmem:s7+$0x10040]  }
0x3de: {  	v3 =	vld [tilespmem:s7+$0x17840];
	v5 =	vmul.f32 v6, v0  }
0x3df: {  	_ = 	snop  }
0x3e0: {  	v4 =	vadd.f32 v5, v4;
	_ =	sdelay $0x1  }
0x3e1: {  	v61 =	vld [tilespmem:s7+$0x15040];
	s9 =	sshra.s32 s9, $0x2;
	[tilespmem:s8+$0x12840] =	vst v4  }
0x3e2: {  	v4 =	vld [tilespmem:s9+$0x10040]  }
0x3e3: {  	v6 =	vld [tilespmem:s9+$0x17840]  }
0x3e4: {  	v7 =	vld [tilespmem:s9+$0x15040];
	_ =	sdelay $0x3  }
0x3e5: {  	v2 =	vmul.f32 v2, v3;
	v62 =	vmul.f32 v61, v0  }
0x3e6: {  	v4 =	vmul.f32 v4, v6;
	v63 =	vmul.f32 v7, v0  }
0x3e7: {  	v2 =	vadd.f32 v62, v2  }
0x3e8: {  	[tilespmem:s9+$0x10040] =	vst v1;
	v0 =	vadd.f32 v63, v4  }
0x3e9: {  	[tilespmem:s7+$0x12840] =	vst v2  }
0x3ea: {  	s26 =	simm.s32 $0x10040;
	s7 =	simm.s32 $0x3;
	[tilespmem:s9+$0x12840] =	vst v0  }
0x3eb: {  	[spmem:s4] =	stream.linear.scatter [tilespmem:s26], [sflag:$0x3], $0x2800, $0x38;
	[tilespmem:$0x1F0F0] =	vst v63  }
0x3ec: {  	_ =	swait.ge [sflag:s7], $0x2800  }
0x3ed: {  	[sflag:s7] =	ssyncset.done $0x0  }
0x3ee: {  	s28 =	simm.s32 $0x12840;
	[sflag:s7] =	ssyncadd.s32 $0xFFFFD800  }
0x3ef: {  	[spmem:s5] =	stream.linear.scatter [tilespmem:s28], [sflag:$0x3], $0x2800, $0x38;
	[tilespmem:$0x1F0F0] =	vst v63  }
0x3f0: {  	_ =	swait.ge [sflag:s7], $0x2800  }
0x3f1: {  	[sflag:s7] =	ssyncset.done $0x0  }
0x3f2: {  	s29 =	simm.s32 $0x0;
	[sflag:s7] =	ssyncadd.s32 $0xFFFFD800  }
0x3f3: {  	s10 =	simm.s32 $0x9C40;
	s8 =	simm.s32 $0x320;
	[bflag:$0x0] =	sbarrier.arrive $0xFFFF  }
0x3f4: {  	[tilespmem:s10], [sflag:$0x1] =	stream.indirect.gather [spmem:s3], $0x10, s29, s8, $0xb8;
	[tilespmem:$0x1F0F0] =	vst v63  }
0x3f5: {  	s11 =	simm.s32 $0x1;
	s12 =	simm.s32 $0x320;
	s9 =	simm.s32 $0xCE40  }
0x3f6: {  	[tilespmem:s9], [sflag:$0x2] =	stream.indirect.gather [spmem:s3], $0x10, s12, s8, $0xb8;
	[tilespmem:$0x1F0F0] =	vst v63  }
0x3f7: {  	_ =	swait.ge [sflag:s11], $0x3200  }
0x3f8: {  	[sflag:s11] =	ssyncset.done $0x0  }
0x3f9: {  	s30 =	simm.s32 $0x4E20;
	[sflag:s11] =	ssyncadd.s32 $0xFFFFCE00  }
0x3fa: {  	[spmem:s1] =	stream.indirect.scatter.add.f32 [tilespmem:s10], [sflag:$0x3], $0x10, s30, s8, $0xb8;
	[tilespmem:$0x1F0F0] =	vst v63  }
0x3fb: {  	_ =	swait.ge [sflag:s7], $0x3200  }
0x3fc: {  	[sflag:s7] =	ssyncset.done $0x0  }
0x3fd: {  	s13 =	simm.s32 $0x640;
	s12 =	simm.s32 $0x2;
	[sflag:s7] =	ssyncadd.s32 $0xFFFFCE00  }
0x3fe: {  	[tilespmem:s10], [sflag:$0x1] =	stream.indirect.gather [spmem:s3], $0x10, s13, s8, $0xb8;
	[tilespmem:$0x1F0F0] =	vst v63  }
0x3ff: {  	_ =	swait.ge [sflag:s12], $0x3200  }
0x400: {  	[sflag:s12] =	ssyncset.done $0x0  }
0x401: {  	s31 =	simm.s32 $0x5140;
	[sflag:s12] =	ssyncadd.s32 $0xFFFFCE00  }
0x402: {  	[spmem:s1] =	stream.indirect.scatter.add.f32 [tilespmem:s9], [sflag:$0x3], $0x10, s31, s8, $0xb8;
	[tilespmem:$0x1F0F0] =	vst v63  }
0x403: {  	_ =	swait.ge [sflag:s7], $0x3200  }
0x404: {  	s14 =	simm.s32 $0x3200;
	s13 =	simm.s32 $0x640;
	[sflag:s7] =	ssyncset.done $0x0  }
.LBB2_62:
0x405: {  	s15 =	sadd.s32 $0x320, s13  }
0x406: {  	[sflag:s7] =	ssyncadd.s32 $0xFFFFCE00;
	s16 =	smov.u32 s14;
	s17 =	sadd.s32 $0x1900, s14  }
0x407: {  	[tilespmem:s9], [sflag:$0x2] =	stream.indirect.gather [spmem:s3], $0x10, s15, s8, $0xb8;
	[tilespmem:$0x1F0F0] =	vst v63  }
0x408: {  	p0 =	sne.s32 s14, $0x11300;
	_ =	swait.ge [sflag:s11], $0x3200  }
0x409: {  	[sflag:s11] =	ssyncset.done $0x0  }
0x40a: {  	s14 =	sadd.s32 $0x4E20, s13;
	[sflag:s11] =	ssyncadd.s32 $0xFFFFCE00  }
0x40b: {  	[spmem:s1] =	stream.indirect.scatter.add.f32 [tilespmem:s10], [sflag:$0x3], $0x10, s14, s8, $0xb8;
	[tilespmem:$0x1F0F0] =	vst v63  }
0x40c: {  	_ =	swait.ge [sflag:s7], $0x3200  }
0x40d: {  	[sflag:s7] =	ssyncset.done $0x0  }
0x40e: {  	s14 =	sadd.s32 $0x640, s13;
	[sflag:s7] =	ssyncadd.s32 $0xFFFFCE00  }
0x40f: {  	[tilespmem:s10], [sflag:$0x1] =	stream.indirect.gather [spmem:s3], $0x10, s14, s8, $0xb8;
	[tilespmem:$0x1F0F0] =	vst v63  }
0x410: {  	_ =	swait.ge [sflag:s12], $0x3200  }
.Ltmp25:
0x411: {  	[sflag:s12] =	ssyncset.done $0x0;
	(pc) =	sbr.rel @p0 .LBB2_62-.Ltmp25, $4  }
0x412: {  	s13 =	sadd.s32 $0x5140, s13;
	[sflag:s12] =	ssyncadd.s32 $0xFFFFCE00  }
0x413: {  	[spmem:s1] =	stream.indirect.scatter.add.f32 [tilespmem:s9], [sflag:$0x3], $0x10, s13, s8, $0xb8;
	[tilespmem:$0x1F0F0] =	vst v63  }
0x414: {  	_ =	swait.ge [sflag:s7], $0x3200  }
0x415: {  	s14 =	smov.u32 s17;
	s13 =	sshra.s32 s16, $0x2;
	[sflag:s7] =	ssyncset.done $0x0  }
0x416: {  	s14 =	sadd.s32 $0x320, s13;
	[sflag:s7] =	ssyncadd.s32 $0xFFFFCE00  }
0x417: {  	[tilespmem:s9], [sflag:$0x2] =	stream.indirect.gather [spmem:s3], $0x10, s14, s8, $0xb8;
	[tilespmem:$0x1F0F0] =	vst v63  }
0x418: {  	_ =	swait.ge [sflag:s11], $0x3200  }
0x419: {  	[sflag:s11] =	ssyncset.done $0x0  }
0x41a: {  	s23 =	sadd.s32 $0x4E20, s13;
	[sflag:s11] =	ssyncadd.s32 $0xFFFFCE00  }
0x41b: {  	[spmem:s1] =	stream.indirect.scatter.add.f32 [tilespmem:s10], [sflag:$0x3], $0x10, s23, s8, $0xb8;
	[tilespmem:$0x1F0F0] =	vst v63  }
0x41c: {  	_ =	swait.ge [sflag:s7], $0x3200  }
0x41d: {  	[sflag:s7] =	ssyncset.done $0x0  }
0x41e: {  	s24 =	sadd.s32 $0x640, s13;
	[sflag:s7] =	ssyncadd.s32 $0xFFFFCE00  }
0x41f: {  	[tilespmem:s10], [sflag:$0x1] =	stream.indirect.gather [spmem:s3], $0x10, s24, s8, $0xb8;
	[tilespmem:$0x1F0F0] =	vst v63  }
0x420: {  	_ =	swait.ge [sflag:s12], $0x3200  }
0x421: {  	[sflag:s12] =	ssyncset.done $0x0  }
0x422: {  	s25 =	sadd.s32 $0x5140, s13;
	[sflag:s12] =	ssyncadd.s32 $0xFFFFCE00  }
0x423: {  	[spmem:s1] =	stream.indirect.scatter.add.f32 [tilespmem:s9], [sflag:$0x3], $0x10, s25, s8, $0xb8;
	[tilespmem:$0x1F0F0] =	vst v63  }
0x424: {  	_ =	swait.ge [sflag:s7], $0x3200  }
0x425: {  	[sflag:s7] =	ssyncset.done $0x0  }
0x426: {  	s26 =	simm.s32 $0x1;
	[sflag:s7] =	ssyncadd.s32 $0xFFFFCE00  }
0x427: {  	_ =	swait.ge [sflag:s26], $0x3200  }
0x428: {  	s28 =	simm.s32 $0x320;
	s29 =	simm.s32 $0x9920;
	[sflag:s26] =	ssyncset.done $0x0  }
0x429: {  	s30 =	simm.s32 $0x9C40;
	s31 =	simm.s32 $0x3;
	[sflag:s26] =	ssyncadd.s32 $0xFFFFCE00  }
0x42a: {  	[spmem:s1] =	stream.indirect.scatter.add.f32 [tilespmem:s30], [sflag:$0x3], $0x10, s29, s28, $0xb8;
	[tilespmem:$0x1F0F0] =	vst v63  }
0x42b: {  	_ =	swait.ge [sflag:s31], $0x3200  }
0x42c: {  	[sflag:s31] =	ssyncset.done $0x0  }
0x42d: {  	[sflag:s31] =	ssyncadd.s32 $0xFFFFCE00  }
0x42e: {  	[bflag:$0x0] =	sbarrier.arrive $0xFFFF  }
0x42f: {  	v0 =	vld [tilespmem:$0x1A050]  }
.LBB2_65:
0x430: {  	s7 =	simm.s32 $0x10040;
	s31 =	simm.s32 $0x3  }
0x431: {  	[tilespmem:s7], [sflag:$0x3] =	stream.linear.gather [spmem:s4], $0x2800, $0x38;
	[tilespmem:$0x1F0F0] =	vst v63  }
0x432: {  	_ =	swait.ge [sflag:s31], $0x2800  }
0x433: {  	[sflag:s31] =	ssyncset.done $0x0  }
0x434: {  	s8 =	simm.s32 $0x0;
	[sflag:s31] =	ssyncadd.s32 $0xFFFFD800  }
0x435: {  	v3 =	vld [tilespmem:s8+$0x10040]  }
0x436: {  	v4 =	vld [tilespmem:s8+$0x17840]  }
0x437: {  	v5 =	vld [tilespmem:s8+$0x15040];
	_ =	sdelay $0x1  }
0x438: {  	v1 =	vimm.f32 $0.0e+00  }
0x439: {  	s7 =	simm.s32 $0x10;
	[tilespmem:s8+$0x10040] =	vst v1  }
0x43a: {  	v2 =	vld [tilespmem:s7+$0x10040]  }
0x43b: {  	s9 =	simm.s32 $0x80;
	s10 =	simm.s32 $0xC0;
	[tilespmem:s7+$0x10040] =	vst v1;
	v4 =	vmul.f32 v3, v4;
	v3 =	vld [tilespmem:s7+$0x17840];
	v5 =	vmul.f32 v5, v0  }
.LBB2_66:
0x43c: {  	p0 =	sne.s32 s10, $0x9FC0;
	v6 =	vld [tilespmem:s7+$0x15040];
	s11 =	smov.u32 s10;
	s10 =	sadd.s32 $0x40, s10  }
.Ltmp26:
0x43d: {  	v4 =	vadd.f32 v5, v4;
	(pc) =	sbr.rel @p0 .LBB2_66-.Ltmp26, $4  }
0x43e: {  	_ = 	snop  }
0x43f: {  	[tilespmem:s8+$0x12840] =	vst v4;
	s8 =	smov.u32 s7;
	s7 =	sshra.s32 s9, $0x2;
	s9 =	smov.u32 s11  }
0x440: {  	[tilespmem:s7+$0x10040] =	vst v1;
	v4 =	vmul.f32 v2, v3;
	v2 =	vld [tilespmem:s7+$0x10040]  }
0x441: {  	v3 =	vld [tilespmem:s7+$0x17840];
	v5 =	vmul.f32 v6, v0  }
0x442: {  	_ = 	snop  }
0x443: {  	v4 =	vadd.f32 v5, v4;
	_ =	sdelay $0x1  }
0x444: {  	v61 =	vld [tilespmem:s7+$0x15040];
	s9 =	sshra.s32 s9, $0x2;
	[tilespmem:s8+$0x12840] =	vst v4  }
0x445: {  	v4 =	vld [tilespmem:s9+$0x10040]  }
0x446: {  	v6 =	vld [tilespmem:s9+$0x17840]  }
0x447: {  	v7 =	vld [tilespmem:s9+$0x15040];
	_ =	sdelay $0x3  }
0x448: {  	v2 =	vmul.f32 v2, v3;
	v62 =	vmul.f32 v61, v0  }
0x449: {  	v4 =	vmul.f32 v4, v6;
	v63 =	vmul.f32 v7, v0  }
0x44a: {  	v2 =	vadd.f32 v62, v2  }
0x44b: {  	[tilespmem:s9+$0x10040] =	vst v1;
	v0 =	vadd.f32 v63, v4  }
0x44c: {  	[tilespmem:s7+$0x12840] =	vst v2  }
0x44d: {  	s26 =	simm.s32 $0x10040;
	s7 =	simm.s32 $0x3;
	[tilespmem:s9+$0x12840] =	vst v0  }
0x44e: {  	[spmem:s4] =	stream.linear.scatter [tilespmem:s26], [sflag:$0x3], $0x2800, $0x38;
	[tilespmem:$0x1F0F0] =	vst v63  }
0x44f: {  	_ =	swait.ge [sflag:s7], $0x2800  }
0x450: {  	[sflag:s7] =	ssyncset.done $0x0  }
0x451: {  	s28 =	simm.s32 $0x12840;
	[sflag:s7] =	ssyncadd.s32 $0xFFFFD800  }
0x452: {  	[spmem:s5] =	stream.linear.scatter [tilespmem:s28], [sflag:$0x3], $0x2800, $0x38;
	[tilespmem:$0x1F0F0] =	vst v63  }
0x453: {  	_ =	swait.ge [sflag:s7], $0x2800  }
0x454: {  	[sflag:s7] =	ssyncset.done $0x0  }
0x455: {  	s29 =	simm.s32 $0x0;
	[sflag:s7] =	ssyncadd.s32 $0xFFFFD800  }
0x456: {  	s9 =	simm.s32 $0x9C40;
	s5 =	simm.s32 $0x320;
	[bflag:$0x0] =	sbarrier.arrive $0xFFFF  }
0x457: {  	[tilespmem:s9], [sflag:$0x1] =	stream.indirect.gather [spmem:s3], $0x10, s29, s5, $0xb8;
	[tilespmem:$0x1F0F0] =	vst v63  }
0x458: {  	s10 =	simm.s32 $0x1;
	s11 =	simm.s32 $0x320;
	s8 =	simm.s32 $0xCE40  }
0x459: {  	[tilespmem:s8], [sflag:$0x2] =	stream.indirect.gather [spmem:s3], $0x10, s11, s5, $0xb8;
	[tilespmem:$0x1F0F0] =	vst v63  }
0x45a: {  	_ =	swait.ge [sflag:s10], $0x3200  }
0x45b: {  	[sflag:s10] =	ssyncset.done $0x0  }
0x45c: {  	s30 =	simm.s32 $0x4E20;
	[sflag:s10] =	ssyncadd.s32 $0xFFFFCE00  }
0x45d: {  	[spmem:s1] =	stream.indirect.scatter.add.f32 [tilespmem:s9], [sflag:$0x3], $0x10, s30, s5, $0xb8;
	[tilespmem:$0x1F0F0] =	vst v63  }
0x45e: {  	_ =	swait.ge [sflag:s7], $0x3200  }
0x45f: {  	[sflag:s7] =	ssyncset.done $0x0  }
0x460: {  	s12 =	simm.s32 $0x640;
	s11 =	simm.s32 $0x2;
	[sflag:s7] =	ssyncadd.s32 $0xFFFFCE00  }
0x461: {  	[tilespmem:s9], [sflag:$0x1] =	stream.indirect.gather [spmem:s3], $0x10, s12, s5, $0xb8;
	[tilespmem:$0x1F0F0] =	vst v63  }
0x462: {  	_ =	swait.ge [sflag:s11], $0x3200  }
0x463: {  	[sflag:s11] =	ssyncset.done $0x0  }
0x464: {  	s31 =	simm.s32 $0x5140;
	[sflag:s11] =	ssyncadd.s32 $0xFFFFCE00  }
0x465: {  	[spmem:s1] =	stream.indirect.scatter.add.f32 [tilespmem:s8], [sflag:$0x3], $0x10, s31, s5, $0xb8;
	[tilespmem:$0x1F0F0] =	vst v63  }
0x466: {  	_ =	swait.ge [sflag:s7], $0x3200  }
0x467: {  	s13 =	simm.s32 $0x3200;
	s12 =	simm.s32 $0x640;
	[sflag:s7] =	ssyncset.done $0x0  }
.LBB2_68:
0x468: {  	s14 =	sadd.s32 $0x320, s12  }
0x469: {  	[sflag:s7] =	ssyncadd.s32 $0xFFFFCE00;
	s15 =	smov.u32 s13;
	s16 =	sadd.s32 $0x1900, s13  }
0x46a: {  	[tilespmem:s8], [sflag:$0x2] =	stream.indirect.gather [spmem:s3], $0x10, s14, s5, $0xb8;
	[tilespmem:$0x1F0F0] =	vst v63  }
0x46b: {  	p0 =	sne.s32 s13, $0x11300;
	_ =	swait.ge [sflag:s10], $0x3200  }
0x46c: {  	[sflag:s10] =	ssyncset.done $0x0  }
0x46d: {  	s13 =	sadd.s32 $0x4E20, s12;
	[sflag:s10] =	ssyncadd.s32 $0xFFFFCE00  }
0x46e: {  	[spmem:s1] =	stream.indirect.scatter.add.f32 [tilespmem:s9], [sflag:$0x3], $0x10, s13, s5, $0xb8;
	[tilespmem:$0x1F0F0] =	vst v63  }
0x46f: {  	_ =	swait.ge [sflag:s7], $0x3200  }
0x470: {  	[sflag:s7] =	ssyncset.done $0x0  }
0x471: {  	s13 =	sadd.s32 $0x640, s12;
	[sflag:s7] =	ssyncadd.s32 $0xFFFFCE00  }
0x472: {  	[tilespmem:s9], [sflag:$0x1] =	stream.indirect.gather [spmem:s3], $0x10, s13, s5, $0xb8;
	[tilespmem:$0x1F0F0] =	vst v63  }
0x473: {  	_ =	swait.ge [sflag:s11], $0x3200  }
.Ltmp27:
0x474: {  	[sflag:s11] =	ssyncset.done $0x0;
	(pc) =	sbr.rel @p0 .LBB2_68-.Ltmp27, $4  }
0x475: {  	s12 =	sadd.s32 $0x5140, s12;
	[sflag:s11] =	ssyncadd.s32 $0xFFFFCE00  }
0x476: {  	[spmem:s1] =	stream.indirect.scatter.add.f32 [tilespmem:s8], [sflag:$0x3], $0x10, s12, s5, $0xb8;
	[tilespmem:$0x1F0F0] =	vst v63  }
0x477: {  	_ =	swait.ge [sflag:s7], $0x3200  }
0x478: {  	s13 =	smov.u32 s16;
	s12 =	sshra.s32 s15, $0x2;
	[sflag:s7] =	ssyncset.done $0x0  }
0x479: {  	s13 =	sadd.s32 $0x320, s12;
	[sflag:s7] =	ssyncadd.s32 $0xFFFFCE00  }
0x47a: {  	[tilespmem:s8], [sflag:$0x2] =	stream.indirect.gather [spmem:s3], $0x10, s13, s5, $0xb8;
	[tilespmem:$0x1F0F0] =	vst v63  }
0x47b: {  	_ =	swait.ge [sflag:s10], $0x3200  }
0x47c: {  	[sflag:s10] =	ssyncset.done $0x0  }
0x47d: {  	s23 =	sadd.s32 $0x4E20, s12;
	[sflag:s10] =	ssyncadd.s32 $0xFFFFCE00  }
0x47e: {  	[spmem:s1] =	stream.indirect.scatter.add.f32 [tilespmem:s9], [sflag:$0x3], $0x10, s23, s5, $0xb8;
	[tilespmem:$0x1F0F0] =	vst v63  }
0x47f: {  	_ =	swait.ge [sflag:s7], $0x3200  }
0x480: {  	[sflag:s7] =	ssyncset.done $0x0  }
0x481: {  	s24 =	sadd.s32 $0x640, s12;
	[sflag:s7] =	ssyncadd.s32 $0xFFFFCE00  }
0x482: {  	[tilespmem:s9], [sflag:$0x1] =	stream.indirect.gather [spmem:s3], $0x10, s24, s5, $0xb8;
	[tilespmem:$0x1F0F0] =	vst v63  }
0x483: {  	_ =	swait.ge [sflag:s11], $0x3200  }
0x484: {  	[sflag:s11] =	ssyncset.done $0x0  }
0x485: {  	s25 =	sadd.s32 $0x5140, s12;
	[sflag:s11] =	ssyncadd.s32 $0xFFFFCE00  }
0x486: {  	[spmem:s1] =	stream.indirect.scatter.add.f32 [tilespmem:s8], [sflag:$0x3], $0x10, s25, s5, $0xb8;
	[tilespmem:$0x1F0F0] =	vst v63  }
0x487: {  	_ =	swait.ge [sflag:s7], $0x3200  }
0x488: {  	[sflag:s7] =	ssyncset.done $0x0  }
0x489: {  	s26 =	simm.s32 $0x1;
	[sflag:s7] =	ssyncadd.s32 $0xFFFFCE00  }
0x48a: {  	_ =	swait.ge [sflag:s26], $0x3200  }
0x48b: {  	s28 =	simm.s32 $0x320;
	s29 =	simm.s32 $0x9920;
	[sflag:s26] =	ssyncset.done $0x0  }
0x48c: {  	s30 =	simm.s32 $0x9C40;
	s31 =	simm.s32 $0x3;
	[sflag:s26] =	ssyncadd.s32 $0xFFFFCE00  }
0x48d: {  	[spmem:s1] =	stream.indirect.scatter.add.f32 [tilespmem:s30], [sflag:$0x3], $0x10, s29, s28, $0xb8;
	[tilespmem:$0x1F0F0] =	vst v63  }
0x48e: {  	_ =	swait.ge [sflag:s31], $0x3200  }
0x48f: {  	[sflag:s31] =	ssyncset.done $0x0  }
0x490: {  	[sflag:s31] =	ssyncadd.s32 $0xFFFFCE00  }
.LBB2_71:
0x491: {  	s1 =	sshll.u32 s2, $0x6;
	[bflag:$0x0] =	sbarrier.arrive $0xFFFF  }
0x492: {  	s3 =	sshrl.u32 s4, $0x3;
	s31 =	simm.s32 $0x3;
	s1 =	sor.u32 $0x1C03, s1  }
0x493: {  	[hbm:s6], [sflag:s1] =	dma.local [spmem:s3], $0x500  }
0x494: {  	_ =	swait.ge [sflag:s31], $0x500  }
0x495: {  	[sflag:s31] =	ssyncset.done $0x0  }
0x496: {  	[sflag:s31] =	ssyncadd.s32 $0xFFFFFB00  }
0x497: {  	_ =	sfence.sel $0x180000  }
0x498: {  	[bflag:$0x0] =	sbarrier.arrive $0xFFFF  }
0x499: {  	p0 =	sne.s32 s2, $0x0;
	_ =	strace $0x90000047  }
0x49a: {  	s0 =	sadd.s32 @!p0 $0x100000, s0;
	[bflag:$0x2] =	sbarrier.arrive $0xFFFF  }
0x49b: {  	[sflag:s0] =	ssyncadd.tile.s32 @!p0 $0x1;
	_ =	shalt  }
.LBB2_22:
0x49c: {  	[bflag:$0x0] =	sbarrier.arrive $0xFFFF  }
0x49d: {  	[bflag:$0x0] =	sbarrier.arrive $0xFFFF  }
0x49e: {  	v0 =	vld [tilespmem:$0x1A0C0];
	_ =	sdelay $0x4  }
0x49f: {  	(v2sf) =	vpush v0, $0x0;
	_ =	sdelay $0xe  }
0x4a0: {  	s7 =	spop (v2sf)  }
0x4a1: {  	p0 =	slt.f32 s7, $0.0e+00;
	p1 =	sgt.f32 s7, $0.0e+00  }
0x4a2: {  	_ = 	snop  }
0x4a3: {  	p0 =	por p1, p0  }
0x4a4: {  	p0 =	por !p0, !p0  }
.Ltmp28:
0x4a5: {  	_ = 	snop;
	(pc) =	sbr.rel @!p0 .LBB2_23-.Ltmp28, $1  }
0x4a6: {  	_ =	sdelay $0x3  }
0x4a7: {  	[bflag:$0x0] =	sbarrier.arrive $0xFFFF  }
0x4a8: {  	[bflag:$0x0] =	sbarrier.arrive $0xFFFF  }
0x4a9: {  	v0 =	vld [tilespmem:$0x1A0B0];
	_ =	sdelay $0x4  }
0x4aa: {  	(v2sf) =	vpush v0, $0x0;
	_ =	sdelay $0xe  }
0x4ab: {  	s7 =	spop (v2sf)  }
0x4ac: {  	p0 =	slt.f32 s7, $0.0e+00;
	p1 =	sgt.f32 s7, $0.0e+00  }
0x4ad: {  	_ = 	snop  }
0x4ae: {  	p0 =	por p1, p0  }
0x4af: {  	p0 =	por !p0, !p0  }
.Ltmp29:
0x4b0: {  	_ = 	snop;
	(pc) =	sbr.rel @!p0 .LBB2_29-.Ltmp29, $1  }
0x4b1: {  	_ =	sdelay $0x3  }
0x4b2: {  	[bflag:$0x0] =	sbarrier.arrive $0xFFFF  }
0x4b3: {  	[bflag:$0x0] =	sbarrier.arrive $0xFFFF  }
0x4b4: {  	v0 =	vld [tilespmem:$0x1A0A0];
	_ =	sdelay $0x4  }
0x4b5: {  	(v2sf) =	vpush v0, $0x0;
	_ =	sdelay $0xe  }
0x4b6: {  	s7 =	spop (v2sf)  }
0x4b7: {  	p0 =	slt.f32 s7, $0.0e+00;
	p1 =	sgt.f32 s7, $0.0e+00  }
0x4b8: {  	_ = 	snop  }
0x4b9: {  	p0 =	por p1, p0  }
0x4ba: {  	p0 =	por !p0, !p0  }
.Ltmp30:
0x4bb: {  	_ = 	snop;
	(pc) =	sbr.rel @!p0 .LBB2_35-.Ltmp30, $1  }
0x4bc: {  	_ =	sdelay $0x3  }
0x4bd: {  	[bflag:$0x0] =	sbarrier.arrive $0xFFFF  }
0x4be: {  	[bflag:$0x0] =	sbarrier.arrive $0xFFFF  }
0x4bf: {  	v0 =	vld [tilespmem:$0x1A090];
	_ =	sdelay $0x4  }
0x4c0: {  	(v2sf) =	vpush v0, $0x0;
	_ =	sdelay $0xe  }
0x4c1: {  	s7 =	spop (v2sf)  }
0x4c2: {  	p0 =	slt.f32 s7, $0.0e+00;
	p1 =	sgt.f32 s7, $0.0e+00  }
0x4c3: {  	_ = 	snop  }
0x4c4: {  	p0 =	por p1, p0  }
0x4c5: {  	p0 =	por !p0, !p0  }
.Ltmp31:
0x4c6: {  	_ = 	snop;
	(pc) =	sbr.rel @!p0 .LBB2_41-.Ltmp31, $1  }
0x4c7: {  	_ =	sdelay $0x3  }
0x4c8: {  	[bflag:$0x0] =	sbarrier.arrive $0xFFFF  }
0x4c9: {  	[bflag:$0x0] =	sbarrier.arrive $0xFFFF  }
0x4ca: {  	v0 =	vld [tilespmem:$0x1A080];
	_ =	sdelay $0x4  }
0x4cb: {  	(v2sf) =	vpush v0, $0x0;
	_ =	sdelay $0xe  }
0x4cc: {  	s7 =	spop (v2sf)  }
0x4cd: {  	p0 =	slt.f32 s7, $0.0e+00;
	p1 =	sgt.f32 s7, $0.0e+00  }
0x4ce: {  	_ = 	snop  }
0x4cf: {  	p0 =	por p1, p0  }
0x4d0: {  	p0 =	por !p0, !p0  }
.Ltmp32:
0x4d1: {  	_ = 	snop;
	(pc) =	sbr.rel @!p0 .LBB2_47-.Ltmp32, $1  }
0x4d2: {  	_ =	sdelay $0x3  }
0x4d3: {  	[bflag:$0x0] =	sbarrier.arrive $0xFFFF  }
0x4d4: {  	[bflag:$0x0] =	sbarrier.arrive $0xFFFF  }
0x4d5: {  	v0 =	vld [tilespmem:$0x1A070];
	_ =	sdelay $0x4  }
0x4d6: {  	(v2sf) =	vpush v0, $0x0;
	_ =	sdelay $0xe  }
0x4d7: {  	s7 =	spop (v2sf)  }
0x4d8: {  	p0 =	slt.f32 s7, $0.0e+00;
	p1 =	sgt.f32 s7, $0.0e+00  }
0x4d9: {  	_ = 	snop  }
0x4da: {  	p0 =	por p1, p0  }
0x4db: {  	p0 =	por !p0, !p0  }
.Ltmp33:
0x4dc: {  	_ = 	snop;
	(pc) =	sbr.rel @!p0 .LBB2_53-.Ltmp33, $1  }
0x4dd: {  	_ =	sdelay $0x3  }
0x4de: {  	[bflag:$0x0] =	sbarrier.arrive $0xFFFF  }
0x4df: {  	[bflag:$0x0] =	sbarrier.arrive $0xFFFF  }
0x4e0: {  	v0 =	vld [tilespmem:$0x1A060];
	_ =	sdelay $0x4  }
0x4e1: {  	(v2sf) =	vpush v0, $0x0;
	_ =	sdelay $0xe  }
0x4e2: {  	s7 =	spop (v2sf)  }
0x4e3: {  	p0 =	slt.f32 s7, $0.0e+00;
	p1 =	sgt.f32 s7, $0.0e+00  }
0x4e4: {  	_ = 	snop  }
0x4e5: {  	p0 =	por p1, p0  }
0x4e6: {  	p0 =	por !p0, !p0  }
.Ltmp34:
0x4e7: {  	_ = 	snop;
	(pc) =	sbr.rel @!p0 .LBB2_59-.Ltmp34, $1  }
0x4e8: {  	_ =	sdelay $0x3  }
0x4e9: {  	[bflag:$0x0] =	sbarrier.arrive $0xFFFF  }
0x4ea: {  	[bflag:$0x0] =	sbarrier.arrive $0xFFFF  }
0x4eb: {  	v0 =	vld [tilespmem:$0x1A050];
	_ =	sdelay $0x4  }
0x4ec: {  	(v2sf) =	vpush v0, $0x0;
	_ =	sdelay $0xe  }
0x4ed: {  	s7 =	spop (v2sf)  }
0x4ee: {  	p0 =	slt.f32 s7, $0.0e+00;
	p1 =	sgt.f32 s7, $0.0e+00  }
0x4ef: {  	_ = 	snop  }
0x4f0: {  	p0 =	por p1, p0  }
0x4f1: {  	p0 =	por !p0, !p0  }
.Ltmp35:
0x4f2: {  	_ = 	snop;
	(pc) =	sbr.rel @!p0 .LBB2_65-.Ltmp35, $1  }
0x4f3: {  	_ =	sdelay $0x3  }
.Ltmp36:
0x4f4: {  	(pc) =	sbr.rel .LBB2_71-.Ltmp36, $2  }
0x4f5: {  	_ =	sdelay $0x1  }
0x4f6: {  	[bflag:$0x0] =	sbarrier.arrive $0xFFFF;
	_ =	sdelay $0x1  }
.Lfunc_end2:
_tile_overlayer_lowered:
.L_overlay_start_2:
0x4f7: {  	(tag) =	ssettag $0x2  }
0x4f8: {  	s0 =	rddreg [dreg:$0x0];
	s2 =	stileid.u32  }
0x4f9: {  	s1 =	rddreg [dreg:$0x1];
	p0 =	sne.s32 s2, $0x0  }
0x4fa: {  	s3 =	rddreg [dreg:$0x2];
	[bflag:$0x3] =	sbarrier.arrive $0xFFFF;
	s2 =	simm.s32 @!p0 $0x1C03  }
0x4fb: {  	[timem:s3], [sflag:s2] =	dma.local @!p0 [hbm:s0], s1  }
0x4fc: {  	s0 =	simm.s32 @!p0 $0x3  }
0x4fd: {  	_ =	swait.ge @!p0 [sflag:s0], s1  }
0x4fe: {  	s1 =	ssub.s32 @!p0 $0x0, s1;
	[sflag:s0] =	ssyncset.done @!p0 $0x0  }
0x4ff: {  	[sflag:s0] =	ssyncadd.s32 @!p0 s1  }
0x500: {  	[bflag:$0x3] =	sbarrier.arrive $0xFFFF  }
0x501: {  	_ =	shalt  }

</sc_bundles>
